<compile_context>
chip_gen: v7x
topology: tpu7x:2x2x1
jax: 0.10.2.dev20260603
libtpu: 0.0.44.dev20260713+nightly
codegen_flags: <defaults>
</compile_context>

<pallas_src>
import functools

import jax
import jax.numpy as jnp
import numpy as np
from jax import lax
from jax.experimental import pallas as pl
from jax.experimental.pallas import tpu as pltpu
from jax.experimental.pallas import tpu_sc as plsc

U, I, R, DEG, D = 512, 512, 1000000, 64, 64
NROWS = U * DEG
GW = 128
PW = 2 * D
HID = 1024
OUT = 128
KD = DEG * (D + D)
KH = KD // 2


def _gather_all(ur_idx, ui_idx, ir_idx, iu_idx, rvp, uvp, ivp):
    mesh = plsc.VectorSubcoreMesh(core_axis_name="core", subcore_axis_name="subcore")
    out_type = [jax.ShapeDtypeStruct((NROWS, PW), jnp.float32) for _ in range(4)]

    @functools.partial(pl.kernel, out_type=out_type, mesh=mesh)
    def sc_kernel(ur_h, ui_h, ir_h, iu_h, rv_h, uv_h, iv_h, o1, o2, o3, o4):
        for idx_h, tab_h, out_h in ((ur_h, rv_h, o1), (ui_h, iv_h, o2),
                                    (ir_h, rv_h, o3), (iu_h, uv_h, o4)):
            def body(i_vmem, o_vmem, tab=tab_h):
                pltpu.sync_copy(tab.at[i_vmem.at[0]], o_vmem)

            pltpu.emit_pipeline(
                body,
                grid=(NROWS // GW,),
                in_specs=[pl.BlockSpec((1, GW), index_map=lambda i: (0, i))],
                out_specs=[pl.BlockSpec((GW, PW), index_map=lambda i: (i, 0))],
                core_axis_name=("core", "subcore"),
                dimension_semantics=(pltpu.PARALLEL,),
            )(idx_h, out_h)

    return sc_kernel(ur_idx, ui_idx, ir_idx, iu_idx, rvp, uvp, ivp)


_RB = 128


def _compact_body(b1_ref, b2_ref, p1_ref, p2_ref, x_ref):
    for s in range(2):
        b_ref = b1_ref if s == 0 else b2_ref
        p_ref = p1_ref if s == 0 else p2_ref
        off = s * KH
        for d in range(DEG):
            lo = b_ref[:, d * PW:d * PW + D]
            hi = b_ref[:, d * PW + D:(d + 1) * PW]
            p = p_ref[:, d:d + 1]
            x_ref[:, off + d * D:off + (d + 1) * D] = jnp.where(
                p > 0.5, hi, lo).astype(jnp.bfloat16)


def _compact(b1, b2, p1, p2):
    return pl.pallas_call(
        _compact_body,
        grid=(U // _RB,),
        in_specs=[
            pl.BlockSpec((_RB, KD), lambda i: (i, 0)),
            pl.BlockSpec((_RB, KD), lambda i: (i, 0)),
            pl.BlockSpec((_RB, DEG), lambda i: (i, 0)),
            pl.BlockSpec((_RB, DEG), lambda i: (i, 0)),
        ],
        out_specs=pl.BlockSpec((_RB, KD), lambda i: (i, 0)),
        out_shape=jax.ShapeDtypeStruct((U, KD), jnp.bfloat16),
        compiler_params=pltpu.CompilerParams(
            dimension_semantics=("arbitrary",)),
    )(b1, b2, p1, p2)


_NW = 4
_WB = HID // _NW
_KT = 512


def _fused_body(x_ref, w_ref, wc_ref, out_ref, a_ref, s_ref):
    j = pl.program_id(0)

    @pl.when(j == 0)
    def _attend():
        for t in range(KD // _KT):
            xk = x_ref[:, t * _KT:(t + 1) * _KT]
            c = lax.dot_general(xk, xk, (((1,), (1,)), ((), ())),
                                preferred_element_type=jnp.float32)
            if t == 0:
                s_ref[...] = c
            else:
                s_ref[...] += c
        sv = s_ref[...] * (1.0 / np.sqrt(float(KD)))
        m = jnp.max(sv, axis=1, keepdims=True)
        e = jnp.exp(sv - m)
        pv = (e / jnp.sum(e, axis=1, keepdims=True)).astype(jnp.bfloat16)
        for t in range(KD // _KT):
            a_ref[:, t * _KT:(t + 1) * _KT] = jnp.dot(
                pv, x_ref[:, t * _KT:(t + 1) * _KT],
                preferred_element_type=jnp.float32).astype(jnp.bfloat16)

    hb = None
    for kt in range(KD // _KT):
        c = jnp.dot(a_ref[:, kt * _KT:(kt + 1) * _KT],
                    w_ref[kt * _KT:(kt + 1) * _KT, :],
                    preferred_element_type=jnp.float32)
        hb = c if hb is None else hb + c
    hb = jnp.maximum(hb, 0.0).astype(jnp.bfloat16)
    c = jnp.dot(hb, wc_ref[...].astype(jnp.bfloat16),
                preferred_element_type=jnp.float32)

    @pl.when(j == 0)
    def _init():
        out_ref[...] = c

    @pl.when(j > 0)
    def _acc():
        out_ref[...] += c


def _attn_dense(x, w, wc):
    return pl.pallas_call(
        _fused_body,
        grid=(_NW,),
        in_specs=[
            pl.BlockSpec((U, KD), lambda j: (0, 0)),
            pl.BlockSpec((KD, _WB), lambda j: (0, j)),
            pl.BlockSpec((_WB, OUT), lambda j: (j, 0)),
        ],
        out_specs=pl.BlockSpec((U, OUT), lambda j: (0, 0)),
        out_shape=jax.ShapeDtypeStruct((U, OUT), jnp.float32),
        scratch_shapes=[
            pltpu.VMEM((U, KD), jnp.bfloat16),
            pltpu.VMEM((U, U), jnp.float32),
        ],
        compiler_params=pltpu.CompilerParams(
            dimension_semantics=("arbitrary",)),
    )(x, w, wc)


def _w_rows(p1, p2):
    d = jnp.arange(DEG)
    inv1 = jnp.argsort(p1)
    inv2 = jnp.argsort(p2)
    rows_a = (d[:, None] * PW + inv1[None, :]).reshape(-1)
    rows_b = (d[:, None] * PW + D + inv2[None, :]).reshape(-1)
    return jnp.concatenate([rows_a, rows_b])


def kernel(inputs, user_review_adj, user_item_adj, item_review_adj,
           item_user_adj, review_vecs, user_vecs, item_vecs,
           user_weights, item_weights, concate_user_weights,
           concate_item_weights):
    sk = jax.random.split(jax.random.key(42), 4)
    p_ur, p_ri, p_ir, p_ru = (jax.random.permutation(k, D) for k in sk)
    rvp = review_vecs.reshape(R // 2, PW)
    uvp = user_vecs.reshape(U // 2, PW)
    ivp = item_vecs.reshape(I // 2, PW)
    hidx = [(a.reshape(-1) >> 1).reshape(1, NROWS)
            for a in (user_review_adj, user_item_adj,
                      item_review_adj, item_user_adj)]
    b_ur, b_ri, b_ir, b_ru = _gather_all(*hidx, rvp, uvp, ivp)
    par = [(a & 1).astype(jnp.float32)
           for a in (user_review_adj, user_item_adj,
                     item_review_adj, item_user_adj)]
    x_u = _compact(b_ur.reshape(U, KD), b_ri.reshape(U, KD), par[0], par[1])
    x_i = _compact(b_ir.reshape(I, KD), b_ru.reshape(I, KD), par[2], par[3])
    w_u = user_weights[_w_rows(p_ur, p_ri)].astype(jnp.bfloat16)
    w_i = item_weights[_w_rows(p_ir, p_ru)].astype(jnp.bfloat16)
    user_out = _attn_dense(x_u, w_u, concate_user_weights)
    item_out = _attn_dense(x_i, w_i, concate_item_weights)
    return user_out, item_out

# --- scband reference (transcript-rebuilt; emitter-appended) ---
"""Pipeline reference for scband-attention-aggregator-65575560675686 (READ-ONLY COPY).

The authoritative reference and input builder live on the scoring server;
editing this copy changes nothing except your own understanding.
"""

import jax, jax.numpy as jnp
import numpy as np

U, I, R, DEG, D = 512, 512, 1000000, 64, 64
IN_DIM1 = DEG * (D + D)  # 8192: concat of review(64) + item(64) vecs over 64 neighbors
IN_DIM2 = DEG * (D + D)  # 8192
HID = 1024
OUT = 128


def _glorot(key, shape):
    limit = np.sqrt(6.0 / (shape[0] + shape[1]))
    return jax.random.uniform(key, shape, minval=-limit, maxval=limit, dtype=jnp.float32)


def _shuffle_feat(x, key):
    # tf: transpose -> random_shuffle (first axis) -> transpose back
    # == permuting the last (feature) axis with a random permutation
    perm = jax.random.permutation(key, x.shape[-1])
    return x[..., perm]


def _sdpa(q, k, v):
    qk = jnp.matmul(q, k.T)
    dk = jnp.asarray(k.shape[-1], jnp.float32)
    w = jax.nn.softmax(qk / jnp.sqrt(dk), axis=-1)
    return jnp.matmul(w, v), w


def setup_inputs(seed: int = 0) -> dict:
    key = jax.random.key(seed)
    ks = jax.random.split(key, 12)
    return {
        'inputs': jnp.zeros((1,), dtype=jnp.float32),
        'user_review_adj': jax.random.randint(ks[0], (U, DEG), 0, R, dtype=jnp.int32),
        'user_item_adj': jax.random.randint(ks[1], (U, DEG), 0, I, dtype=jnp.int32),
        'item_review_adj': jax.random.randint(ks[2], (I, DEG), 0, R, dtype=jnp.int32),
        'item_user_adj': jax.random.randint(ks[3], (I, DEG), 0, U, dtype=jnp.int32),
        'review_vecs': jax.random.normal(ks[4], (R, D), dtype=jnp.float32),
        'user_vecs': jax.random.normal(ks[5], (U, D), dtype=jnp.float32),
        'item_vecs': jax.random.normal(ks[6], (I, D), dtype=jnp.float32),
        'user_weights': _glorot(ks[7], (IN_DIM1, HID)),
        'item_weights': _glorot(ks[8], (IN_DIM2, HID)),
        'concate_user_weights': _glorot(ks[9], (HID, OUT)),
        'concate_item_weights': _glorot(ks[10], (HID, OUT)),
    }


def reference(inputs, user_review_adj, user_item_adj, item_review_adj, item_user_adj,
              review_vecs, user_vecs, item_vecs,
              user_weights, item_weights, concate_user_weights, concate_item_weights):
    # dropout rate is 0.0 -> identity, so tf.nn.dropout is skipped
    sk = jax.random.split(jax.random.key(42), 4)
    ur = _shuffle_feat(jnp.take(review_vecs, user_review_adj, axis=0), sk[0])  # [U, DEG, D]
    ri = _shuffle_feat(jnp.take(item_vecs, user_item_adj, axis=0), sk[1])      # [U, DEG, D]
    ir = _shuffle_feat(jnp.take(review_vecs, item_review_adj, axis=0), sk[2])  # [I, DEG, D]
    ru = _shuffle_feat(jnp.take(user_vecs, item_user_adj, axis=0), sk[3])      # [I, DEG, D]
    concate_user_vecs = jnp.concatenate([ur, ri], axis=2)  # [U, DEG, 2D]
    concate_item_vecs = jnp.concatenate([ir, ru], axis=2)  # [I, DEG, 2D]
    concate_user_vecs = concate_user_vecs.reshape(concate_user_vecs.shape[0], -1)  # [U, IN_DIM1]
    concate_item_vecs = concate_item_vecs.reshape(concate_item_vecs.shape[0], -1)  # [I, IN_DIM2]
    concate_user_vecs, _ = _sdpa(concate_user_vecs, concate_user_vecs, concate_user_vecs)
    concate_item_vecs, _ = _sdpa(concate_item_vecs, concate_item_vecs, concate_item_vecs)
    user_output = jnp.matmul(concate_user_vecs, user_weights)
    item_output = jnp.matmul(concate_item_vecs, item_weights)
    # concat=False branch
    user_output = jax.nn.relu(user_output)
    item_output = jax.nn.relu(item_output)
    user_output = jnp.matmul(user_output, concate_user_weights)
    item_output = jnp.matmul(item_output, concate_item_weights)
    return user_output, item_output

if __name__ == "__main__":
    import jax
    _d = setup_inputs()
    print(jax.jit(kernel)(*tuple(_d.values())))

</pallas_src>

<mosaic_0001>
#map = affine_map<(d0, d1) -> (0, 0)>
module attributes {stable_mosaic.version = 14 : i64} {
  func.func @sc_kernel(%arg0: i32, %arg1: i32, %arg2: memref<1x32768xi32, #tpu.memory_space<hbm>>, %arg3: memref<1x32768xi32, #tpu.memory_space<hbm>>, %arg4: memref<1x32768xi32, #tpu.memory_space<hbm>>, %arg5: memref<1x32768xi32, #tpu.memory_space<hbm>>, %arg6: memref<500000x128xf32, #tpu.memory_space<hbm>>, %arg7: memref<256x128xf32, #tpu.memory_space<hbm>>, %arg8: memref<256x128xf32, #tpu.memory_space<hbm>>, %arg9: memref<32768x128xf32, #tpu.memory_space<hbm>>, %arg10: memref<32768x128xf32, #tpu.memory_space<hbm>>, %arg11: memref<32768x128xf32, #tpu.memory_space<hbm>>, %arg12: memref<32768x128xf32, #tpu.memory_space<hbm>>) attributes {dimension_semantics = [#tpu.dimension_semantics<core_parallel>, #tpu.dimension_semantics<subcore_parallel>], iteration_bounds = array<i64: 2, 16>, scalar_prefetch = 0 : i64, scratch_operands = 0 : i64, tpu.core_type = #tpu.core_type<sc_vector_subcore>, window_params = [{transform_indices = #map}, {transform_indices = #map}, {transform_indices = #map}, {transform_indices = #map}, {transform_indices = #map}, {transform_indices = #map}, {transform_indices = #map}, {transform_indices = #map}, {transform_indices = #map}, {transform_indices = #map}, {transform_indices = #map}]} {
    %mul3A = arith.constant 1 : i32
    %mul3A_0 = arith.muli %arg1, %mul3A : i32
    %add3A = arith.constant 0 : i32
    %add3A_1 = arith.addi %add3A, %mul3A_0 : i32
    %mul3A_2 = arith.constant 16 : i32
    %mul3A_3 = arith.muli %arg0, %mul3A_2 : i32
    %add3A_4 = arith.addi %add3A_1, %mul3A_3 : i32
    %mul3A_5 = arith.constant 8 : i32
    %mul3A_6 = arith.muli %add3A_4, %mul3A_5 : i32
    "tpu.region"() ({
      %run_scoped3A = memref.alloca() : memref<2x1x128xi32, #tpu.memory_space<vmem>>
      %run_scoped3A_34 = tpu.sem_alloc : memref<2x!tpu.dma_semaphore, #tpu.memory_space<semaphore_mem>>
      %run_scoped3A_35 = memref.alloca() : memref<2x128x128xf32, #tpu.memory_space<vmem>>
      %run_scoped3A_36 = tpu.sem_alloc : memref<2x!tpu.dma_semaphore, #tpu.memory_space<semaphore_mem>>
      %add3A_37 = arith.constant 0 : i32
      %add3A_38 = arith.addi %add3A_37, %mul3A_6 : i32
      %select_n3A = arith.constant true
      %select_n3A_39 = arith.constant 0 : i32
      %select_n3A_40 = arith.constant -1 : i32
      %select_n3A_41 = arith.select %select_n3A, %select_n3A_40, %select_n3A_39 : i32
      %eq3A = arith.constant -1 : i32
      %eq3A_42 = arith.cmpi eq, %select_n3A_41, %eq3A : i32
      %select_n3A_43 = arith.constant 7 : i32
      %select_n3A_44 = arith.select %eq3A_42, %select_n3A_43, %select_n3A_41 : i32
      %add3A_45 = arith.addi %select_n3A_44, %mul3A_6 : i32
      %select_n3A_46 = arith.constant true
      %select_n3A_47 = arith.constant 0 : i32
      %select_n3A_48 = arith.constant 1 : i32
      %select_n3A_49 = arith.select %select_n3A_46, %select_n3A_48, %select_n3A_47 : i32
      %eq3A_50 = arith.constant 8 : i32
      %eq3A_51 = arith.cmpi eq, %select_n3A_49, %eq3A_50 : i32
      %select_n3A_52 = arith.constant 0 : i32
      %select_n3A_53 = arith.select %eq3A_51, %select_n3A_52, %select_n3A_49 : i32
      %add3A_54 = arith.addi %select_n3A_53, %mul3A_6 : i32
      %add3A_55 = arith.constant 1 : i32
      %add3A_56 = arith.addi %select_n3A_53, %add3A_55 : i32
      %select_n3A_57 = arith.constant true
      %select_n3A_58 = arith.select %select_n3A_57, %add3A_56, %select_n3A_53 : i32
      %eq3A_59 = arith.constant 8 : i32
      %eq3A_60 = arith.cmpi eq, %select_n3A_58, %eq3A_59 : i32
      %select_n3A_61 = arith.constant 0 : i32
      %select_n3A_62 = arith.select %eq3A_60, %select_n3A_61, %select_n3A_58 : i32
      %add3A_63 = arith.addi %select_n3A_62, %mul3A_6 : i32
      "tpu.trace_start"() <{level = 10 : i32, message = "ep_initialize_0"}> : () -> ()
      %rem3A = arith.constant 0 : i32
      %rem3A_64 = arith.constant 2 : i32
      %rem3A_65 = arith.remui %rem3A, %rem3A_64 : i32
      %mul3A_66 = arith.constant 128 : i32
      %mul3A_67 = arith.muli %mul3A_66, %add3A_38 : i32
      %dma_start3A = arith.constant 0 : i32
      %dma_start3A_68 = arith.constant 0 : i32
      %dma_start3A_69 = tpu.memref_slice %run_scoped3A[%rem3A_65, %dma_start3A, %dma_start3A_68] : memref<2x1x128xi32, #tpu.memory_space<vmem>> -> memref<1x1x128xi32, #tpu.memory_space<vmem>>
      %dma_start3A_70 = tpu.memref_squeeze %dma_start3A_69 : memref<1x1x128xi32, #tpu.memory_space<vmem>> -> memref<1x128xi32, #tpu.memory_space<vmem>>
      %dma_start3A_71 = arith.constant 0 : i32
      %dma_start3A_72 = tpu.memref_slice %arg2[%dma_start3A_71, %mul3A_67] : memref<1x32768xi32, #tpu.memory_space<hbm>> -> memref<1x128xi32, #tpu.memory_space<hbm>>
      %dma_start3A_73 = tpu.memref_slice %run_scoped3A_34[%rem3A_65] : memref<2x!tpu.dma_semaphore, #tpu.memory_space<semaphore_mem>> -> memref<1x!tpu.dma_semaphore, #tpu.memory_space<semaphore_mem>>
      %dma_start3A_74 = tpu.memref_squeeze %dma_start3A_73 : memref<1x!tpu.dma_semaphore, #tpu.memory_space<semaphore_mem>> -> memref<!tpu.dma_semaphore, #tpu.memory_space<semaphore_mem>>
      %dma_start3A_75 = arith.constant 0 : i32
      %dma_start3A_76 = arith.constant 0 : i32
      %dma_start3A_77 = tpu.memref_slice %run_scoped3A[%rem3A_65, %dma_start3A_75, %dma_start3A_76] : memref<2x1x128xi32, #tpu.memory_space<vmem>> -> memref<1x1x128xi32, #tpu.memory_space<vmem>>
      %dma_start3A_78 = tpu.memref_squeeze %dma_start3A_77 : memref<1x1x128xi32, #tpu.memory_space<vmem>> -> memref<1x128xi32, #tpu.memory_space<vmem>>
      %dma_start3A_79 = arith.constant 0 : i32
      %dma_start3A_80 = tpu.memref_slice %arg2[%dma_start3A_79, %mul3A_67] : memref<1x32768xi32, #tpu.memory_space<hbm>> -> memref<1x128xi32, #tpu.memory_space<hbm>>
      tpu.enqueue_dma source(%dma_start3A_80 : memref<1x128xi32, #tpu.memory_space<hbm>>) target(%dma_start3A_78 : memref<1x128xi32, #tpu.memory_space<vmem>>) target_semaphore(%dma_start3A_74 : memref<!tpu.dma_semaphore, #tpu.memory_space<semaphore_mem>>)
      %add3A_81 = arith.constant 0 : i32
      %add3A_82 = arith.constant 1 : i32
      %add3A_83 = arith.addi %add3A_81, %add3A_82 : i32
      %select_n3A_84 = arith.constant true
      %select_n3A_85 = arith.constant 0 : i32
      %select_n3A_86 = arith.select %select_n3A_84, %add3A_83, %select_n3A_85 : i32
      "tpu.trace_stop"() : () -> ()
      %scan3A = arith.constant 0 : i32
      %scan3A_87 = arith.constant 0 : i32
      %scan3A_88 = arith.constant 0 : i32
      %scan3A_89 = arith.constant 0 : i32
      %scan3A_90 = arith.constant 0 : i32
      %scan3A_91 = arith.constant 8 : i32
      %scan3A_92 = arith.addi %scan3A_90, %scan3A_91 : i32
      %scan3A_93 = arith.constant 1 : i32
      %scan3A_94:5 = scf.for %scan3A_148 = %scan3A_90 to %scan3A_92 step %scan3A_93 iter_args(%scan3A_149 = %select_n3A_86, %scan3A_150 = %scan3A, %scan3A_151 = %scan3A_87, %scan3A_152 = %scan3A_88, %scan3A_153 = %scan3A_89) -> (i32, i32, i32, i32, i32)  : i32 {
        %eq3A_154 = arith.constant 0 : i32
        %eq3A_155 = arith.cmpi eq, %scan3A_148, %eq3A_154 : i32
        %eq3A_156 = arith.constant 7 : i32
        %eq3A_157 = arith.cmpi eq, %scan3A_148, %eq3A_156 : i32
        %add3A_158 = arith.addi %scan3A_153, %mul3A_6 : i32
        %sub3A_159 = arith.constant 1 : i32
        %sub3A_160 = arith.subi %scan3A_153, %sub3A_159 : i32
        %select_n3A_161 = arith.constant true
        %select_n3A_162 = arith.select %select_n3A_161, %sub3A_160, %scan3A_153 : i32
        %eq3A_163 = arith.constant -1 : i32
        %eq3A_164 = arith.cmpi eq, %select_n3A_162, %eq3A_163 : i32
        %select_n3A_165 = arith.constant 7 : i32
        %select_n3A_166 = arith.select %eq3A_164, %select_n3A_165, %select_n3A_162 : i32
        %add3A_167 = arith.addi %select_n3A_166, %mul3A_6 : i32
        %add3A_168 = arith.constant 1 : i32
        %add3A_169 = arith.addi %scan3A_153, %add3A_168 : i32
        %select_n3A_170 = arith.constant true
        %select_n3A_171 = arith.select %select_n3A_170, %add3A_169, %scan3A_153 : i32
        %eq3A_172 = arith.constant 8 : i32
        %eq3A_173 = arith.cmpi eq, %select_n3A_171, %eq3A_172 : i32
        %select_n3A_174 = arith.constant 0 : i32
        %select_n3A_175 = arith.select %eq3A_173, %select_n3A_174, %select_n3A_171 : i32
        %add3A_176 = arith.addi %select_n3A_175, %mul3A_6 : i32
        %add3A_177 = arith.constant 1 : i32
        %add3A_178 = arith.addi %select_n3A_175, %add3A_177 : i32
        %select_n3A_179 = arith.constant true
        %select_n3A_180 = arith.select %select_n3A_179, %add3A_178, %select_n3A_175 : i32
        %eq3A_181 = arith.constant 8 : i32
        %eq3A_182 = arith.cmpi eq, %select_n3A_180, %eq3A_181 : i32
        %select_n3A_183 = arith.constant 0 : i32
        %select_n3A_184 = arith.select %eq3A_182, %select_n3A_183, %select_n3A_180 : i32
        %add3A_185 = arith.addi %select_n3A_184, %mul3A_6 : i32
        %ne3A = arith.cmpi ne, %add3A_158, %add3A_176 : i32
        %or3A = arith.constant false
        %or3A_186 = arith.ori %or3A, %ne3A : i1
        %ge3A = arith.constant 7 : i32
        %ge3A_187 = arith.cmpi sge, %scan3A_148, %ge3A : i32
        %not3A = arith.constant true
        %not3A_188 = arith.xori %ge3A_187, %not3A : i1
        %and3A = arith.andi %or3A_186, %not3A_188 : i1
        %convert_element_type3A = arith.extui %and3A : i1 to i32
        %cond3A = arith.constant 0 : i32
        %cond3A_189 = arith.cmpi ne, %convert_element_type3A, %cond3A : i32
        scf.if %cond3A_189 {
          "tpu.trace_start"() <{level = 10 : i32, message = "ep_copy_in"}> : () -> ()
          %rem3A_291 = arith.constant 2 : i32
          %rem3A_292 = arith.remui %scan3A_149, %rem3A_291 : i32
          %mul3A_293 = arith.constant 128 : i32
          %mul3A_294 = arith.muli %mul3A_293, %add3A_176 : i32
          %dma_start3A_295 = arith.constant 0 : i32
          %dma_start3A_296 = arith.constant 0 : i32
          %dma_start3A_297 = tpu.memref_slice %run_scoped3A[%rem3A_292, %dma_start3A_295, %dma_start3A_296] : memref<2x1x128xi32, #tpu.memory_space<vmem>> -> memref<1x1x128xi32, #tpu.memory_space<vmem>>
          %dma_start3A_298 = tpu.memref_squeeze %dma_start3A_297 : memref<1x1x128xi32, #tpu.memory_space<vmem>> -> memref<1x128xi32, #tpu.memory_space<vmem>>
          %dma_start3A_299 = arith.constant 0 : i32
          %dma_start3A_300 = tpu.memref_slice %arg2[%dma_start3A_299, %mul3A_294] : memref<1x32768xi32, #tpu.memory_space<hbm>> -> memref<1x128xi32, #tpu.memory_space<hbm>>
          %dma_start3A_301 = tpu.memref_slice %run_scoped3A_34[%rem3A_292] : memref<2x!tpu.dma_semaphore, #tpu.memory_space<semaphore_mem>> -> memref<1x!tpu.dma_semaphore, #tpu.memory_space<semaphore_mem>>
          %dma_start3A_302 = tpu.memref_squeeze %dma_start3A_301 : memref<1x!tpu.dma_semaphore, #tpu.memory_space<semaphore_mem>> -> memref<!tpu.dma_semaphore, #tpu.memory_space<semaphore_mem>>
          %dma_start3A_303 = arith.constant 0 : i32
          %dma_start3A_304 = arith.constant 0 : i32
          %dma_start3A_305 = tpu.memref_slice %run_scoped3A[%rem3A_292, %dma_start3A_303, %dma_start3A_304] : memref<2x1x128xi32, #tpu.memory_space<vmem>> -> memref<1x1x128xi32, #tpu.memory_space<vmem>>
          %dma_start3A_306 = tpu.memref_squeeze %dma_start3A_305 : memref<1x1x128xi32, #tpu.memory_space<vmem>> -> memref<1x128xi32, #tpu.memory_space<vmem>>
          %dma_start3A_307 = arith.constant 0 : i32
          %dma_start3A_308 = tpu.memref_slice %arg2[%dma_start3A_307, %mul3A_294] : memref<1x32768xi32, #tpu.memory_space<hbm>> -> memref<1x128xi32, #tpu.memory_space<hbm>>
          tpu.enqueue_dma source(%dma_start3A_308 : memref<1x128xi32, #tpu.memory_space<hbm>>) target(%dma_start3A_306 : memref<1x128xi32, #tpu.memory_space<vmem>>) target_semaphore(%dma_start3A_302 : memref<!tpu.dma_semaphore, #tpu.memory_space<semaphore_mem>>)
          "tpu.trace_stop"() : () -> ()
        } else {
        }
        %and3A_190 = arith.constant true
        %and3A_191 = arith.andi %and3A, %and3A_190 : i1
        %add3A_192 = arith.constant 1 : i32
        %add3A_193 = arith.addi %scan3A_149, %add3A_192 : i32
        %select_n3A_194 = arith.select %and3A_191, %add3A_193, %scan3A_149 : i32
        %ne3A_195 = arith.cmpi ne, %add3A_158, %add3A_176 : i32
        %or3A_196 = arith.constant false
        %or3A_197 = arith.ori %or3A_196, %ne3A_195 : i1
        %or3A_198 = arith.constant false
        %or3A_199 = arith.ori %or3A_197, %or3A_198 : i1
        %ge3A_200 = arith.constant 7 : i32
        %ge3A_201 = arith.cmpi sge, %scan3A_148, %ge3A_200 : i32
        %not3A_202 = arith.constant true
        %not3A_203 = arith.xori %ge3A_201, %not3A_202 : i1
        %and3A_204 = arith.andi %or3A_199, %not3A_203 : i1
        %ne3A_205 = arith.cmpi ne, %add3A_158, %add3A_167 : i32
        %or3A_206 = arith.constant false
        %or3A_207 = arith.ori %or3A_206, %ne3A_205 : i1
        %or3A_208 = arith.ori %or3A_207, %eq3A_155 : i1
        %convert_element_type3A_209 = arith.extui %or3A_208 : i1 to i32
        %cond3A_210 = arith.constant 0 : i32
        %cond3A_211 = arith.cmpi ne, %convert_element_type3A_209, %cond3A_210 : i32
        scf.if %cond3A_211 {
          "tpu.trace_start"() <{level = 10 : i32, message = "ep_wait_in"}> : () -> ()
          %mul3A_291 = arith.constant 128 : i32
          %mul3A_292 = arith.muli %mul3A_291, %add3A_158 : i32
          %rem3A_293 = arith.constant 2 : i32
          %rem3A_294 = arith.remui %scan3A_150, %rem3A_293 : i32
          %dma_wait3A_295 = arith.constant 0 : i32
          %dma_wait3A_296 = arith.constant 0 : i32
          %dma_wait3A_297 = tpu.memref_slice %run_scoped3A[%rem3A_294, %dma_wait3A_295, %dma_wait3A_296] : memref<2x1x128xi32, #tpu.memory_space<vmem>> -> memref<1x1x128xi32, #tpu.memory_space<vmem>>
          %dma_wait3A_298 = tpu.memref_squeeze %dma_wait3A_297 : memref<1x1x128xi32, #tpu.memory_space<vmem>> -> memref<1x128xi32, #tpu.memory_space<vmem>>
          %dma_wait3A_299 = arith.constant 0 : i32
          %dma_wait3A_300 = tpu.memref_slice %arg2[%dma_wait3A_299, %mul3A_292] : memref<1x32768xi32, #tpu.memory_space<hbm>> -> memref<1x128xi32, #tpu.memory_space<hbm>>
          %dma_wait3A_301 = tpu.memref_slice %run_scoped3A_34[%rem3A_294] : memref<2x!tpu.dma_semaphore, #tpu.memory_space<semaphore_mem>> -> memref<1x!tpu.dma_semaphore, #tpu.memory_space<semaphore_mem>>
          %dma_wait3A_302 = tpu.memref_squeeze %dma_wait3A_301 : memref<1x!tpu.dma_semaphore, #tpu.memory_space<semaphore_mem>> -> memref<!tpu.dma_semaphore, #tpu.memory_space<semaphore_mem>>
          %dma_wait3A_303 = arith.constant 0 : i32
          %dma_wait3A_304 = arith.constant 0 : i32
          %dma_wait3A_305 = tpu.memref_slice %run_scoped3A[%rem3A_294, %dma_wait3A_303, %dma_wait3A_304] : memref<2x1x128xi32, #tpu.memory_space<vmem>> -> memref<1x1x128xi32, #tpu.memory_space<vmem>>
          %dma_wait3A_306 = tpu.memref_squeeze %dma_wait3A_305 : memref<1x1x128xi32, #tpu.memory_space<vmem>> -> memref<1x128xi32, #tpu.memory_space<vmem>>
          %dma_wait3A_307 = arith.constant 0 : i32
          %dma_wait3A_308 = tpu.memref_slice %arg2[%dma_wait3A_307, %mul3A_292] : memref<1x32768xi32, #tpu.memory_space<hbm>> -> memref<1x128xi32, #tpu.memory_space<hbm>>
          tpu.wait_dma2 semaphore(%dma_wait3A_302 : memref<!tpu.dma_semaphore, #tpu.memory_space<semaphore_mem>>) src(%dma_wait3A_308 : memref<1x128xi32, #tpu.memory_space<hbm>>) dst(%dma_wait3A_306 : memref<1x128xi32, #tpu.memory_space<vmem>>)
          "tpu.trace_stop"() : () -> ()
        } else {
        }
        %ne3A_212 = arith.cmpi ne, %add3A_158, %add3A_167 : i32
        %or3A_213 = arith.constant false
        %or3A_214 = arith.ori %or3A_213, %ne3A_212 : i1
        %or3A_215 = arith.constant false
        %or3A_216 = arith.ori %or3A_214, %or3A_215 : i1
        %or3A_217 = arith.ori %or3A_216, %eq3A_155 : i1
        %convert_element_type3A_218 = arith.extui %or3A_217 : i1 to i32
        %cond3A_219 = arith.constant 0 : i32
        %cond3A_220 = arith.cmpi ne, %convert_element_type3A_218, %cond3A_219 : i32
        scf.if %cond3A_220 {
        } else {
        }
        %rem3A_221 = arith.constant 2 : i32
        %rem3A_222 = arith.remui %scan3A_150, %rem3A_221 : i32
        %rem3A_223 = arith.constant 2 : i32
        %rem3A_224 = arith.remui %scan3A_151, %rem3A_223 : i32
        %run_scoped3A_225 = arith.constant 0 : i32
        "tpu.trace_start"() <{level = 10 : i32, message = "ep_run_kernel"}> : () -> ()
        "tpu.region"() ({
          %run_scoped3A_291 = tpu.sem_alloc : memref<!tpu.dma_semaphore, #tpu.memory_space<semaphore_mem>>
          %dma_start3A_292 = arith.constant 0 : i32
          %dma_start3A_293 = arith.constant 0 : i32
          %dma_start3A_294 = tpu.memref_slice %run_scoped3A_35[%rem3A_224, %dma_start3A_292, %dma_start3A_293] : memref<2x128x128xf32, #tpu.memory_space<vmem>> -> memref<1x128x128xf32, #tpu.memory_space<vmem>>
          %dma_start3A_295 = tpu.memref_squeeze %dma_start3A_294 : memref<1x128x128xf32, #tpu.memory_space<vmem>> -> memref<128x128xf32, #tpu.memory_space<vmem>>
          %dma_start3A_296 = arith.constant 0 : i32
          %dma_start3A_297 = arith.constant 0 : i32
          %dma_start3A_298 = tpu.memref_slice %run_scoped3A[%rem3A_222, %dma_start3A_296, %dma_start3A_297] : memref<2x1x128xi32, #tpu.memory_space<vmem>> -> memref<1x1x128xi32, #tpu.memory_space<vmem>>
          %dma_start3A_299 = tpu.memref_squeeze %dma_start3A_298 : memref<1x1x128xi32, #tpu.memory_space<vmem>> -> memref<1x128xi32, #tpu.memory_space<vmem>>
          %dma_start3A_300 = arith.constant 0 : i32
          %dma_start3A_301 = tpu.memref_slice %dma_start3A_299[%run_scoped3A_225, %dma_start3A_300] : memref<1x128xi32, #tpu.memory_space<vmem>> -> memref<1x128xi32, #tpu.memory_space<vmem>>
          %dma_start3A_302 = tpu.memref_squeeze %dma_start3A_301 : memref<1x128xi32, #tpu.memory_space<vmem>> -> memref<128xi32, #tpu.memory_space<vmem>>
          %dma_start3A_303 = arith.constant 0 : i32
          %dma_start3A_304 = arith.constant 0 : i32
          %dma_start3A_305 = tpu.memref_slice %arg6[%dma_start3A_303, %dma_start3A_304] : memref<500000x128xf32, #tpu.memory_space<hbm>> -> memref<500000x128xf32, #tpu.memory_space<hbm>>
          tpu.enqueue_indirect_dma source(%dma_start3A_305 : memref<500000x128xf32, #tpu.memory_space<hbm>>) target(%dma_start3A_295 : memref<128x128xf32, #tpu.memory_space<vmem>>) offsets(%dma_start3A_302 : memref<128xi32, #tpu.memory_space<vmem>>) semaphore(%run_scoped3A_291 : memref<!tpu.dma_semaphore, #tpu.memory_space<semaphore_mem>>)
          %dma_wait3A_306 = arith.constant 0 : i32
          %dma_wait3A_307 = arith.constant 0 : i32
          %dma_wait3A_308 = tpu.memref_slice %run_scoped3A_35[%rem3A_224, %dma_wait3A_306, %dma_wait3A_307] : memref<2x128x128xf32, #tpu.memory_space<vmem>> -> memref<1x128x128xf32, #tpu.memory_space<vmem>>
          %dma_wait3A_309 = tpu.memref_squeeze %dma_wait3A_308 : memref<1x128x128xf32, #tpu.memory_space<vmem>> -> memref<128x128xf32, #tpu.memory_space<vmem>>
          %dma_wait3A_310 = arith.constant 0 : i32
          %dma_wait3A_311 = arith.constant 0 : i32
          %dma_wait3A_312 = tpu.memref_slice %run_scoped3A[%rem3A_222, %dma_wait3A_310, %dma_wait3A_311] : memref<2x1x128xi32, #tpu.memory_space<vmem>> -> memref<1x1x128xi32, #tpu.memory_space<vmem>>
          %dma_wait3A_313 = tpu.memref_squeeze %dma_wait3A_312 : memref<1x1x128xi32, #tpu.memory_space<vmem>> -> memref<1x128xi32, #tpu.memory_space<vmem>>
          %dma_wait3A_314 = arith.constant 0 : i32
          %dma_wait3A_315 = tpu.memref_slice %dma_wait3A_313[%run_scoped3A_225, %dma_wait3A_314] : memref<1x128xi32, #tpu.memory_space<vmem>> -> memref<1x128xi32, #tpu.memory_space<vmem>>
          %dma_wait3A_316 = tpu.memref_squeeze %dma_wait3A_315 : memref<1x128xi32, #tpu.memory_space<vmem>> -> memref<128xi32, #tpu.memory_space<vmem>>
          %dma_wait3A_317 = arith.constant 0 : i32
          %dma_wait3A_318 = arith.constant 0 : i32
          %dma_wait3A_319 = tpu.memref_slice %arg6[%dma_wait3A_317, %dma_wait3A_318] : memref<500000x128xf32, #tpu.memory_space<hbm>> -> memref<500000x128xf32, #tpu.memory_space<hbm>>
          tpu.wait_indirect_dma semaphore(%run_scoped3A_291 : memref<!tpu.dma_semaphore, #tpu.memory_space<semaphore_mem>>) src(%dma_wait3A_319 : memref<500000x128xf32, #tpu.memory_space<hbm>>) dst(%dma_wait3A_309 : memref<128x128xf32, #tpu.memory_space<vmem>>)
          tpu.yield
        }) : () -> ()
        "tpu.trace_stop"() : () -> ()
        %ne3A_226 = arith.cmpi ne, %add3A_158, %add3A_176 : i32
        %or3A_227 = arith.constant false
        %or3A_228 = arith.ori %or3A_227, %ne3A_226 : i1
        %or3A_229 = arith.ori %or3A_228, %eq3A_157 : i1
        %convert_element_type3A_230 = arith.extui %or3A_229 : i1 to i32
        %cond3A_231 = arith.constant 0 : i32
        %cond3A_232 = arith.cmpi ne, %convert_element_type3A_230, %cond3A_231 : i32
        scf.if %cond3A_232 {
        } else {
        }
        %and3A_233 = arith.constant false
        %and3A_234 = arith.andi %or3A_229, %and3A_233 : i1
        %ne3A_235 = arith.cmpi ne, %add3A_158, %add3A_176 : i32
        %or3A_236 = arith.constant false
        %or3A_237 = arith.ori %or3A_236, %ne3A_235 : i1
        %or3A_238 = arith.constant false
        %or3A_239 = arith.ori %or3A_237, %or3A_238 : i1
        %or3A_240 = arith.ori %or3A_239, %eq3A_157 : i1
        %convert_element_type3A_241 = arith.extui %or3A_240 : i1 to i32
        %cond3A_242 = arith.constant 0 : i32
        %cond3A_243 = arith.cmpi ne, %convert_element_type3A_241, %cond3A_242 : i32
        scf.if %cond3A_243 {
          "tpu.trace_start"() <{level = 10 : i32, message = "ep_copy_out"}> : () -> ()
          %rem3A_291 = arith.constant 2 : i32
          %rem3A_292 = arith.remui %scan3A_151, %rem3A_291 : i32
          %mul3A_293 = arith.constant 128 : i32
          %mul3A_294 = arith.muli %mul3A_293, %add3A_158 : i32
          %dma_start3A_295 = arith.constant 0 : i32
          %dma_start3A_296 = arith.constant 0 : i32
          %dma_start3A_297 = tpu.memref_slice %run_scoped3A_35[%rem3A_292, %dma_start3A_295, %dma_start3A_296] : memref<2x128x128xf32, #tpu.memory_space<vmem>> -> memref<1x128x128xf32, #tpu.memory_space<vmem>>
          %dma_start3A_298 = tpu.memref_squeeze %dma_start3A_297 : memref<1x128x128xf32, #tpu.memory_space<vmem>> -> memref<128x128xf32, #tpu.memory_space<vmem>>
          %dma_start3A_299 = arith.constant 0 : i32
          %dma_start3A_300 = tpu.memref_slice %arg9[%mul3A_294, %dma_start3A_299] : memref<32768x128xf32, #tpu.memory_space<hbm>> -> memref<128x128xf32, #tpu.memory_space<hbm>>
          %dma_start3A_301 = tpu.memref_slice %run_scoped3A_36[%rem3A_292] : memref<2x!tpu.dma_semaphore, #tpu.memory_space<semaphore_mem>> -> memref<1x!tpu.dma_semaphore, #tpu.memory_space<semaphore_mem>>
          %dma_start3A_302 = tpu.memref_squeeze %dma_start3A_301 : memref<1x!tpu.dma_semaphore, #tpu.memory_space<semaphore_mem>> -> memref<!tpu.dma_semaphore, #tpu.memory_space<semaphore_mem>>
          %dma_start3A_303 = arith.constant 0 : i32
          %dma_start3A_304 = tpu.memref_slice %arg9[%mul3A_294, %dma_start3A_303] : memref<32768x128xf32, #tpu.memory_space<hbm>> -> memref<128x128xf32, #tpu.memory_space<hbm>>
          %dma_start3A_305 = arith.constant 0 : i32
          %dma_start3A_306 = arith.constant 0 : i32
          %dma_start3A_307 = tpu.memref_slice %run_scoped3A_35[%rem3A_292, %dma_start3A_305, %dma_start3A_306] : memref<2x128x128xf32, #tpu.memory_space<vmem>> -> memref<1x128x128xf32, #tpu.memory_space<vmem>>
          %dma_start3A_308 = tpu.memref_squeeze %dma_start3A_307 : memref<1x128x128xf32, #tpu.memory_space<vmem>> -> memref<128x128xf32, #tpu.memory_space<vmem>>
          tpu.enqueue_dma source(%dma_start3A_308 : memref<128x128xf32, #tpu.memory_space<vmem>>) target(%dma_start3A_304 : memref<128x128xf32, #tpu.memory_space<hbm>>) target_semaphore(%dma_start3A_302 : memref<!tpu.dma_semaphore, #tpu.memory_space<semaphore_mem>>)
          "tpu.trace_stop"() : () -> ()
        } else {
        }
        %and3A_244 = arith.constant true
        %and3A_245 = arith.andi %or3A_240, %and3A_244 : i1
        %add3A_246 = arith.constant 1 : i32
        %add3A_247 = arith.addi %scan3A_151, %add3A_246 : i32
        %select_n3A_248 = arith.select %and3A_245, %add3A_247, %scan3A_151 : i32
        %ne3A_249 = arith.cmpi ne, %add3A_158, %add3A_167 : i32
        %or3A_250 = arith.constant false
        %or3A_251 = arith.ori %or3A_250, %ne3A_249 : i1
        %not3A_252 = arith.constant true
        %not3A_253 = arith.xori %eq3A_155, %not3A_252 : i1
        %and3A_254 = arith.andi %or3A_251, %not3A_253 : i1
        %convert_element_type3A_255 = arith.extui %and3A_254 : i1 to i32
        %cond3A_256 = arith.constant 0 : i32
        %cond3A_257 = arith.cmpi ne, %convert_element_type3A_255, %cond3A_256 : i32
        scf.if %cond3A_257 {
        } else {
        }
        %and3A_258 = arith.constant false
        %and3A_259 = arith.andi %and3A_254, %and3A_258 : i1
        %ne3A_260 = arith.cmpi ne, %add3A_158, %add3A_167 : i32
        %or3A_261 = arith.constant false
        %or3A_262 = arith.ori %or3A_261, %ne3A_260 : i1
        %or3A_263 = arith.constant false
        %or3A_264 = arith.ori %or3A_262, %or3A_263 : i1
        %not3A_265 = arith.constant true
        %not3A_266 = arith.xori %eq3A_155, %not3A_265 : i1
        %and3A_267 = arith.andi %or3A_264, %not3A_266 : i1
        %convert_element_type3A_268 = arith.extui %and3A_267 : i1 to i32
        %cond3A_269 = arith.constant 0 : i32
        %cond3A_270 = arith.cmpi ne, %convert_element_type3A_268, %cond3A_269 : i32
        scf.if %cond3A_270 {
          "tpu.trace_start"() <{level = 10 : i32, message = "ep_wait_out"}> : () -> ()
          %rem3A_291 = arith.constant 2 : i32
          %rem3A_292 = arith.remui %scan3A_152, %rem3A_291 : i32
          %mul3A_293 = arith.constant 128 : i32
          %mul3A_294 = arith.muli %mul3A_293, %add3A_167 : i32
          %dma_wait3A_295 = arith.constant 0 : i32
          %dma_wait3A_296 = arith.constant 0 : i32
          %dma_wait3A_297 = tpu.memref_slice %run_scoped3A_35[%rem3A_292, %dma_wait3A_295, %dma_wait3A_296] : memref<2x128x128xf32, #tpu.memory_space<vmem>> -> memref<1x128x128xf32, #tpu.memory_space<vmem>>
          %dma_wait3A_298 = tpu.memref_squeeze %dma_wait3A_297 : memref<1x128x128xf32, #tpu.memory_space<vmem>> -> memref<128x128xf32, #tpu.memory_space<vmem>>
          %dma_wait3A_299 = arith.constant 0 : i32
          %dma_wait3A_300 = tpu.memref_slice %arg9[%mul3A_294, %dma_wait3A_299] : memref<32768x128xf32, #tpu.memory_space<hbm>> -> memref<128x128xf32, #tpu.memory_space<hbm>>
          %dma_wait3A_301 = tpu.memref_slice %run_scoped3A_36[%rem3A_292] : memref<2x!tpu.dma_semaphore, #tpu.memory_space<semaphore_mem>> -> memref<1x!tpu.dma_semaphore, #tpu.memory_space<semaphore_mem>>
          %dma_wait3A_302 = tpu.memref_squeeze %dma_wait3A_301 : memref<1x!tpu.dma_semaphore, #tpu.memory_space<semaphore_mem>> -> memref<!tpu.dma_semaphore, #tpu.memory_space<semaphore_mem>>
          %dma_wait3A_303 = arith.constant 0 : i32
          %dma_wait3A_304 = tpu.memref_slice %arg9[%mul3A_294, %dma_wait3A_303] : memref<32768x128xf32, #tpu.memory_space<hbm>> -> memref<128x128xf32, #tpu.memory_space<hbm>>
          %dma_wait3A_305 = arith.constant 0 : i32
          %dma_wait3A_306 = arith.constant 0 : i32
          %dma_wait3A_307 = tpu.memref_slice %run_scoped3A_35[%rem3A_292, %dma_wait3A_305, %dma_wait3A_306] : memref<2x128x128xf32, #tpu.memory_space<vmem>> -> memref<1x128x128xf32, #tpu.memory_space<vmem>>
          %dma_wait3A_308 = tpu.memref_squeeze %dma_wait3A_307 : memref<1x128x128xf32, #tpu.memory_space<vmem>> -> memref<128x128xf32, #tpu.memory_space<vmem>>
          tpu.wait_dma2 semaphore(%dma_wait3A_302 : memref<!tpu.dma_semaphore, #tpu.memory_space<semaphore_mem>>) src(%dma_wait3A_308 : memref<128x128xf32, #tpu.memory_space<vmem>>) dst(%dma_wait3A_304 : memref<128x128xf32, #tpu.memory_space<hbm>>)
          "tpu.trace_stop"() : () -> ()
        } else {
        }
        %and3A_271 = arith.constant true
        %and3A_272 = arith.andi %and3A_267, %and3A_271 : i1
        %add3A_273 = arith.constant 1 : i32
        %add3A_274 = arith.addi %scan3A_152, %add3A_273 : i32
        %select_n3A_275 = arith.select %and3A_272, %add3A_274, %scan3A_152 : i32
        %ne3A_276 = arith.cmpi ne, %add3A_158, %add3A_176 : i32
        %or3A_277 = arith.constant false
        %or3A_278 = arith.ori %or3A_277, %ne3A_276 : i1
        %or3A_279 = arith.ori %or3A_278, %eq3A_157 : i1
        %add3A_280 = arith.constant 1 : i32
        %add3A_281 = arith.addi %scan3A_150, %add3A_280 : i32
        %select_n3A_282 = arith.select %or3A_279, %add3A_281, %scan3A_150 : i32
        %add3A_283 = arith.constant 1 : i32
        %add3A_284 = arith.addi %scan3A_153, %add3A_283 : i32
        %select_n3A_285 = arith.constant true
        %select_n3A_286 = arith.select %select_n3A_285, %add3A_284, %scan3A_153 : i32
        %eq3A_287 = arith.constant 8 : i32
        %eq3A_288 = arith.cmpi eq, %select_n3A_286, %eq3A_287 : i32
        %select_n3A_289 = arith.constant 0 : i32
        %select_n3A_290 = arith.select %eq3A_288, %select_n3A_289, %select_n3A_286 : i32
        scf.yield %select_n3A_194, %select_n3A_282, %select_n3A_248, %select_n3A_275, %select_n3A_290 : i32, i32, i32, i32, i32
      }
      %scan3A_95 = arith.constant 8 : i32
      %sub3A = arith.constant 1 : i32
      %sub3A_96 = arith.subi %scan3A_94#4, %sub3A : i32
      %select_n3A_97 = arith.constant true
      %select_n3A_98 = arith.select %select_n3A_97, %sub3A_96, %scan3A_94#4 : i32
      %eq3A_99 = arith.constant -1 : i32
      %eq3A_100 = arith.cmpi eq, %select_n3A_98, %eq3A_99 : i32
      %select_n3A_101 = arith.constant 7 : i32
      %select_n3A_102 = arith.select %eq3A_100, %select_n3A_101, %select_n3A_98 : i32
      %add3A_103 = arith.addi %select_n3A_102, %mul3A_6 : i32
      %sub3A_104 = arith.constant 1 : i32
      %sub3A_105 = arith.subi %select_n3A_102, %sub3A_104 : i32
      %select_n3A_106 = arith.constant true
      %select_n3A_107 = arith.select %select_n3A_106, %sub3A_105, %select_n3A_102 : i32
      %eq3A_108 = arith.constant -1 : i32
      %eq3A_109 = arith.cmpi eq, %select_n3A_107, %eq3A_108 : i32
      %select_n3A_110 = arith.constant 7 : i32
      %select_n3A_111 = arith.select %eq3A_109, %select_n3A_110, %select_n3A_107 : i32
      %add3A_112 = arith.addi %select_n3A_111, %mul3A_6 : i32
      %add3A_113 = arith.constant 1 : i32
      %add3A_114 = arith.addi %select_n3A_102, %add3A_113 : i32
      %select_n3A_115 = arith.constant true
      %select_n3A_116 = arith.select %select_n3A_115, %add3A_114, %select_n3A_102 : i32
      %eq3A_117 = arith.constant 8 : i32
      %eq3A_118 = arith.cmpi eq, %select_n3A_116, %eq3A_117 : i32
      %select_n3A_119 = arith.constant 0 : i32
      %select_n3A_120 = arith.select %eq3A_118, %select_n3A_119, %select_n3A_116 : i32
      %add3A_121 = arith.addi %select_n3A_120, %mul3A_6 : i32
      %add3A_122 = arith.constant 1 : i32
      %add3A_123 = arith.addi %select_n3A_120, %add3A_122 : i32
      %select_n3A_124 = arith.constant true
      %select_n3A_125 = arith.select %select_n3A_124, %add3A_123, %select_n3A_120 : i32
      %eq3A_126 = arith.constant 8 : i32
      %eq3A_127 = arith.cmpi eq, %select_n3A_125, %eq3A_126 : i32
      %select_n3A_128 = arith.constant 0 : i32
      %select_n3A_129 = arith.select %eq3A_127, %select_n3A_128, %select_n3A_125 : i32
      %add3A_130 = arith.addi %select_n3A_129, %mul3A_6 : i32
      "tpu.trace_start"() <{level = 10 : i32, message = "ep_finalize"}> : () -> ()
      %rem3A_131 = arith.constant 2 : i32
      %rem3A_132 = arith.remui %scan3A_94#3, %rem3A_131 : i32
      %mul3A_133 = arith.constant 128 : i32
      %mul3A_134 = arith.muli %mul3A_133, %add3A_103 : i32
      %dma_wait3A = arith.constant 0 : i32
      %dma_wait3A_135 = arith.constant 0 : i32
      %dma_wait3A_136 = tpu.memref_slice %run_scoped3A_35[%rem3A_132, %dma_wait3A, %dma_wait3A_135] : memref<2x128x128xf32, #tpu.memory_space<vmem>> -> memref<1x128x128xf32, #tpu.memory_space<vmem>>
      %dma_wait3A_137 = tpu.memref_squeeze %dma_wait3A_136 : memref<1x128x128xf32, #tpu.memory_space<vmem>> -> memref<128x128xf32, #tpu.memory_space<vmem>>
      %dma_wait3A_138 = arith.constant 0 : i32
      %dma_wait3A_139 = tpu.memref_slice %arg9[%mul3A_134, %dma_wait3A_138] : memref<32768x128xf32, #tpu.memory_space<hbm>> -> memref<128x128xf32, #tpu.memory_space<hbm>>
      %dma_wait3A_140 = tpu.memref_slice %run_scoped3A_36[%rem3A_132] : memref<2x!tpu.dma_semaphore, #tpu.memory_space<semaphore_mem>> -> memref<1x!tpu.dma_semaphore, #tpu.memory_space<semaphore_mem>>
      %dma_wait3A_141 = tpu.memref_squeeze %dma_wait3A_140 : memref<1x!tpu.dma_semaphore, #tpu.memory_space<semaphore_mem>> -> memref<!tpu.dma_semaphore, #tpu.memory_space<semaphore_mem>>
      %dma_wait3A_142 = arith.constant 0 : i32
      %dma_wait3A_143 = tpu.memref_slice %arg9[%mul3A_134, %dma_wait3A_142] : memref<32768x128xf32, #tpu.memory_space<hbm>> -> memref<128x128xf32, #tpu.memory_space<hbm>>
      %dma_wait3A_144 = arith.constant 0 : i32
      %dma_wait3A_145 = arith.constant 0 : i32
      %dma_wait3A_146 = tpu.memref_slice %run_scoped3A_35[%rem3A_132, %dma_wait3A_144, %dma_wait3A_145] : memref<2x128x128xf32, #tpu.memory_space<vmem>> -> memref<1x128x128xf32, #tpu.memory_space<vmem>>
      %dma_wait3A_147 = tpu.memref_squeeze %dma_wait3A_146 : memref<1x128x128xf32, #tpu.memory_space<vmem>> -> memref<128x128xf32, #tpu.memory_space<vmem>>
      tpu.wait_dma2 semaphore(%dma_wait3A_141 : memref<!tpu.dma_semaphore, #tpu.memory_space<semaphore_mem>>) src(%dma_wait3A_147 : memref<128x128xf32, #tpu.memory_space<vmem>>) dst(%dma_wait3A_143 : memref<128x128xf32, #tpu.memory_space<hbm>>)
      "tpu.trace_stop"() : () -> ()
      tpu.yield
    }) : () -> ()
    %mul3A_7 = arith.constant 1 : i32
    %mul3A_8 = arith.muli %arg1, %mul3A_7 : i32
    %add3A_9 = arith.constant 0 : i32
    %add3A_10 = arith.addi %add3A_9, %mul3A_8 : i32
    %mul3A_11 = arith.constant 16 : i32
    %mul3A_12 = arith.muli %arg0, %mul3A_11 : i32
    %add3A_13 = arith.addi %add3A_10, %mul3A_12 : i32
    %mul3A_14 = arith.constant 8 : i32
    %mul3A_15 = arith.muli %add3A_13, %mul3A_14 : i32
    "tpu.region"() ({
      %run_scoped3A = memref.alloca() : memref<2x1x128xi32, #tpu.memory_space<vmem>>
      %run_scoped3A_34 = tpu.sem_alloc : memref<2x!tpu.dma_semaphore, #tpu.memory_space<semaphore_mem>>
      %run_scoped3A_35 = memref.alloca() : memref<2x128x128xf32, #tpu.memory_space<vmem>>
      %run_scoped3A_36 = tpu.sem_alloc : memref<2x!tpu.dma_semaphore, #tpu.memory_space<semaphore_mem>>
      %add3A_37 = arith.constant 0 : i32
      %add3A_38 = arith.addi %add3A_37, %mul3A_15 : i32
      %select_n3A = arith.constant true
      %select_n3A_39 = arith.constant 0 : i32
      %select_n3A_40 = arith.constant -1 : i32
      %select_n3A_41 = arith.select %select_n3A, %select_n3A_40, %select_n3A_39 : i32
      %eq3A = arith.constant -1 : i32
      %eq3A_42 = arith.cmpi eq, %select_n3A_41, %eq3A : i32
      %select_n3A_43 = arith.constant 7 : i32
      %select_n3A_44 = arith.select %eq3A_42, %select_n3A_43, %select_n3A_41 : i32
      %add3A_45 = arith.addi %select_n3A_44, %mul3A_15 : i32
      %select_n3A_46 = arith.constant true
      %select_n3A_47 = arith.constant 0 : i32
      %select_n3A_48 = arith.constant 1 : i32
      %select_n3A_49 = arith.select %select_n3A_46, %select_n3A_48, %select_n3A_47 : i32
      %eq3A_50 = arith.constant 8 : i32
      %eq3A_51 = arith.cmpi eq, %select_n3A_49, %eq3A_50 : i32
      %select_n3A_52 = arith.constant 0 : i32
      %select_n3A_53 = arith.select %eq3A_51, %select_n3A_52, %select_n3A_49 : i32
      %add3A_54 = arith.addi %select_n3A_53, %mul3A_15 : i32
      %add3A_55 = arith.constant 1 : i32
      %add3A_56 = arith.addi %select_n3A_53, %add3A_55 : i32
      %select_n3A_57 = arith.constant true
      %select_n3A_58 = arith.select %select_n3A_57, %add3A_56, %select_n3A_53 : i32
      %eq3A_59 = arith.constant 8 : i32
      %eq3A_60 = arith.cmpi eq, %select_n3A_58, %eq3A_59 : i32
      %select_n3A_61 = arith.constant 0 : i32
      %select_n3A_62 = arith.select %eq3A_60, %select_n3A_61, %select_n3A_58 : i32
      %add3A_63 = arith.addi %select_n3A_62, %mul3A_15 : i32
      "tpu.trace_start"() <{level = 10 : i32, message = "ep_initialize_0"}> : () -> ()
      %rem3A = arith.constant 0 : i32
      %rem3A_64 = arith.constant 2 : i32
      %rem3A_65 = arith.remui %rem3A, %rem3A_64 : i32
      %mul3A_66 = arith.constant 128 : i32
      %mul3A_67 = arith.muli %mul3A_66, %add3A_38 : i32
      %dma_start3A = arith.constant 0 : i32
      %dma_start3A_68 = arith.constant 0 : i32
      %dma_start3A_69 = tpu.memref_slice %run_scoped3A[%rem3A_65, %dma_start3A, %dma_start3A_68] : memref<2x1x128xi32, #tpu.memory_space<vmem>> -> memref<1x1x128xi32, #tpu.memory_space<vmem>>
      %dma_start3A_70 = tpu.memref_squeeze %dma_start3A_69 : memref<1x1x128xi32, #tpu.memory_space<vmem>> -> memref<1x128xi32, #tpu.memory_space<vmem>>
      %dma_start3A_71 = arith.constant 0 : i32
      %dma_start3A_72 = tpu.memref_slice %arg3[%dma_start3A_71, %mul3A_67] : memref<1x32768xi32, #tpu.memory_space<hbm>> -> memref<1x128xi32, #tpu.memory_space<hbm>>
      %dma_start3A_73 = tpu.memref_slice %run_scoped3A_34[%rem3A_65] : memref<2x!tpu.dma_semaphore, #tpu.memory_space<semaphore_mem>> -> memref<1x!tpu.dma_semaphore, #tpu.memory_space<semaphore_mem>>
      %dma_start3A_74 = tpu.memref_squeeze %dma_start3A_73 : memref<1x!tpu.dma_semaphore, #tpu.memory_space<semaphore_mem>> -> memref<!tpu.dma_semaphore, #tpu.memory_space<semaphore_mem>>
      %dma_start3A_75 = arith.constant 0 : i32
      %dma_start3A_76 = arith.constant 0 : i32
      %dma_start3A_77 = tpu.memref_slice %run_scoped3A[%rem3A_65, %dma_start3A_75, %dma_start3A_76] : memref<2x1x128xi32, #tpu.memory_space<vmem>> -> memref<1x1x128xi32, #tpu.memory_space<vmem>>
      %dma_start3A_78 = tpu.memref_squeeze %dma_start3A_77 : memref<1x1x128xi32, #tpu.memory_space<vmem>> -> memref<1x128xi32, #tpu.memory_space<vmem>>
      %dma_start3A_79 = arith.constant 0 : i32
      %dma_start3A_80 = tpu.memref_slice %arg3[%dma_start3A_79, %mul3A_67] : memref<1x32768xi32, #tpu.memory_space<hbm>> -> memref<1x128xi32, #tpu.memory_space<hbm>>
      tpu.enqueue_dma source(%dma_start3A_80 : memref<1x128xi32, #tpu.memory_space<hbm>>) target(%dma_start3A_78 : memref<1x128xi32, #tpu.memory_space<vmem>>) target_semaphore(%dma_start3A_74 : memref<!tpu.dma_semaphore, #tpu.memory_space<semaphore_mem>>)
      %add3A_81 = arith.constant 0 : i32
      %add3A_82 = arith.constant 1 : i32
      %add3A_83 = arith.addi %add3A_81, %add3A_82 : i32
      %select_n3A_84 = arith.constant true
      %select_n3A_85 = arith.constant 0 : i32
      %select_n3A_86 = arith.select %select_n3A_84, %add3A_83, %select_n3A_85 : i32
      "tpu.trace_stop"() : () -> ()
      %scan3A = arith.constant 0 : i32
      %scan3A_87 = arith.constant 0 : i32
      %scan3A_88 = arith.constant 0 : i32
      %scan3A_89 = arith.constant 0 : i32
      %scan3A_90 = arith.constant 0 : i32
      %scan3A_91 = arith.constant 8 : i32
      %scan3A_92 = arith.addi %scan3A_90, %scan3A_91 : i32
      %scan3A_93 = arith.constant 1 : i32
      %scan3A_94:5 = scf.for %scan3A_148 = %scan3A_90 to %scan3A_92 step %scan3A_93 iter_args(%scan3A_149 = %select_n3A_86, %scan3A_150 = %scan3A, %scan3A_151 = %scan3A_87, %scan3A_152 = %scan3A_88, %scan3A_153 = %scan3A_89) -> (i32, i32, i32, i32, i32)  : i32 {
        %eq3A_154 = arith.constant 0 : i32
        %eq3A_155 = arith.cmpi eq, %scan3A_148, %eq3A_154 : i32
        %eq3A_156 = arith.constant 7 : i32
        %eq3A_157 = arith.cmpi eq, %scan3A_148, %eq3A_156 : i32
        %add3A_158 = arith.addi %scan3A_153, %mul3A_15 : i32
        %sub3A_159 = arith.constant 1 : i32
        %sub3A_160 = arith.subi %scan3A_153, %sub3A_159 : i32
        %select_n3A_161 = arith.constant true
        %select_n3A_162 = arith.select %select_n3A_161, %sub3A_160, %scan3A_153 : i32
        %eq3A_163 = arith.constant -1 : i32
        %eq3A_164 = arith.cmpi eq, %select_n3A_162, %eq3A_163 : i32
        %select_n3A_165 = arith.constant 7 : i32
        %select_n3A_166 = arith.select %eq3A_164, %select_n3A_165, %select_n3A_162 : i32
        %add3A_167 = arith.addi %select_n3A_166, %mul3A_15 : i32
        %add3A_168 = arith.constant 1 : i32
        %add3A_169 = arith.addi %scan3A_153, %add3A_168 : i32
        %select_n3A_170 = arith.constant true
        %select_n3A_171 = arith.select %select_n3A_170, %add3A_169, %scan3A_153 : i32
        %eq3A_172 = arith.constant 8 : i32
        %eq3A_173 = arith.cmpi eq, %select_n3A_171, %eq3A_172 : i32
        %select_n3A_174 = arith.constant 0 : i32
        %select_n3A_175 = arith.select %eq3A_173, %select_n3A_174, %select_n3A_171 : i32
        %add3A_176 = arith.addi %select_n3A_175, %mul3A_15 : i32
        %add3A_177 = arith.constant 1 : i32
        %add3A_178 = arith.addi %select_n3A_175, %add3A_177 : i32
        %select_n3A_179 = arith.constant true
        %select_n3A_180 = arith.select %select_n3A_179, %add3A_178, %select_n3A_175 : i32
        %eq3A_181 = arith.constant 8 : i32
        %eq3A_182 = arith.cmpi eq, %select_n3A_180, %eq3A_181 : i32
        %select_n3A_183 = arith.constant 0 : i32
        %select_n3A_184 = arith.select %eq3A_182, %select_n3A_183, %select_n3A_180 : i32
        %add3A_185 = arith.addi %select_n3A_184, %mul3A_15 : i32
        %ne3A = arith.cmpi ne, %add3A_158, %add3A_176 : i32
        %or3A = arith.constant false
        %or3A_186 = arith.ori %or3A, %ne3A : i1
        %ge3A = arith.constant 7 : i32
        %ge3A_187 = arith.cmpi sge, %scan3A_148, %ge3A : i32
        %not3A = arith.constant true
        %not3A_188 = arith.xori %ge3A_187, %not3A : i1
        %and3A = arith.andi %or3A_186, %not3A_188 : i1
        %convert_element_type3A = arith.extui %and3A : i1 to i32
        %cond3A = arith.constant 0 : i32
        %cond3A_189 = arith.cmpi ne, %convert_element_type3A, %cond3A : i32
        scf.if %cond3A_189 {
          "tpu.trace_start"() <{level = 10 : i32, message = "ep_copy_in"}> : () -> ()
          %rem3A_291 = arith.constant 2 : i32
          %rem3A_292 = arith.remui %scan3A_149, %rem3A_291 : i32
          %mul3A_293 = arith.constant 128 : i32
          %mul3A_294 = arith.muli %mul3A_293, %add3A_176 : i32
          %dma_start3A_295 = arith.constant 0 : i32
          %dma_start3A_296 = arith.constant 0 : i32
          %dma_start3A_297 = tpu.memref_slice %run_scoped3A[%rem3A_292, %dma_start3A_295, %dma_start3A_296] : memref<2x1x128xi32, #tpu.memory_space<vmem>> -> memref<1x1x128xi32, #tpu.memory_space<vmem>>
          %dma_start3A_298 = tpu.memref_squeeze %dma_start3A_297 : memref<1x1x128xi32, #tpu.memory_space<vmem>> -> memref<1x128xi32, #tpu.memory_space<vmem>>
          %dma_start3A_299 = arith.constant 0 : i32
          %dma_start3A_300 = tpu.memref_slice %arg3[%dma_start3A_299, %mul3A_294] : memref<1x32768xi32, #tpu.memory_space<hbm>> -> memref<1x128xi32, #tpu.memory_space<hbm>>
          %dma_start3A_301 = tpu.memref_slice %run_scoped3A_34[%rem3A_292] : memref<2x!tpu.dma_semaphore, #tpu.memory_space<semaphore_mem>> -> memref<1x!tpu.dma_semaphore, #tpu.memory_space<semaphore_mem>>
          %dma_start3A_302 = tpu.memref_squeeze %dma_start3A_301 : memref<1x!tpu.dma_semaphore, #tpu.memory_space<semaphore_mem>> -> memref<!tpu.dma_semaphore, #tpu.memory_space<semaphore_mem>>
          %dma_start3A_303 = arith.constant 0 : i32
          %dma_start3A_304 = arith.constant 0 : i32
          %dma_start3A_305 = tpu.memref_slice %run_scoped3A[%rem3A_292, %dma_start3A_303, %dma_start3A_304] : memref<2x1x128xi32, #tpu.memory_space<vmem>> -> memref<1x1x128xi32, #tpu.memory_space<vmem>>
          %dma_start3A_306 = tpu.memref_squeeze %dma_start3A_305 : memref<1x1x128xi32, #tpu.memory_space<vmem>> -> memref<1x128xi32, #tpu.memory_space<vmem>>
          %dma_start3A_307 = arith.constant 0 : i32
          %dma_start3A_308 = tpu.memref_slice %arg3[%dma_start3A_307, %mul3A_294] : memref<1x32768xi32, #tpu.memory_space<hbm>> -> memref<1x128xi32, #tpu.memory_space<hbm>>
          tpu.enqueue_dma source(%dma_start3A_308 : memref<1x128xi32, #tpu.memory_space<hbm>>) target(%dma_start3A_306 : memref<1x128xi32, #tpu.memory_space<vmem>>) target_semaphore(%dma_start3A_302 : memref<!tpu.dma_semaphore, #tpu.memory_space<semaphore_mem>>)
          "tpu.trace_stop"() : () -> ()
        } else {
        }
        %and3A_190 = arith.constant true
        %and3A_191 = arith.andi %and3A, %and3A_190 : i1
        %add3A_192 = arith.constant 1 : i32
        %add3A_193 = arith.addi %scan3A_149, %add3A_192 : i32
        %select_n3A_194 = arith.select %and3A_191, %add3A_193, %scan3A_149 : i32
        %ne3A_195 = arith.cmpi ne, %add3A_158, %add3A_176 : i32
        %or3A_196 = arith.constant false
        %or3A_197 = arith.ori %or3A_196, %ne3A_195 : i1
        %or3A_198 = arith.constant false
        %or3A_199 = arith.ori %or3A_197, %or3A_198 : i1
        %ge3A_200 = arith.constant 7 : i32
        %ge3A_201 = arith.cmpi sge, %scan3A_148, %ge3A_200 : i32
        %not3A_202 = arith.constant true
        %not3A_203 = arith.xori %ge3A_201, %not3A_202 : i1
        %and3A_204 = arith.andi %or3A_199, %not3A_203 : i1
        %ne3A_205 = arith.cmpi ne, %add3A_158, %add3A_167 : i32
        %or3A_206 = arith.constant false
        %or3A_207 = arith.ori %or3A_206, %ne3A_205 : i1
        %or3A_208 = arith.ori %or3A_207, %eq3A_155 : i1
        %convert_element_type3A_209 = arith.extui %or3A_208 : i1 to i32
        %cond3A_210 = arith.constant 0 : i32
        %cond3A_211 = arith.cmpi ne, %convert_element_type3A_209, %cond3A_210 : i32
        scf.if %cond3A_211 {
          "tpu.trace_start"() <{level = 10 : i32, message = "ep_wait_in"}> : () -> ()
          %mul3A_291 = arith.constant 128 : i32
          %mul3A_292 = arith.muli %mul3A_291, %add3A_158 : i32
          %rem3A_293 = arith.constant 2 : i32
          %rem3A_294 = arith.remui %scan3A_150, %rem3A_293 : i32
          %dma_wait3A_295 = arith.constant 0 : i32
          %dma_wait3A_296 = arith.constant 0 : i32
          %dma_wait3A_297 = tpu.memref_slice %run_scoped3A[%rem3A_294, %dma_wait3A_295, %dma_wait3A_296] : memref<2x1x128xi32, #tpu.memory_space<vmem>> -> memref<1x1x128xi32, #tpu.memory_space<vmem>>
          %dma_wait3A_298 = tpu.memref_squeeze %dma_wait3A_297 : memref<1x1x128xi32, #tpu.memory_space<vmem>> -> memref<1x128xi32, #tpu.memory_space<vmem>>
          %dma_wait3A_299 = arith.constant 0 : i32
          %dma_wait3A_300 = tpu.memref_slice %arg3[%dma_wait3A_299, %mul3A_292] : memref<1x32768xi32, #tpu.memory_space<hbm>> -> memref<1x128xi32, #tpu.memory_space<hbm>>
          %dma_wait3A_301 = tpu.memref_slice %run_scoped3A_34[%rem3A_294] : memref<2x!tpu.dma_semaphore, #tpu.memory_space<semaphore_mem>> -> memref<1x!tpu.dma_semaphore, #tpu.memory_space<semaphore_mem>>
          %dma_wait3A_302 = tpu.memref_squeeze %dma_wait3A_301 : memref<1x!tpu.dma_semaphore, #tpu.memory_space<semaphore_mem>> -> memref<!tpu.dma_semaphore, #tpu.memory_space<semaphore_mem>>
          %dma_wait3A_303 = arith.constant 0 : i32
          %dma_wait3A_304 = arith.constant 0 : i32
          %dma_wait3A_305 = tpu.memref_slice %run_scoped3A[%rem3A_294, %dma_wait3A_303, %dma_wait3A_304] : memref<2x1x128xi32, #tpu.memory_space<vmem>> -> memref<1x1x128xi32, #tpu.memory_space<vmem>>
          %dma_wait3A_306 = tpu.memref_squeeze %dma_wait3A_305 : memref<1x1x128xi32, #tpu.memory_space<vmem>> -> memref<1x128xi32, #tpu.memory_space<vmem>>
          %dma_wait3A_307 = arith.constant 0 : i32
          %dma_wait3A_308 = tpu.memref_slice %arg3[%dma_wait3A_307, %mul3A_292] : memref<1x32768xi32, #tpu.memory_space<hbm>> -> memref<1x128xi32, #tpu.memory_space<hbm>>
          tpu.wait_dma2 semaphore(%dma_wait3A_302 : memref<!tpu.dma_semaphore, #tpu.memory_space<semaphore_mem>>) src(%dma_wait3A_308 : memref<1x128xi32, #tpu.memory_space<hbm>>) dst(%dma_wait3A_306 : memref<1x128xi32, #tpu.memory_space<vmem>>)
          "tpu.trace_stop"() : () -> ()
        } else {
        }
        %ne3A_212 = arith.cmpi ne, %add3A_158, %add3A_167 : i32
        %or3A_213 = arith.constant false
        %or3A_214 = arith.ori %or3A_213, %ne3A_212 : i1
        %or3A_215 = arith.constant false
        %or3A_216 = arith.ori %or3A_214, %or3A_215 : i1
        %or3A_217 = arith.ori %or3A_216, %eq3A_155 : i1
        %convert_element_type3A_218 = arith.extui %or3A_217 : i1 to i32
        %cond3A_219 = arith.constant 0 : i32
        %cond3A_220 = arith.cmpi ne, %convert_element_type3A_218, %cond3A_219 : i32
        scf.if %cond3A_220 {
        } else {
        }
        %rem3A_221 = arith.constant 2 : i32
        %rem3A_222 = arith.remui %scan3A_150, %rem3A_221 : i32
        %rem3A_223 = arith.constant 2 : i32
        %rem3A_224 = arith.remui %scan3A_151, %rem3A_223 : i32
        %run_scoped3A_225 = arith.constant 0 : i32
        "tpu.trace_start"() <{level = 10 : i32, message = "ep_run_kernel"}> : () -> ()
        "tpu.region"() ({
          %run_scoped3A_291 = tpu.sem_alloc : memref<!tpu.dma_semaphore, #tpu.memory_space<semaphore_mem>>
          %dma_start3A_292 = arith.constant 0 : i32
          %dma_start3A_293 = arith.constant 0 : i32
          %dma_start3A_294 = tpu.memref_slice %run_scoped3A_35[%rem3A_224, %dma_start3A_292, %dma_start3A_293] : memref<2x128x128xf32, #tpu.memory_space<vmem>> -> memref<1x128x128xf32, #tpu.memory_space<vmem>>
          %dma_start3A_295 = tpu.memref_squeeze %dma_start3A_294 : memref<1x128x128xf32, #tpu.memory_space<vmem>> -> memref<128x128xf32, #tpu.memory_space<vmem>>
          %dma_start3A_296 = arith.constant 0 : i32
          %dma_start3A_297 = arith.constant 0 : i32
          %dma_start3A_298 = tpu.memref_slice %run_scoped3A[%rem3A_222, %dma_start3A_296, %dma_start3A_297] : memref<2x1x128xi32, #tpu.memory_space<vmem>> -> memref<1x1x128xi32, #tpu.memory_space<vmem>>
          %dma_start3A_299 = tpu.memref_squeeze %dma_start3A_298 : memref<1x1x128xi32, #tpu.memory_space<vmem>> -> memref<1x128xi32, #tpu.memory_space<vmem>>
          %dma_start3A_300 = arith.constant 0 : i32
          %dma_start3A_301 = tpu.memref_slice %dma_start3A_299[%run_scoped3A_225, %dma_start3A_300] : memref<1x128xi32, #tpu.memory_space<vmem>> -> memref<1x128xi32, #tpu.memory_space<vmem>>
          %dma_start3A_302 = tpu.memref_squeeze %dma_start3A_301 : memref<1x128xi32, #tpu.memory_space<vmem>> -> memref<128xi32, #tpu.memory_space<vmem>>
          %dma_start3A_303 = arith.constant 0 : i32
          %dma_start3A_304 = arith.constant 0 : i32
          %dma_start3A_305 = tpu.memref_slice %arg8[%dma_start3A_303, %dma_start3A_304] : memref<256x128xf32, #tpu.memory_space<hbm>> -> memref<256x128xf32, #tpu.memory_space<hbm>>
          tpu.enqueue_indirect_dma source(%dma_start3A_305 : memref<256x128xf32, #tpu.memory_space<hbm>>) target(%dma_start3A_295 : memref<128x128xf32, #tpu.memory_space<vmem>>) offsets(%dma_start3A_302 : memref<128xi32, #tpu.memory_space<vmem>>) semaphore(%run_scoped3A_291 : memref<!tpu.dma_semaphore, #tpu.memory_space<semaphore_mem>>)
          %dma_wait3A_306 = arith.constant 0 : i32
          %dma_wait3A_307 = arith.constant 0 : i32
          %dma_wait3A_308 = tpu.memref_slice %run_scoped3A_35[%rem3A_224, %dma_wait3A_306, %dma_wait3A_307] : memref<2x128x128xf32, #tpu.memory_space<vmem>> -> memref<1x128x128xf32, #tpu.memory_space<vmem>>
          %dma_wait3A_309 = tpu.memref_squeeze %dma_wait3A_308 : memref<1x128x128xf32, #tpu.memory_space<vmem>> -> memref<128x128xf32, #tpu.memory_space<vmem>>
          %dma_wait3A_310 = arith.constant 0 : i32
          %dma_wait3A_311 = arith.constant 0 : i32
          %dma_wait3A_312 = tpu.memref_slice %run_scoped3A[%rem3A_222, %dma_wait3A_310, %dma_wait3A_311] : memref<2x1x128xi32, #tpu.memory_space<vmem>> -> memref<1x1x128xi32, #tpu.memory_space<vmem>>
          %dma_wait3A_313 = tpu.memref_squeeze %dma_wait3A_312 : memref<1x1x128xi32, #tpu.memory_space<vmem>> -> memref<1x128xi32, #tpu.memory_space<vmem>>
          %dma_wait3A_314 = arith.constant 0 : i32
          %dma_wait3A_315 = tpu.memref_slice %dma_wait3A_313[%run_scoped3A_225, %dma_wait3A_314] : memref<1x128xi32, #tpu.memory_space<vmem>> -> memref<1x128xi32, #tpu.memory_space<vmem>>
          %dma_wait3A_316 = tpu.memref_squeeze %dma_wait3A_315 : memref<1x128xi32, #tpu.memory_space<vmem>> -> memref<128xi32, #tpu.memory_space<vmem>>
          %dma_wait3A_317 = arith.constant 0 : i32
          %dma_wait3A_318 = arith.constant 0 : i32
          %dma_wait3A_319 = tpu.memref_slice %arg8[%dma_wait3A_317, %dma_wait3A_318] : memref<256x128xf32, #tpu.memory_space<hbm>> -> memref<256x128xf32, #tpu.memory_space<hbm>>
          tpu.wait_indirect_dma semaphore(%run_scoped3A_291 : memref<!tpu.dma_semaphore, #tpu.memory_space<semaphore_mem>>) src(%dma_wait3A_319 : memref<256x128xf32, #tpu.memory_space<hbm>>) dst(%dma_wait3A_309 : memref<128x128xf32, #tpu.memory_space<vmem>>)
          tpu.yield
        }) : () -> ()
        "tpu.trace_stop"() : () -> ()
        %ne3A_226 = arith.cmpi ne, %add3A_158, %add3A_176 : i32
        %or3A_227 = arith.constant false
        %or3A_228 = arith.ori %or3A_227, %ne3A_226 : i1
        %or3A_229 = arith.ori %or3A_228, %eq3A_157 : i1
        %convert_element_type3A_230 = arith.extui %or3A_229 : i1 to i32
        %cond3A_231 = arith.constant 0 : i32
        %cond3A_232 = arith.cmpi ne, %convert_element_type3A_230, %cond3A_231 : i32
        scf.if %cond3A_232 {
        } else {
        }
        %and3A_233 = arith.constant false
        %and3A_234 = arith.andi %or3A_229, %and3A_233 : i1
        %ne3A_235 = arith.cmpi ne, %add3A_158, %add3A_176 : i32
        %or3A_236 = arith.constant false
        %or3A_237 = arith.ori %or3A_236, %ne3A_235 : i1
        %or3A_238 = arith.constant false
        %or3A_239 = arith.ori %or3A_237, %or3A_238 : i1
        %or3A_240 = arith.ori %or3A_239, %eq3A_157 : i1
        %convert_element_type3A_241 = arith.extui %or3A_240 : i1 to i32
        %cond3A_242 = arith.constant 0 : i32
        %cond3A_243 = arith.cmpi ne, %convert_element_type3A_241, %cond3A_242 : i32
        scf.if %cond3A_243 {
          "tpu.trace_start"() <{level = 10 : i32, message = "ep_copy_out"}> : () -> ()
          %rem3A_291 = arith.constant 2 : i32
          %rem3A_292 = arith.remui %scan3A_151, %rem3A_291 : i32
          %mul3A_293 = arith.constant 128 : i32
          %mul3A_294 = arith.muli %mul3A_293, %add3A_158 : i32
          %dma_start3A_295 = arith.constant 0 : i32
          %dma_start3A_296 = arith.constant 0 : i32
          %dma_start3A_297 = tpu.memref_slice %run_scoped3A_35[%rem3A_292, %dma_start3A_295, %dma_start3A_296] : memref<2x128x128xf32, #tpu.memory_space<vmem>> -> memref<1x128x128xf32, #tpu.memory_space<vmem>>
          %dma_start3A_298 = tpu.memref_squeeze %dma_start3A_297 : memref<1x128x128xf32, #tpu.memory_space<vmem>> -> memref<128x128xf32, #tpu.memory_space<vmem>>
          %dma_start3A_299 = arith.constant 0 : i32
          %dma_start3A_300 = tpu.memref_slice %arg10[%mul3A_294, %dma_start3A_299] : memref<32768x128xf32, #tpu.memory_space<hbm>> -> memref<128x128xf32, #tpu.memory_space<hbm>>
          %dma_start3A_301 = tpu.memref_slice %run_scoped3A_36[%rem3A_292] : memref<2x!tpu.dma_semaphore, #tpu.memory_space<semaphore_mem>> -> memref<1x!tpu.dma_semaphore, #tpu.memory_space<semaphore_mem>>
          %dma_start3A_302 = tpu.memref_squeeze %dma_start3A_301 : memref<1x!tpu.dma_semaphore, #tpu.memory_space<semaphore_mem>> -> memref<!tpu.dma_semaphore, #tpu.memory_space<semaphore_mem>>
          %dma_start3A_303 = arith.constant 0 : i32
          %dma_start3A_304 = tpu.memref_slice %arg10[%mul3A_294, %dma_start3A_303] : memref<32768x128xf32, #tpu.memory_space<hbm>> -> memref<128x128xf32, #tpu.memory_space<hbm>>
          %dma_start3A_305 = arith.constant 0 : i32
          %dma_start3A_306 = arith.constant 0 : i32
          %dma_start3A_307 = tpu.memref_slice %run_scoped3A_35[%rem3A_292, %dma_start3A_305, %dma_start3A_306] : memref<2x128x128xf32, #tpu.memory_space<vmem>> -> memref<1x128x128xf32, #tpu.memory_space<vmem>>
          %dma_start3A_308 = tpu.memref_squeeze %dma_start3A_307 : memref<1x128x128xf32, #tpu.memory_space<vmem>> -> memref<128x128xf32, #tpu.memory_space<vmem>>
          tpu.enqueue_dma source(%dma_start3A_308 : memref<128x128xf32, #tpu.memory_space<vmem>>) target(%dma_start3A_304 : memref<128x128xf32, #tpu.memory_space<hbm>>) target_semaphore(%dma_start3A_302 : memref<!tpu.dma_semaphore, #tpu.memory_space<semaphore_mem>>)
          "tpu.trace_stop"() : () -> ()
        } else {
        }
        %and3A_244 = arith.constant true
        %and3A_245 = arith.andi %or3A_240, %and3A_244 : i1
        %add3A_246 = arith.constant 1 : i32
        %add3A_247 = arith.addi %scan3A_151, %add3A_246 : i32
        %select_n3A_248 = arith.select %and3A_245, %add3A_247, %scan3A_151 : i32
        %ne3A_249 = arith.cmpi ne, %add3A_158, %add3A_167 : i32
        %or3A_250 = arith.constant false
        %or3A_251 = arith.ori %or3A_250, %ne3A_249 : i1
        %not3A_252 = arith.constant true
        %not3A_253 = arith.xori %eq3A_155, %not3A_252 : i1
        %and3A_254 = arith.andi %or3A_251, %not3A_253 : i1
        %convert_element_type3A_255 = arith.extui %and3A_254 : i1 to i32
        %cond3A_256 = arith.constant 0 : i32
        %cond3A_257 = arith.cmpi ne, %convert_element_type3A_255, %cond3A_256 : i32
        scf.if %cond3A_257 {
        } else {
        }
        %and3A_258 = arith.constant false
        %and3A_259 = arith.andi %and3A_254, %and3A_258 : i1
        %ne3A_260 = arith.cmpi ne, %add3A_158, %add3A_167 : i32
        %or3A_261 = arith.constant false
        %or3A_262 = arith.ori %or3A_261, %ne3A_260 : i1
        %or3A_263 = arith.constant false
        %or3A_264 = arith.ori %or3A_262, %or3A_263 : i1
        %not3A_265 = arith.constant true
        %not3A_266 = arith.xori %eq3A_155, %not3A_265 : i1
        %and3A_267 = arith.andi %or3A_264, %not3A_266 : i1
        %convert_element_type3A_268 = arith.extui %and3A_267 : i1 to i32
        %cond3A_269 = arith.constant 0 : i32
        %cond3A_270 = arith.cmpi ne, %convert_element_type3A_268, %cond3A_269 : i32
        scf.if %cond3A_270 {
          "tpu.trace_start"() <{level = 10 : i32, message = "ep_wait_out"}> : () -> ()
          %rem3A_291 = arith.constant 2 : i32
          %rem3A_292 = arith.remui %scan3A_152, %rem3A_291 : i32
          %mul3A_293 = arith.constant 128 : i32
          %mul3A_294 = arith.muli %mul3A_293, %add3A_167 : i32
          %dma_wait3A_295 = arith.constant 0 : i32
          %dma_wait3A_296 = arith.constant 0 : i32
          %dma_wait3A_297 = tpu.memref_slice %run_scoped3A_35[%rem3A_292, %dma_wait3A_295, %dma_wait3A_296] : memref<2x128x128xf32, #tpu.memory_space<vmem>> -> memref<1x128x128xf32, #tpu.memory_space<vmem>>
          %dma_wait3A_298 = tpu.memref_squeeze %dma_wait3A_297 : memref<1x128x128xf32, #tpu.memory_space<vmem>> -> memref<128x128xf32, #tpu.memory_space<vmem>>
          %dma_wait3A_299 = arith.constant 0 : i32
          %dma_wait3A_300 = tpu.memref_slice %arg10[%mul3A_294, %dma_wait3A_299] : memref<32768x128xf32, #tpu.memory_space<hbm>> -> memref<128x128xf32, #tpu.memory_space<hbm>>
          %dma_wait3A_301 = tpu.memref_slice %run_scoped3A_36[%rem3A_292] : memref<2x!tpu.dma_semaphore, #tpu.memory_space<semaphore_mem>> -> memref<1x!tpu.dma_semaphore, #tpu.memory_space<semaphore_mem>>
          %dma_wait3A_302 = tpu.memref_squeeze %dma_wait3A_301 : memref<1x!tpu.dma_semaphore, #tpu.memory_space<semaphore_mem>> -> memref<!tpu.dma_semaphore, #tpu.memory_space<semaphore_mem>>
          %dma_wait3A_303 = arith.constant 0 : i32
          %dma_wait3A_304 = tpu.memref_slice %arg10[%mul3A_294, %dma_wait3A_303] : memref<32768x128xf32, #tpu.memory_space<hbm>> -> memref<128x128xf32, #tpu.memory_space<hbm>>
          %dma_wait3A_305 = arith.constant 0 : i32
          %dma_wait3A_306 = arith.constant 0 : i32
          %dma_wait3A_307 = tpu.memref_slice %run_scoped3A_35[%rem3A_292, %dma_wait3A_305, %dma_wait3A_306] : memref<2x128x128xf32, #tpu.memory_space<vmem>> -> memref<1x128x128xf32, #tpu.memory_space<vmem>>
          %dma_wait3A_308 = tpu.memref_squeeze %dma_wait3A_307 : memref<1x128x128xf32, #tpu.memory_space<vmem>> -> memref<128x128xf32, #tpu.memory_space<vmem>>
          tpu.wait_dma2 semaphore(%dma_wait3A_302 : memref<!tpu.dma_semaphore, #tpu.memory_space<semaphore_mem>>) src(%dma_wait3A_308 : memref<128x128xf32, #tpu.memory_space<vmem>>) dst(%dma_wait3A_304 : memref<128x128xf32, #tpu.memory_space<hbm>>)
          "tpu.trace_stop"() : () -> ()
        } else {
        }
        %and3A_271 = arith.constant true
        %and3A_272 = arith.andi %and3A_267, %and3A_271 : i1
        %add3A_273 = arith.constant 1 : i32
        %add3A_274 = arith.addi %scan3A_152, %add3A_273 : i32
        %select_n3A_275 = arith.select %and3A_272, %add3A_274, %scan3A_152 : i32
        %ne3A_276 = arith.cmpi ne, %add3A_158, %add3A_176 : i32
        %or3A_277 = arith.constant false
        %or3A_278 = arith.ori %or3A_277, %ne3A_276 : i1
        %or3A_279 = arith.ori %or3A_278, %eq3A_157 : i1
        %add3A_280 = arith.constant 1 : i32
        %add3A_281 = arith.addi %scan3A_150, %add3A_280 : i32
        %select_n3A_282 = arith.select %or3A_279, %add3A_281, %scan3A_150 : i32
        %add3A_283 = arith.constant 1 : i32
        %add3A_284 = arith.addi %scan3A_153, %add3A_283 : i32
        %select_n3A_285 = arith.constant true
        %select_n3A_286 = arith.select %select_n3A_285, %add3A_284, %scan3A_153 : i32
        %eq3A_287 = arith.constant 8 : i32
        %eq3A_288 = arith.cmpi eq, %select_n3A_286, %eq3A_287 : i32
        %select_n3A_289 = arith.constant 0 : i32
        %select_n3A_290 = arith.select %eq3A_288, %select_n3A_289, %select_n3A_286 : i32
        scf.yield %select_n3A_194, %select_n3A_282, %select_n3A_248, %select_n3A_275, %select_n3A_290 : i32, i32, i32, i32, i32
      }
      %scan3A_95 = arith.constant 8 : i32
      %sub3A = arith.constant 1 : i32
      %sub3A_96 = arith.subi %scan3A_94#4, %sub3A : i32
      %select_n3A_97 = arith.constant true
      %select_n3A_98 = arith.select %select_n3A_97, %sub3A_96, %scan3A_94#4 : i32
      %eq3A_99 = arith.constant -1 : i32
      %eq3A_100 = arith.cmpi eq, %select_n3A_98, %eq3A_99 : i32
      %select_n3A_101 = arith.constant 7 : i32
      %select_n3A_102 = arith.select %eq3A_100, %select_n3A_101, %select_n3A_98 : i32
      %add3A_103 = arith.addi %select_n3A_102, %mul3A_15 : i32
      %sub3A_104 = arith.constant 1 : i32
      %sub3A_105 = arith.subi %select_n3A_102, %sub3A_104 : i32
      %select_n3A_106 = arith.constant true
      %select_n3A_107 = arith.select %select_n3A_106, %sub3A_105, %select_n3A_102 : i32
      %eq3A_108 = arith.constant -1 : i32
      %eq3A_109 = arith.cmpi eq, %select_n3A_107, %eq3A_108 : i32
      %select_n3A_110 = arith.constant 7 : i32
      %select_n3A_111 = arith.select %eq3A_109, %select_n3A_110, %select_n3A_107 : i32
      %add3A_112 = arith.addi %select_n3A_111, %mul3A_15 : i32
      %add3A_113 = arith.constant 1 : i32
      %add3A_114 = arith.addi %select_n3A_102, %add3A_113 : i32
      %select_n3A_115 = arith.constant true
      %select_n3A_116 = arith.select %select_n3A_115, %add3A_114, %select_n3A_102 : i32
      %eq3A_117 = arith.constant 8 : i32
      %eq3A_118 = arith.cmpi eq, %select_n3A_116, %eq3A_117 : i32
      %select_n3A_119 = arith.constant 0 : i32
      %select_n3A_120 = arith.select %eq3A_118, %select_n3A_119, %select_n3A_116 : i32
      %add3A_121 = arith.addi %select_n3A_120, %mul3A_15 : i32
      %add3A_122 = arith.constant 1 : i32
      %add3A_123 = arith.addi %select_n3A_120, %add3A_122 : i32
      %select_n3A_124 = arith.constant true
      %select_n3A_125 = arith.select %select_n3A_124, %add3A_123, %select_n3A_120 : i32
      %eq3A_126 = arith.constant 8 : i32
      %eq3A_127 = arith.cmpi eq, %select_n3A_125, %eq3A_126 : i32
      %select_n3A_128 = arith.constant 0 : i32
      %select_n3A_129 = arith.select %eq3A_127, %select_n3A_128, %select_n3A_125 : i32
      %add3A_130 = arith.addi %select_n3A_129, %mul3A_15 : i32
      "tpu.trace_start"() <{level = 10 : i32, message = "ep_finalize"}> : () -> ()
      %rem3A_131 = arith.constant 2 : i32
      %rem3A_132 = arith.remui %scan3A_94#3, %rem3A_131 : i32
      %mul3A_133 = arith.constant 128 : i32
      %mul3A_134 = arith.muli %mul3A_133, %add3A_103 : i32
      %dma_wait3A = arith.constant 0 : i32
      %dma_wait3A_135 = arith.constant 0 : i32
      %dma_wait3A_136 = tpu.memref_slice %run_scoped3A_35[%rem3A_132, %dma_wait3A, %dma_wait3A_135] : memref<2x128x128xf32, #tpu.memory_space<vmem>> -> memref<1x128x128xf32, #tpu.memory_space<vmem>>
      %dma_wait3A_137 = tpu.memref_squeeze %dma_wait3A_136 : memref<1x128x128xf32, #tpu.memory_space<vmem>> -> memref<128x128xf32, #tpu.memory_space<vmem>>
      %dma_wait3A_138 = arith.constant 0 : i32
      %dma_wait3A_139 = tpu.memref_slice %arg10[%mul3A_134, %dma_wait3A_138] : memref<32768x128xf32, #tpu.memory_space<hbm>> -> memref<128x128xf32, #tpu.memory_space<hbm>>
      %dma_wait3A_140 = tpu.memref_slice %run_scoped3A_36[%rem3A_132] : memref<2x!tpu.dma_semaphore, #tpu.memory_space<semaphore_mem>> -> memref<1x!tpu.dma_semaphore, #tpu.memory_space<semaphore_mem>>
      %dma_wait3A_141 = tpu.memref_squeeze %dma_wait3A_140 : memref<1x!tpu.dma_semaphore, #tpu.memory_space<semaphore_mem>> -> memref<!tpu.dma_semaphore, #tpu.memory_space<semaphore_mem>>
      %dma_wait3A_142 = arith.constant 0 : i32
      %dma_wait3A_143 = tpu.memref_slice %arg10[%mul3A_134, %dma_wait3A_142] : memref<32768x128xf32, #tpu.memory_space<hbm>> -> memref<128x128xf32, #tpu.memory_space<hbm>>
      %dma_wait3A_144 = arith.constant 0 : i32
      %dma_wait3A_145 = arith.constant 0 : i32
      %dma_wait3A_146 = tpu.memref_slice %run_scoped3A_35[%rem3A_132, %dma_wait3A_144, %dma_wait3A_145] : memref<2x128x128xf32, #tpu.memory_space<vmem>> -> memref<1x128x128xf32, #tpu.memory_space<vmem>>
      %dma_wait3A_147 = tpu.memref_squeeze %dma_wait3A_146 : memref<1x128x128xf32, #tpu.memory_space<vmem>> -> memref<128x128xf32, #tpu.memory_space<vmem>>
      tpu.wait_dma2 semaphore(%dma_wait3A_141 : memref<!tpu.dma_semaphore, #tpu.memory_space<semaphore_mem>>) src(%dma_wait3A_147 : memref<128x128xf32, #tpu.memory_space<vmem>>) dst(%dma_wait3A_143 : memref<128x128xf32, #tpu.memory_space<hbm>>)
      "tpu.trace_stop"() : () -> ()
      tpu.yield
    }) : () -> ()
    %mul3A_16 = arith.constant 1 : i32
    %mul3A_17 = arith.muli %arg1, %mul3A_16 : i32
    %add3A_18 = arith.constant 0 : i32
    %add3A_19 = arith.addi %add3A_18, %mul3A_17 : i32
    %mul3A_20 = arith.constant 16 : i32
    %mul3A_21 = arith.muli %arg0, %mul3A_20 : i32
    %add3A_22 = arith.addi %add3A_19, %mul3A_21 : i32
    %mul3A_23 = arith.constant 8 : i32
    %mul3A_24 = arith.muli %add3A_22, %mul3A_23 : i32
    "tpu.region"() ({
      %run_scoped3A = memref.alloca() : memref<2x1x128xi32, #tpu.memory_space<vmem>>
      %run_scoped3A_34 = tpu.sem_alloc : memref<2x!tpu.dma_semaphore, #tpu.memory_space<semaphore_mem>>
      %run_scoped3A_35 = memref.alloca() : memref<2x128x128xf32, #tpu.memory_space<vmem>>
      %run_scoped3A_36 = tpu.sem_alloc : memref<2x!tpu.dma_semaphore, #tpu.memory_space<semaphore_mem>>
      %add3A_37 = arith.constant 0 : i32
      %add3A_38 = arith.addi %add3A_37, %mul3A_24 : i32
      %select_n3A = arith.constant true
      %select_n3A_39 = arith.constant 0 : i32
      %select_n3A_40 = arith.constant -1 : i32
      %select_n3A_41 = arith.select %select_n3A, %select_n3A_40, %select_n3A_39 : i32
      %eq3A = arith.constant -1 : i32
      %eq3A_42 = arith.cmpi eq, %select_n3A_41, %eq3A : i32
      %select_n3A_43 = arith.constant 7 : i32
      %select_n3A_44 = arith.select %eq3A_42, %select_n3A_43, %select_n3A_41 : i32
      %add3A_45 = arith.addi %select_n3A_44, %mul3A_24 : i32
      %select_n3A_46 = arith.constant true
      %select_n3A_47 = arith.constant 0 : i32
      %select_n3A_48 = arith.constant 1 : i32
      %select_n3A_49 = arith.select %select_n3A_46, %select_n3A_48, %select_n3A_47 : i32
      %eq3A_50 = arith.constant 8 : i32
      %eq3A_51 = arith.cmpi eq, %select_n3A_49, %eq3A_50 : i32
      %select_n3A_52 = arith.constant 0 : i32
      %select_n3A_53 = arith.select %eq3A_51, %select_n3A_52, %select_n3A_49 : i32
      %add3A_54 = arith.addi %select_n3A_53, %mul3A_24 : i32
      %add3A_55 = arith.constant 1 : i32
      %add3A_56 = arith.addi %select_n3A_53, %add3A_55 : i32
      %select_n3A_57 = arith.constant true
      %select_n3A_58 = arith.select %select_n3A_57, %add3A_56, %select_n3A_53 : i32
      %eq3A_59 = arith.constant 8 : i32
      %eq3A_60 = arith.cmpi eq, %select_n3A_58, %eq3A_59 : i32
      %select_n3A_61 = arith.constant 0 : i32
      %select_n3A_62 = arith.select %eq3A_60, %select_n3A_61, %select_n3A_58 : i32
      %add3A_63 = arith.addi %select_n3A_62, %mul3A_24 : i32
      "tpu.trace_start"() <{level = 10 : i32, message = "ep_initialize_0"}> : () -> ()
      %rem3A = arith.constant 0 : i32
      %rem3A_64 = arith.constant 2 : i32
      %rem3A_65 = arith.remui %rem3A, %rem3A_64 : i32
      %mul3A_66 = arith.constant 128 : i32
      %mul3A_67 = arith.muli %mul3A_66, %add3A_38 : i32
      %dma_start3A = arith.constant 0 : i32
      %dma_start3A_68 = arith.constant 0 : i32
      %dma_start3A_69 = tpu.memref_slice %run_scoped3A[%rem3A_65, %dma_start3A, %dma_start3A_68] : memref<2x1x128xi32, #tpu.memory_space<vmem>> -> memref<1x1x128xi32, #tpu.memory_space<vmem>>
      %dma_start3A_70 = tpu.memref_squeeze %dma_start3A_69 : memref<1x1x128xi32, #tpu.memory_space<vmem>> -> memref<1x128xi32, #tpu.memory_space<vmem>>
      %dma_start3A_71 = arith.constant 0 : i32
      %dma_start3A_72 = tpu.memref_slice %arg4[%dma_start3A_71, %mul3A_67] : memref<1x32768xi32, #tpu.memory_space<hbm>> -> memref<1x128xi32, #tpu.memory_space<hbm>>
      %dma_start3A_73 = tpu.memref_slice %run_scoped3A_34[%rem3A_65] : memref<2x!tpu.dma_semaphore, #tpu.memory_space<semaphore_mem>> -> memref<1x!tpu.dma_semaphore, #tpu.memory_space<semaphore_mem>>
      %dma_start3A_74 = tpu.memref_squeeze %dma_start3A_73 : memref<1x!tpu.dma_semaphore, #tpu.memory_space<semaphore_mem>> -> memref<!tpu.dma_semaphore, #tpu.memory_space<semaphore_mem>>
      %dma_start3A_75 = arith.constant 0 : i32
      %dma_start3A_76 = arith.constant 0 : i32
      %dma_start3A_77 = tpu.memref_slice %run_scoped3A[%rem3A_65, %dma_start3A_75, %dma_start3A_76] : memref<2x1x128xi32, #tpu.memory_space<vmem>> -> memref<1x1x128xi32, #tpu.memory_space<vmem>>
      %dma_start3A_78 = tpu.memref_squeeze %dma_start3A_77 : memref<1x1x128xi32, #tpu.memory_space<vmem>> -> memref<1x128xi32, #tpu.memory_space<vmem>>
      %dma_start3A_79 = arith.constant 0 : i32
      %dma_start3A_80 = tpu.memref_slice %arg4[%dma_start3A_79, %mul3A_67] : memref<1x32768xi32, #tpu.memory_space<hbm>> -> memref<1x128xi32, #tpu.memory_space<hbm>>
      tpu.enqueue_dma source(%dma_start3A_80 : memref<1x128xi32, #tpu.memory_space<hbm>>) target(%dma_start3A_78 : memref<1x128xi32, #tpu.memory_space<vmem>>) target_semaphore(%dma_start3A_74 : memref<!tpu.dma_semaphore, #tpu.memory_space<semaphore_mem>>)
      %add3A_81 = arith.constant 0 : i32
      %add3A_82 = arith.constant 1 : i32
      %add3A_83 = arith.addi %add3A_81, %add3A_82 : i32
      %select_n3A_84 = arith.constant true
      %select_n3A_85 = arith.constant 0 : i32
      %select_n3A_86 = arith.select %select_n3A_84, %add3A_83, %select_n3A_85 : i32
      "tpu.trace_stop"() : () -> ()
      %scan3A = arith.constant 0 : i32
      %scan3A_87 = arith.constant 0 : i32
      %scan3A_88 = arith.constant 0 : i32
      %scan3A_89 = arith.constant 0 : i32
      %scan3A_90 = arith.constant 0 : i32
      %scan3A_91 = arith.constant 8 : i32
      %scan3A_92 = arith.addi %scan3A_90, %scan3A_91 : i32
      %scan3A_93 = arith.constant 1 : i32
      %scan3A_94:5 = scf.for %scan3A_148 = %scan3A_90 to %scan3A_92 step %scan3A_93 iter_args(%scan3A_149 = %select_n3A_86, %scan3A_150 = %scan3A, %scan3A_151 = %scan3A_87, %scan3A_152 = %scan3A_88, %scan3A_153 = %scan3A_89) -> (i32, i32, i32, i32, i32)  : i32 {
        %eq3A_154 = arith.constant 0 : i32
        %eq3A_155 = arith.cmpi eq, %scan3A_148, %eq3A_154 : i32
        %eq3A_156 = arith.constant 7 : i32
        %eq3A_157 = arith.cmpi eq, %scan3A_148, %eq3A_156 : i32
        %add3A_158 = arith.addi %scan3A_153, %mul3A_24 : i32
        %sub3A_159 = arith.constant 1 : i32
        %sub3A_160 = arith.subi %scan3A_153, %sub3A_159 : i32
        %select_n3A_161 = arith.constant true
        %select_n3A_162 = arith.select %select_n3A_161, %sub3A_160, %scan3A_153 : i32
        %eq3A_163 = arith.constant -1 : i32
        %eq3A_164 = arith.cmpi eq, %select_n3A_162, %eq3A_163 : i32
        %select_n3A_165 = arith.constant 7 : i32
        %select_n3A_166 = arith.select %eq3A_164, %select_n3A_165, %select_n3A_162 : i32
        %add3A_167 = arith.addi %select_n3A_166, %mul3A_24 : i32
        %add3A_168 = arith.constant 1 : i32
        %add3A_169 = arith.addi %scan3A_153, %add3A_168 : i32
        %select_n3A_170 = arith.constant true
        %select_n3A_171 = arith.select %select_n3A_170, %add3A_169, %scan3A_153 : i32
        %eq3A_172 = arith.constant 8 : i32
        %eq3A_173 = arith.cmpi eq, %select_n3A_171, %eq3A_172 : i32
        %select_n3A_174 = arith.constant 0 : i32
        %select_n3A_175 = arith.select %eq3A_173, %select_n3A_174, %select_n3A_171 : i32
        %add3A_176 = arith.addi %select_n3A_175, %mul3A_24 : i32
        %add3A_177 = arith.constant 1 : i32
        %add3A_178 = arith.addi %select_n3A_175, %add3A_177 : i32
        %select_n3A_179 = arith.constant true
        %select_n3A_180 = arith.select %select_n3A_179, %add3A_178, %select_n3A_175 : i32
        %eq3A_181 = arith.constant 8 : i32
        %eq3A_182 = arith.cmpi eq, %select_n3A_180, %eq3A_181 : i32
        %select_n3A_183 = arith.constant 0 : i32
        %select_n3A_184 = arith.select %eq3A_182, %select_n3A_183, %select_n3A_180 : i32
        %add3A_185 = arith.addi %select_n3A_184, %mul3A_24 : i32
        %ne3A = arith.cmpi ne, %add3A_158, %add3A_176 : i32
        %or3A = arith.constant false
        %or3A_186 = arith.ori %or3A, %ne3A : i1
        %ge3A = arith.constant 7 : i32
        %ge3A_187 = arith.cmpi sge, %scan3A_148, %ge3A : i32
        %not3A = arith.constant true
        %not3A_188 = arith.xori %ge3A_187, %not3A : i1
        %and3A = arith.andi %or3A_186, %not3A_188 : i1
        %convert_element_type3A = arith.extui %and3A : i1 to i32
        %cond3A = arith.constant 0 : i32
        %cond3A_189 = arith.cmpi ne, %convert_element_type3A, %cond3A : i32
        scf.if %cond3A_189 {
          "tpu.trace_start"() <{level = 10 : i32, message = "ep_copy_in"}> : () -> ()
          %rem3A_291 = arith.constant 2 : i32
          %rem3A_292 = arith.remui %scan3A_149, %rem3A_291 : i32
          %mul3A_293 = arith.constant 128 : i32
          %mul3A_294 = arith.muli %mul3A_293, %add3A_176 : i32
          %dma_start3A_295 = arith.constant 0 : i32
          %dma_start3A_296 = arith.constant 0 : i32
          %dma_start3A_297 = tpu.memref_slice %run_scoped3A[%rem3A_292, %dma_start3A_295, %dma_start3A_296] : memref<2x1x128xi32, #tpu.memory_space<vmem>> -> memref<1x1x128xi32, #tpu.memory_space<vmem>>
          %dma_start3A_298 = tpu.memref_squeeze %dma_start3A_297 : memref<1x1x128xi32, #tpu.memory_space<vmem>> -> memref<1x128xi32, #tpu.memory_space<vmem>>
          %dma_start3A_299 = arith.constant 0 : i32
          %dma_start3A_300 = tpu.memref_slice %arg4[%dma_start3A_299, %mul3A_294] : memref<1x32768xi32, #tpu.memory_space<hbm>> -> memref<1x128xi32, #tpu.memory_space<hbm>>
          %dma_start3A_301 = tpu.memref_slice %run_scoped3A_34[%rem3A_292] : memref<2x!tpu.dma_semaphore, #tpu.memory_space<semaphore_mem>> -> memref<1x!tpu.dma_semaphore, #tpu.memory_space<semaphore_mem>>
          %dma_start3A_302 = tpu.memref_squeeze %dma_start3A_301 : memref<1x!tpu.dma_semaphore, #tpu.memory_space<semaphore_mem>> -> memref<!tpu.dma_semaphore, #tpu.memory_space<semaphore_mem>>
          %dma_start3A_303 = arith.constant 0 : i32
          %dma_start3A_304 = arith.constant 0 : i32
          %dma_start3A_305 = tpu.memref_slice %run_scoped3A[%rem3A_292, %dma_start3A_303, %dma_start3A_304] : memref<2x1x128xi32, #tpu.memory_space<vmem>> -> memref<1x1x128xi32, #tpu.memory_space<vmem>>
          %dma_start3A_306 = tpu.memref_squeeze %dma_start3A_305 : memref<1x1x128xi32, #tpu.memory_space<vmem>> -> memref<1x128xi32, #tpu.memory_space<vmem>>
          %dma_start3A_307 = arith.constant 0 : i32
          %dma_start3A_308 = tpu.memref_slice %arg4[%dma_start3A_307, %mul3A_294] : memref<1x32768xi32, #tpu.memory_space<hbm>> -> memref<1x128xi32, #tpu.memory_space<hbm>>
          tpu.enqueue_dma source(%dma_start3A_308 : memref<1x128xi32, #tpu.memory_space<hbm>>) target(%dma_start3A_306 : memref<1x128xi32, #tpu.memory_space<vmem>>) target_semaphore(%dma_start3A_302 : memref<!tpu.dma_semaphore, #tpu.memory_space<semaphore_mem>>)
          "tpu.trace_stop"() : () -> ()
        } else {
        }
        %and3A_190 = arith.constant true
        %and3A_191 = arith.andi %and3A, %and3A_190 : i1
        %add3A_192 = arith.constant 1 : i32
        %add3A_193 = arith.addi %scan3A_149, %add3A_192 : i32
        %select_n3A_194 = arith.select %and3A_191, %add3A_193, %scan3A_149 : i32
        %ne3A_195 = arith.cmpi ne, %add3A_158, %add3A_176 : i32
        %or3A_196 = arith.constant false
        %or3A_197 = arith.ori %or3A_196, %ne3A_195 : i1
        %or3A_198 = arith.constant false
        %or3A_199 = arith.ori %or3A_197, %or3A_198 : i1
        %ge3A_200 = arith.constant 7 : i32
        %ge3A_201 = arith.cmpi sge, %scan3A_148, %ge3A_200 : i32
        %not3A_202 = arith.constant true
        %not3A_203 = arith.xori %ge3A_201, %not3A_202 : i1
        %and3A_204 = arith.andi %or3A_199, %not3A_203 : i1
        %ne3A_205 = arith.cmpi ne, %add3A_158, %add3A_167 : i32
        %or3A_206 = arith.constant false
        %or3A_207 = arith.ori %or3A_206, %ne3A_205 : i1
        %or3A_208 = arith.ori %or3A_207, %eq3A_155 : i1
        %convert_element_type3A_209 = arith.extui %or3A_208 : i1 to i32
        %cond3A_210 = arith.constant 0 : i32
        %cond3A_211 = arith.cmpi ne, %convert_element_type3A_209, %cond3A_210 : i32
        scf.if %cond3A_211 {
          "tpu.trace_start"() <{level = 10 : i32, message = "ep_wait_in"}> : () -> ()
          %mul3A_291 = arith.constant 128 : i32
          %mul3A_292 = arith.muli %mul3A_291, %add3A_158 : i32
          %rem3A_293 = arith.constant 2 : i32
          %rem3A_294 = arith.remui %scan3A_150, %rem3A_293 : i32
          %dma_wait3A_295 = arith.constant 0 : i32
          %dma_wait3A_296 = arith.constant 0 : i32
          %dma_wait3A_297 = tpu.memref_slice %run_scoped3A[%rem3A_294, %dma_wait3A_295, %dma_wait3A_296] : memref<2x1x128xi32, #tpu.memory_space<vmem>> -> memref<1x1x128xi32, #tpu.memory_space<vmem>>
          %dma_wait3A_298 = tpu.memref_squeeze %dma_wait3A_297 : memref<1x1x128xi32, #tpu.memory_space<vmem>> -> memref<1x128xi32, #tpu.memory_space<vmem>>
          %dma_wait3A_299 = arith.constant 0 : i32
          %dma_wait3A_300 = tpu.memref_slice %arg4[%dma_wait3A_299, %mul3A_292] : memref<1x32768xi32, #tpu.memory_space<hbm>> -> memref<1x128xi32, #tpu.memory_space<hbm>>
          %dma_wait3A_301 = tpu.memref_slice %run_scoped3A_34[%rem3A_294] : memref<2x!tpu.dma_semaphore, #tpu.memory_space<semaphore_mem>> -> memref<1x!tpu.dma_semaphore, #tpu.memory_space<semaphore_mem>>
          %dma_wait3A_302 = tpu.memref_squeeze %dma_wait3A_301 : memref<1x!tpu.dma_semaphore, #tpu.memory_space<semaphore_mem>> -> memref<!tpu.dma_semaphore, #tpu.memory_space<semaphore_mem>>
          %dma_wait3A_303 = arith.constant 0 : i32
          %dma_wait3A_304 = arith.constant 0 : i32
          %dma_wait3A_305 = tpu.memref_slice %run_scoped3A[%rem3A_294, %dma_wait3A_303, %dma_wait3A_304] : memref<2x1x128xi32, #tpu.memory_space<vmem>> -> memref<1x1x128xi32, #tpu.memory_space<vmem>>
          %dma_wait3A_306 = tpu.memref_squeeze %dma_wait3A_305 : memref<1x1x128xi32, #tpu.memory_space<vmem>> -> memref<1x128xi32, #tpu.memory_space<vmem>>
          %dma_wait3A_307 = arith.constant 0 : i32
          %dma_wait3A_308 = tpu.memref_slice %arg4[%dma_wait3A_307, %mul3A_292] : memref<1x32768xi32, #tpu.memory_space<hbm>> -> memref<1x128xi32, #tpu.memory_space<hbm>>
          tpu.wait_dma2 semaphore(%dma_wait3A_302 : memref<!tpu.dma_semaphore, #tpu.memory_space<semaphore_mem>>) src(%dma_wait3A_308 : memref<1x128xi32, #tpu.memory_space<hbm>>) dst(%dma_wait3A_306 : memref<1x128xi32, #tpu.memory_space<vmem>>)
          "tpu.trace_stop"() : () -> ()
        } else {
        }
        %ne3A_212 = arith.cmpi ne, %add3A_158, %add3A_167 : i32
        %or3A_213 = arith.constant false
        %or3A_214 = arith.ori %or3A_213, %ne3A_212 : i1
        %or3A_215 = arith.constant false
        %or3A_216 = arith.ori %or3A_214, %or3A_215 : i1
        %or3A_217 = arith.ori %or3A_216, %eq3A_155 : i1
        %convert_element_type3A_218 = arith.extui %or3A_217 : i1 to i32
        %cond3A_219 = arith.constant 0 : i32
        %cond3A_220 = arith.cmpi ne, %convert_element_type3A_218, %cond3A_219 : i32
        scf.if %cond3A_220 {
        } else {
        }
        %rem3A_221 = arith.constant 2 : i32
        %rem3A_222 = arith.remui %scan3A_150, %rem3A_221 : i32
        %rem3A_223 = arith.constant 2 : i32
        %rem3A_224 = arith.remui %scan3A_151, %rem3A_223 : i32
        %run_scoped3A_225 = arith.constant 0 : i32
        "tpu.trace_start"() <{level = 10 : i32, message = "ep_run_kernel"}> : () -> ()
        "tpu.region"() ({
          %run_scoped3A_291 = tpu.sem_alloc : memref<!tpu.dma_semaphore, #tpu.memory_space<semaphore_mem>>
          %dma_start3A_292 = arith.constant 0 : i32
          %dma_start3A_293 = arith.constant 0 : i32
          %dma_start3A_294 = tpu.memref_slice %run_scoped3A_35[%rem3A_224, %dma_start3A_292, %dma_start3A_293] : memref<2x128x128xf32, #tpu.memory_space<vmem>> -> memref<1x128x128xf32, #tpu.memory_space<vmem>>
          %dma_start3A_295 = tpu.memref_squeeze %dma_start3A_294 : memref<1x128x128xf32, #tpu.memory_space<vmem>> -> memref<128x128xf32, #tpu.memory_space<vmem>>
          %dma_start3A_296 = arith.constant 0 : i32
          %dma_start3A_297 = arith.constant 0 : i32
          %dma_start3A_298 = tpu.memref_slice %run_scoped3A[%rem3A_222, %dma_start3A_296, %dma_start3A_297] : memref<2x1x128xi32, #tpu.memory_space<vmem>> -> memref<1x1x128xi32, #tpu.memory_space<vmem>>
          %dma_start3A_299 = tpu.memref_squeeze %dma_start3A_298 : memref<1x1x128xi32, #tpu.memory_space<vmem>> -> memref<1x128xi32, #tpu.memory_space<vmem>>
          %dma_start3A_300 = arith.constant 0 : i32
          %dma_start3A_301 = tpu.memref_slice %dma_start3A_299[%run_scoped3A_225, %dma_start3A_300] : memref<1x128xi32, #tpu.memory_space<vmem>> -> memref<1x128xi32, #tpu.memory_space<vmem>>
          %dma_start3A_302 = tpu.memref_squeeze %dma_start3A_301 : memref<1x128xi32, #tpu.memory_space<vmem>> -> memref<128xi32, #tpu.memory_space<vmem>>
          %dma_start3A_303 = arith.constant 0 : i32
          %dma_start3A_304 = arith.constant 0 : i32
          %dma_start3A_305 = tpu.memref_slice %arg6[%dma_start3A_303, %dma_start3A_304] : memref<500000x128xf32, #tpu.memory_space<hbm>> -> memref<500000x128xf32, #tpu.memory_space<hbm>>
          tpu.enqueue_indirect_dma source(%dma_start3A_305 : memref<500000x128xf32, #tpu.memory_space<hbm>>) target(%dma_start3A_295 : memref<128x128xf32, #tpu.memory_space<vmem>>) offsets(%dma_start3A_302 : memref<128xi32, #tpu.memory_space<vmem>>) semaphore(%run_scoped3A_291 : memref<!tpu.dma_semaphore, #tpu.memory_space<semaphore_mem>>)
          %dma_wait3A_306 = arith.constant 0 : i32
          %dma_wait3A_307 = arith.constant 0 : i32
          %dma_wait3A_308 = tpu.memref_slice %run_scoped3A_35[%rem3A_224, %dma_wait3A_306, %dma_wait3A_307] : memref<2x128x128xf32, #tpu.memory_space<vmem>> -> memref<1x128x128xf32, #tpu.memory_space<vmem>>
          %dma_wait3A_309 = tpu.memref_squeeze %dma_wait3A_308 : memref<1x128x128xf32, #tpu.memory_space<vmem>> -> memref<128x128xf32, #tpu.memory_space<vmem>>
          %dma_wait3A_310 = arith.constant 0 : i32
          %dma_wait3A_311 = arith.constant 0 : i32
          %dma_wait3A_312 = tpu.memref_slice %run_scoped3A[%rem3A_222, %dma_wait3A_310, %dma_wait3A_311] : memref<2x1x128xi32, #tpu.memory_space<vmem>> -> memref<1x1x128xi32, #tpu.memory_space<vmem>>
          %dma_wait3A_313 = tpu.memref_squeeze %dma_wait3A_312 : memref<1x1x128xi32, #tpu.memory_space<vmem>> -> memref<1x128xi32, #tpu.memory_space<vmem>>
          %dma_wait3A_314 = arith.constant 0 : i32
          %dma_wait3A_315 = tpu.memref_slice %dma_wait3A_313[%run_scoped3A_225, %dma_wait3A_314] : memref<1x128xi32, #tpu.memory_space<vmem>> -> memref<1x128xi32, #tpu.memory_space<vmem>>
          %dma_wait3A_316 = tpu.memref_squeeze %dma_wait3A_315 : memref<1x128xi32, #tpu.memory_space<vmem>> -> memref<128xi32, #tpu.memory_space<vmem>>
          %dma_wait3A_317 = arith.constant 0 : i32
          %dma_wait3A_318 = arith.constant 0 : i32
          %dma_wait3A_319 = tpu.memref_slice %arg6[%dma_wait3A_317, %dma_wait3A_318] : memref<500000x128xf32, #tpu.memory_space<hbm>> -> memref<500000x128xf32, #tpu.memory_space<hbm>>
          tpu.wait_indirect_dma semaphore(%run_scoped3A_291 : memref<!tpu.dma_semaphore, #tpu.memory_space<semaphore_mem>>) src(%dma_wait3A_319 : memref<500000x128xf32, #tpu.memory_space<hbm>>) dst(%dma_wait3A_309 : memref<128x128xf32, #tpu.memory_space<vmem>>)
          tpu.yield
        }) : () -> ()
        "tpu.trace_stop"() : () -> ()
        %ne3A_226 = arith.cmpi ne, %add3A_158, %add3A_176 : i32
        %or3A_227 = arith.constant false
        %or3A_228 = arith.ori %or3A_227, %ne3A_226 : i1
        %or3A_229 = arith.ori %or3A_228, %eq3A_157 : i1
        %convert_element_type3A_230 = arith.extui %or3A_229 : i1 to i32
        %cond3A_231 = arith.constant 0 : i32
        %cond3A_232 = arith.cmpi ne, %convert_element_type3A_230, %cond3A_231 : i32
        scf.if %cond3A_232 {
        } else {
        }
        %and3A_233 = arith.constant false
        %and3A_234 = arith.andi %or3A_229, %and3A_233 : i1
        %ne3A_235 = arith.cmpi ne, %add3A_158, %add3A_176 : i32
        %or3A_236 = arith.constant false
        %or3A_237 = arith.ori %or3A_236, %ne3A_235 : i1
        %or3A_238 = arith.constant false
        %or3A_239 = arith.ori %or3A_237, %or3A_238 : i1
        %or3A_240 = arith.ori %or3A_239, %eq3A_157 : i1
        %convert_element_type3A_241 = arith.extui %or3A_240 : i1 to i32
        %cond3A_242 = arith.constant 0 : i32
        %cond3A_243 = arith.cmpi ne, %convert_element_type3A_241, %cond3A_242 : i32
        scf.if %cond3A_243 {
          "tpu.trace_start"() <{level = 10 : i32, message = "ep_copy_out"}> : () -> ()
          %rem3A_291 = arith.constant 2 : i32
          %rem3A_292 = arith.remui %scan3A_151, %rem3A_291 : i32
          %mul3A_293 = arith.constant 128 : i32
          %mul3A_294 = arith.muli %mul3A_293, %add3A_158 : i32
          %dma_start3A_295 = arith.constant 0 : i32
          %dma_start3A_296 = arith.constant 0 : i32
          %dma_start3A_297 = tpu.memref_slice %run_scoped3A_35[%rem3A_292, %dma_start3A_295, %dma_start3A_296] : memref<2x128x128xf32, #tpu.memory_space<vmem>> -> memref<1x128x128xf32, #tpu.memory_space<vmem>>
          %dma_start3A_298 = tpu.memref_squeeze %dma_start3A_297 : memref<1x128x128xf32, #tpu.memory_space<vmem>> -> memref<128x128xf32, #tpu.memory_space<vmem>>
          %dma_start3A_299 = arith.constant 0 : i32
          %dma_start3A_300 = tpu.memref_slice %arg11[%mul3A_294, %dma_start3A_299] : memref<32768x128xf32, #tpu.memory_space<hbm>> -> memref<128x128xf32, #tpu.memory_space<hbm>>
          %dma_start3A_301 = tpu.memref_slice %run_scoped3A_36[%rem3A_292] : memref<2x!tpu.dma_semaphore, #tpu.memory_space<semaphore_mem>> -> memref<1x!tpu.dma_semaphore, #tpu.memory_space<semaphore_mem>>
          %dma_start3A_302 = tpu.memref_squeeze %dma_start3A_301 : memref<1x!tpu.dma_semaphore, #tpu.memory_space<semaphore_mem>> -> memref<!tpu.dma_semaphore, #tpu.memory_space<semaphore_mem>>
          %dma_start3A_303 = arith.constant 0 : i32
          %dma_start3A_304 = tpu.memref_slice %arg11[%mul3A_294, %dma_start3A_303] : memref<32768x128xf32, #tpu.memory_space<hbm>> -> memref<128x128xf32, #tpu.memory_space<hbm>>
          %dma_start3A_305 = arith.constant 0 : i32
          %dma_start3A_306 = arith.constant 0 : i32
          %dma_start3A_307 = tpu.memref_slice %run_scoped3A_35[%rem3A_292, %dma_start3A_305, %dma_start3A_306] : memref<2x128x128xf32, #tpu.memory_space<vmem>> -> memref<1x128x128xf32, #tpu.memory_space<vmem>>
          %dma_start3A_308 = tpu.memref_squeeze %dma_start3A_307 : memref<1x128x128xf32, #tpu.memory_space<vmem>> -> memref<128x128xf32, #tpu.memory_space<vmem>>
          tpu.enqueue_dma source(%dma_start3A_308 : memref<128x128xf32, #tpu.memory_space<vmem>>) target(%dma_start3A_304 : memref<128x128xf32, #tpu.memory_space<hbm>>) target_semaphore(%dma_start3A_302 : memref<!tpu.dma_semaphore, #tpu.memory_space<semaphore_mem>>)
          "tpu.trace_stop"() : () -> ()
        } else {
        }
        %and3A_244 = arith.constant true
        %and3A_245 = arith.andi %or3A_240, %and3A_244 : i1
        %add3A_246 = arith.constant 1 : i32
        %add3A_247 = arith.addi %scan3A_151, %add3A_246 : i32
        %select_n3A_248 = arith.select %and3A_245, %add3A_247, %scan3A_151 : i32
        %ne3A_249 = arith.cmpi ne, %add3A_158, %add3A_167 : i32
        %or3A_250 = arith.constant false
        %or3A_251 = arith.ori %or3A_250, %ne3A_249 : i1
        %not3A_252 = arith.constant true
        %not3A_253 = arith.xori %eq3A_155, %not3A_252 : i1
        %and3A_254 = arith.andi %or3A_251, %not3A_253 : i1
        %convert_element_type3A_255 = arith.extui %and3A_254 : i1 to i32
        %cond3A_256 = arith.constant 0 : i32
        %cond3A_257 = arith.cmpi ne, %convert_element_type3A_255, %cond3A_256 : i32
        scf.if %cond3A_257 {
        } else {
        }
        %and3A_258 = arith.constant false
        %and3A_259 = arith.andi %and3A_254, %and3A_258 : i1
        %ne3A_260 = arith.cmpi ne, %add3A_158, %add3A_167 : i32
        %or3A_261 = arith.constant false
        %or3A_262 = arith.ori %or3A_261, %ne3A_260 : i1
        %or3A_263 = arith.constant false
        %or3A_264 = arith.ori %or3A_262, %or3A_263 : i1
        %not3A_265 = arith.constant true
        %not3A_266 = arith.xori %eq3A_155, %not3A_265 : i1
        %and3A_267 = arith.andi %or3A_264, %not3A_266 : i1
        %convert_element_type3A_268 = arith.extui %and3A_267 : i1 to i32
        %cond3A_269 = arith.constant 0 : i32
        %cond3A_270 = arith.cmpi ne, %convert_element_type3A_268, %cond3A_269 : i32
        scf.if %cond3A_270 {
          "tpu.trace_start"() <{level = 10 : i32, message = "ep_wait_out"}> : () -> ()
          %rem3A_291 = arith.constant 2 : i32
          %rem3A_292 = arith.remui %scan3A_152, %rem3A_291 : i32
          %mul3A_293 = arith.constant 128 : i32
          %mul3A_294 = arith.muli %mul3A_293, %add3A_167 : i32
          %dma_wait3A_295 = arith.constant 0 : i32
          %dma_wait3A_296 = arith.constant 0 : i32
          %dma_wait3A_297 = tpu.memref_slice %run_scoped3A_35[%rem3A_292, %dma_wait3A_295, %dma_wait3A_296] : memref<2x128x128xf32, #tpu.memory_space<vmem>> -> memref<1x128x128xf32, #tpu.memory_space<vmem>>
          %dma_wait3A_298 = tpu.memref_squeeze %dma_wait3A_297 : memref<1x128x128xf32, #tpu.memory_space<vmem>> -> memref<128x128xf32, #tpu.memory_space<vmem>>
          %dma_wait3A_299 = arith.constant 0 : i32
          %dma_wait3A_300 = tpu.memref_slice %arg11[%mul3A_294, %dma_wait3A_299] : memref<32768x128xf32, #tpu.memory_space<hbm>> -> memref<128x128xf32, #tpu.memory_space<hbm>>
          %dma_wait3A_301 = tpu.memref_slice %run_scoped3A_36[%rem3A_292] : memref<2x!tpu.dma_semaphore, #tpu.memory_space<semaphore_mem>> -> memref<1x!tpu.dma_semaphore, #tpu.memory_space<semaphore_mem>>
          %dma_wait3A_302 = tpu.memref_squeeze %dma_wait3A_301 : memref<1x!tpu.dma_semaphore, #tpu.memory_space<semaphore_mem>> -> memref<!tpu.dma_semaphore, #tpu.memory_space<semaphore_mem>>
          %dma_wait3A_303 = arith.constant 0 : i32
          %dma_wait3A_304 = tpu.memref_slice %arg11[%mul3A_294, %dma_wait3A_303] : memref<32768x128xf32, #tpu.memory_space<hbm>> -> memref<128x128xf32, #tpu.memory_space<hbm>>
          %dma_wait3A_305 = arith.constant 0 : i32
          %dma_wait3A_306 = arith.constant 0 : i32
          %dma_wait3A_307 = tpu.memref_slice %run_scoped3A_35[%rem3A_292, %dma_wait3A_305, %dma_wait3A_306] : memref<2x128x128xf32, #tpu.memory_space<vmem>> -> memref<1x128x128xf32, #tpu.memory_space<vmem>>
          %dma_wait3A_308 = tpu.memref_squeeze %dma_wait3A_307 : memref<1x128x128xf32, #tpu.memory_space<vmem>> -> memref<128x128xf32, #tpu.memory_space<vmem>>
          tpu.wait_dma2 semaphore(%dma_wait3A_302 : memref<!tpu.dma_semaphore, #tpu.memory_space<semaphore_mem>>) src(%dma_wait3A_308 : memref<128x128xf32, #tpu.memory_space<vmem>>) dst(%dma_wait3A_304 : memref<128x128xf32, #tpu.memory_space<hbm>>)
          "tpu.trace_stop"() : () -> ()
        } else {
        }
        %and3A_271 = arith.constant true
        %and3A_272 = arith.andi %and3A_267, %and3A_271 : i1
        %add3A_273 = arith.constant 1 : i32
        %add3A_274 = arith.addi %scan3A_152, %add3A_273 : i32
        %select_n3A_275 = arith.select %and3A_272, %add3A_274, %scan3A_152 : i32
        %ne3A_276 = arith.cmpi ne, %add3A_158, %add3A_176 : i32
        %or3A_277 = arith.constant false
        %or3A_278 = arith.ori %or3A_277, %ne3A_276 : i1
        %or3A_279 = arith.ori %or3A_278, %eq3A_157 : i1
        %add3A_280 = arith.constant 1 : i32
        %add3A_281 = arith.addi %scan3A_150, %add3A_280 : i32
        %select_n3A_282 = arith.select %or3A_279, %add3A_281, %scan3A_150 : i32
        %add3A_283 = arith.constant 1 : i32
        %add3A_284 = arith.addi %scan3A_153, %add3A_283 : i32
        %select_n3A_285 = arith.constant true
        %select_n3A_286 = arith.select %select_n3A_285, %add3A_284, %scan3A_153 : i32
        %eq3A_287 = arith.constant 8 : i32
        %eq3A_288 = arith.cmpi eq, %select_n3A_286, %eq3A_287 : i32
        %select_n3A_289 = arith.constant 0 : i32
        %select_n3A_290 = arith.select %eq3A_288, %select_n3A_289, %select_n3A_286 : i32
        scf.yield %select_n3A_194, %select_n3A_282, %select_n3A_248, %select_n3A_275, %select_n3A_290 : i32, i32, i32, i32, i32
      }
      %scan3A_95 = arith.constant 8 : i32
      %sub3A = arith.constant 1 : i32
      %sub3A_96 = arith.subi %scan3A_94#4, %sub3A : i32
      %select_n3A_97 = arith.constant true
      %select_n3A_98 = arith.select %select_n3A_97, %sub3A_96, %scan3A_94#4 : i32
      %eq3A_99 = arith.constant -1 : i32
      %eq3A_100 = arith.cmpi eq, %select_n3A_98, %eq3A_99 : i32
      %select_n3A_101 = arith.constant 7 : i32
      %select_n3A_102 = arith.select %eq3A_100, %select_n3A_101, %select_n3A_98 : i32
      %add3A_103 = arith.addi %select_n3A_102, %mul3A_24 : i32
      %sub3A_104 = arith.constant 1 : i32
      %sub3A_105 = arith.subi %select_n3A_102, %sub3A_104 : i32
      %select_n3A_106 = arith.constant true
      %select_n3A_107 = arith.select %select_n3A_106, %sub3A_105, %select_n3A_102 : i32
      %eq3A_108 = arith.constant -1 : i32
      %eq3A_109 = arith.cmpi eq, %select_n3A_107, %eq3A_108 : i32
      %select_n3A_110 = arith.constant 7 : i32
      %select_n3A_111 = arith.select %eq3A_109, %select_n3A_110, %select_n3A_107 : i32
      %add3A_112 = arith.addi %select_n3A_111, %mul3A_24 : i32
      %add3A_113 = arith.constant 1 : i32
      %add3A_114 = arith.addi %select_n3A_102, %add3A_113 : i32
      %select_n3A_115 = arith.constant true
      %select_n3A_116 = arith.select %select_n3A_115, %add3A_114, %select_n3A_102 : i32
      %eq3A_117 = arith.constant 8 : i32
      %eq3A_118 = arith.cmpi eq, %select_n3A_116, %eq3A_117 : i32
      %select_n3A_119 = arith.constant 0 : i32
      %select_n3A_120 = arith.select %eq3A_118, %select_n3A_119, %select_n3A_116 : i32
      %add3A_121 = arith.addi %select_n3A_120, %mul3A_24 : i32
      %add3A_122 = arith.constant 1 : i32
      %add3A_123 = arith.addi %select_n3A_120, %add3A_122 : i32
      %select_n3A_124 = arith.constant true
      %select_n3A_125 = arith.select %select_n3A_124, %add3A_123, %select_n3A_120 : i32
      %eq3A_126 = arith.constant 8 : i32
      %eq3A_127 = arith.cmpi eq, %select_n3A_125, %eq3A_126 : i32
      %select_n3A_128 = arith.constant 0 : i32
      %select_n3A_129 = arith.select %eq3A_127, %select_n3A_128, %select_n3A_125 : i32
      %add3A_130 = arith.addi %select_n3A_129, %mul3A_24 : i32
      "tpu.trace_start"() <{level = 10 : i32, message = "ep_finalize"}> : () -> ()
      %rem3A_131 = arith.constant 2 : i32
      %rem3A_132 = arith.remui %scan3A_94#3, %rem3A_131 : i32
      %mul3A_133 = arith.constant 128 : i32
      %mul3A_134 = arith.muli %mul3A_133, %add3A_103 : i32
      %dma_wait3A = arith.constant 0 : i32
      %dma_wait3A_135 = arith.constant 0 : i32
      %dma_wait3A_136 = tpu.memref_slice %run_scoped3A_35[%rem3A_132, %dma_wait3A, %dma_wait3A_135] : memref<2x128x128xf32, #tpu.memory_space<vmem>> -> memref<1x128x128xf32, #tpu.memory_space<vmem>>
      %dma_wait3A_137 = tpu.memref_squeeze %dma_wait3A_136 : memref<1x128x128xf32, #tpu.memory_space<vmem>> -> memref<128x128xf32, #tpu.memory_space<vmem>>
      %dma_wait3A_138 = arith.constant 0 : i32
      %dma_wait3A_139 = tpu.memref_slice %arg11[%mul3A_134, %dma_wait3A_138] : memref<32768x128xf32, #tpu.memory_space<hbm>> -> memref<128x128xf32, #tpu.memory_space<hbm>>
      %dma_wait3A_140 = tpu.memref_slice %run_scoped3A_36[%rem3A_132] : memref<2x!tpu.dma_semaphore, #tpu.memory_space<semaphore_mem>> -> memref<1x!tpu.dma_semaphore, #tpu.memory_space<semaphore_mem>>
      %dma_wait3A_141 = tpu.memref_squeeze %dma_wait3A_140 : memref<1x!tpu.dma_semaphore, #tpu.memory_space<semaphore_mem>> -> memref<!tpu.dma_semaphore, #tpu.memory_space<semaphore_mem>>
      %dma_wait3A_142 = arith.constant 0 : i32
      %dma_wait3A_143 = tpu.memref_slice %arg11[%mul3A_134, %dma_wait3A_142] : memref<32768x128xf32, #tpu.memory_space<hbm>> -> memref<128x128xf32, #tpu.memory_space<hbm>>
      %dma_wait3A_144 = arith.constant 0 : i32
      %dma_wait3A_145 = arith.constant 0 : i32
      %dma_wait3A_146 = tpu.memref_slice %run_scoped3A_35[%rem3A_132, %dma_wait3A_144, %dma_wait3A_145] : memref<2x128x128xf32, #tpu.memory_space<vmem>> -> memref<1x128x128xf32, #tpu.memory_space<vmem>>
      %dma_wait3A_147 = tpu.memref_squeeze %dma_wait3A_146 : memref<1x128x128xf32, #tpu.memory_space<vmem>> -> memref<128x128xf32, #tpu.memory_space<vmem>>
      tpu.wait_dma2 semaphore(%dma_wait3A_141 : memref<!tpu.dma_semaphore, #tpu.memory_space<semaphore_mem>>) src(%dma_wait3A_147 : memref<128x128xf32, #tpu.memory_space<vmem>>) dst(%dma_wait3A_143 : memref<128x128xf32, #tpu.memory_space<hbm>>)
      "tpu.trace_stop"() : () -> ()
      tpu.yield
    }) : () -> ()
    %mul3A_25 = arith.constant 1 : i32
    %mul3A_26 = arith.muli %arg1, %mul3A_25 : i32
    %add3A_27 = arith.constant 0 : i32
    %add3A_28 = arith.addi %add3A_27, %mul3A_26 : i32
    %mul3A_29 = arith.constant 16 : i32
    %mul3A_30 = arith.muli %arg0, %mul3A_29 : i32
    %add3A_31 = arith.addi %add3A_28, %mul3A_30 : i32
    %mul3A_32 = arith.constant 8 : i32
    %mul3A_33 = arith.muli %add3A_31, %mul3A_32 : i32
    "tpu.region"() ({
      %run_scoped3A = memref.alloca() : memref<2x1x128xi32, #tpu.memory_space<vmem>>
      %run_scoped3A_34 = tpu.sem_alloc : memref<2x!tpu.dma_semaphore, #tpu.memory_space<semaphore_mem>>
      %run_scoped3A_35 = memref.alloca() : memref<2x128x128xf32, #tpu.memory_space<vmem>>
      %run_scoped3A_36 = tpu.sem_alloc : memref<2x!tpu.dma_semaphore, #tpu.memory_space<semaphore_mem>>
      %add3A_37 = arith.constant 0 : i32
      %add3A_38 = arith.addi %add3A_37, %mul3A_33 : i32
      %select_n3A = arith.constant true
      %select_n3A_39 = arith.constant 0 : i32
      %select_n3A_40 = arith.constant -1 : i32
      %select_n3A_41 = arith.select %select_n3A, %select_n3A_40, %select_n3A_39 : i32
      %eq3A = arith.constant -1 : i32
      %eq3A_42 = arith.cmpi eq, %select_n3A_41, %eq3A : i32
      %select_n3A_43 = arith.constant 7 : i32
      %select_n3A_44 = arith.select %eq3A_42, %select_n3A_43, %select_n3A_41 : i32
      %add3A_45 = arith.addi %select_n3A_44, %mul3A_33 : i32
      %select_n3A_46 = arith.constant true
      %select_n3A_47 = arith.constant 0 : i32
      %select_n3A_48 = arith.constant 1 : i32
      %select_n3A_49 = arith.select %select_n3A_46, %select_n3A_48, %select_n3A_47 : i32
      %eq3A_50 = arith.constant 8 : i32
      %eq3A_51 = arith.cmpi eq, %select_n3A_49, %eq3A_50 : i32
      %select_n3A_52 = arith.constant 0 : i32
      %select_n3A_53 = arith.select %eq3A_51, %select_n3A_52, %select_n3A_49 : i32
      %add3A_54 = arith.addi %select_n3A_53, %mul3A_33 : i32
      %add3A_55 = arith.constant 1 : i32
      %add3A_56 = arith.addi %select_n3A_53, %add3A_55 : i32
      %select_n3A_57 = arith.constant true
      %select_n3A_58 = arith.select %select_n3A_57, %add3A_56, %select_n3A_53 : i32
      %eq3A_59 = arith.constant 8 : i32
      %eq3A_60 = arith.cmpi eq, %select_n3A_58, %eq3A_59 : i32
      %select_n3A_61 = arith.constant 0 : i32
      %select_n3A_62 = arith.select %eq3A_60, %select_n3A_61, %select_n3A_58 : i32
      %add3A_63 = arith.addi %select_n3A_62, %mul3A_33 : i32
      "tpu.trace_start"() <{level = 10 : i32, message = "ep_initialize_0"}> : () -> ()
      %rem3A = arith.constant 0 : i32
      %rem3A_64 = arith.constant 2 : i32
      %rem3A_65 = arith.remui %rem3A, %rem3A_64 : i32
      %mul3A_66 = arith.constant 128 : i32
      %mul3A_67 = arith.muli %mul3A_66, %add3A_38 : i32
      %dma_start3A = arith.constant 0 : i32
      %dma_start3A_68 = arith.constant 0 : i32
      %dma_start3A_69 = tpu.memref_slice %run_scoped3A[%rem3A_65, %dma_start3A, %dma_start3A_68] : memref<2x1x128xi32, #tpu.memory_space<vmem>> -> memref<1x1x128xi32, #tpu.memory_space<vmem>>
      %dma_start3A_70 = tpu.memref_squeeze %dma_start3A_69 : memref<1x1x128xi32, #tpu.memory_space<vmem>> -> memref<1x128xi32, #tpu.memory_space<vmem>>
      %dma_start3A_71 = arith.constant 0 : i32
      %dma_start3A_72 = tpu.memref_slice %arg5[%dma_start3A_71, %mul3A_67] : memref<1x32768xi32, #tpu.memory_space<hbm>> -> memref<1x128xi32, #tpu.memory_space<hbm>>
      %dma_start3A_73 = tpu.memref_slice %run_scoped3A_34[%rem3A_65] : memref<2x!tpu.dma_semaphore, #tpu.memory_space<semaphore_mem>> -> memref<1x!tpu.dma_semaphore, #tpu.memory_space<semaphore_mem>>
      %dma_start3A_74 = tpu.memref_squeeze %dma_start3A_73 : memref<1x!tpu.dma_semaphore, #tpu.memory_space<semaphore_mem>> -> memref<!tpu.dma_semaphore, #tpu.memory_space<semaphore_mem>>
      %dma_start3A_75 = arith.constant 0 : i32
      %dma_start3A_76 = arith.constant 0 : i32
      %dma_start3A_77 = tpu.memref_slice %run_scoped3A[%rem3A_65, %dma_start3A_75, %dma_start3A_76] : memref<2x1x128xi32, #tpu.memory_space<vmem>> -> memref<1x1x128xi32, #tpu.memory_space<vmem>>
      %dma_start3A_78 = tpu.memref_squeeze %dma_start3A_77 : memref<1x1x128xi32, #tpu.memory_space<vmem>> -> memref<1x128xi32, #tpu.memory_space<vmem>>
      %dma_start3A_79 = arith.constant 0 : i32
      %dma_start3A_80 = tpu.memref_slice %arg5[%dma_start3A_79, %mul3A_67] : memref<1x32768xi32, #tpu.memory_space<hbm>> -> memref<1x128xi32, #tpu.memory_space<hbm>>
      tpu.enqueue_dma source(%dma_start3A_80 : memref<1x128xi32, #tpu.memory_space<hbm>>) target(%dma_start3A_78 : memref<1x128xi32, #tpu.memory_space<vmem>>) target_semaphore(%dma_start3A_74 : memref<!tpu.dma_semaphore, #tpu.memory_space<semaphore_mem>>)
      %add3A_81 = arith.constant 0 : i32
      %add3A_82 = arith.constant 1 : i32
      %add3A_83 = arith.addi %add3A_81, %add3A_82 : i32
      %select_n3A_84 = arith.constant true
      %select_n3A_85 = arith.constant 0 : i32
      %select_n3A_86 = arith.select %select_n3A_84, %add3A_83, %select_n3A_85 : i32
      "tpu.trace_stop"() : () -> ()
      %scan3A = arith.constant 0 : i32
      %scan3A_87 = arith.constant 0 : i32
      %scan3A_88 = arith.constant 0 : i32
      %scan3A_89 = arith.constant 0 : i32
      %scan3A_90 = arith.constant 0 : i32
      %scan3A_91 = arith.constant 8 : i32
      %scan3A_92 = arith.addi %scan3A_90, %scan3A_91 : i32
      %scan3A_93 = arith.constant 1 : i32
      %scan3A_94:5 = scf.for %scan3A_148 = %scan3A_90 to %scan3A_92 step %scan3A_93 iter_args(%scan3A_149 = %select_n3A_86, %scan3A_150 = %scan3A, %scan3A_151 = %scan3A_87, %scan3A_152 = %scan3A_88, %scan3A_153 = %scan3A_89) -> (i32, i32, i32, i32, i32)  : i32 {
        %eq3A_154 = arith.constant 0 : i32
        %eq3A_155 = arith.cmpi eq, %scan3A_148, %eq3A_154 : i32
        %eq3A_156 = arith.constant 7 : i32
        %eq3A_157 = arith.cmpi eq, %scan3A_148, %eq3A_156 : i32
        %add3A_158 = arith.addi %scan3A_153, %mul3A_33 : i32
        %sub3A_159 = arith.constant 1 : i32
        %sub3A_160 = arith.subi %scan3A_153, %sub3A_159 : i32
        %select_n3A_161 = arith.constant true
        %select_n3A_162 = arith.select %select_n3A_161, %sub3A_160, %scan3A_153 : i32
        %eq3A_163 = arith.constant -1 : i32
        %eq3A_164 = arith.cmpi eq, %select_n3A_162, %eq3A_163 : i32
        %select_n3A_165 = arith.constant 7 : i32
        %select_n3A_166 = arith.select %eq3A_164, %select_n3A_165, %select_n3A_162 : i32
        %add3A_167 = arith.addi %select_n3A_166, %mul3A_33 : i32
        %add3A_168 = arith.constant 1 : i32
        %add3A_169 = arith.addi %scan3A_153, %add3A_168 : i32
        %select_n3A_170 = arith.constant true
        %select_n3A_171 = arith.select %select_n3A_170, %add3A_169, %scan3A_153 : i32
        %eq3A_172 = arith.constant 8 : i32
        %eq3A_173 = arith.cmpi eq, %select_n3A_171, %eq3A_172 : i32
        %select_n3A_174 = arith.constant 0 : i32
        %select_n3A_175 = arith.select %eq3A_173, %select_n3A_174, %select_n3A_171 : i32
        %add3A_176 = arith.addi %select_n3A_175, %mul3A_33 : i32
        %add3A_177 = arith.constant 1 : i32
        %add3A_178 = arith.addi %select_n3A_175, %add3A_177 : i32
        %select_n3A_179 = arith.constant true
        %select_n3A_180 = arith.select %select_n3A_179, %add3A_178, %select_n3A_175 : i32
        %eq3A_181 = arith.constant 8 : i32
        %eq3A_182 = arith.cmpi eq, %select_n3A_180, %eq3A_181 : i32
        %select_n3A_183 = arith.constant 0 : i32
        %select_n3A_184 = arith.select %eq3A_182, %select_n3A_183, %select_n3A_180 : i32
        %add3A_185 = arith.addi %select_n3A_184, %mul3A_33 : i32
        %ne3A = arith.cmpi ne, %add3A_158, %add3A_176 : i32
        %or3A = arith.constant false
        %or3A_186 = arith.ori %or3A, %ne3A : i1
        %ge3A = arith.constant 7 : i32
        %ge3A_187 = arith.cmpi sge, %scan3A_148, %ge3A : i32
        %not3A = arith.constant true
        %not3A_188 = arith.xori %ge3A_187, %not3A : i1
        %and3A = arith.andi %or3A_186, %not3A_188 : i1
        %convert_element_type3A = arith.extui %and3A : i1 to i32
        %cond3A = arith.constant 0 : i32
        %cond3A_189 = arith.cmpi ne, %convert_element_type3A, %cond3A : i32
        scf.if %cond3A_189 {
          "tpu.trace_start"() <{level = 10 : i32, message = "ep_copy_in"}> : () -> ()
          %rem3A_291 = arith.constant 2 : i32
          %rem3A_292 = arith.remui %scan3A_149, %rem3A_291 : i32
          %mul3A_293 = arith.constant 128 : i32
          %mul3A_294 = arith.muli %mul3A_293, %add3A_176 : i32
          %dma_start3A_295 = arith.constant 0 : i32
          %dma_start3A_296 = arith.constant 0 : i32
          %dma_start3A_297 = tpu.memref_slice %run_scoped3A[%rem3A_292, %dma_start3A_295, %dma_start3A_296] : memref<2x1x128xi32, #tpu.memory_space<vmem>> -> memref<1x1x128xi32, #tpu.memory_space<vmem>>
          %dma_start3A_298 = tpu.memref_squeeze %dma_start3A_297 : memref<1x1x128xi32, #tpu.memory_space<vmem>> -> memref<1x128xi32, #tpu.memory_space<vmem>>
          %dma_start3A_299 = arith.constant 0 : i32
          %dma_start3A_300 = tpu.memref_slice %arg5[%dma_start3A_299, %mul3A_294] : memref<1x32768xi32, #tpu.memory_space<hbm>> -> memref<1x128xi32, #tpu.memory_space<hbm>>
          %dma_start3A_301 = tpu.memref_slice %run_scoped3A_34[%rem3A_292] : memref<2x!tpu.dma_semaphore, #tpu.memory_space<semaphore_mem>> -> memref<1x!tpu.dma_semaphore, #tpu.memory_space<semaphore_mem>>
          %dma_start3A_302 = tpu.memref_squeeze %dma_start3A_301 : memref<1x!tpu.dma_semaphore, #tpu.memory_space<semaphore_mem>> -> memref<!tpu.dma_semaphore, #tpu.memory_space<semaphore_mem>>
          %dma_start3A_303 = arith.constant 0 : i32
          %dma_start3A_304 = arith.constant 0 : i32
          %dma_start3A_305 = tpu.memref_slice %run_scoped3A[%rem3A_292, %dma_start3A_303, %dma_start3A_304] : memref<2x1x128xi32, #tpu.memory_space<vmem>> -> memref<1x1x128xi32, #tpu.memory_space<vmem>>
          %dma_start3A_306 = tpu.memref_squeeze %dma_start3A_305 : memref<1x1x128xi32, #tpu.memory_space<vmem>> -> memref<1x128xi32, #tpu.memory_space<vmem>>
          %dma_start3A_307 = arith.constant 0 : i32
          %dma_start3A_308 = tpu.memref_slice %arg5[%dma_start3A_307, %mul3A_294] : memref<1x32768xi32, #tpu.memory_space<hbm>> -> memref<1x128xi32, #tpu.memory_space<hbm>>
          tpu.enqueue_dma source(%dma_start3A_308 : memref<1x128xi32, #tpu.memory_space<hbm>>) target(%dma_start3A_306 : memref<1x128xi32, #tpu.memory_space<vmem>>) target_semaphore(%dma_start3A_302 : memref<!tpu.dma_semaphore, #tpu.memory_space<semaphore_mem>>)
          "tpu.trace_stop"() : () -> ()
        } else {
        }
        %and3A_190 = arith.constant true
        %and3A_191 = arith.andi %and3A, %and3A_190 : i1
        %add3A_192 = arith.constant 1 : i32
        %add3A_193 = arith.addi %scan3A_149, %add3A_192 : i32
        %select_n3A_194 = arith.select %and3A_191, %add3A_193, %scan3A_149 : i32
        %ne3A_195 = arith.cmpi ne, %add3A_158, %add3A_176 : i32
        %or3A_196 = arith.constant false
        %or3A_197 = arith.ori %or3A_196, %ne3A_195 : i1
        %or3A_198 = arith.constant false
        %or3A_199 = arith.ori %or3A_197, %or3A_198 : i1
        %ge3A_200 = arith.constant 7 : i32
        %ge3A_201 = arith.cmpi sge, %scan3A_148, %ge3A_200 : i32
        %not3A_202 = arith.constant true
        %not3A_203 = arith.xori %ge3A_201, %not3A_202 : i1
        %and3A_204 = arith.andi %or3A_199, %not3A_203 : i1
        %ne3A_205 = arith.cmpi ne, %add3A_158, %add3A_167 : i32
        %or3A_206 = arith.constant false
        %or3A_207 = arith.ori %or3A_206, %ne3A_205 : i1
        %or3A_208 = arith.ori %or3A_207, %eq3A_155 : i1
        %convert_element_type3A_209 = arith.extui %or3A_208 : i1 to i32
        %cond3A_210 = arith.constant 0 : i32
        %cond3A_211 = arith.cmpi ne, %convert_element_type3A_209, %cond3A_210 : i32
        scf.if %cond3A_211 {
          "tpu.trace_start"() <{level = 10 : i32, message = "ep_wait_in"}> : () -> ()
          %mul3A_291 = arith.constant 128 : i32
          %mul3A_292 = arith.muli %mul3A_291, %add3A_158 : i32
          %rem3A_293 = arith.constant 2 : i32
          %rem3A_294 = arith.remui %scan3A_150, %rem3A_293 : i32
          %dma_wait3A_295 = arith.constant 0 : i32
          %dma_wait3A_296 = arith.constant 0 : i32
          %dma_wait3A_297 = tpu.memref_slice %run_scoped3A[%rem3A_294, %dma_wait3A_295, %dma_wait3A_296] : memref<2x1x128xi32, #tpu.memory_space<vmem>> -> memref<1x1x128xi32, #tpu.memory_space<vmem>>
          %dma_wait3A_298 = tpu.memref_squeeze %dma_wait3A_297 : memref<1x1x128xi32, #tpu.memory_space<vmem>> -> memref<1x128xi32, #tpu.memory_space<vmem>>
          %dma_wait3A_299 = arith.constant 0 : i32
          %dma_wait3A_300 = tpu.memref_slice %arg5[%dma_wait3A_299, %mul3A_292] : memref<1x32768xi32, #tpu.memory_space<hbm>> -> memref<1x128xi32, #tpu.memory_space<hbm>>
          %dma_wait3A_301 = tpu.memref_slice %run_scoped3A_34[%rem3A_294] : memref<2x!tpu.dma_semaphore, #tpu.memory_space<semaphore_mem>> -> memref<1x!tpu.dma_semaphore, #tpu.memory_space<semaphore_mem>>
          %dma_wait3A_302 = tpu.memref_squeeze %dma_wait3A_301 : memref<1x!tpu.dma_semaphore, #tpu.memory_space<semaphore_mem>> -> memref<!tpu.dma_semaphore, #tpu.memory_space<semaphore_mem>>
          %dma_wait3A_303 = arith.constant 0 : i32
          %dma_wait3A_304 = arith.constant 0 : i32
          %dma_wait3A_305 = tpu.memref_slice %run_scoped3A[%rem3A_294, %dma_wait3A_303, %dma_wait3A_304] : memref<2x1x128xi32, #tpu.memory_space<vmem>> -> memref<1x1x128xi32, #tpu.memory_space<vmem>>
          %dma_wait3A_306 = tpu.memref_squeeze %dma_wait3A_305 : memref<1x1x128xi32, #tpu.memory_space<vmem>> -> memref<1x128xi32, #tpu.memory_space<vmem>>
          %dma_wait3A_307 = arith.constant 0 : i32
          %dma_wait3A_308 = tpu.memref_slice %arg5[%dma_wait3A_307, %mul3A_292] : memref<1x32768xi32, #tpu.memory_space<hbm>> -> memref<1x128xi32, #tpu.memory_space<hbm>>
          tpu.wait_dma2 semaphore(%dma_wait3A_302 : memref<!tpu.dma_semaphore, #tpu.memory_space<semaphore_mem>>) src(%dma_wait3A_308 : memref<1x128xi32, #tpu.memory_space<hbm>>) dst(%dma_wait3A_306 : memref<1x128xi32, #tpu.memory_space<vmem>>)
          "tpu.trace_stop"() : () -> ()
        } else {
        }
        %ne3A_212 = arith.cmpi ne, %add3A_158, %add3A_167 : i32
        %or3A_213 = arith.constant false
        %or3A_214 = arith.ori %or3A_213, %ne3A_212 : i1
        %or3A_215 = arith.constant false
        %or3A_216 = arith.ori %or3A_214, %or3A_215 : i1
        %or3A_217 = arith.ori %or3A_216, %eq3A_155 : i1
        %convert_element_type3A_218 = arith.extui %or3A_217 : i1 to i32
        %cond3A_219 = arith.constant 0 : i32
        %cond3A_220 = arith.cmpi ne, %convert_element_type3A_218, %cond3A_219 : i32
        scf.if %cond3A_220 {
        } else {
        }
        %rem3A_221 = arith.constant 2 : i32
        %rem3A_222 = arith.remui %scan3A_150, %rem3A_221 : i32
        %rem3A_223 = arith.constant 2 : i32
        %rem3A_224 = arith.remui %scan3A_151, %rem3A_223 : i32
        %run_scoped3A_225 = arith.constant 0 : i32
        "tpu.trace_start"() <{level = 10 : i32, message = "ep_run_kernel"}> : () -> ()
        "tpu.region"() ({
          %run_scoped3A_291 = tpu.sem_alloc : memref<!tpu.dma_semaphore, #tpu.memory_space<semaphore_mem>>
          %dma_start3A_292 = arith.constant 0 : i32
          %dma_start3A_293 = arith.constant 0 : i32
          %dma_start3A_294 = tpu.memref_slice %run_scoped3A_35[%rem3A_224, %dma_start3A_292, %dma_start3A_293] : memref<2x128x128xf32, #tpu.memory_space<vmem>> -> memref<1x128x128xf32, #tpu.memory_space<vmem>>
          %dma_start3A_295 = tpu.memref_squeeze %dma_start3A_294 : memref<1x128x128xf32, #tpu.memory_space<vmem>> -> memref<128x128xf32, #tpu.memory_space<vmem>>
          %dma_start3A_296 = arith.constant 0 : i32
          %dma_start3A_297 = arith.constant 0 : i32
          %dma_start3A_298 = tpu.memref_slice %run_scoped3A[%rem3A_222, %dma_start3A_296, %dma_start3A_297] : memref<2x1x128xi32, #tpu.memory_space<vmem>> -> memref<1x1x128xi32, #tpu.memory_space<vmem>>
          %dma_start3A_299 = tpu.memref_squeeze %dma_start3A_298 : memref<1x1x128xi32, #tpu.memory_space<vmem>> -> memref<1x128xi32, #tpu.memory_space<vmem>>
          %dma_start3A_300 = arith.constant 0 : i32
          %dma_start3A_301 = tpu.memref_slice %dma_start3A_299[%run_scoped3A_225, %dma_start3A_300] : memref<1x128xi32, #tpu.memory_space<vmem>> -> memref<1x128xi32, #tpu.memory_space<vmem>>
          %dma_start3A_302 = tpu.memref_squeeze %dma_start3A_301 : memref<1x128xi32, #tpu.memory_space<vmem>> -> memref<128xi32, #tpu.memory_space<vmem>>
          %dma_start3A_303 = arith.constant 0 : i32
          %dma_start3A_304 = arith.constant 0 : i32
          %dma_start3A_305 = tpu.memref_slice %arg7[%dma_start3A_303, %dma_start3A_304] : memref<256x128xf32, #tpu.memory_space<hbm>> -> memref<256x128xf32, #tpu.memory_space<hbm>>
          tpu.enqueue_indirect_dma source(%dma_start3A_305 : memref<256x128xf32, #tpu.memory_space<hbm>>) target(%dma_start3A_295 : memref<128x128xf32, #tpu.memory_space<vmem>>) offsets(%dma_start3A_302 : memref<128xi32, #tpu.memory_space<vmem>>) semaphore(%run_scoped3A_291 : memref<!tpu.dma_semaphore, #tpu.memory_space<semaphore_mem>>)
          %dma_wait3A_306 = arith.constant 0 : i32
          %dma_wait3A_307 = arith.constant 0 : i32
          %dma_wait3A_308 = tpu.memref_slice %run_scoped3A_35[%rem3A_224, %dma_wait3A_306, %dma_wait3A_307] : memref<2x128x128xf32, #tpu.memory_space<vmem>> -> memref<1x128x128xf32, #tpu.memory_space<vmem>>
          %dma_wait3A_309 = tpu.memref_squeeze %dma_wait3A_308 : memref<1x128x128xf32, #tpu.memory_space<vmem>> -> memref<128x128xf32, #tpu.memory_space<vmem>>
          %dma_wait3A_310 = arith.constant 0 : i32
          %dma_wait3A_311 = arith.constant 0 : i32
          %dma_wait3A_312 = tpu.memref_slice %run_scoped3A[%rem3A_222, %dma_wait3A_310, %dma_wait3A_311] : memref<2x1x128xi32, #tpu.memory_space<vmem>> -> memref<1x1x128xi32, #tpu.memory_space<vmem>>
          %dma_wait3A_313 = tpu.memref_squeeze %dma_wait3A_312 : memref<1x1x128xi32, #tpu.memory_space<vmem>> -> memref<1x128xi32, #tpu.memory_space<vmem>>
          %dma_wait3A_314 = arith.constant 0 : i32
          %dma_wait3A_315 = tpu.memref_slice %dma_wait3A_313[%run_scoped3A_225, %dma_wait3A_314] : memref<1x128xi32, #tpu.memory_space<vmem>> -> memref<1x128xi32, #tpu.memory_space<vmem>>
          %dma_wait3A_316 = tpu.memref_squeeze %dma_wait3A_315 : memref<1x128xi32, #tpu.memory_space<vmem>> -> memref<128xi32, #tpu.memory_space<vmem>>
          %dma_wait3A_317 = arith.constant 0 : i32
          %dma_wait3A_318 = arith.constant 0 : i32
          %dma_wait3A_319 = tpu.memref_slice %arg7[%dma_wait3A_317, %dma_wait3A_318] : memref<256x128xf32, #tpu.memory_space<hbm>> -> memref<256x128xf32, #tpu.memory_space<hbm>>
          tpu.wait_indirect_dma semaphore(%run_scoped3A_291 : memref<!tpu.dma_semaphore, #tpu.memory_space<semaphore_mem>>) src(%dma_wait3A_319 : memref<256x128xf32, #tpu.memory_space<hbm>>) dst(%dma_wait3A_309 : memref<128x128xf32, #tpu.memory_space<vmem>>)
          tpu.yield
        }) : () -> ()
        "tpu.trace_stop"() : () -> ()
        %ne3A_226 = arith.cmpi ne, %add3A_158, %add3A_176 : i32
        %or3A_227 = arith.constant false
        %or3A_228 = arith.ori %or3A_227, %ne3A_226 : i1
        %or3A_229 = arith.ori %or3A_228, %eq3A_157 : i1
        %convert_element_type3A_230 = arith.extui %or3A_229 : i1 to i32
        %cond3A_231 = arith.constant 0 : i32
        %cond3A_232 = arith.cmpi ne, %convert_element_type3A_230, %cond3A_231 : i32
        scf.if %cond3A_232 {
        } else {
        }
        %and3A_233 = arith.constant false
        %and3A_234 = arith.andi %or3A_229, %and3A_233 : i1
        %ne3A_235 = arith.cmpi ne, %add3A_158, %add3A_176 : i32
        %or3A_236 = arith.constant false
        %or3A_237 = arith.ori %or3A_236, %ne3A_235 : i1
        %or3A_238 = arith.constant false
        %or3A_239 = arith.ori %or3A_237, %or3A_238 : i1
        %or3A_240 = arith.ori %or3A_239, %eq3A_157 : i1
        %convert_element_type3A_241 = arith.extui %or3A_240 : i1 to i32
        %cond3A_242 = arith.constant 0 : i32
        %cond3A_243 = arith.cmpi ne, %convert_element_type3A_241, %cond3A_242 : i32
        scf.if %cond3A_243 {
          "tpu.trace_start"() <{level = 10 : i32, message = "ep_copy_out"}> : () -> ()
          %rem3A_291 = arith.constant 2 : i32
          %rem3A_292 = arith.remui %scan3A_151, %rem3A_291 : i32
          %mul3A_293 = arith.constant 128 : i32
          %mul3A_294 = arith.muli %mul3A_293, %add3A_158 : i32
          %dma_start3A_295 = arith.constant 0 : i32
          %dma_start3A_296 = arith.constant 0 : i32
          %dma_start3A_297 = tpu.memref_slice %run_scoped3A_35[%rem3A_292, %dma_start3A_295, %dma_start3A_296] : memref<2x128x128xf32, #tpu.memory_space<vmem>> -> memref<1x128x128xf32, #tpu.memory_space<vmem>>
          %dma_start3A_298 = tpu.memref_squeeze %dma_start3A_297 : memref<1x128x128xf32, #tpu.memory_space<vmem>> -> memref<128x128xf32, #tpu.memory_space<vmem>>
          %dma_start3A_299 = arith.constant 0 : i32
          %dma_start3A_300 = tpu.memref_slice %arg12[%mul3A_294, %dma_start3A_299] : memref<32768x128xf32, #tpu.memory_space<hbm>> -> memref<128x128xf32, #tpu.memory_space<hbm>>
          %dma_start3A_301 = tpu.memref_slice %run_scoped3A_36[%rem3A_292] : memref<2x!tpu.dma_semaphore, #tpu.memory_space<semaphore_mem>> -> memref<1x!tpu.dma_semaphore, #tpu.memory_space<semaphore_mem>>
          %dma_start3A_302 = tpu.memref_squeeze %dma_start3A_301 : memref<1x!tpu.dma_semaphore, #tpu.memory_space<semaphore_mem>> -> memref<!tpu.dma_semaphore, #tpu.memory_space<semaphore_mem>>
          %dma_start3A_303 = arith.constant 0 : i32
          %dma_start3A_304 = tpu.memref_slice %arg12[%mul3A_294, %dma_start3A_303] : memref<32768x128xf32, #tpu.memory_space<hbm>> -> memref<128x128xf32, #tpu.memory_space<hbm>>
          %dma_start3A_305 = arith.constant 0 : i32
          %dma_start3A_306 = arith.constant 0 : i32
          %dma_start3A_307 = tpu.memref_slice %run_scoped3A_35[%rem3A_292, %dma_start3A_305, %dma_start3A_306] : memref<2x128x128xf32, #tpu.memory_space<vmem>> -> memref<1x128x128xf32, #tpu.memory_space<vmem>>
          %dma_start3A_308 = tpu.memref_squeeze %dma_start3A_307 : memref<1x128x128xf32, #tpu.memory_space<vmem>> -> memref<128x128xf32, #tpu.memory_space<vmem>>
          tpu.enqueue_dma source(%dma_start3A_308 : memref<128x128xf32, #tpu.memory_space<vmem>>) target(%dma_start3A_304 : memref<128x128xf32, #tpu.memory_space<hbm>>) target_semaphore(%dma_start3A_302 : memref<!tpu.dma_semaphore, #tpu.memory_space<semaphore_mem>>)
          "tpu.trace_stop"() : () -> ()
        } else {
        }
        %and3A_244 = arith.constant true
        %and3A_245 = arith.andi %or3A_240, %and3A_244 : i1
        %add3A_246 = arith.constant 1 : i32
        %add3A_247 = arith.addi %scan3A_151, %add3A_246 : i32
        %select_n3A_248 = arith.select %and3A_245, %add3A_247, %scan3A_151 : i32
        %ne3A_249 = arith.cmpi ne, %add3A_158, %add3A_167 : i32
        %or3A_250 = arith.constant false
        %or3A_251 = arith.ori %or3A_250, %ne3A_249 : i1
        %not3A_252 = arith.constant true
        %not3A_253 = arith.xori %eq3A_155, %not3A_252 : i1
        %and3A_254 = arith.andi %or3A_251, %not3A_253 : i1
        %convert_element_type3A_255 = arith.extui %and3A_254 : i1 to i32
        %cond3A_256 = arith.constant 0 : i32
        %cond3A_257 = arith.cmpi ne, %convert_element_type3A_255, %cond3A_256 : i32
        scf.if %cond3A_257 {
        } else {
        }
        %and3A_258 = arith.constant false
        %and3A_259 = arith.andi %and3A_254, %and3A_258 : i1
        %ne3A_260 = arith.cmpi ne, %add3A_158, %add3A_167 : i32
        %or3A_261 = arith.constant false
        %or3A_262 = arith.ori %or3A_261, %ne3A_260 : i1
        %or3A_263 = arith.constant false
        %or3A_264 = arith.ori %or3A_262, %or3A_263 : i1
        %not3A_265 = arith.constant true
        %not3A_266 = arith.xori %eq3A_155, %not3A_265 : i1
        %and3A_267 = arith.andi %or3A_264, %not3A_266 : i1
        %convert_element_type3A_268 = arith.extui %and3A_267 : i1 to i32
        %cond3A_269 = arith.constant 0 : i32
        %cond3A_270 = arith.cmpi ne, %convert_element_type3A_268, %cond3A_269 : i32
        scf.if %cond3A_270 {
          "tpu.trace_start"() <{level = 10 : i32, message = "ep_wait_out"}> : () -> ()
          %rem3A_291 = arith.constant 2 : i32
          %rem3A_292 = arith.remui %scan3A_152, %rem3A_291 : i32
          %mul3A_293 = arith.constant 128 : i32
          %mul3A_294 = arith.muli %mul3A_293, %add3A_167 : i32
          %dma_wait3A_295 = arith.constant 0 : i32
          %dma_wait3A_296 = arith.constant 0 : i32
          %dma_wait3A_297 = tpu.memref_slice %run_scoped3A_35[%rem3A_292, %dma_wait3A_295, %dma_wait3A_296] : memref<2x128x128xf32, #tpu.memory_space<vmem>> -> memref<1x128x128xf32, #tpu.memory_space<vmem>>
          %dma_wait3A_298 = tpu.memref_squeeze %dma_wait3A_297 : memref<1x128x128xf32, #tpu.memory_space<vmem>> -> memref<128x128xf32, #tpu.memory_space<vmem>>
          %dma_wait3A_299 = arith.constant 0 : i32
          %dma_wait3A_300 = tpu.memref_slice %arg12[%mul3A_294, %dma_wait3A_299] : memref<32768x128xf32, #tpu.memory_space<hbm>> -> memref<128x128xf32, #tpu.memory_space<hbm>>
          %dma_wait3A_301 = tpu.memref_slice %run_scoped3A_36[%rem3A_292] : memref<2x!tpu.dma_semaphore, #tpu.memory_space<semaphore_mem>> -> memref<1x!tpu.dma_semaphore, #tpu.memory_space<semaphore_mem>>
          %dma_wait3A_302 = tpu.memref_squeeze %dma_wait3A_301 : memref<1x!tpu.dma_semaphore, #tpu.memory_space<semaphore_mem>> -> memref<!tpu.dma_semaphore, #tpu.memory_space<semaphore_mem>>
          %dma_wait3A_303 = arith.constant 0 : i32
          %dma_wait3A_304 = tpu.memref_slice %arg12[%mul3A_294, %dma_wait3A_303] : memref<32768x128xf32, #tpu.memory_space<hbm>> -> memref<128x128xf32, #tpu.memory_space<hbm>>
          %dma_wait3A_305 = arith.constant 0 : i32
          %dma_wait3A_306 = arith.constant 0 : i32
          %dma_wait3A_307 = tpu.memref_slice %run_scoped3A_35[%rem3A_292, %dma_wait3A_305, %dma_wait3A_306] : memref<2x128x128xf32, #tpu.memory_space<vmem>> -> memref<1x128x128xf32, #tpu.memory_space<vmem>>
          %dma_wait3A_308 = tpu.memref_squeeze %dma_wait3A_307 : memref<1x128x128xf32, #tpu.memory_space<vmem>> -> memref<128x128xf32, #tpu.memory_space<vmem>>
          tpu.wait_dma2 semaphore(%dma_wait3A_302 : memref<!tpu.dma_semaphore, #tpu.memory_space<semaphore_mem>>) src(%dma_wait3A_308 : memref<128x128xf32, #tpu.memory_space<vmem>>) dst(%dma_wait3A_304 : memref<128x128xf32, #tpu.memory_space<hbm>>)
          "tpu.trace_stop"() : () -> ()
        } else {
        }
        %and3A_271 = arith.constant true
        %and3A_272 = arith.andi %and3A_267, %and3A_271 : i1
        %add3A_273 = arith.constant 1 : i32
        %add3A_274 = arith.addi %scan3A_152, %add3A_273 : i32
        %select_n3A_275 = arith.select %and3A_272, %add3A_274, %scan3A_152 : i32
        %ne3A_276 = arith.cmpi ne, %add3A_158, %add3A_176 : i32
        %or3A_277 = arith.constant false
        %or3A_278 = arith.ori %or3A_277, %ne3A_276 : i1
        %or3A_279 = arith.ori %or3A_278, %eq3A_157 : i1
        %add3A_280 = arith.constant 1 : i32
        %add3A_281 = arith.addi %scan3A_150, %add3A_280 : i32
        %select_n3A_282 = arith.select %or3A_279, %add3A_281, %scan3A_150 : i32
        %add3A_283 = arith.constant 1 : i32
        %add3A_284 = arith.addi %scan3A_153, %add3A_283 : i32
        %select_n3A_285 = arith.constant true
        %select_n3A_286 = arith.select %select_n3A_285, %add3A_284, %scan3A_153 : i32
        %eq3A_287 = arith.constant 8 : i32
        %eq3A_288 = arith.cmpi eq, %select_n3A_286, %eq3A_287 : i32
        %select_n3A_289 = arith.constant 0 : i32
        %select_n3A_290 = arith.select %eq3A_288, %select_n3A_289, %select_n3A_286 : i32
        scf.yield %select_n3A_194, %select_n3A_282, %select_n3A_248, %select_n3A_275, %select_n3A_290 : i32, i32, i32, i32, i32
      }
      %scan3A_95 = arith.constant 8 : i32
      %sub3A = arith.constant 1 : i32
      %sub3A_96 = arith.subi %scan3A_94#4, %sub3A : i32
      %select_n3A_97 = arith.constant true
      %select_n3A_98 = arith.select %select_n3A_97, %sub3A_96, %scan3A_94#4 : i32
      %eq3A_99 = arith.constant -1 : i32
      %eq3A_100 = arith.cmpi eq, %select_n3A_98, %eq3A_99 : i32
      %select_n3A_101 = arith.constant 7 : i32
      %select_n3A_102 = arith.select %eq3A_100, %select_n3A_101, %select_n3A_98 : i32
      %add3A_103 = arith.addi %select_n3A_102, %mul3A_33 : i32
      %sub3A_104 = arith.constant 1 : i32
      %sub3A_105 = arith.subi %select_n3A_102, %sub3A_104 : i32
      %select_n3A_106 = arith.constant true
      %select_n3A_107 = arith.select %select_n3A_106, %sub3A_105, %select_n3A_102 : i32
      %eq3A_108 = arith.constant -1 : i32
      %eq3A_109 = arith.cmpi eq, %select_n3A_107, %eq3A_108 : i32
      %select_n3A_110 = arith.constant 7 : i32
      %select_n3A_111 = arith.select %eq3A_109, %select_n3A_110, %select_n3A_107 : i32
      %add3A_112 = arith.addi %select_n3A_111, %mul3A_33 : i32
      %add3A_113 = arith.constant 1 : i32
      %add3A_114 = arith.addi %select_n3A_102, %add3A_113 : i32
      %select_n3A_115 = arith.constant true
      %select_n3A_116 = arith.select %select_n3A_115, %add3A_114, %select_n3A_102 : i32
      %eq3A_117 = arith.constant 8 : i32
      %eq3A_118 = arith.cmpi eq, %select_n3A_116, %eq3A_117 : i32
      %select_n3A_119 = arith.constant 0 : i32
      %select_n3A_120 = arith.select %eq3A_118, %select_n3A_119, %select_n3A_116 : i32
      %add3A_121 = arith.addi %select_n3A_120, %mul3A_33 : i32
      %add3A_122 = arith.constant 1 : i32
      %add3A_123 = arith.addi %select_n3A_120, %add3A_122 : i32
      %select_n3A_124 = arith.constant true
      %select_n3A_125 = arith.select %select_n3A_124, %add3A_123, %select_n3A_120 : i32
      %eq3A_126 = arith.constant 8 : i32
      %eq3A_127 = arith.cmpi eq, %select_n3A_125, %eq3A_126 : i32
      %select_n3A_128 = arith.constant 0 : i32
      %select_n3A_129 = arith.select %eq3A_127, %select_n3A_128, %select_n3A_125 : i32
      %add3A_130 = arith.addi %select_n3A_129, %mul3A_33 : i32
      "tpu.trace_start"() <{level = 10 : i32, message = "ep_finalize"}> : () -> ()
      %rem3A_131 = arith.constant 2 : i32
      %rem3A_132 = arith.remui %scan3A_94#3, %rem3A_131 : i32
      %mul3A_133 = arith.constant 128 : i32
      %mul3A_134 = arith.muli %mul3A_133, %add3A_103 : i32
      %dma_wait3A = arith.constant 0 : i32
      %dma_wait3A_135 = arith.constant 0 : i32
      %dma_wait3A_136 = tpu.memref_slice %run_scoped3A_35[%rem3A_132, %dma_wait3A, %dma_wait3A_135] : memref<2x128x128xf32, #tpu.memory_space<vmem>> -> memref<1x128x128xf32, #tpu.memory_space<vmem>>
      %dma_wait3A_137 = tpu.memref_squeeze %dma_wait3A_136 : memref<1x128x128xf32, #tpu.memory_space<vmem>> -> memref<128x128xf32, #tpu.memory_space<vmem>>
      %dma_wait3A_138 = arith.constant 0 : i32
      %dma_wait3A_139 = tpu.memref_slice %arg12[%mul3A_134, %dma_wait3A_138] : memref<32768x128xf32, #tpu.memory_space<hbm>> -> memref<128x128xf32, #tpu.memory_space<hbm>>
      %dma_wait3A_140 = tpu.memref_slice %run_scoped3A_36[%rem3A_132] : memref<2x!tpu.dma_semaphore, #tpu.memory_space<semaphore_mem>> -> memref<1x!tpu.dma_semaphore, #tpu.memory_space<semaphore_mem>>
      %dma_wait3A_141 = tpu.memref_squeeze %dma_wait3A_140 : memref<1x!tpu.dma_semaphore, #tpu.memory_space<semaphore_mem>> -> memref<!tpu.dma_semaphore, #tpu.memory_space<semaphore_mem>>
      %dma_wait3A_142 = arith.constant 0 : i32
      %dma_wait3A_143 = tpu.memref_slice %arg12[%mul3A_134, %dma_wait3A_142] : memref<32768x128xf32, #tpu.memory_space<hbm>> -> memref<128x128xf32, #tpu.memory_space<hbm>>
      %dma_wait3A_144 = arith.constant 0 : i32
      %dma_wait3A_145 = arith.constant 0 : i32
      %dma_wait3A_146 = tpu.memref_slice %run_scoped3A_35[%rem3A_132, %dma_wait3A_144, %dma_wait3A_145] : memref<2x128x128xf32, #tpu.memory_space<vmem>> -> memref<1x128x128xf32, #tpu.memory_space<vmem>>
      %dma_wait3A_147 = tpu.memref_squeeze %dma_wait3A_146 : memref<1x128x128xf32, #tpu.memory_space<vmem>> -> memref<128x128xf32, #tpu.memory_space<vmem>>
      tpu.wait_dma2 semaphore(%dma_wait3A_141 : memref<!tpu.dma_semaphore, #tpu.memory_space<semaphore_mem>>) src(%dma_wait3A_147 : memref<128x128xf32, #tpu.memory_space<vmem>>) dst(%dma_wait3A_143 : memref<128x128xf32, #tpu.memory_space<hbm>>)
      "tpu.trace_stop"() : () -> ()
      tpu.yield
    }) : () -> ()
    return
  }
}

module attributes {stable_mosaic.version = 14 : i64} {
  func.func @_compact_body(%arg0: i32, %arg1: memref<128x8192xf32, #tpu.memory_space<vmem>>, %arg2: memref<128x8192xf32, #tpu.memory_space<vmem>>, %arg3: memref<128x64xf32, #tpu.memory_space<vmem>>, %arg4: memref<128x64xf32, #tpu.memory_space<vmem>>, %arg5: memref<128x8192xbf16, #tpu.memory_space<vmem>>) attributes {dimension_semantics = [#tpu.dimension_semantics<arbitrary>], iteration_bounds = array<i64: 4>, scalar_prefetch = 0 : i64, scratch_operands = 0 : i64, tpu.core_type = #tpu.core_type<tc>, window_params = [{transform_indices = @transform_0, window_bounds = array<i64: 128, 8192>}, {transform_indices = @transform_1, window_bounds = array<i64: 128, 8192>}, {transform_indices = @transform_2, window_bounds = array<i64: 128, 64>}, {transform_indices = @transform_3, window_bounds = array<i64: 128, 64>}, {transform_indices = @transform_4, window_bounds = array<i64: 128, 8192>}]} {
    %get3A = arith.constant 0 : index
    %get3A_0 = arith.constant 0 : index
    %get3A_1 = vector.load %arg1[%get3A, %get3A_0] : memref<128x8192xf32, #tpu.memory_space<vmem>>, vector<128x64xf32>
    %get3A_2 = arith.constant 0 : index
    %get3A_3 = arith.constant 64 : index
    %get3A_4 = vector.load %arg1[%get3A_2, %get3A_3] : memref<128x8192xf32, #tpu.memory_space<vmem>>, vector<128x64xf32>
    %get3A_5 = arith.constant 0 : index
    %get3A_6 = arith.constant 0 : index
    %get3A_7 = vector.load %arg3[%get3A_5, %get3A_6] : memref<128x64xf32, #tpu.memory_space<vmem>>, vector<128x1xf32>
    %gt3A = arith.constant 5.000000e-01 : f32
    %gt3A_8 = vector.broadcast %gt3A : f32 to vector<128x1xf32>
    %gt3A_9 = arith.cmpf ogt, %get3A_7, %gt3A_8 : vector<128x1xf32>
    %broadcast_in_dim3A = vector.shape_cast %gt3A_9 : vector<128x1xi1> to vector<128x1xi1>
    %broadcast_in_dim3A_10 = vector.broadcast %broadcast_in_dim3A : vector<128x1xi1> to vector<128x64xi1>
    %select_n3A = arith.select %broadcast_in_dim3A_10, %get3A_4, %get3A_1 : vector<128x64xi1>, vector<128x64xf32>
    %convert_element_type3A = arith.truncf %select_n3A : vector<128x64xf32> to vector<128x64xbf16>
    %swap3A = arith.constant 0 : index
    %swap3A_11 = arith.constant 0 : index
    %swap3A_12 = vector.load %arg5[%swap3A, %swap3A_11] : memref<128x8192xbf16, #tpu.memory_space<vmem>>, vector<128x64xbf16>
    tpu.vector_store %arg5[%swap3A, %swap3A_11], %convert_element_type3A {strides = array<i32>} : memref<128x8192xbf16, #tpu.memory_space<vmem>>, vector<128x64xbf16>,
    %get3A_13 = arith.constant 0 : index
    %get3A_14 = arith.constant 128 : index
    %get3A_15 = vector.load %arg1[%get3A_13, %get3A_14] : memref<128x8192xf32, #tpu.memory_space<vmem>>, vector<128x64xf32>
    %get3A_16 = arith.constant 0 : index
    %get3A_17 = arith.constant 192 : index
    %get3A_18 = vector.load %arg1[%get3A_16, %get3A_17] : memref<128x8192xf32, #tpu.memory_space<vmem>>, vector<128x64xf32>
    %get3A_19 = arith.constant 0 : index
    %get3A_20 = arith.constant 1 : index
    %get3A_21 = vector.load %arg3[%get3A_19, %get3A_20] : memref<128x64xf32, #tpu.memory_space<vmem>>, vector<128x1xf32>
    %gt3A_22 = arith.constant 5.000000e-01 : f32
    %gt3A_23 = vector.broadcast %gt3A_22 : f32 to vector<128x1xf32>
    %gt3A_24 = arith.cmpf ogt, %get3A_21, %gt3A_23 : vector<128x1xf32>
    %broadcast_in_dim3A_25 = vector.shape_cast %gt3A_24 : vector<128x1xi1> to vector<128x1xi1>
    %broadcast_in_dim3A_26 = vector.broadcast %broadcast_in_dim3A_25 : vector<128x1xi1> to vector<128x64xi1>
    %select_n3A_27 = arith.select %broadcast_in_dim3A_26, %get3A_18, %get3A_15 : vector<128x64xi1>, vector<128x64xf32>
    %convert_element_type3A_28 = arith.truncf %select_n3A_27 : vector<128x64xf32> to vector<128x64xbf16>
    %swap3A_29 = arith.constant 0 : index
    %swap3A_30 = arith.constant 64 : index
    %swap3A_31 = vector.load %arg5[%swap3A_29, %swap3A_30] : memref<128x8192xbf16, #tpu.memory_space<vmem>>, vector<128x64xbf16>
    tpu.vector_store %arg5[%swap3A_29, %swap3A_30], %convert_element_type3A_28 {strides = array<i32>} : memref<128x8192xbf16, #tpu.memory_space<vmem>>, vector<128x64xbf16>,
    %get3A_32 = arith.constant 0 : index
    %get3A_33 = arith.constant 256 : index
    %get3A_34 = vector.load %arg1[%get3A_32, %get3A_33] : memref<128x8192xf32, #tpu.memory_space<vmem>>, vector<128x64xf32>
    %get3A_35 = arith.constant 0 : index
    %get3A_36 = arith.constant 320 : index
    %get3A_37 = vector.load %arg1[%get3A_35, %get3A_36] : memref<128x8192xf32, #tpu.memory_space<vmem>>, vector<128x64xf32>
    %get3A_38 = arith.constant 0 : index
    %get3A_39 = arith.constant 2 : index
    %get3A_40 = vector.load %arg3[%get3A_38, %get3A_39] : memref<128x64xf32, #tpu.memory_space<vmem>>, vector<128x1xf32>
    %gt3A_41 = arith.constant 5.000000e-01 : f32
    %gt3A_42 = vector.broadcast %gt3A_41 : f32 to vector<128x1xf32>
    %gt3A_43 = arith.cmpf ogt, %get3A_40, %gt3A_42 : vector<128x1xf32>
    %broadcast_in_dim3A_44 = vector.shape_cast %gt3A_43 : vector<128x1xi1> to vector<128x1xi1>
    %broadcast_in_dim3A_45 = vector.broadcast %broadcast_in_dim3A_44 : vector<128x1xi1> to vector<128x64xi1>
    %select_n3A_46 = arith.select %broadcast_in_dim3A_45, %get3A_37, %get3A_34 : vector<128x64xi1>, vector<128x64xf32>
    %convert_element_type3A_47 = arith.truncf %select_n3A_46 : vector<128x64xf32> to vector<128x64xbf16>
    %swap3A_48 = arith.constant 0 : index
    %swap3A_49 = arith.constant 128 : index
    %swap3A_50 = vector.load %arg5[%swap3A_48, %swap3A_49] : memref<128x8192xbf16, #tpu.memory_space<vmem>>, vector<128x64xbf16>
    tpu.vector_store %arg5[%swap3A_48, %swap3A_49], %convert_element_type3A_47 {strides = array<i32>} : memref<128x8192xbf16, #tpu.memory_space<vmem>>, vector<128x64xbf16>,
    %get3A_51 = arith.constant 0 : index
    %get3A_52 = arith.constant 384 : index
    %get3A_53 = vector.load %arg1[%get3A_51, %get3A_52] : memref<128x8192xf32, #tpu.memory_space<vmem>>, vector<128x64xf32>
    %get3A_54 = arith.constant 0 : index
    %get3A_55 = arith.constant 448 : index
    %get3A_56 = vector.load %arg1[%get3A_54, %get3A_55] : memref<128x8192xf32, #tpu.memory_space<vmem>>, vector<128x64xf32>
    %get3A_57 = arith.constant 0 : index
    %get3A_58 = arith.constant 3 : index
    %get3A_59 = vector.load %arg3[%get3A_57, %get3A_58] : memref<128x64xf32, #tpu.memory_space<vmem>>, vector<128x1xf32>
    %gt3A_60 = arith.constant 5.000000e-01 : f32
    %gt3A_61 = vector.broadcast %gt3A_60 : f32 to vector<128x1xf32>
    %gt3A_62 = arith.cmpf ogt, %get3A_59, %gt3A_61 : vector<128x1xf32>
    %broadcast_in_dim3A_63 = vector.shape_cast %gt3A_62 : vector<128x1xi1> to vector<128x1xi1>
    %broadcast_in_dim3A_64 = vector.broadcast %broadcast_in_dim3A_63 : vector<128x1xi1> to vector<128x64xi1>
    %select_n3A_65 = arith.select %broadcast_in_dim3A_64, %get3A_56, %get3A_53 : vector<128x64xi1>, vector<128x64xf32>
    %convert_element_type3A_66 = arith.truncf %select_n3A_65 : vector<128x64xf32> to vector<128x64xbf16>
    %swap3A_67 = arith.constant 0 : index
    %swap3A_68 = arith.constant 192 : index
    %swap3A_69 = vector.load %arg5[%swap3A_67, %swap3A_68] : memref<128x8192xbf16, #tpu.memory_space<vmem>>, vector<128x64xbf16>
    tpu.vector_store %arg5[%swap3A_67, %swap3A_68], %convert_element_type3A_66 {strides = array<i32>} : memref<128x8192xbf16, #tpu.memory_space<vmem>>, vector<128x64xbf16>,
    %get3A_70 = arith.constant 0 : index
    %get3A_71 = arith.constant 512 : index
    %get3A_72 = vector.load %arg1[%get3A_70, %get3A_71] : memref<128x8192xf32, #tpu.memory_space<vmem>>, vector<128x64xf32>
    %get3A_73 = arith.constant 0 : index
    %get3A_74 = arith.constant 576 : index
    %get3A_75 = vector.load %arg1[%get3A_73, %get3A_74] : memref<128x8192xf32, #tpu.memory_space<vmem>>, vector<128x64xf32>
    %get3A_76 = arith.constant 0 : index
    %get3A_77 = arith.constant 4 : index
    %get3A_78 = vector.load %arg3[%get3A_76, %get3A_77] : memref<128x64xf32, #tpu.memory_space<vmem>>, vector<128x1xf32>
    %gt3A_79 = arith.constant 5.000000e-01 : f32
    %gt3A_80 = vector.broadcast %gt3A_79 : f32 to vector<128x1xf32>
    %gt3A_81 = arith.cmpf ogt, %get3A_78, %gt3A_80 : vector<128x1xf32>
    %broadcast_in_dim3A_82 = vector.shape_cast %gt3A_81 : vector<128x1xi1> to vector<128x1xi1>
    %broadcast_in_dim3A_83 = vector.broadcast %broadcast_in_dim3A_82 : vector<128x1xi1> to vector<128x64xi1>
    %select_n3A_84 = arith.select %broadcast_in_dim3A_83, %get3A_75, %get3A_72 : vector<128x64xi1>, vector<128x64xf32>
    %convert_element_type3A_85 = arith.truncf %select_n3A_84 : vector<128x64xf32> to vector<128x64xbf16>
    %swap3A_86 = arith.constant 0 : index
    %swap3A_87 = arith.constant 256 : index
    %swap3A_88 = vector.load %arg5[%swap3A_86, %swap3A_87] : memref<128x8192xbf16, #tpu.memory_space<vmem>>, vector<128x64xbf16>
    tpu.vector_store %arg5[%swap3A_86, %swap3A_87], %convert_element_type3A_85 {strides = array<i32>} : memref<128x8192xbf16, #tpu.memory_space<vmem>>, vector<128x64xbf16>,
    %get3A_89 = arith.constant 0 : index
    %get3A_90 = arith.constant 640 : index
    %get3A_91 = vector.load %arg1[%get3A_89, %get3A_90] : memref<128x8192xf32, #tpu.memory_space<vmem>>, vector<128x64xf32>
    %get3A_92 = arith.constant 0 : index
    %get3A_93 = arith.constant 704 : index
    %get3A_94 = vector.load %arg1[%get3A_92, %get3A_93] : memref<128x8192xf32, #tpu.memory_space<vmem>>, vector<128x64xf32>
    %get3A_95 = arith.constant 0 : index
    %get3A_96 = arith.constant 5 : index
    %get3A_97 = vector.load %arg3[%get3A_95, %get3A_96] : memref<128x64xf32, #tpu.memory_space<vmem>>, vector<128x1xf32>
    %gt3A_98 = arith.constant 5.000000e-01 : f32
    %gt3A_99 = vector.broadcast %gt3A_98 : f32 to vector<128x1xf32>
    %gt3A_100 = arith.cmpf ogt, %get3A_97, %gt3A_99 : vector<128x1xf32>
    %broadcast_in_dim3A_101 = vector.shape_cast %gt3A_100 : vector<128x1xi1> to vector<128x1xi1>
    %broadcast_in_dim3A_102 = vector.broadcast %broadcast_in_dim3A_101 : vector<128x1xi1> to vector<128x64xi1>
    %select_n3A_103 = arith.select %broadcast_in_dim3A_102, %get3A_94, %get3A_91 : vector<128x64xi1>, vector<128x64xf32>
    %convert_element_type3A_104 = arith.truncf %select_n3A_103 : vector<128x64xf32> to vector<128x64xbf16>
    %swap3A_105 = arith.constant 0 : index
    %swap3A_106 = arith.constant 320 : index
    %swap3A_107 = vector.load %arg5[%swap3A_105, %swap3A_106] : memref<128x8192xbf16, #tpu.memory_space<vmem>>, vector<128x64xbf16>
    tpu.vector_store %arg5[%swap3A_105, %swap3A_106], %convert_element_type3A_104 {strides = array<i32>} : memref<128x8192xbf16, #tpu.memory_space<vmem>>, vector<128x64xbf16>,
    %get3A_108 = arith.constant 0 : index
    %get3A_109 = arith.constant 768 : index
    %get3A_110 = vector.load %arg1[%get3A_108, %get3A_109] : memref<128x8192xf32, #tpu.memory_space<vmem>>, vector<128x64xf32>
    %get3A_111 = arith.constant 0 : index
    %get3A_112 = arith.constant 832 : index
    %get3A_113 = vector.load %arg1[%get3A_111, %get3A_112] : memref<128x8192xf32, #tpu.memory_space<vmem>>, vector<128x64xf32>
    %get3A_114 = arith.constant 0 : index
    %get3A_115 = arith.constant 6 : index
    %get3A_116 = vector.load %arg3[%get3A_114, %get3A_115] : memref<128x64xf32, #tpu.memory_space<vmem>>, vector<128x1xf32>
    %gt3A_117 = arith.constant 5.000000e-01 : f32
    %gt3A_118 = vector.broadcast %gt3A_117 : f32 to vector<128x1xf32>
    %gt3A_119 = arith.cmpf ogt, %get3A_116, %gt3A_118 : vector<128x1xf32>
    %broadcast_in_dim3A_120 = vector.shape_cast %gt3A_119 : vector<128x1xi1> to vector<128x1xi1>
    %broadcast_in_dim3A_121 = vector.broadcast %broadcast_in_dim3A_120 : vector<128x1xi1> to vector<128x64xi1>
    %select_n3A_122 = arith.select %broadcast_in_dim3A_121, %get3A_113, %get3A_110 : vector<128x64xi1>, vector<128x64xf32>
    %convert_element_type3A_123 = arith.truncf %select_n3A_122 : vector<128x64xf32> to vector<128x64xbf16>
    %swap3A_124 = arith.constant 0 : index
    %swap3A_125 = arith.constant 384 : index
    %swap3A_126 = vector.load %arg5[%swap3A_124, %swap3A_125] : memref<128x8192xbf16, #tpu.memory_space<vmem>>, vector<128x64xbf16>
    tpu.vector_store %arg5[%swap3A_124, %swap3A_125], %convert_element_type3A_123 {strides = array<i32>} : memref<128x8192xbf16, #tpu.memory_space<vmem>>, vector<128x64xbf16>,
    %get3A_127 = arith.constant 0 : index
    %get3A_128 = arith.constant 896 : index
    %get3A_129 = vector.load %arg1[%get3A_127, %get3A_128] : memref<128x8192xf32, #tpu.memory_space<vmem>>, vector<128x64xf32>
    %get3A_130 = arith.constant 0 : index
    %get3A_131 = arith.constant 960 : index
    %get3A_132 = vector.load %arg1[%get3A_130, %get3A_131] : memref<128x8192xf32, #tpu.memory_space<vmem>>, vector<128x64xf32>
    %get3A_133 = arith.constant 0 : index
    %get3A_134 = arith.constant 7 : index
    %get3A_135 = vector.load %arg3[%get3A_133, %get3A_134] : memref<128x64xf32, #tpu.memory_space<vmem>>, vector<128x1xf32>
    %gt3A_136 = arith.constant 5.000000e-01 : f32
    %gt3A_137 = vector.broadcast %gt3A_136 : f32 to vector<128x1xf32>
    %gt3A_138 = arith.cmpf ogt, %get3A_135, %gt3A_137 : vector<128x1xf32>
    %broadcast_in_dim3A_139 = vector.shape_cast %gt3A_138 : vector<128x1xi1> to vector<128x1xi1>
    %broadcast_in_dim3A_140 = vector.broadcast %broadcast_in_dim3A_139 : vector<128x1xi1> to vector<128x64xi1>
    %select_n3A_141 = arith.select %broadcast_in_dim3A_140, %get3A_132, %get3A_129 : vector<128x64xi1>, vector<128x64xf32>
    %convert_element_type3A_142 = arith.truncf %select_n3A_141 : vector<128x64xf32> to vector<128x64xbf16>
    %swap3A_143 = arith.constant 0 : index
    %swap3A_144 = arith.constant 448 : index
    %swap3A_145 = vector.load %arg5[%swap3A_143, %swap3A_144] : memref<128x8192xbf16, #tpu.memory_space<vmem>>, vector<128x64xbf16>
    tpu.vector_store %arg5[%swap3A_143, %swap3A_144], %convert_element_type3A_142 {strides = array<i32>} : memref<128x8192xbf16, #tpu.memory_space<vmem>>, vector<128x64xbf16>,
    %get3A_146 = arith.constant 0 : index
    %get3A_147 = arith.constant 1024 : index
    %get3A_148 = vector.load %arg1[%get3A_146, %get3A_147] : memref<128x8192xf32, #tpu.memory_space<vmem>>, vector<128x64xf32>
    %get3A_149 = arith.constant 0 : index
    %get3A_150 = arith.constant 1088 : index
    %get3A_151 = vector.load %arg1[%get3A_149, %get3A_150] : memref<128x8192xf32, #tpu.memory_space<vmem>>, vector<128x64xf32>
    %get3A_152 = arith.constant 0 : index
    %get3A_153 = arith.constant 8 : index
    %get3A_154 = vector.load %arg3[%get3A_152, %get3A_153] : memref<128x64xf32, #tpu.memory_space<vmem>>, vector<128x1xf32>
    %gt3A_155 = arith.constant 5.000000e-01 : f32
    %gt3A_156 = vector.broadcast %gt3A_155 : f32 to vector<128x1xf32>
    %gt3A_157 = arith.cmpf ogt, %get3A_154, %gt3A_156 : vector<128x1xf32>
    %broadcast_in_dim3A_158 = vector.shape_cast %gt3A_157 : vector<128x1xi1> to vector<128x1xi1>
    %broadcast_in_dim3A_159 = vector.broadcast %broadcast_in_dim3A_158 : vector<128x1xi1> to vector<128x64xi1>
    %select_n3A_160 = arith.select %broadcast_in_dim3A_159, %get3A_151, %get3A_148 : vector<128x64xi1>, vector<128x64xf32>
    %convert_element_type3A_161 = arith.truncf %select_n3A_160 : vector<128x64xf32> to vector<128x64xbf16>
    %swap3A_162 = arith.constant 0 : index
    %swap3A_163 = arith.constant 512 : index
    %swap3A_164 = vector.load %arg5[%swap3A_162, %swap3A_163] : memref<128x8192xbf16, #tpu.memory_space<vmem>>, vector<128x64xbf16>
    tpu.vector_store %arg5[%swap3A_162, %swap3A_163], %convert_element_type3A_161 {strides = array<i32>} : memref<128x8192xbf16, #tpu.memory_space<vmem>>, vector<128x64xbf16>,
    %get3A_165 = arith.constant 0 : index
    %get3A_166 = arith.constant 1152 : index
    %get3A_167 = vector.load %arg1[%get3A_165, %get3A_166] : memref<128x8192xf32, #tpu.memory_space<vmem>>, vector<128x64xf32>
    %get3A_168 = arith.constant 0 : index
    %get3A_169 = arith.constant 1216 : index
    %get3A_170 = vector.load %arg1[%get3A_168, %get3A_169] : memref<128x8192xf32, #tpu.memory_space<vmem>>, vector<128x64xf32>
    %get3A_171 = arith.constant 0 : index
    %get3A_172 = arith.constant 9 : index
    %get3A_173 = vector.load %arg3[%get3A_171, %get3A_172] : memref<128x64xf32, #tpu.memory_space<vmem>>, vector<128x1xf32>
    %gt3A_174 = arith.constant 5.000000e-01 : f32
    %gt3A_175 = vector.broadcast %gt3A_174 : f32 to vector<128x1xf32>
    %gt3A_176 = arith.cmpf ogt, %get3A_173, %gt3A_175 : vector<128x1xf32>
    %broadcast_in_dim3A_177 = vector.shape_cast %gt3A_176 : vector<128x1xi1> to vector<128x1xi1>
    %broadcast_in_dim3A_178 = vector.broadcast %broadcast_in_dim3A_177 : vector<128x1xi1> to vector<128x64xi1>
    %select_n3A_179 = arith.select %broadcast_in_dim3A_178, %get3A_170, %get3A_167 : vector<128x64xi1>, vector<128x64xf32>
    %convert_element_type3A_180 = arith.truncf %select_n3A_179 : vector<128x64xf32> to vector<128x64xbf16>
    %swap3A_181 = arith.constant 0 : index
    %swap3A_182 = arith.constant 576 : index
    %swap3A_183 = vector.load %arg5[%swap3A_181, %swap3A_182] : memref<128x8192xbf16, #tpu.memory_space<vmem>>, vector<128x64xbf16>
    tpu.vector_store %arg5[%swap3A_181, %swap3A_182], %convert_element_type3A_180 {strides = array<i32>} : memref<128x8192xbf16, #tpu.memory_space<vmem>>, vector<128x64xbf16>,
    %get3A_184 = arith.constant 0 : index
    %get3A_185 = arith.constant 1280 : index
    %get3A_186 = vector.load %arg1[%get3A_184, %get3A_185] : memref<128x8192xf32, #tpu.memory_space<vmem>>, vector<128x64xf32>
    %get3A_187 = arith.constant 0 : index
    %get3A_188 = arith.constant 1344 : index
    %get3A_189 = vector.load %arg1[%get3A_187, %get3A_188] : memref<128x8192xf32, #tpu.memory_space<vmem>>, vector<128x64xf32>
    %get3A_190 = arith.constant 0 : index
    %get3A_191 = arith.constant 10 : index
    %get3A_192 = vector.load %arg3[%get3A_190, %get3A_191] : memref<128x64xf32, #tpu.memory_space<vmem>>, vector<128x1xf32>
    %gt3A_193 = arith.constant 5.000000e-01 : f32
    %gt3A_194 = vector.broadcast %gt3A_193 : f32 to vector<128x1xf32>
    %gt3A_195 = arith.cmpf ogt, %get3A_192, %gt3A_194 : vector<128x1xf32>
    %broadcast_in_dim3A_196 = vector.shape_cast %gt3A_195 : vector<128x1xi1> to vector<128x1xi1>
    %broadcast_in_dim3A_197 = vector.broadcast %broadcast_in_dim3A_196 : vector<128x1xi1> to vector<128x64xi1>
    %select_n3A_198 = arith.select %broadcast_in_dim3A_197, %get3A_189, %get3A_186 : vector<128x64xi1>, vector<128x64xf32>
    %convert_element_type3A_199 = arith.truncf %select_n3A_198 : vector<128x64xf32> to vector<128x64xbf16>
    %swap3A_200 = arith.constant 0 : index
    %swap3A_201 = arith.constant 640 : index
    %swap3A_202 = vector.load %arg5[%swap3A_200, %swap3A_201] : memref<128x8192xbf16, #tpu.memory_space<vmem>>, vector<128x64xbf16>
    tpu.vector_store %arg5[%swap3A_200, %swap3A_201], %convert_element_type3A_199 {strides = array<i32>} : memref<128x8192xbf16, #tpu.memory_space<vmem>>, vector<128x64xbf16>,
    %get3A_203 = arith.constant 0 : index
    %get3A_204 = arith.constant 1408 : index
    %get3A_205 = vector.load %arg1[%get3A_203, %get3A_204] : memref<128x8192xf32, #tpu.memory_space<vmem>>, vector<128x64xf32>
    %get3A_206 = arith.constant 0 : index
    %get3A_207 = arith.constant 1472 : index
    %get3A_208 = vector.load %arg1[%get3A_206, %get3A_207] : memref<128x8192xf32, #tpu.memory_space<vmem>>, vector<128x64xf32>
    %get3A_209 = arith.constant 0 : index
    %get3A_210 = arith.constant 11 : index
    %get3A_211 = vector.load %arg3[%get3A_209, %get3A_210] : memref<128x64xf32, #tpu.memory_space<vmem>>, vector<128x1xf32>
    %gt3A_212 = arith.constant 5.000000e-01 : f32
    %gt3A_213 = vector.broadcast %gt3A_212 : f32 to vector<128x1xf32>
    %gt3A_214 = arith.cmpf ogt, %get3A_211, %gt3A_213 : vector<128x1xf32>
    %broadcast_in_dim3A_215 = vector.shape_cast %gt3A_214 : vector<128x1xi1> to vector<128x1xi1>
    %broadcast_in_dim3A_216 = vector.broadcast %broadcast_in_dim3A_215 : vector<128x1xi1> to vector<128x64xi1>
    %select_n3A_217 = arith.select %broadcast_in_dim3A_216, %get3A_208, %get3A_205 : vector<128x64xi1>, vector<128x64xf32>
    %convert_element_type3A_218 = arith.truncf %select_n3A_217 : vector<128x64xf32> to vector<128x64xbf16>
    %swap3A_219 = arith.constant 0 : index
    %swap3A_220 = arith.constant 704 : index
    %swap3A_221 = vector.load %arg5[%swap3A_219, %swap3A_220] : memref<128x8192xbf16, #tpu.memory_space<vmem>>, vector<128x64xbf16>
    tpu.vector_store %arg5[%swap3A_219, %swap3A_220], %convert_element_type3A_218 {strides = array<i32>} : memref<128x8192xbf16, #tpu.memory_space<vmem>>, vector<128x64xbf16>,
    %get3A_222 = arith.constant 0 : index
    %get3A_223 = arith.constant 1536 : index
    %get3A_224 = vector.load %arg1[%get3A_222, %get3A_223] : memref<128x8192xf32, #tpu.memory_space<vmem>>, vector<128x64xf32>
    %get3A_225 = arith.constant 0 : index
    %get3A_226 = arith.constant 1600 : index
    %get3A_227 = vector.load %arg1[%get3A_225, %get3A_226] : memref<128x8192xf32, #tpu.memory_space<vmem>>, vector<128x64xf32>
    %get3A_228 = arith.constant 0 : index
    %get3A_229 = arith.constant 12 : index
    %get3A_230 = vector.load %arg3[%get3A_228, %get3A_229] : memref<128x64xf32, #tpu.memory_space<vmem>>, vector<128x1xf32>
    %gt3A_231 = arith.constant 5.000000e-01 : f32
    %gt3A_232 = vector.broadcast %gt3A_231 : f32 to vector<128x1xf32>
    %gt3A_233 = arith.cmpf ogt, %get3A_230, %gt3A_232 : vector<128x1xf32>
    %broadcast_in_dim3A_234 = vector.shape_cast %gt3A_233 : vector<128x1xi1> to vector<128x1xi1>
    %broadcast_in_dim3A_235 = vector.broadcast %broadcast_in_dim3A_234 : vector<128x1xi1> to vector<128x64xi1>
    %select_n3A_236 = arith.select %broadcast_in_dim3A_235, %get3A_227, %get3A_224 : vector<128x64xi1>, vector<128x64xf32>
    %convert_element_type3A_237 = arith.truncf %select_n3A_236 : vector<128x64xf32> to vector<128x64xbf16>
    %swap3A_238 = arith.constant 0 : index
    %swap3A_239 = arith.constant 768 : index
    %swap3A_240 = vector.load %arg5[%swap3A_238, %swap3A_239] : memref<128x8192xbf16, #tpu.memory_space<vmem>>, vector<128x64xbf16>
    tpu.vector_store %arg5[%swap3A_238, %swap3A_239], %convert_element_type3A_237 {strides = array<i32>} : memref<128x8192xbf16, #tpu.memory_space<vmem>>, vector<128x64xbf16>,
    %get3A_241 = arith.constant 0 : index
    %get3A_242 = arith.constant 1664 : index
    %get3A_243 = vector.load %arg1[%get3A_241, %get3A_242] : memref<128x8192xf32, #tpu.memory_space<vmem>>, vector<128x64xf32>
    %get3A_244 = arith.constant 0 : index
    %get3A_245 = arith.constant 1728 : index
    %get3A_246 = vector.load %arg1[%get3A_244, %get3A_245] : memref<128x8192xf32, #tpu.memory_space<vmem>>, vector<128x64xf32>
    %get3A_247 = arith.constant 0 : index
    %get3A_248 = arith.constant 13 : index
    %get3A_249 = vector.load %arg3[%get3A_247, %get3A_248] : memref<128x64xf32, #tpu.memory_space<vmem>>, vector<128x1xf32>
    %gt3A_250 = arith.constant 5.000000e-01 : f32
    %gt3A_251 = vector.broadcast %gt3A_250 : f32 to vector<128x1xf32>
    %gt3A_252 = arith.cmpf ogt, %get3A_249, %gt3A_251 : vector<128x1xf32>
    %broadcast_in_dim3A_253 = vector.shape_cast %gt3A_252 : vector<128x1xi1> to vector<128x1xi1>
    %broadcast_in_dim3A_254 = vector.broadcast %broadcast_in_dim3A_253 : vector<128x1xi1> to vector<128x64xi1>
    %select_n3A_255 = arith.select %broadcast_in_dim3A_254, %get3A_246, %get3A_243 : vector<128x64xi1>, vector<128x64xf32>
    %convert_element_type3A_256 = arith.truncf %select_n3A_255 : vector<128x64xf32> to vector<128x64xbf16>
    %swap3A_257 = arith.constant 0 : index
    %swap3A_258 = arith.constant 832 : index
    %swap3A_259 = vector.load %arg5[%swap3A_257, %swap3A_258] : memref<128x8192xbf16, #tpu.memory_space<vmem>>, vector<128x64xbf16>
    tpu.vector_store %arg5[%swap3A_257, %swap3A_258], %convert_element_type3A_256 {strides = array<i32>} : memref<128x8192xbf16, #tpu.memory_space<vmem>>, vector<128x64xbf16>,
    %get3A_260 = arith.constant 0 : index
    %get3A_261 = arith.constant 1792 : index
    %get3A_262 = vector.load %arg1[%get3A_260, %get3A_261] : memref<128x8192xf32, #tpu.memory_space<vmem>>, vector<128x64xf32>
    %get3A_263 = arith.constant 0 : index
    %get3A_264 = arith.constant 1856 : index
    %get3A_265 = vector.load %arg1[%get3A_263, %get3A_264] : memref<128x8192xf32, #tpu.memory_space<vmem>>, vector<128x64xf32>
    %get3A_266 = arith.constant 0 : index
    %get3A_267 = arith.constant 14 : index
    %get3A_268 = vector.load %arg3[%get3A_266, %get3A_267] : memref<128x64xf32, #tpu.memory_space<vmem>>, vector<128x1xf32>
    %gt3A_269 = arith.constant 5.000000e-01 : f32
    %gt3A_270 = vector.broadcast %gt3A_269 : f32 to vector<128x1xf32>
    %gt3A_271 = arith.cmpf ogt, %get3A_268, %gt3A_270 : vector<128x1xf32>
    %broadcast_in_dim3A_272 = vector.shape_cast %gt3A_271 : vector<128x1xi1> to vector<128x1xi1>
    %broadcast_in_dim3A_273 = vector.broadcast %broadcast_in_dim3A_272 : vector<128x1xi1> to vector<128x64xi1>
    %select_n3A_274 = arith.select %broadcast_in_dim3A_273, %get3A_265, %get3A_262 : vector<128x64xi1>, vector<128x64xf32>
    %convert_element_type3A_275 = arith.truncf %select_n3A_274 : vector<128x64xf32> to vector<128x64xbf16>
    %swap3A_276 = arith.constant 0 : index
    %swap3A_277 = arith.constant 896 : index
    %swap3A_278 = vector.load %arg5[%swap3A_276, %swap3A_277] : memref<128x8192xbf16, #tpu.memory_space<vmem>>, vector<128x64xbf16>
    tpu.vector_store %arg5[%swap3A_276, %swap3A_277], %convert_element_type3A_275 {strides = array<i32>} : memref<128x8192xbf16, #tpu.memory_space<vmem>>, vector<128x64xbf16>,
    %get3A_279 = arith.constant 0 : index
    %get3A_280 = arith.constant 1920 : index
    %get3A_281 = vector.load %arg1[%get3A_279, %get3A_280] : memref<128x8192xf32, #tpu.memory_space<vmem>>, vector<128x64xf32>
    %get3A_282 = arith.constant 0 : index
    %get3A_283 = arith.constant 1984 : index
    %get3A_284 = vector.load %arg1[%get3A_282, %get3A_283] : memref<128x8192xf32, #tpu.memory_space<vmem>>, vector<128x64xf32>
    %get3A_285 = arith.constant 0 : index
    %get3A_286 = arith.constant 15 : index
    %get3A_287 = vector.load %arg3[%get3A_285, %get3A_286] : memref<128x64xf32, #tpu.memory_space<vmem>>, vector<128x1xf32>
    %gt3A_288 = arith.constant 5.000000e-01 : f32
    %gt3A_289 = vector.broadcast %gt3A_288 : f32 to vector<128x1xf32>
    %gt3A_290 = arith.cmpf ogt, %get3A_287, %gt3A_289 : vector<128x1xf32>
    %broadcast_in_dim3A_291 = vector.shape_cast %gt3A_290 : vector<128x1xi1> to vector<128x1xi1>
    %broadcast_in_dim3A_292 = vector.broadcast %broadcast_in_dim3A_291 : vector<128x1xi1> to vector<128x64xi1>
    %select_n3A_293 = arith.select %broadcast_in_dim3A_292, %get3A_284, %get3A_281 : vector<128x64xi1>, vector<128x64xf32>
    %convert_element_type3A_294 = arith.truncf %select_n3A_293 : vector<128x64xf32> to vector<128x64xbf16>
    %swap3A_295 = arith.constant 0 : index
    %swap3A_296 = arith.constant 960 : index
    %swap3A_297 = vector.load %arg5[%swap3A_295, %swap3A_296] : memref<128x8192xbf16, #tpu.memory_space<vmem>>, vector<128x64xbf16>
    tpu.vector_store %arg5[%swap3A_295, %swap3A_296], %convert_element_type3A_294 {strides = array<i32>} : memref<128x8192xbf16, #tpu.memory_space<vmem>>, vector<128x64xbf16>,
    %get3A_298 = arith.constant 0 : index
    %get3A_299 = arith.constant 2048 : index
    %get3A_300 = vector.load %arg1[%get3A_298, %get3A_299] : memref<128x8192xf32, #tpu.memory_space<vmem>>, vector<128x64xf32>
    %get3A_301 = arith.constant 0 : index
    %get3A_302 = arith.constant 2112 : index
    %get3A_303 = vector.load %arg1[%get3A_301, %get3A_302] : memref<128x8192xf32, #tpu.memory_space<vmem>>, vector<128x64xf32>
    %get3A_304 = arith.constant 0 : index
    %get3A_305 = arith.constant 16 : index
    %get3A_306 = vector.load %arg3[%get3A_304, %get3A_305] : memref<128x64xf32, #tpu.memory_space<vmem>>, vector<128x1xf32>
    %gt3A_307 = arith.constant 5.000000e-01 : f32
    %gt3A_308 = vector.broadcast %gt3A_307 : f32 to vector<128x1xf32>
    %gt3A_309 = arith.cmpf ogt, %get3A_306, %gt3A_308 : vector<128x1xf32>
    %broadcast_in_dim3A_310 = vector.shape_cast %gt3A_309 : vector<128x1xi1> to vector<128x1xi1>
    %broadcast_in_dim3A_311 = vector.broadcast %broadcast_in_dim3A_310 : vector<128x1xi1> to vector<128x64xi1>
    %select_n3A_312 = arith.select %broadcast_in_dim3A_311, %get3A_303, %get3A_300 : vector<128x64xi1>, vector<128x64xf32>
    %convert_element_type3A_313 = arith.truncf %select_n3A_312 : vector<128x64xf32> to vector<128x64xbf16>
    %swap3A_314 = arith.constant 0 : index
    %swap3A_315 = arith.constant 1024 : index
    %swap3A_316 = vector.load %arg5[%swap3A_314, %swap3A_315] : memref<128x8192xbf16, #tpu.memory_space<vmem>>, vector<128x64xbf16>
    tpu.vector_store %arg5[%swap3A_314, %swap3A_315], %convert_element_type3A_313 {strides = array<i32>} : memref<128x8192xbf16, #tpu.memory_space<vmem>>, vector<128x64xbf16>,
    %get3A_317 = arith.constant 0 : index
    %get3A_318 = arith.constant 2176 : index
    %get3A_319 = vector.load %arg1[%get3A_317, %get3A_318] : memref<128x8192xf32, #tpu.memory_space<vmem>>, vector<128x64xf32>
    %get3A_320 = arith.constant 0 : index
    %get3A_321 = arith.constant 2240 : index
    %get3A_322 = vector.load %arg1[%get3A_320, %get3A_321] : memref<128x8192xf32, #tpu.memory_space<vmem>>, vector<128x64xf32>
    %get3A_323 = arith.constant 0 : index
    %get3A_324 = arith.constant 17 : index
    %get3A_325 = vector.load %arg3[%get3A_323, %get3A_324] : memref<128x64xf32, #tpu.memory_space<vmem>>, vector<128x1xf32>
    %gt3A_326 = arith.constant 5.000000e-01 : f32
    %gt3A_327 = vector.broadcast %gt3A_326 : f32 to vector<128x1xf32>
    %gt3A_328 = arith.cmpf ogt, %get3A_325, %gt3A_327 : vector<128x1xf32>
    %broadcast_in_dim3A_329 = vector.shape_cast %gt3A_328 : vector<128x1xi1> to vector<128x1xi1>
    %broadcast_in_dim3A_330 = vector.broadcast %broadcast_in_dim3A_329 : vector<128x1xi1> to vector<128x64xi1>
    %select_n3A_331 = arith.select %broadcast_in_dim3A_330, %get3A_322, %get3A_319 : vector<128x64xi1>, vector<128x64xf32>
    %convert_element_type3A_332 = arith.truncf %select_n3A_331 : vector<128x64xf32> to vector<128x64xbf16>
    %swap3A_333 = arith.constant 0 : index
    %swap3A_334 = arith.constant 1088 : index
    %swap3A_335 = vector.load %arg5[%swap3A_333, %swap3A_334] : memref<128x8192xbf16, #tpu.memory_space<vmem>>, vector<128x64xbf16>
    tpu.vector_store %arg5[%swap3A_333, %swap3A_334], %convert_element_type3A_332 {strides = array<i32>} : memref<128x8192xbf16, #tpu.memory_space<vmem>>, vector<128x64xbf16>,
    %get3A_336 = arith.constant 0 : index
    %get3A_337 = arith.constant 2304 : index
    %get3A_338 = vector.load %arg1[%get3A_336, %get3A_337] : memref<128x8192xf32, #tpu.memory_space<vmem>>, vector<128x64xf32>
    %get3A_339 = arith.constant 0 : index
    %get3A_340 = arith.constant 2368 : index
    %get3A_341 = vector.load %arg1[%get3A_339, %get3A_340] : memref<128x8192xf32, #tpu.memory_space<vmem>>, vector<128x64xf32>
    %get3A_342 = arith.constant 0 : index
    %get3A_343 = arith.constant 18 : index
    %get3A_344 = vector.load %arg3[%get3A_342, %get3A_343] : memref<128x64xf32, #tpu.memory_space<vmem>>, vector<128x1xf32>
    %gt3A_345 = arith.constant 5.000000e-01 : f32
    %gt3A_346 = vector.broadcast %gt3A_345 : f32 to vector<128x1xf32>
    %gt3A_347 = arith.cmpf ogt, %get3A_344, %gt3A_346 : vector<128x1xf32>
    %broadcast_in_dim3A_348 = vector.shape_cast %gt3A_347 : vector<128x1xi1> to vector<128x1xi1>
    %broadcast_in_dim3A_349 = vector.broadcast %broadcast_in_dim3A_348 : vector<128x1xi1> to vector<128x64xi1>
    %select_n3A_350 = arith.select %broadcast_in_dim3A_349, %get3A_341, %get3A_338 : vector<128x64xi1>, vector<128x64xf32>
    %convert_element_type3A_351 = arith.truncf %select_n3A_350 : vector<128x64xf32> to vector<128x64xbf16>
    %swap3A_352 = arith.constant 0 : index
    %swap3A_353 = arith.constant 1152 : index
    %swap3A_354 = vector.load %arg5[%swap3A_352, %swap3A_353] : memref<128x8192xbf16, #tpu.memory_space<vmem>>, vector<128x64xbf16>
    tpu.vector_store %arg5[%swap3A_352, %swap3A_353], %convert_element_type3A_351 {strides = array<i32>} : memref<128x8192xbf16, #tpu.memory_space<vmem>>, vector<128x64xbf16>,
    %get3A_355 = arith.constant 0 : index
    %get3A_356 = arith.constant 2432 : index
    %get3A_357 = vector.load %arg1[%get3A_355, %get3A_356] : memref<128x8192xf32, #tpu.memory_space<vmem>>, vector<128x64xf32>
    %get3A_358 = arith.constant 0 : index
    %get3A_359 = arith.constant 2496 : index
    %get3A_360 = vector.load %arg1[%get3A_358, %get3A_359] : memref<128x8192xf32, #tpu.memory_space<vmem>>, vector<128x64xf32>
    %get3A_361 = arith.constant 0 : index
    %get3A_362 = arith.constant 19 : index
    %get3A_363 = vector.load %arg3[%get3A_361, %get3A_362] : memref<128x64xf32, #tpu.memory_space<vmem>>, vector<128x1xf32>
    %gt3A_364 = arith.constant 5.000000e-01 : f32
    %gt3A_365 = vector.broadcast %gt3A_364 : f32 to vector<128x1xf32>
    %gt3A_366 = arith.cmpf ogt, %get3A_363, %gt3A_365 : vector<128x1xf32>
    %broadcast_in_dim3A_367 = vector.shape_cast %gt3A_366 : vector<128x1xi1> to vector<128x1xi1>
    %broadcast_in_dim3A_368 = vector.broadcast %broadcast_in_dim3A_367 : vector<128x1xi1> to vector<128x64xi1>
    %select_n3A_369 = arith.select %broadcast_in_dim3A_368, %get3A_360, %get3A_357 : vector<128x64xi1>, vector<128x64xf32>
    %convert_element_type3A_370 = arith.truncf %select_n3A_369 : vector<128x64xf32> to vector<128x64xbf16>
    %swap3A_371 = arith.constant 0 : index
    %swap3A_372 = arith.constant 1216 : index
    %swap3A_373 = vector.load %arg5[%swap3A_371, %swap3A_372] : memref<128x8192xbf16, #tpu.memory_space<vmem>>, vector<128x64xbf16>
    tpu.vector_store %arg5[%swap3A_371, %swap3A_372], %convert_element_type3A_370 {strides = array<i32>} : memref<128x8192xbf16, #tpu.memory_space<vmem>>, vector<128x64xbf16>,
    %get3A_374 = arith.constant 0 : index
    %get3A_375 = arith.constant 2560 : index
    %get3A_376 = vector.load %arg1[%get3A_374, %get3A_375] : memref<128x8192xf32, #tpu.memory_space<vmem>>, vector<128x64xf32>
    %get3A_377 = arith.constant 0 : index
    %get3A_378 = arith.constant 2624 : index
    %get3A_379 = vector.load %arg1[%get3A_377, %get3A_378] : memref<128x8192xf32, #tpu.memory_space<vmem>>, vector<128x64xf32>
    %get3A_380 = arith.constant 0 : index
    %get3A_381 = arith.constant 20 : index
    %get3A_382 = vector.load %arg3[%get3A_380, %get3A_381] : memref<128x64xf32, #tpu.memory_space<vmem>>, vector<128x1xf32>
    %gt3A_383 = arith.constant 5.000000e-01 : f32
    %gt3A_384 = vector.broadcast %gt3A_383 : f32 to vector<128x1xf32>
    %gt3A_385 = arith.cmpf ogt, %get3A_382, %gt3A_384 : vector<128x1xf32>
    %broadcast_in_dim3A_386 = vector.shape_cast %gt3A_385 : vector<128x1xi1> to vector<128x1xi1>
    %broadcast_in_dim3A_387 = vector.broadcast %broadcast_in_dim3A_386 : vector<128x1xi1> to vector<128x64xi1>
    %select_n3A_388 = arith.select %broadcast_in_dim3A_387, %get3A_379, %get3A_376 : vector<128x64xi1>, vector<128x64xf32>
    %convert_element_type3A_389 = arith.truncf %select_n3A_388 : vector<128x64xf32> to vector<128x64xbf16>
    %swap3A_390 = arith.constant 0 : index
    %swap3A_391 = arith.constant 1280 : index
    %swap3A_392 = vector.load %arg5[%swap3A_390, %swap3A_391] : memref<128x8192xbf16, #tpu.memory_space<vmem>>, vector<128x64xbf16>
    tpu.vector_store %arg5[%swap3A_390, %swap3A_391], %convert_element_type3A_389 {strides = array<i32>} : memref<128x8192xbf16, #tpu.memory_space<vmem>>, vector<128x64xbf16>,
    %get3A_393 = arith.constant 0 : index
    %get3A_394 = arith.constant 2688 : index
    %get3A_395 = vector.load %arg1[%get3A_393, %get3A_394] : memref<128x8192xf32, #tpu.memory_space<vmem>>, vector<128x64xf32>
    %get3A_396 = arith.constant 0 : index
    %get3A_397 = arith.constant 2752 : index
    %get3A_398 = vector.load %arg1[%get3A_396, %get3A_397] : memref<128x8192xf32, #tpu.memory_space<vmem>>, vector<128x64xf32>
    %get3A_399 = arith.constant 0 : index
    %get3A_400 = arith.constant 21 : index
    %get3A_401 = vector.load %arg3[%get3A_399, %get3A_400] : memref<128x64xf32, #tpu.memory_space<vmem>>, vector<128x1xf32>
    %gt3A_402 = arith.constant 5.000000e-01 : f32
    %gt3A_403 = vector.broadcast %gt3A_402 : f32 to vector<128x1xf32>
    %gt3A_404 = arith.cmpf ogt, %get3A_401, %gt3A_403 : vector<128x1xf32>
    %broadcast_in_dim3A_405 = vector.shape_cast %gt3A_404 : vector<128x1xi1> to vector<128x1xi1>
    %broadcast_in_dim3A_406 = vector.broadcast %broadcast_in_dim3A_405 : vector<128x1xi1> to vector<128x64xi1>
    %select_n3A_407 = arith.select %broadcast_in_dim3A_406, %get3A_398, %get3A_395 : vector<128x64xi1>, vector<128x64xf32>
    %convert_element_type3A_408 = arith.truncf %select_n3A_407 : vector<128x64xf32> to vector<128x64xbf16>
    %swap3A_409 = arith.constant 0 : index
    %swap3A_410 = arith.constant 1344 : index
    %swap3A_411 = vector.load %arg5[%swap3A_409, %swap3A_410] : memref<128x8192xbf16, #tpu.memory_space<vmem>>, vector<128x64xbf16>
    tpu.vector_store %arg5[%swap3A_409, %swap3A_410], %convert_element_type3A_408 {strides = array<i32>} : memref<128x8192xbf16, #tpu.memory_space<vmem>>, vector<128x64xbf16>,
    %get3A_412 = arith.constant 0 : index
    %get3A_413 = arith.constant 2816 : index
    %get3A_414 = vector.load %arg1[%get3A_412, %get3A_413] : memref<128x8192xf32, #tpu.memory_space<vmem>>, vector<128x64xf32>
    %get3A_415 = arith.constant 0 : index
    %get3A_416 = arith.constant 2880 : index
    %get3A_417 = vector.load %arg1[%get3A_415, %get3A_416] : memref<128x8192xf32, #tpu.memory_space<vmem>>, vector<128x64xf32>
    %get3A_418 = arith.constant 0 : index
    %get3A_419 = arith.constant 22 : index
    %get3A_420 = vector.load %arg3[%get3A_418, %get3A_419] : memref<128x64xf32, #tpu.memory_space<vmem>>, vector<128x1xf32>
    %gt3A_421 = arith.constant 5.000000e-01 : f32
    %gt3A_422 = vector.broadcast %gt3A_421 : f32 to vector<128x1xf32>
    %gt3A_423 = arith.cmpf ogt, %get3A_420, %gt3A_422 : vector<128x1xf32>
    %broadcast_in_dim3A_424 = vector.shape_cast %gt3A_423 : vector<128x1xi1> to vector<128x1xi1>
    %broadcast_in_dim3A_425 = vector.broadcast %broadcast_in_dim3A_424 : vector<128x1xi1> to vector<128x64xi1>
    %select_n3A_426 = arith.select %broadcast_in_dim3A_425, %get3A_417, %get3A_414 : vector<128x64xi1>, vector<128x64xf32>
    %convert_element_type3A_427 = arith.truncf %select_n3A_426 : vector<128x64xf32> to vector<128x64xbf16>
    %swap3A_428 = arith.constant 0 : index
    %swap3A_429 = arith.constant 1408 : index
    %swap3A_430 = vector.load %arg5[%swap3A_428, %swap3A_429] : memref<128x8192xbf16, #tpu.memory_space<vmem>>, vector<128x64xbf16>
    tpu.vector_store %arg5[%swap3A_428, %swap3A_429], %convert_element_type3A_427 {strides = array<i32>} : memref<128x8192xbf16, #tpu.memory_space<vmem>>, vector<128x64xbf16>,
    %get3A_431 = arith.constant 0 : index
    %get3A_432 = arith.constant 2944 : index
    %get3A_433 = vector.load %arg1[%get3A_431, %get3A_432] : memref<128x8192xf32, #tpu.memory_space<vmem>>, vector<128x64xf32>
    %get3A_434 = arith.constant 0 : index
    %get3A_435 = arith.constant 3008 : index
    %get3A_436 = vector.load %arg1[%get3A_434, %get3A_435] : memref<128x8192xf32, #tpu.memory_space<vmem>>, vector<128x64xf32>
    %get3A_437 = arith.constant 0 : index
    %get3A_438 = arith.constant 23 : index
    %get3A_439 = vector.load %arg3[%get3A_437, %get3A_438] : memref<128x64xf32, #tpu.memory_space<vmem>>, vector<128x1xf32>
    %gt3A_440 = arith.constant 5.000000e-01 : f32
    %gt3A_441 = vector.broadcast %gt3A_440 : f32 to vector<128x1xf32>
    %gt3A_442 = arith.cmpf ogt, %get3A_439, %gt3A_441 : vector<128x1xf32>
    %broadcast_in_dim3A_443 = vector.shape_cast %gt3A_442 : vector<128x1xi1> to vector<128x1xi1>
    %broadcast_in_dim3A_444 = vector.broadcast %broadcast_in_dim3A_443 : vector<128x1xi1> to vector<128x64xi1>
    %select_n3A_445 = arith.select %broadcast_in_dim3A_444, %get3A_436, %get3A_433 : vector<128x64xi1>, vector<128x64xf32>
    %convert_element_type3A_446 = arith.truncf %select_n3A_445 : vector<128x64xf32> to vector<128x64xbf16>
    %swap3A_447 = arith.constant 0 : index
    %swap3A_448 = arith.constant 1472 : index
    %swap3A_449 = vector.load %arg5[%swap3A_447, %swap3A_448] : memref<128x8192xbf16, #tpu.memory_space<vmem>>, vector<128x64xbf16>
    tpu.vector_store %arg5[%swap3A_447, %swap3A_448], %convert_element_type3A_446 {strides = array<i32>} : memref<128x8192xbf16, #tpu.memory_space<vmem>>, vector<128x64xbf16>,
    %get3A_450 = arith.constant 0 : index
    %get3A_451 = arith.constant 3072 : index
    %get3A_452 = vector.load %arg1[%get3A_450, %get3A_451] : memref<128x8192xf32, #tpu.memory_space<vmem>>, vector<128x64xf32>
    %get3A_453 = arith.constant 0 : index
    %get3A_454 = arith.constant 3136 : index
    %get3A_455 = vector.load %arg1[%get3A_453, %get3A_454] : memref<128x8192xf32, #tpu.memory_space<vmem>>, vector<128x64xf32>
    %get3A_456 = arith.constant 0 : index
    %get3A_457 = arith.constant 24 : index
    %get3A_458 = vector.load %arg3[%get3A_456, %get3A_457] : memref<128x64xf32, #tpu.memory_space<vmem>>, vector<128x1xf32>
    %gt3A_459 = arith.constant 5.000000e-01 : f32
    %gt3A_460 = vector.broadcast %gt3A_459 : f32 to vector<128x1xf32>
    %gt3A_461 = arith.cmpf ogt, %get3A_458, %gt3A_460 : vector<128x1xf32>
    %broadcast_in_dim3A_462 = vector.shape_cast %gt3A_461 : vector<128x1xi1> to vector<128x1xi1>
    %broadcast_in_dim3A_463 = vector.broadcast %broadcast_in_dim3A_462 : vector<128x1xi1> to vector<128x64xi1>
    %select_n3A_464 = arith.select %broadcast_in_dim3A_463, %get3A_455, %get3A_452 : vector<128x64xi1>, vector<128x64xf32>
    %convert_element_type3A_465 = arith.truncf %select_n3A_464 : vector<128x64xf32> to vector<128x64xbf16>
    %swap3A_466 = arith.constant 0 : index
    %swap3A_467 = arith.constant 1536 : index
    %swap3A_468 = vector.load %arg5[%swap3A_466, %swap3A_467] : memref<128x8192xbf16, #tpu.memory_space<vmem>>, vector<128x64xbf16>
    tpu.vector_store %arg5[%swap3A_466, %swap3A_467], %convert_element_type3A_465 {strides = array<i32>} : memref<128x8192xbf16, #tpu.memory_space<vmem>>, vector<128x64xbf16>,
    %get3A_469 = arith.constant 0 : index
    %get3A_470 = arith.constant 3200 : index
    %get3A_471 = vector.load %arg1[%get3A_469, %get3A_470] : memref<128x8192xf32, #tpu.memory_space<vmem>>, vector<128x64xf32>
    %get3A_472 = arith.constant 0 : index
    %get3A_473 = arith.constant 3264 : index
    %get3A_474 = vector.load %arg1[%get3A_472, %get3A_473] : memref<128x8192xf32, #tpu.memory_space<vmem>>, vector<128x64xf32>
    %get3A_475 = arith.constant 0 : index
    %get3A_476 = arith.constant 25 : index
    %get3A_477 = vector.load %arg3[%get3A_475, %get3A_476] : memref<128x64xf32, #tpu.memory_space<vmem>>, vector<128x1xf32>
    %gt3A_478 = arith.constant 5.000000e-01 : f32
    %gt3A_479 = vector.broadcast %gt3A_478 : f32 to vector<128x1xf32>
    %gt3A_480 = arith.cmpf ogt, %get3A_477, %gt3A_479 : vector<128x1xf32>
    %broadcast_in_dim3A_481 = vector.shape_cast %gt3A_480 : vector<128x1xi1> to vector<128x1xi1>
    %broadcast_in_dim3A_482 = vector.broadcast %broadcast_in_dim3A_481 : vector<128x1xi1> to vector<128x64xi1>
    %select_n3A_483 = arith.select %broadcast_in_dim3A_482, %get3A_474, %get3A_471 : vector<128x64xi1>, vector<128x64xf32>
    %convert_element_type3A_484 = arith.truncf %select_n3A_483 : vector<128x64xf32> to vector<128x64xbf16>
    %swap3A_485 = arith.constant 0 : index
    %swap3A_486 = arith.constant 1600 : index
    %swap3A_487 = vector.load %arg5[%swap3A_485, %swap3A_486] : memref<128x8192xbf16, #tpu.memory_space<vmem>>, vector<128x64xbf16>
    tpu.vector_store %arg5[%swap3A_485, %swap3A_486], %convert_element_type3A_484 {strides = array<i32>} : memref<128x8192xbf16, #tpu.memory_space<vmem>>, vector<128x64xbf16>,
    %get3A_488 = arith.constant 0 : index
    %get3A_489 = arith.constant 3328 : index
    %get3A_490 = vector.load %arg1[%get3A_488, %get3A_489] : memref<128x8192xf32, #tpu.memory_space<vmem>>, vector<128x64xf32>
    %get3A_491 = arith.constant 0 : index
    %get3A_492 = arith.constant 3392 : index
    %get3A_493 = vector.load %arg1[%get3A_491, %get3A_492] : memref<128x8192xf32, #tpu.memory_space<vmem>>, vector<128x64xf32>
    %get3A_494 = arith.constant 0 : index
    %get3A_495 = arith.constant 26 : index
    %get3A_496 = vector.load %arg3[%get3A_494, %get3A_495] : memref<128x64xf32, #tpu.memory_space<vmem>>, vector<128x1xf32>
    %gt3A_497 = arith.constant 5.000000e-01 : f32
    %gt3A_498 = vector.broadcast %gt3A_497 : f32 to vector<128x1xf32>
    %gt3A_499 = arith.cmpf ogt, %get3A_496, %gt3A_498 : vector<128x1xf32>
    %broadcast_in_dim3A_500 = vector.shape_cast %gt3A_499 : vector<128x1xi1> to vector<128x1xi1>
    %broadcast_in_dim3A_501 = vector.broadcast %broadcast_in_dim3A_500 : vector<128x1xi1> to vector<128x64xi1>
    %select_n3A_502 = arith.select %broadcast_in_dim3A_501, %get3A_493, %get3A_490 : vector<128x64xi1>, vector<128x64xf32>
    %convert_element_type3A_503 = arith.truncf %select_n3A_502 : vector<128x64xf32> to vector<128x64xbf16>
    %swap3A_504 = arith.constant 0 : index
    %swap3A_505 = arith.constant 1664 : index
    %swap3A_506 = vector.load %arg5[%swap3A_504, %swap3A_505] : memref<128x8192xbf16, #tpu.memory_space<vmem>>, vector<128x64xbf16>
    tpu.vector_store %arg5[%swap3A_504, %swap3A_505], %convert_element_type3A_503 {strides = array<i32>} : memref<128x8192xbf16, #tpu.memory_space<vmem>>, vector<128x64xbf16>,
    %get3A_507 = arith.constant 0 : index
    %get3A_508 = arith.constant 3456 : index
    %get3A_509 = vector.load %arg1[%get3A_507, %get3A_508] : memref<128x8192xf32, #tpu.memory_space<vmem>>, vector<128x64xf32>
    %get3A_510 = arith.constant 0 : index
    %get3A_511 = arith.constant 3520 : index
    %get3A_512 = vector.load %arg1[%get3A_510, %get3A_511] : memref<128x8192xf32, #tpu.memory_space<vmem>>, vector<128x64xf32>
    %get3A_513 = arith.constant 0 : index
    %get3A_514 = arith.constant 27 : index
    %get3A_515 = vector.load %arg3[%get3A_513, %get3A_514] : memref<128x64xf32, #tpu.memory_space<vmem>>, vector<128x1xf32>
    %gt3A_516 = arith.constant 5.000000e-01 : f32
    %gt3A_517 = vector.broadcast %gt3A_516 : f32 to vector<128x1xf32>
    %gt3A_518 = arith.cmpf ogt, %get3A_515, %gt3A_517 : vector<128x1xf32>
    %broadcast_in_dim3A_519 = vector.shape_cast %gt3A_518 : vector<128x1xi1> to vector<128x1xi1>
    %broadcast_in_dim3A_520 = vector.broadcast %broadcast_in_dim3A_519 : vector<128x1xi1> to vector<128x64xi1>
    %select_n3A_521 = arith.select %broadcast_in_dim3A_520, %get3A_512, %get3A_509 : vector<128x64xi1>, vector<128x64xf32>
    %convert_element_type3A_522 = arith.truncf %select_n3A_521 : vector<128x64xf32> to vector<128x64xbf16>
    %swap3A_523 = arith.constant 0 : index
    %swap3A_524 = arith.constant 1728 : index
    %swap3A_525 = vector.load %arg5[%swap3A_523, %swap3A_524] : memref<128x8192xbf16, #tpu.memory_space<vmem>>, vector<128x64xbf16>
    tpu.vector_store %arg5[%swap3A_523, %swap3A_524], %convert_element_type3A_522 {strides = array<i32>} : memref<128x8192xbf16, #tpu.memory_space<vmem>>, vector<128x64xbf16>,
    %get3A_526 = arith.constant 0 : index
    %get3A_527 = arith.constant 3584 : index
    %get3A_528 = vector.load %arg1[%get3A_526, %get3A_527] : memref<128x8192xf32, #tpu.memory_space<vmem>>, vector<128x64xf32>
    %get3A_529 = arith.constant 0 : index
    %get3A_530 = arith.constant 3648 : index
    %get3A_531 = vector.load %arg1[%get3A_529, %get3A_530] : memref<128x8192xf32, #tpu.memory_space<vmem>>, vector<128x64xf32>
    %get3A_532 = arith.constant 0 : index
    %get3A_533 = arith.constant 28 : index
    %get3A_534 = vector.load %arg3[%get3A_532, %get3A_533] : memref<128x64xf32, #tpu.memory_space<vmem>>, vector<128x1xf32>
    %gt3A_535 = arith.constant 5.000000e-01 : f32
    %gt3A_536 = vector.broadcast %gt3A_535 : f32 to vector<128x1xf32>
    %gt3A_537 = arith.cmpf ogt, %get3A_534, %gt3A_536 : vector<128x1xf32>
    %broadcast_in_dim3A_538 = vector.shape_cast %gt3A_537 : vector<128x1xi1> to vector<128x1xi1>
    %broadcast_in_dim3A_539 = vector.broadcast %broadcast_in_dim3A_538 : vector<128x1xi1> to vector<128x64xi1>
    %select_n3A_540 = arith.select %broadcast_in_dim3A_539, %get3A_531, %get3A_528 : vector<128x64xi1>, vector<128x64xf32>
    %convert_element_type3A_541 = arith.truncf %select_n3A_540 : vector<128x64xf32> to vector<128x64xbf16>
    %swap3A_542 = arith.constant 0 : index
    %swap3A_543 = arith.constant 1792 : index
    %swap3A_544 = vector.load %arg5[%swap3A_542, %swap3A_543] : memref<128x8192xbf16, #tpu.memory_space<vmem>>, vector<128x64xbf16>
    tpu.vector_store %arg5[%swap3A_542, %swap3A_543], %convert_element_type3A_541 {strides = array<i32>} : memref<128x8192xbf16, #tpu.memory_space<vmem>>, vector<128x64xbf16>,
    %get3A_545 = arith.constant 0 : index
    %get3A_546 = arith.constant 3712 : index
    %get3A_547 = vector.load %arg1[%get3A_545, %get3A_546] : memref<128x8192xf32, #tpu.memory_space<vmem>>, vector<128x64xf32>
    %get3A_548 = arith.constant 0 : index
    %get3A_549 = arith.constant 3776 : index
    %get3A_550 = vector.load %arg1[%get3A_548, %get3A_549] : memref<128x8192xf32, #tpu.memory_space<vmem>>, vector<128x64xf32>
    %get3A_551 = arith.constant 0 : index
    %get3A_552 = arith.constant 29 : index
    %get3A_553 = vector.load %arg3[%get3A_551, %get3A_552] : memref<128x64xf32, #tpu.memory_space<vmem>>, vector<128x1xf32>
    %gt3A_554 = arith.constant 5.000000e-01 : f32
    %gt3A_555 = vector.broadcast %gt3A_554 : f32 to vector<128x1xf32>
    %gt3A_556 = arith.cmpf ogt, %get3A_553, %gt3A_555 : vector<128x1xf32>
    %broadcast_in_dim3A_557 = vector.shape_cast %gt3A_556 : vector<128x1xi1> to vector<128x1xi1>
    %broadcast_in_dim3A_558 = vector.broadcast %broadcast_in_dim3A_557 : vector<128x1xi1> to vector<128x64xi1>
    %select_n3A_559 = arith.select %broadcast_in_dim3A_558, %get3A_550, %get3A_547 : vector<128x64xi1>, vector<128x64xf32>
    %convert_element_type3A_560 = arith.truncf %select_n3A_559 : vector<128x64xf32> to vector<128x64xbf16>
    %swap3A_561 = arith.constant 0 : index
    %swap3A_562 = arith.constant 1856 : index
    %swap3A_563 = vector.load %arg5[%swap3A_561, %swap3A_562] : memref<128x8192xbf16, #tpu.memory_space<vmem>>, vector<128x64xbf16>
    tpu.vector_store %arg5[%swap3A_561, %swap3A_562], %convert_element_type3A_560 {strides = array<i32>} : memref<128x8192xbf16, #tpu.memory_space<vmem>>, vector<128x64xbf16>,
    %get3A_564 = arith.constant 0 : index
    %get3A_565 = arith.constant 3840 : index
    %get3A_566 = vector.load %arg1[%get3A_564, %get3A_565] : memref<128x8192xf32, #tpu.memory_space<vmem>>, vector<128x64xf32>
    %get3A_567 = arith.constant 0 : index
    %get3A_568 = arith.constant 3904 : index
    %get3A_569 = vector.load %arg1[%get3A_567, %get3A_568] : memref<128x8192xf32, #tpu.memory_space<vmem>>, vector<128x64xf32>
    %get3A_570 = arith.constant 0 : index
    %get3A_571 = arith.constant 30 : index
    %get3A_572 = vector.load %arg3[%get3A_570, %get3A_571] : memref<128x64xf32, #tpu.memory_space<vmem>>, vector<128x1xf32>
    %gt3A_573 = arith.constant 5.000000e-01 : f32
    %gt3A_574 = vector.broadcast %gt3A_573 : f32 to vector<128x1xf32>
    %gt3A_575 = arith.cmpf ogt, %get3A_572, %gt3A_574 : vector<128x1xf32>
    %broadcast_in_dim3A_576 = vector.shape_cast %gt3A_575 : vector<128x1xi1> to vector<128x1xi1>
    %broadcast_in_dim3A_577 = vector.broadcast %broadcast_in_dim3A_576 : vector<128x1xi1> to vector<128x64xi1>
    %select_n3A_578 = arith.select %broadcast_in_dim3A_577, %get3A_569, %get3A_566 : vector<128x64xi1>, vector<128x64xf32>
    %convert_element_type3A_579 = arith.truncf %select_n3A_578 : vector<128x64xf32> to vector<128x64xbf16>
    %swap3A_580 = arith.constant 0 : index
    %swap3A_581 = arith.constant 1920 : index
    %swap3A_582 = vector.load %arg5[%swap3A_580, %swap3A_581] : memref<128x8192xbf16, #tpu.memory_space<vmem>>, vector<128x64xbf16>
    tpu.vector_store %arg5[%swap3A_580, %swap3A_581], %convert_element_type3A_579 {strides = array<i32>} : memref<128x8192xbf16, #tpu.memory_space<vmem>>, vector<128x64xbf16>,
    %get3A_583 = arith.constant 0 : index
    %get3A_584 = arith.constant 3968 : index
    %get3A_585 = vector.load %arg1[%get3A_583, %get3A_584] : memref<128x8192xf32, #tpu.memory_space<vmem>>, vector<128x64xf32>
    %get3A_586 = arith.constant 0 : index
    %get3A_587 = arith.constant 4032 : index
    %get3A_588 = vector.load %arg1[%get3A_586, %get3A_587] : memref<128x8192xf32, #tpu.memory_space<vmem>>, vector<128x64xf32>
    %get3A_589 = arith.constant 0 : index
    %get3A_590 = arith.constant 31 : index
    %get3A_591 = vector.load %arg3[%get3A_589, %get3A_590] : memref<128x64xf32, #tpu.memory_space<vmem>>, vector<128x1xf32>
    %gt3A_592 = arith.constant 5.000000e-01 : f32
    %gt3A_593 = vector.broadcast %gt3A_592 : f32 to vector<128x1xf32>
    %gt3A_594 = arith.cmpf ogt, %get3A_591, %gt3A_593 : vector<128x1xf32>
    %broadcast_in_dim3A_595 = vector.shape_cast %gt3A_594 : vector<128x1xi1> to vector<128x1xi1>
    %broadcast_in_dim3A_596 = vector.broadcast %broadcast_in_dim3A_595 : vector<128x1xi1> to vector<128x64xi1>
    %select_n3A_597 = arith.select %broadcast_in_dim3A_596, %get3A_588, %get3A_585 : vector<128x64xi1>, vector<128x64xf32>
    %convert_element_type3A_598 = arith.truncf %select_n3A_597 : vector<128x64xf32> to vector<128x64xbf16>
    %swap3A_599 = arith.constant 0 : index
    %swap3A_600 = arith.constant 1984 : index
    %swap3A_601 = vector.load %arg5[%swap3A_599, %swap3A_600] : memref<128x8192xbf16, #tpu.memory_space<vmem>>, vector<128x64xbf16>
    tpu.vector_store %arg5[%swap3A_599, %swap3A_600], %convert_element_type3A_598 {strides = array<i32>} : memref<128x8192xbf16, #tpu.memory_space<vmem>>, vector<128x64xbf16>,
    %get3A_602 = arith.constant 0 : index
    %get3A_603 = arith.constant 4096 : index
    %get3A_604 = vector.load %arg1[%get3A_602, %get3A_603] : memref<128x8192xf32, #tpu.memory_space<vmem>>, vector<128x64xf32>
    %get3A_605 = arith.constant 0 : index
    %get3A_606 = arith.constant 4160 : index
    %get3A_607 = vector.load %arg1[%get3A_605, %get3A_606] : memref<128x8192xf32, #tpu.memory_space<vmem>>, vector<128x64xf32>
    %get3A_608 = arith.constant 0 : index
    %get3A_609 = arith.constant 32 : index
    %get3A_610 = vector.load %arg3[%get3A_608, %get3A_609] : memref<128x64xf32, #tpu.memory_space<vmem>>, vector<128x1xf32>
    %gt3A_611 = arith.constant 5.000000e-01 : f32
    %gt3A_612 = vector.broadcast %gt3A_611 : f32 to vector<128x1xf32>
    %gt3A_613 = arith.cmpf ogt, %get3A_610, %gt3A_612 : vector<128x1xf32>
    %broadcast_in_dim3A_614 = vector.shape_cast %gt3A_613 : vector<128x1xi1> to vector<128x1xi1>
    %broadcast_in_dim3A_615 = vector.broadcast %broadcast_in_dim3A_614 : vector<128x1xi1> to vector<128x64xi1>
    %select_n3A_616 = arith.select %broadcast_in_dim3A_615, %get3A_607, %get3A_604 : vector<128x64xi1>, vector<128x64xf32>
    %convert_element_type3A_617 = arith.truncf %select_n3A_616 : vector<128x64xf32> to vector<128x64xbf16>
    %swap3A_618 = arith.constant 0 : index
    %swap3A_619 = arith.constant 2048 : index
    %swap3A_620 = vector.load %arg5[%swap3A_618, %swap3A_619] : memref<128x8192xbf16, #tpu.memory_space<vmem>>, vector<128x64xbf16>
    tpu.vector_store %arg5[%swap3A_618, %swap3A_619], %convert_element_type3A_617 {strides = array<i32>} : memref<128x8192xbf16, #tpu.memory_space<vmem>>, vector<128x64xbf16>,
    %get3A_621 = arith.constant 0 : index
    %get3A_622 = arith.constant 4224 : index
    %get3A_623 = vector.load %arg1[%get3A_621, %get3A_622] : memref<128x8192xf32, #tpu.memory_space<vmem>>, vector<128x64xf32>
    %get3A_624 = arith.constant 0 : index
    %get3A_625 = arith.constant 4288 : index
    %get3A_626 = vector.load %arg1[%get3A_624, %get3A_625] : memref<128x8192xf32, #tpu.memory_space<vmem>>, vector<128x64xf32>
    %get3A_627 = arith.constant 0 : index
    %get3A_628 = arith.constant 33 : index
    %get3A_629 = vector.load %arg3[%get3A_627, %get3A_628] : memref<128x64xf32, #tpu.memory_space<vmem>>, vector<128x1xf32>
    %gt3A_630 = arith.constant 5.000000e-01 : f32
    %gt3A_631 = vector.broadcast %gt3A_630 : f32 to vector<128x1xf32>
    %gt3A_632 = arith.cmpf ogt, %get3A_629, %gt3A_631 : vector<128x1xf32>
    %broadcast_in_dim3A_633 = vector.shape_cast %gt3A_632 : vector<128x1xi1> to vector<128x1xi1>
    %broadcast_in_dim3A_634 = vector.broadcast %broadcast_in_dim3A_633 : vector<128x1xi1> to vector<128x64xi1>
    %select_n3A_635 = arith.select %broadcast_in_dim3A_634, %get3A_626, %get3A_623 : vector<128x64xi1>, vector<128x64xf32>
    %convert_element_type3A_636 = arith.truncf %select_n3A_635 : vector<128x64xf32> to vector<128x64xbf16>
    %swap3A_637 = arith.constant 0 : index
    %swap3A_638 = arith.constant 2112 : index
    %swap3A_639 = vector.load %arg5[%swap3A_637, %swap3A_638] : memref<128x8192xbf16, #tpu.memory_space<vmem>>, vector<128x64xbf16>
    tpu.vector_store %arg5[%swap3A_637, %swap3A_638], %convert_element_type3A_636 {strides = array<i32>} : memref<128x8192xbf16, #tpu.memory_space<vmem>>, vector<128x64xbf16>,
    %get3A_640 = arith.constant 0 : index
    %get3A_641 = arith.constant 4352 : index
    %get3A_642 = vector.load %arg1[%get3A_640, %get3A_641] : memref<128x8192xf32, #tpu.memory_space<vmem>>, vector<128x64xf32>
    %get3A_643 = arith.constant 0 : index
    %get3A_644 = arith.constant 4416 : index
    %get3A_645 = vector.load %arg1[%get3A_643, %get3A_644] : memref<128x8192xf32, #tpu.memory_space<vmem>>, vector<128x64xf32>
    %get3A_646 = arith.constant 0 : index
    %get3A_647 = arith.constant 34 : index
    %get3A_648 = vector.load %arg3[%get3A_646, %get3A_647] : memref<128x64xf32, #tpu.memory_space<vmem>>, vector<128x1xf32>
    %gt3A_649 = arith.constant 5.000000e-01 : f32
    %gt3A_650 = vector.broadcast %gt3A_649 : f32 to vector<128x1xf32>
    %gt3A_651 = arith.cmpf ogt, %get3A_648, %gt3A_650 : vector<128x1xf32>
    %broadcast_in_dim3A_652 = vector.shape_cast %gt3A_651 : vector<128x1xi1> to vector<128x1xi1>
    %broadcast_in_dim3A_653 = vector.broadcast %broadcast_in_dim3A_652 : vector<128x1xi1> to vector<128x64xi1>
    %select_n3A_654 = arith.select %broadcast_in_dim3A_653, %get3A_645, %get3A_642 : vector<128x64xi1>, vector<128x64xf32>
    %convert_element_type3A_655 = arith.truncf %select_n3A_654 : vector<128x64xf32> to vector<128x64xbf16>
    %swap3A_656 = arith.constant 0 : index
    %swap3A_657 = arith.constant 2176 : index
    %swap3A_658 = vector.load %arg5[%swap3A_656, %swap3A_657] : memref<128x8192xbf16, #tpu.memory_space<vmem>>, vector<128x64xbf16>
    tpu.vector_store %arg5[%swap3A_656, %swap3A_657], %convert_element_type3A_655 {strides = array<i32>} : memref<128x8192xbf16, #tpu.memory_space<vmem>>, vector<128x64xbf16>,
    %get3A_659 = arith.constant 0 : index
    %get3A_660 = arith.constant 4480 : index
    %get3A_661 = vector.load %arg1[%get3A_659, %get3A_660] : memref<128x8192xf32, #tpu.memory_space<vmem>>, vector<128x64xf32>
    %get3A_662 = arith.constant 0 : index
    %get3A_663 = arith.constant 4544 : index
    %get3A_664 = vector.load %arg1[%get3A_662, %get3A_663] : memref<128x8192xf32, #tpu.memory_space<vmem>>, vector<128x64xf32>
    %get3A_665 = arith.constant 0 : index
    %get3A_666 = arith.constant 35 : index
    %get3A_667 = vector.load %arg3[%get3A_665, %get3A_666] : memref<128x64xf32, #tpu.memory_space<vmem>>, vector<128x1xf32>
    %gt3A_668 = arith.constant 5.000000e-01 : f32
    %gt3A_669 = vector.broadcast %gt3A_668 : f32 to vector<128x1xf32>
    %gt3A_670 = arith.cmpf ogt, %get3A_667, %gt3A_669 : vector<128x1xf32>
    %broadcast_in_dim3A_671 = vector.shape_cast %gt3A_670 : vector<128x1xi1> to vector<128x1xi1>
    %broadcast_in_dim3A_672 = vector.broadcast %broadcast_in_dim3A_671 : vector<128x1xi1> to vector<128x64xi1>
    %select_n3A_673 = arith.select %broadcast_in_dim3A_672, %get3A_664, %get3A_661 : vector<128x64xi1>, vector<128x64xf32>
    %convert_element_type3A_674 = arith.truncf %select_n3A_673 : vector<128x64xf32> to vector<128x64xbf16>
    %swap3A_675 = arith.constant 0 : index
    %swap3A_676 = arith.constant 2240 : index
    %swap3A_677 = vector.load %arg5[%swap3A_675, %swap3A_676] : memref<128x8192xbf16, #tpu.memory_space<vmem>>, vector<128x64xbf16>
    tpu.vector_store %arg5[%swap3A_675, %swap3A_676], %convert_element_type3A_674 {strides = array<i32>} : memref<128x8192xbf16, #tpu.memory_space<vmem>>, vector<128x64xbf16>,
    %get3A_678 = arith.constant 0 : index
    %get3A_679 = arith.constant 4608 : index
    %get3A_680 = vector.load %arg1[%get3A_678, %get3A_679] : memref<128x8192xf32, #tpu.memory_space<vmem>>, vector<128x64xf32>
    %get3A_681 = arith.constant 0 : index
    %get3A_682 = arith.constant 4672 : index
    %get3A_683 = vector.load %arg1[%get3A_681, %get3A_682] : memref<128x8192xf32, #tpu.memory_space<vmem>>, vector<128x64xf32>
    %get3A_684 = arith.constant 0 : index
    %get3A_685 = arith.constant 36 : index
    %get3A_686 = vector.load %arg3[%get3A_684, %get3A_685] : memref<128x64xf32, #tpu.memory_space<vmem>>, vector<128x1xf32>
    %gt3A_687 = arith.constant 5.000000e-01 : f32
    %gt3A_688 = vector.broadcast %gt3A_687 : f32 to vector<128x1xf32>
    %gt3A_689 = arith.cmpf ogt, %get3A_686, %gt3A_688 : vector<128x1xf32>
    %broadcast_in_dim3A_690 = vector.shape_cast %gt3A_689 : vector<128x1xi1> to vector<128x1xi1>
    %broadcast_in_dim3A_691 = vector.broadcast %broadcast_in_dim3A_690 : vector<128x1xi1> to vector<128x64xi1>
    %select_n3A_692 = arith.select %broadcast_in_dim3A_691, %get3A_683, %get3A_680 : vector<128x64xi1>, vector<128x64xf32>
    %convert_element_type3A_693 = arith.truncf %select_n3A_692 : vector<128x64xf32> to vector<128x64xbf16>
    %swap3A_694 = arith.constant 0 : index
    %swap3A_695 = arith.constant 2304 : index
    %swap3A_696 = vector.load %arg5[%swap3A_694, %swap3A_695] : memref<128x8192xbf16, #tpu.memory_space<vmem>>, vector<128x64xbf16>
    tpu.vector_store %arg5[%swap3A_694, %swap3A_695], %convert_element_type3A_693 {strides = array<i32>} : memref<128x8192xbf16, #tpu.memory_space<vmem>>, vector<128x64xbf16>,
    %get3A_697 = arith.constant 0 : index
    %get3A_698 = arith.constant 4736 : index
    %get3A_699 = vector.load %arg1[%get3A_697, %get3A_698] : memref<128x8192xf32, #tpu.memory_space<vmem>>, vector<128x64xf32>
    %get3A_700 = arith.constant 0 : index
    %get3A_701 = arith.constant 4800 : index
    %get3A_702 = vector.load %arg1[%get3A_700, %get3A_701] : memref<128x8192xf32, #tpu.memory_space<vmem>>, vector<128x64xf32>
    %get3A_703 = arith.constant 0 : index
    %get3A_704 = arith.constant 37 : index
    %get3A_705 = vector.load %arg3[%get3A_703, %get3A_704] : memref<128x64xf32, #tpu.memory_space<vmem>>, vector<128x1xf32>
    %gt3A_706 = arith.constant 5.000000e-01 : f32
    %gt3A_707 = vector.broadcast %gt3A_706 : f32 to vector<128x1xf32>
    %gt3A_708 = arith.cmpf ogt, %get3A_705, %gt3A_707 : vector<128x1xf32>
    %broadcast_in_dim3A_709 = vector.shape_cast %gt3A_708 : vector<128x1xi1> to vector<128x1xi1>
    %broadcast_in_dim3A_710 = vector.broadcast %broadcast_in_dim3A_709 : vector<128x1xi1> to vector<128x64xi1>
    %select_n3A_711 = arith.select %broadcast_in_dim3A_710, %get3A_702, %get3A_699 : vector<128x64xi1>, vector<128x64xf32>
    %convert_element_type3A_712 = arith.truncf %select_n3A_711 : vector<128x64xf32> to vector<128x64xbf16>
    %swap3A_713 = arith.constant 0 : index
    %swap3A_714 = arith.constant 2368 : index
    %swap3A_715 = vector.load %arg5[%swap3A_713, %swap3A_714] : memref<128x8192xbf16, #tpu.memory_space<vmem>>, vector<128x64xbf16>
    tpu.vector_store %arg5[%swap3A_713, %swap3A_714], %convert_element_type3A_712 {strides = array<i32>} : memref<128x8192xbf16, #tpu.memory_space<vmem>>, vector<128x64xbf16>,
    %get3A_716 = arith.constant 0 : index
    %get3A_717 = arith.constant 4864 : index
    %get3A_718 = vector.load %arg1[%get3A_716, %get3A_717] : memref<128x8192xf32, #tpu.memory_space<vmem>>, vector<128x64xf32>
    %get3A_719 = arith.constant 0 : index
    %get3A_720 = arith.constant 4928 : index
    %get3A_721 = vector.load %arg1[%get3A_719, %get3A_720] : memref<128x8192xf32, #tpu.memory_space<vmem>>, vector<128x64xf32>
    %get3A_722 = arith.constant 0 : index
    %get3A_723 = arith.constant 38 : index
    %get3A_724 = vector.load %arg3[%get3A_722, %get3A_723] : memref<128x64xf32, #tpu.memory_space<vmem>>, vector<128x1xf32>
    %gt3A_725 = arith.constant 5.000000e-01 : f32
    %gt3A_726 = vector.broadcast %gt3A_725 : f32 to vector<128x1xf32>
    %gt3A_727 = arith.cmpf ogt, %get3A_724, %gt3A_726 : vector<128x1xf32>
    %broadcast_in_dim3A_728 = vector.shape_cast %gt3A_727 : vector<128x1xi1> to vector<128x1xi1>
    %broadcast_in_dim3A_729 = vector.broadcast %broadcast_in_dim3A_728 : vector<128x1xi1> to vector<128x64xi1>
    %select_n3A_730 = arith.select %broadcast_in_dim3A_729, %get3A_721, %get3A_718 : vector<128x64xi1>, vector<128x64xf32>
    %convert_element_type3A_731 = arith.truncf %select_n3A_730 : vector<128x64xf32> to vector<128x64xbf16>
    %swap3A_732 = arith.constant 0 : index
    %swap3A_733 = arith.constant 2432 : index
    %swap3A_734 = vector.load %arg5[%swap3A_732, %swap3A_733] : memref<128x8192xbf16, #tpu.memory_space<vmem>>, vector<128x64xbf16>
    tpu.vector_store %arg5[%swap3A_732, %swap3A_733], %convert_element_type3A_731 {strides = array<i32>} : memref<128x8192xbf16, #tpu.memory_space<vmem>>, vector<128x64xbf16>,
    %get3A_735 = arith.constant 0 : index
    %get3A_736 = arith.constant 4992 : index
    %get3A_737 = vector.load %arg1[%get3A_735, %get3A_736] : memref<128x8192xf32, #tpu.memory_space<vmem>>, vector<128x64xf32>
    %get3A_738 = arith.constant 0 : index
    %get3A_739 = arith.constant 5056 : index
    %get3A_740 = vector.load %arg1[%get3A_738, %get3A_739] : memref<128x8192xf32, #tpu.memory_space<vmem>>, vector<128x64xf32>
    %get3A_741 = arith.constant 0 : index
    %get3A_742 = arith.constant 39 : index
    %get3A_743 = vector.load %arg3[%get3A_741, %get3A_742] : memref<128x64xf32, #tpu.memory_space<vmem>>, vector<128x1xf32>
    %gt3A_744 = arith.constant 5.000000e-01 : f32
    %gt3A_745 = vector.broadcast %gt3A_744 : f32 to vector<128x1xf32>
    %gt3A_746 = arith.cmpf ogt, %get3A_743, %gt3A_745 : vector<128x1xf32>
    %broadcast_in_dim3A_747 = vector.shape_cast %gt3A_746 : vector<128x1xi1> to vector<128x1xi1>
    %broadcast_in_dim3A_748 = vector.broadcast %broadcast_in_dim3A_747 : vector<128x1xi1> to vector<128x64xi1>
    %select_n3A_749 = arith.select %broadcast_in_dim3A_748, %get3A_740, %get3A_737 : vector<128x64xi1>, vector<128x64xf32>
    %convert_element_type3A_750 = arith.truncf %select_n3A_749 : vector<128x64xf32> to vector<128x64xbf16>
    %swap3A_751 = arith.constant 0 : index
    %swap3A_752 = arith.constant 2496 : index
    %swap3A_753 = vector.load %arg5[%swap3A_751, %swap3A_752] : memref<128x8192xbf16, #tpu.memory_space<vmem>>, vector<128x64xbf16>
    tpu.vector_store %arg5[%swap3A_751, %swap3A_752], %convert_element_type3A_750 {strides = array<i32>} : memref<128x8192xbf16, #tpu.memory_space<vmem>>, vector<128x64xbf16>,
    %get3A_754 = arith.constant 0 : index
    %get3A_755 = arith.constant 5120 : index
    %get3A_756 = vector.load %arg1[%get3A_754, %get3A_755] : memref<128x8192xf32, #tpu.memory_space<vmem>>, vector<128x64xf32>
    %get3A_757 = arith.constant 0 : index
    %get3A_758 = arith.constant 5184 : index
    %get3A_759 = vector.load %arg1[%get3A_757, %get3A_758] : memref<128x8192xf32, #tpu.memory_space<vmem>>, vector<128x64xf32>
    %get3A_760 = arith.constant 0 : index
    %get3A_761 = arith.constant 40 : index
    %get3A_762 = vector.load %arg3[%get3A_760, %get3A_761] : memref<128x64xf32, #tpu.memory_space<vmem>>, vector<128x1xf32>
    %gt3A_763 = arith.constant 5.000000e-01 : f32
    %gt3A_764 = vector.broadcast %gt3A_763 : f32 to vector<128x1xf32>
    %gt3A_765 = arith.cmpf ogt, %get3A_762, %gt3A_764 : vector<128x1xf32>
    %broadcast_in_dim3A_766 = vector.shape_cast %gt3A_765 : vector<128x1xi1> to vector<128x1xi1>
    %broadcast_in_dim3A_767 = vector.broadcast %broadcast_in_dim3A_766 : vector<128x1xi1> to vector<128x64xi1>
    %select_n3A_768 = arith.select %broadcast_in_dim3A_767, %get3A_759, %get3A_756 : vector<128x64xi1>, vector<128x64xf32>
    %convert_element_type3A_769 = arith.truncf %select_n3A_768 : vector<128x64xf32> to vector<128x64xbf16>
    %swap3A_770 = arith.constant 0 : index
    %swap3A_771 = arith.constant 2560 : index
    %swap3A_772 = vector.load %arg5[%swap3A_770, %swap3A_771] : memref<128x8192xbf16, #tpu.memory_space<vmem>>, vector<128x64xbf16>
    tpu.vector_store %arg5[%swap3A_770, %swap3A_771], %convert_element_type3A_769 {strides = array<i32>} : memref<128x8192xbf16, #tpu.memory_space<vmem>>, vector<128x64xbf16>,
    %get3A_773 = arith.constant 0 : index
    %get3A_774 = arith.constant 5248 : index
    %get3A_775 = vector.load %arg1[%get3A_773, %get3A_774] : memref<128x8192xf32, #tpu.memory_space<vmem>>, vector<128x64xf32>
    %get3A_776 = arith.constant 0 : index
    %get3A_777 = arith.constant 5312 : index
    %get3A_778 = vector.load %arg1[%get3A_776, %get3A_777] : memref<128x8192xf32, #tpu.memory_space<vmem>>, vector<128x64xf32>
    %get3A_779 = arith.constant 0 : index
    %get3A_780 = arith.constant 41 : index
    %get3A_781 = vector.load %arg3[%get3A_779, %get3A_780] : memref<128x64xf32, #tpu.memory_space<vmem>>, vector<128x1xf32>
    %gt3A_782 = arith.constant 5.000000e-01 : f32
    %gt3A_783 = vector.broadcast %gt3A_782 : f32 to vector<128x1xf32>
    %gt3A_784 = arith.cmpf ogt, %get3A_781, %gt3A_783 : vector<128x1xf32>
    %broadcast_in_dim3A_785 = vector.shape_cast %gt3A_784 : vector<128x1xi1> to vector<128x1xi1>
    %broadcast_in_dim3A_786 = vector.broadcast %broadcast_in_dim3A_785 : vector<128x1xi1> to vector<128x64xi1>
    %select_n3A_787 = arith.select %broadcast_in_dim3A_786, %get3A_778, %get3A_775 : vector<128x64xi1>, vector<128x64xf32>
    %convert_element_type3A_788 = arith.truncf %select_n3A_787 : vector<128x64xf32> to vector<128x64xbf16>
    %swap3A_789 = arith.constant 0 : index
    %swap3A_790 = arith.constant 2624 : index
    %swap3A_791 = vector.load %arg5[%swap3A_789, %swap3A_790] : memref<128x8192xbf16, #tpu.memory_space<vmem>>, vector<128x64xbf16>
    tpu.vector_store %arg5[%swap3A_789, %swap3A_790], %convert_element_type3A_788 {strides = array<i32>} : memref<128x8192xbf16, #tpu.memory_space<vmem>>, vector<128x64xbf16>,
    %get3A_792 = arith.constant 0 : index
    %get3A_793 = arith.constant 5376 : index
    %get3A_794 = vector.load %arg1[%get3A_792, %get3A_793] : memref<128x8192xf32, #tpu.memory_space<vmem>>, vector<128x64xf32>
    %get3A_795 = arith.constant 0 : index
    %get3A_796 = arith.constant 5440 : index
    %get3A_797 = vector.load %arg1[%get3A_795, %get3A_796] : memref<128x8192xf32, #tpu.memory_space<vmem>>, vector<128x64xf32>
    %get3A_798 = arith.constant 0 : index
    %get3A_799 = arith.constant 42 : index
    %get3A_800 = vector.load %arg3[%get3A_798, %get3A_799] : memref<128x64xf32, #tpu.memory_space<vmem>>, vector<128x1xf32>
    %gt3A_801 = arith.constant 5.000000e-01 : f32
    %gt3A_802 = vector.broadcast %gt3A_801 : f32 to vector<128x1xf32>
    %gt3A_803 = arith.cmpf ogt, %get3A_800, %gt3A_802 : vector<128x1xf32>
    %broadcast_in_dim3A_804 = vector.shape_cast %gt3A_803 : vector<128x1xi1> to vector<128x1xi1>
    %broadcast_in_dim3A_805 = vector.broadcast %broadcast_in_dim3A_804 : vector<128x1xi1> to vector<128x64xi1>
    %select_n3A_806 = arith.select %broadcast_in_dim3A_805, %get3A_797, %get3A_794 : vector<128x64xi1>, vector<128x64xf32>
    %convert_element_type3A_807 = arith.truncf %select_n3A_806 : vector<128x64xf32> to vector<128x64xbf16>
    %swap3A_808 = arith.constant 0 : index
    %swap3A_809 = arith.constant 2688 : index
    %swap3A_810 = vector.load %arg5[%swap3A_808, %swap3A_809] : memref<128x8192xbf16, #tpu.memory_space<vmem>>, vector<128x64xbf16>
    tpu.vector_store %arg5[%swap3A_808, %swap3A_809], %convert_element_type3A_807 {strides = array<i32>} : memref<128x8192xbf16, #tpu.memory_space<vmem>>, vector<128x64xbf16>,
    %get3A_811 = arith.constant 0 : index
    %get3A_812 = arith.constant 5504 : index
    %get3A_813 = vector.load %arg1[%get3A_811, %get3A_812] : memref<128x8192xf32, #tpu.memory_space<vmem>>, vector<128x64xf32>
    %get3A_814 = arith.constant 0 : index
    %get3A_815 = arith.constant 5568 : index
    %get3A_816 = vector.load %arg1[%get3A_814, %get3A_815] : memref<128x8192xf32, #tpu.memory_space<vmem>>, vector<128x64xf32>
    %get3A_817 = arith.constant 0 : index
    %get3A_818 = arith.constant 43 : index
    %get3A_819 = vector.load %arg3[%get3A_817, %get3A_818] : memref<128x64xf32, #tpu.memory_space<vmem>>, vector<128x1xf32>
    %gt3A_820 = arith.constant 5.000000e-01 : f32
    %gt3A_821 = vector.broadcast %gt3A_820 : f32 to vector<128x1xf32>
    %gt3A_822 = arith.cmpf ogt, %get3A_819, %gt3A_821 : vector<128x1xf32>
    %broadcast_in_dim3A_823 = vector.shape_cast %gt3A_822 : vector<128x1xi1> to vector<128x1xi1>
    %broadcast_in_dim3A_824 = vector.broadcast %broadcast_in_dim3A_823 : vector<128x1xi1> to vector<128x64xi1>
    %select_n3A_825 = arith.select %broadcast_in_dim3A_824, %get3A_816, %get3A_813 : vector<128x64xi1>, vector<128x64xf32>
    %convert_element_type3A_826 = arith.truncf %select_n3A_825 : vector<128x64xf32> to vector<128x64xbf16>
    %swap3A_827 = arith.constant 0 : index
    %swap3A_828 = arith.constant 2752 : index
    %swap3A_829 = vector.load %arg5[%swap3A_827, %swap3A_828] : memref<128x8192xbf16, #tpu.memory_space<vmem>>, vector<128x64xbf16>
    tpu.vector_store %arg5[%swap3A_827, %swap3A_828], %convert_element_type3A_826 {strides = array<i32>} : memref<128x8192xbf16, #tpu.memory_space<vmem>>, vector<128x64xbf16>,
    %get3A_830 = arith.constant 0 : index
    %get3A_831 = arith.constant 5632 : index
    %get3A_832 = vector.load %arg1[%get3A_830, %get3A_831] : memref<128x8192xf32, #tpu.memory_space<vmem>>, vector<128x64xf32>
    %get3A_833 = arith.constant 0 : index
    %get3A_834 = arith.constant 5696 : index
    %get3A_835 = vector.load %arg1[%get3A_833, %get3A_834] : memref<128x8192xf32, #tpu.memory_space<vmem>>, vector<128x64xf32>
    %get3A_836 = arith.constant 0 : index
    %get3A_837 = arith.constant 44 : index
    %get3A_838 = vector.load %arg3[%get3A_836, %get3A_837] : memref<128x64xf32, #tpu.memory_space<vmem>>, vector<128x1xf32>
    %gt3A_839 = arith.constant 5.000000e-01 : f32
    %gt3A_840 = vector.broadcast %gt3A_839 : f32 to vector<128x1xf32>
    %gt3A_841 = arith.cmpf ogt, %get3A_838, %gt3A_840 : vector<128x1xf32>
    %broadcast_in_dim3A_842 = vector.shape_cast %gt3A_841 : vector<128x1xi1> to vector<128x1xi1>
    %broadcast_in_dim3A_843 = vector.broadcast %broadcast_in_dim3A_842 : vector<128x1xi1> to vector<128x64xi1>
    %select_n3A_844 = arith.select %broadcast_in_dim3A_843, %get3A_835, %get3A_832 : vector<128x64xi1>, vector<128x64xf32>
    %convert_element_type3A_845 = arith.truncf %select_n3A_844 : vector<128x64xf32> to vector<128x64xbf16>
    %swap3A_846 = arith.constant 0 : index
    %swap3A_847 = arith.constant 2816 : index
    %swap3A_848 = vector.load %arg5[%swap3A_846, %swap3A_847] : memref<128x8192xbf16, #tpu.memory_space<vmem>>, vector<128x64xbf16>
    tpu.vector_store %arg5[%swap3A_846, %swap3A_847], %convert_element_type3A_845 {strides = array<i32>} : memref<128x8192xbf16, #tpu.memory_space<vmem>>, vector<128x64xbf16>,
    %get3A_849 = arith.constant 0 : index
    %get3A_850 = arith.constant 5760 : index
    %get3A_851 = vector.load %arg1[%get3A_849, %get3A_850] : memref<128x8192xf32, #tpu.memory_space<vmem>>, vector<128x64xf32>
    %get3A_852 = arith.constant 0 : index
    %get3A_853 = arith.constant 5824 : index
    %get3A_854 = vector.load %arg1[%get3A_852, %get3A_853] : memref<128x8192xf32, #tpu.memory_space<vmem>>, vector<128x64xf32>
    %get3A_855 = arith.constant 0 : index
    %get3A_856 = arith.constant 45 : index
    %get3A_857 = vector.load %arg3[%get3A_855, %get3A_856] : memref<128x64xf32, #tpu.memory_space<vmem>>, vector<128x1xf32>
    %gt3A_858 = arith.constant 5.000000e-01 : f32
    %gt3A_859 = vector.broadcast %gt3A_858 : f32 to vector<128x1xf32>
    %gt3A_860 = arith.cmpf ogt, %get3A_857, %gt3A_859 : vector<128x1xf32>
    %broadcast_in_dim3A_861 = vector.shape_cast %gt3A_860 : vector<128x1xi1> to vector<128x1xi1>
    %broadcast_in_dim3A_862 = vector.broadcast %broadcast_in_dim3A_861 : vector<128x1xi1> to vector<128x64xi1>
    %select_n3A_863 = arith.select %broadcast_in_dim3A_862, %get3A_854, %get3A_851 : vector<128x64xi1>, vector<128x64xf32>
    %convert_element_type3A_864 = arith.truncf %select_n3A_863 : vector<128x64xf32> to vector<128x64xbf16>
    %swap3A_865 = arith.constant 0 : index
    %swap3A_866 = arith.constant 2880 : index
    %swap3A_867 = vector.load %arg5[%swap3A_865, %swap3A_866] : memref<128x8192xbf16, #tpu.memory_space<vmem>>, vector<128x64xbf16>
    tpu.vector_store %arg5[%swap3A_865, %swap3A_866], %convert_element_type3A_864 {strides = array<i32>} : memref<128x8192xbf16, #tpu.memory_space<vmem>>, vector<128x64xbf16>,
    %get3A_868 = arith.constant 0 : index
    %get3A_869 = arith.constant 5888 : index
    %get3A_870 = vector.load %arg1[%get3A_868, %get3A_869] : memref<128x8192xf32, #tpu.memory_space<vmem>>, vector<128x64xf32>
    %get3A_871 = arith.constant 0 : index
    %get3A_872 = arith.constant 5952 : index
    %get3A_873 = vector.load %arg1[%get3A_871, %get3A_872] : memref<128x8192xf32, #tpu.memory_space<vmem>>, vector<128x64xf32>
    %get3A_874 = arith.constant 0 : index
    %get3A_875 = arith.constant 46 : index
    %get3A_876 = vector.load %arg3[%get3A_874, %get3A_875] : memref<128x64xf32, #tpu.memory_space<vmem>>, vector<128x1xf32>
    %gt3A_877 = arith.constant 5.000000e-01 : f32
    %gt3A_878 = vector.broadcast %gt3A_877 : f32 to vector<128x1xf32>
    %gt3A_879 = arith.cmpf ogt, %get3A_876, %gt3A_878 : vector<128x1xf32>
    %broadcast_in_dim3A_880 = vector.shape_cast %gt3A_879 : vector<128x1xi1> to vector<128x1xi1>
    %broadcast_in_dim3A_881 = vector.broadcast %broadcast_in_dim3A_880 : vector<128x1xi1> to vector<128x64xi1>
    %select_n3A_882 = arith.select %broadcast_in_dim3A_881, %get3A_873, %get3A_870 : vector<128x64xi1>, vector<128x64xf32>
    %convert_element_type3A_883 = arith.truncf %select_n3A_882 : vector<128x64xf32> to vector<128x64xbf16>
    %swap3A_884 = arith.constant 0 : index
    %swap3A_885 = arith.constant 2944 : index
    %swap3A_886 = vector.load %arg5[%swap3A_884, %swap3A_885] : memref<128x8192xbf16, #tpu.memory_space<vmem>>, vector<128x64xbf16>
    tpu.vector_store %arg5[%swap3A_884, %swap3A_885], %convert_element_type3A_883 {strides = array<i32>} : memref<128x8192xbf16, #tpu.memory_space<vmem>>, vector<128x64xbf16>,
    %get3A_887 = arith.constant 0 : index
    %get3A_888 = arith.constant 6016 : index
    %get3A_889 = vector.load %arg1[%get3A_887, %get3A_888] : memref<128x8192xf32, #tpu.memory_space<vmem>>, vector<128x64xf32>
    %get3A_890 = arith.constant 0 : index
    %get3A_891 = arith.constant 6080 : index
    %get3A_892 = vector.load %arg1[%get3A_890, %get3A_891] : memref<128x8192xf32, #tpu.memory_space<vmem>>, vector<128x64xf32>
    %get3A_893 = arith.constant 0 : index
    %get3A_894 = arith.constant 47 : index
    %get3A_895 = vector.load %arg3[%get3A_893, %get3A_894] : memref<128x64xf32, #tpu.memory_space<vmem>>, vector<128x1xf32>
    %gt3A_896 = arith.constant 5.000000e-01 : f32
    %gt3A_897 = vector.broadcast %gt3A_896 : f32 to vector<128x1xf32>
    %gt3A_898 = arith.cmpf ogt, %get3A_895, %gt3A_897 : vector<128x1xf32>
    %broadcast_in_dim3A_899 = vector.shape_cast %gt3A_898 : vector<128x1xi1> to vector<128x1xi1>
    %broadcast_in_dim3A_900 = vector.broadcast %broadcast_in_dim3A_899 : vector<128x1xi1> to vector<128x64xi1>
    %select_n3A_901 = arith.select %broadcast_in_dim3A_900, %get3A_892, %get3A_889 : vector<128x64xi1>, vector<128x64xf32>
    %convert_element_type3A_902 = arith.truncf %select_n3A_901 : vector<128x64xf32> to vector<128x64xbf16>
    %swap3A_903 = arith.constant 0 : index
    %swap3A_904 = arith.constant 3008 : index
    %swap3A_905 = vector.load %arg5[%swap3A_903, %swap3A_904] : memref<128x8192xbf16, #tpu.memory_space<vmem>>, vector<128x64xbf16>
    tpu.vector_store %arg5[%swap3A_903, %swap3A_904], %convert_element_type3A_902 {strides = array<i32>} : memref<128x8192xbf16, #tpu.memory_space<vmem>>, vector<128x64xbf16>,
    %get3A_906 = arith.constant 0 : index
    %get3A_907 = arith.constant 6144 : index
    %get3A_908 = vector.load %arg1[%get3A_906, %get3A_907] : memref<128x8192xf32, #tpu.memory_space<vmem>>, vector<128x64xf32>
    %get3A_909 = arith.constant 0 : index
    %get3A_910 = arith.constant 6208 : index
    %get3A_911 = vector.load %arg1[%get3A_909, %get3A_910] : memref<128x8192xf32, #tpu.memory_space<vmem>>, vector<128x64xf32>
    %get3A_912 = arith.constant 0 : index
    %get3A_913 = arith.constant 48 : index
    %get3A_914 = vector.load %arg3[%get3A_912, %get3A_913] : memref<128x64xf32, #tpu.memory_space<vmem>>, vector<128x1xf32>
    %gt3A_915 = arith.constant 5.000000e-01 : f32
    %gt3A_916 = vector.broadcast %gt3A_915 : f32 to vector<128x1xf32>
    %gt3A_917 = arith.cmpf ogt, %get3A_914, %gt3A_916 : vector<128x1xf32>
    %broadcast_in_dim3A_918 = vector.shape_cast %gt3A_917 : vector<128x1xi1> to vector<128x1xi1>
    %broadcast_in_dim3A_919 = vector.broadcast %broadcast_in_dim3A_918 : vector<128x1xi1> to vector<128x64xi1>
    %select_n3A_920 = arith.select %broadcast_in_dim3A_919, %get3A_911, %get3A_908 : vector<128x64xi1>, vector<128x64xf32>
    %convert_element_type3A_921 = arith.truncf %select_n3A_920 : vector<128x64xf32> to vector<128x64xbf16>
    %swap3A_922 = arith.constant 0 : index
    %swap3A_923 = arith.constant 3072 : index
    %swap3A_924 = vector.load %arg5[%swap3A_922, %swap3A_923] : memref<128x8192xbf16, #tpu.memory_space<vmem>>, vector<128x64xbf16>
    tpu.vector_store %arg5[%swap3A_922, %swap3A_923], %convert_element_type3A_921 {strides = array<i32>} : memref<128x8192xbf16, #tpu.memory_space<vmem>>, vector<128x64xbf16>,
    %get3A_925 = arith.constant 0 : index
    %get3A_926 = arith.constant 6272 : index
    %get3A_927 = vector.load %arg1[%get3A_925, %get3A_926] : memref<128x8192xf32, #tpu.memory_space<vmem>>, vector<128x64xf32>
    %get3A_928 = arith.constant 0 : index
    %get3A_929 = arith.constant 6336 : index
    %get3A_930 = vector.load %arg1[%get3A_928, %get3A_929] : memref<128x8192xf32, #tpu.memory_space<vmem>>, vector<128x64xf32>
    %get3A_931 = arith.constant 0 : index
    %get3A_932 = arith.constant 49 : index
    %get3A_933 = vector.load %arg3[%get3A_931, %get3A_932] : memref<128x64xf32, #tpu.memory_space<vmem>>, vector<128x1xf32>
    %gt3A_934 = arith.constant 5.000000e-01 : f32
    %gt3A_935 = vector.broadcast %gt3A_934 : f32 to vector<128x1xf32>
    %gt3A_936 = arith.cmpf ogt, %get3A_933, %gt3A_935 : vector<128x1xf32>
    %broadcast_in_dim3A_937 = vector.shape_cast %gt3A_936 : vector<128x1xi1> to vector<128x1xi1>
    %broadcast_in_dim3A_938 = vector.broadcast %broadcast_in_dim3A_937 : vector<128x1xi1> to vector<128x64xi1>
    %select_n3A_939 = arith.select %broadcast_in_dim3A_938, %get3A_930, %get3A_927 : vector<128x64xi1>, vector<128x64xf32>
    %convert_element_type3A_940 = arith.truncf %select_n3A_939 : vector<128x64xf32> to vector<128x64xbf16>
    %swap3A_941 = arith.constant 0 : index
    %swap3A_942 = arith.constant 3136 : index
    %swap3A_943 = vector.load %arg5[%swap3A_941, %swap3A_942] : memref<128x8192xbf16, #tpu.memory_space<vmem>>, vector<128x64xbf16>
    tpu.vector_store %arg5[%swap3A_941, %swap3A_942], %convert_element_type3A_940 {strides = array<i32>} : memref<128x8192xbf16, #tpu.memory_space<vmem>>, vector<128x64xbf16>,
    %get3A_944 = arith.constant 0 : index
    %get3A_945 = arith.constant 6400 : index
    %get3A_946 = vector.load %arg1[%get3A_944, %get3A_945] : memref<128x8192xf32, #tpu.memory_space<vmem>>, vector<128x64xf32>
    %get3A_947 = arith.constant 0 : index
    %get3A_948 = arith.constant 6464 : index
    %get3A_949 = vector.load %arg1[%get3A_947, %get3A_948] : memref<128x8192xf32, #tpu.memory_space<vmem>>, vector<128x64xf32>
    %get3A_950 = arith.constant 0 : index
    %get3A_951 = arith.constant 50 : index
    %get3A_952 = vector.load %arg3[%get3A_950, %get3A_951] : memref<128x64xf32, #tpu.memory_space<vmem>>, vector<128x1xf32>
    %gt3A_953 = arith.constant 5.000000e-01 : f32
    %gt3A_954 = vector.broadcast %gt3A_953 : f32 to vector<128x1xf32>
    %gt3A_955 = arith.cmpf ogt, %get3A_952, %gt3A_954 : vector<128x1xf32>
    %broadcast_in_dim3A_956 = vector.shape_cast %gt3A_955 : vector<128x1xi1> to vector<128x1xi1>
    %broadcast_in_dim3A_957 = vector.broadcast %broadcast_in_dim3A_956 : vector<128x1xi1> to vector<128x64xi1>
    %select_n3A_958 = arith.select %broadcast_in_dim3A_957, %get3A_949, %get3A_946 : vector<128x64xi1>, vector<128x64xf32>
    %convert_element_type3A_959 = arith.truncf %select_n3A_958 : vector<128x64xf32> to vector<128x64xbf16>
    %swap3A_960 = arith.constant 0 : index
    %swap3A_961 = arith.constant 3200 : index
    %swap3A_962 = vector.load %arg5[%swap3A_960, %swap3A_961] : memref<128x8192xbf16, #tpu.memory_space<vmem>>, vector<128x64xbf16>
    tpu.vector_store %arg5[%swap3A_960, %swap3A_961], %convert_element_type3A_959 {strides = array<i32>} : memref<128x8192xbf16, #tpu.memory_space<vmem>>, vector<128x64xbf16>,
    %get3A_963 = arith.constant 0 : index
    %get3A_964 = arith.constant 6528 : index
    %get3A_965 = vector.load %arg1[%get3A_963, %get3A_964] : memref<128x8192xf32, #tpu.memory_space<vmem>>, vector<128x64xf32>
    %get3A_966 = arith.constant 0 : index
    %get3A_967 = arith.constant 6592 : index
    %get3A_968 = vector.load %arg1[%get3A_966, %get3A_967] : memref<128x8192xf32, #tpu.memory_space<vmem>>, vector<128x64xf32>
    %get3A_969 = arith.constant 0 : index
    %get3A_970 = arith.constant 51 : index
    %get3A_971 = vector.load %arg3[%get3A_969, %get3A_970] : memref<128x64xf32, #tpu.memory_space<vmem>>, vector<128x1xf32>
    %gt3A_972 = arith.constant 5.000000e-01 : f32
    %gt3A_973 = vector.broadcast %gt3A_972 : f32 to vector<128x1xf32>
    %gt3A_974 = arith.cmpf ogt, %get3A_971, %gt3A_973 : vector<128x1xf32>
    %broadcast_in_dim3A_975 = vector.shape_cast %gt3A_974 : vector<128x1xi1> to vector<128x1xi1>
    %broadcast_in_dim3A_976 = vector.broadcast %broadcast_in_dim3A_975 : vector<128x1xi1> to vector<128x64xi1>
    %select_n3A_977 = arith.select %broadcast_in_dim3A_976, %get3A_968, %get3A_965 : vector<128x64xi1>, vector<128x64xf32>
    %convert_element_type3A_978 = arith.truncf %select_n3A_977 : vector<128x64xf32> to vector<128x64xbf16>
    %swap3A_979 = arith.constant 0 : index
    %swap3A_980 = arith.constant 3264 : index
    %swap3A_981 = vector.load %arg5[%swap3A_979, %swap3A_980] : memref<128x8192xbf16, #tpu.memory_space<vmem>>, vector<128x64xbf16>
    tpu.vector_store %arg5[%swap3A_979, %swap3A_980], %convert_element_type3A_978 {strides = array<i32>} : memref<128x8192xbf16, #tpu.memory_space<vmem>>, vector<128x64xbf16>,
    %get3A_982 = arith.constant 0 : index
    %get3A_983 = arith.constant 6656 : index
    %get3A_984 = vector.load %arg1[%get3A_982, %get3A_983] : memref<128x8192xf32, #tpu.memory_space<vmem>>, vector<128x64xf32>
    %get3A_985 = arith.constant 0 : index
    %get3A_986 = arith.constant 6720 : index
    %get3A_987 = vector.load %arg1[%get3A_985, %get3A_986] : memref<128x8192xf32, #tpu.memory_space<vmem>>, vector<128x64xf32>
    %get3A_988 = arith.constant 0 : index
    %get3A_989 = arith.constant 52 : index
    %get3A_990 = vector.load %arg3[%get3A_988, %get3A_989] : memref<128x64xf32, #tpu.memory_space<vmem>>, vector<128x1xf32>
    %gt3A_991 = arith.constant 5.000000e-01 : f32
    %gt3A_992 = vector.broadcast %gt3A_991 : f32 to vector<128x1xf32>
    %gt3A_993 = arith.cmpf ogt, %get3A_990, %gt3A_992 : vector<128x1xf32>
    %broadcast_in_dim3A_994 = vector.shape_cast %gt3A_993 : vector<128x1xi1> to vector<128x1xi1>
    %broadcast_in_dim3A_995 = vector.broadcast %broadcast_in_dim3A_994 : vector<128x1xi1> to vector<128x64xi1>
    %select_n3A_996 = arith.select %broadcast_in_dim3A_995, %get3A_987, %get3A_984 : vector<128x64xi1>, vector<128x64xf32>
    %convert_element_type3A_997 = arith.truncf %select_n3A_996 : vector<128x64xf32> to vector<128x64xbf16>
    %swap3A_998 = arith.constant 0 : index
    %swap3A_999 = arith.constant 3328 : index
    %swap3A_1000 = vector.load %arg5[%swap3A_998, %swap3A_999] : memref<128x8192xbf16, #tpu.memory_space<vmem>>, vector<128x64xbf16>
    tpu.vector_store %arg5[%swap3A_998, %swap3A_999], %convert_element_type3A_997 {strides = array<i32>} : memref<128x8192xbf16, #tpu.memory_space<vmem>>, vector<128x64xbf16>,
    %get3A_1001 = arith.constant 0 : index
    %get3A_1002 = arith.constant 6784 : index
    %get3A_1003 = vector.load %arg1[%get3A_1001, %get3A_1002] : memref<128x8192xf32, #tpu.memory_space<vmem>>, vector<128x64xf32>
    %get3A_1004 = arith.constant 0 : index
    %get3A_1005 = arith.constant 6848 : index
    %get3A_1006 = vector.load %arg1[%get3A_1004, %get3A_1005] : memref<128x8192xf32, #tpu.memory_space<vmem>>, vector<128x64xf32>
    %get3A_1007 = arith.constant 0 : index
    %get3A_1008 = arith.constant 53 : index
    %get3A_1009 = vector.load %arg3[%get3A_1007, %get3A_1008] : memref<128x64xf32, #tpu.memory_space<vmem>>, vector<128x1xf32>
    %gt3A_1010 = arith.constant 5.000000e-01 : f32
    %gt3A_1011 = vector.broadcast %gt3A_1010 : f32 to vector<128x1xf32>
    %gt3A_1012 = arith.cmpf ogt, %get3A_1009, %gt3A_1011 : vector<128x1xf32>
    %broadcast_in_dim3A_1013 = vector.shape_cast %gt3A_1012 : vector<128x1xi1> to vector<128x1xi1>
    %broadcast_in_dim3A_1014 = vector.broadcast %broadcast_in_dim3A_1013 : vector<128x1xi1> to vector<128x64xi1>
    %select_n3A_1015 = arith.select %broadcast_in_dim3A_1014, %get3A_1006, %get3A_1003 : vector<128x64xi1>, vector<128x64xf32>
    %convert_element_type3A_1016 = arith.truncf %select_n3A_1015 : vector<128x64xf32> to vector<128x64xbf16>
    %swap3A_1017 = arith.constant 0 : index
    %swap3A_1018 = arith.constant 3392 : index
    %swap3A_1019 = vector.load %arg5[%swap3A_1017, %swap3A_1018] : memref<128x8192xbf16, #tpu.memory_space<vmem>>, vector<128x64xbf16>
    tpu.vector_store %arg5[%swap3A_1017, %swap3A_1018], %convert_element_type3A_1016 {strides = array<i32>} : memref<128x8192xbf16, #tpu.memory_space<vmem>>, vector<128x64xbf16>,
    %get3A_1020 = arith.constant 0 : index
    %get3A_1021 = arith.constant 6912 : index
    %get3A_1022 = vector.load %arg1[%get3A_1020, %get3A_1021] : memref<128x8192xf32, #tpu.memory_space<vmem>>, vector<128x64xf32>
    %get3A_1023 = arith.constant 0 : index
    %get3A_1024 = arith.constant 6976 : index
    %get3A_1025 = vector.load %arg1[%get3A_1023, %get3A_1024] : memref<128x8192xf32, #tpu.memory_space<vmem>>, vector<128x64xf32>
    %get3A_1026 = arith.constant 0 : index
    %get3A_1027 = arith.constant 54 : index
    %get3A_1028 = vector.load %arg3[%get3A_1026, %get3A_1027] : memref<128x64xf32, #tpu.memory_space<vmem>>, vector<128x1xf32>
    %gt3A_1029 = arith.constant 5.000000e-01 : f32
    %gt3A_1030 = vector.broadcast %gt3A_1029 : f32 to vector<128x1xf32>
    %gt3A_1031 = arith.cmpf ogt, %get3A_1028, %gt3A_1030 : vector<128x1xf32>
    %broadcast_in_dim3A_1032 = vector.shape_cast %gt3A_1031 : vector<128x1xi1> to vector<128x1xi1>
    %broadcast_in_dim3A_1033 = vector.broadcast %broadcast_in_dim3A_1032 : vector<128x1xi1> to vector<128x64xi1>
    %select_n3A_1034 = arith.select %broadcast_in_dim3A_1033, %get3A_1025, %get3A_1022 : vector<128x64xi1>, vector<128x64xf32>
    %convert_element_type3A_1035 = arith.truncf %select_n3A_1034 : vector<128x64xf32> to vector<128x64xbf16>
    %swap3A_1036 = arith.constant 0 : index
    %swap3A_1037 = arith.constant 3456 : index
    %swap3A_1038 = vector.load %arg5[%swap3A_1036, %swap3A_1037] : memref<128x8192xbf16, #tpu.memory_space<vmem>>, vector<128x64xbf16>
    tpu.vector_store %arg5[%swap3A_1036, %swap3A_1037], %convert_element_type3A_1035 {strides = array<i32>} : memref<128x8192xbf16, #tpu.memory_space<vmem>>, vector<128x64xbf16>,
    %get3A_1039 = arith.constant 0 : index
    %get3A_1040 = arith.constant 7040 : index
    %get3A_1041 = vector.load %arg1[%get3A_1039, %get3A_1040] : memref<128x8192xf32, #tpu.memory_space<vmem>>, vector<128x64xf32>
    %get3A_1042 = arith.constant 0 : index
    %get3A_1043 = arith.constant 7104 : index
    %get3A_1044 = vector.load %arg1[%get3A_1042, %get3A_1043] : memref<128x8192xf32, #tpu.memory_space<vmem>>, vector<128x64xf32>
    %get3A_1045 = arith.constant 0 : index
    %get3A_1046 = arith.constant 55 : index
    %get3A_1047 = vector.load %arg3[%get3A_1045, %get3A_1046] : memref<128x64xf32, #tpu.memory_space<vmem>>, vector<128x1xf32>
    %gt3A_1048 = arith.constant 5.000000e-01 : f32
    %gt3A_1049 = vector.broadcast %gt3A_1048 : f32 to vector<128x1xf32>
    %gt3A_1050 = arith.cmpf ogt, %get3A_1047, %gt3A_1049 : vector<128x1xf32>
    %broadcast_in_dim3A_1051 = vector.shape_cast %gt3A_1050 : vector<128x1xi1> to vector<128x1xi1>
    %broadcast_in_dim3A_1052 = vector.broadcast %broadcast_in_dim3A_1051 : vector<128x1xi1> to vector<128x64xi1>
    %select_n3A_1053 = arith.select %broadcast_in_dim3A_1052, %get3A_1044, %get3A_1041 : vector<128x64xi1>, vector<128x64xf32>
    %convert_element_type3A_1054 = arith.truncf %select_n3A_1053 : vector<128x64xf32> to vector<128x64xbf16>
    %swap3A_1055 = arith.constant 0 : index
    %swap3A_1056 = arith.constant 3520 : index
    %swap3A_1057 = vector.load %arg5[%swap3A_1055, %swap3A_1056] : memref<128x8192xbf16, #tpu.memory_space<vmem>>, vector<128x64xbf16>
    tpu.vector_store %arg5[%swap3A_1055, %swap3A_1056], %convert_element_type3A_1054 {strides = array<i32>} : memref<128x8192xbf16, #tpu.memory_space<vmem>>, vector<128x64xbf16>,
    %get3A_1058 = arith.constant 0 : index
    %get3A_1059 = arith.constant 7168 : index
    %get3A_1060 = vector.load %arg1[%get3A_1058, %get3A_1059] : memref<128x8192xf32, #tpu.memory_space<vmem>>, vector<128x64xf32>
    %get3A_1061 = arith.constant 0 : index
    %get3A_1062 = arith.constant 7232 : index
    %get3A_1063 = vector.load %arg1[%get3A_1061, %get3A_1062] : memref<128x8192xf32, #tpu.memory_space<vmem>>, vector<128x64xf32>
    %get3A_1064 = arith.constant 0 : index
    %get3A_1065 = arith.constant 56 : index
    %get3A_1066 = vector.load %arg3[%get3A_1064, %get3A_1065] : memref<128x64xf32, #tpu.memory_space<vmem>>, vector<128x1xf32>
    %gt3A_1067 = arith.constant 5.000000e-01 : f32
    %gt3A_1068 = vector.broadcast %gt3A_1067 : f32 to vector<128x1xf32>
    %gt3A_1069 = arith.cmpf ogt, %get3A_1066, %gt3A_1068 : vector<128x1xf32>
    %broadcast_in_dim3A_1070 = vector.shape_cast %gt3A_1069 : vector<128x1xi1> to vector<128x1xi1>
    %broadcast_in_dim3A_1071 = vector.broadcast %broadcast_in_dim3A_1070 : vector<128x1xi1> to vector<128x64xi1>
    %select_n3A_1072 = arith.select %broadcast_in_dim3A_1071, %get3A_1063, %get3A_1060 : vector<128x64xi1>, vector<128x64xf32>
    %convert_element_type3A_1073 = arith.truncf %select_n3A_1072 : vector<128x64xf32> to vector<128x64xbf16>
    %swap3A_1074 = arith.constant 0 : index
    %swap3A_1075 = arith.constant 3584 : index
    %swap3A_1076 = vector.load %arg5[%swap3A_1074, %swap3A_1075] : memref<128x8192xbf16, #tpu.memory_space<vmem>>, vector<128x64xbf16>
    tpu.vector_store %arg5[%swap3A_1074, %swap3A_1075], %convert_element_type3A_1073 {strides = array<i32>} : memref<128x8192xbf16, #tpu.memory_space<vmem>>, vector<128x64xbf16>,
    %get3A_1077 = arith.constant 0 : index
    %get3A_1078 = arith.constant 7296 : index
    %get3A_1079 = vector.load %arg1[%get3A_1077, %get3A_1078] : memref<128x8192xf32, #tpu.memory_space<vmem>>, vector<128x64xf32>
    %get3A_1080 = arith.constant 0 : index
    %get3A_1081 = arith.constant 7360 : index
    %get3A_1082 = vector.load %arg1[%get3A_1080, %get3A_1081] : memref<128x8192xf32, #tpu.memory_space<vmem>>, vector<128x64xf32>
    %get3A_1083 = arith.constant 0 : index
    %get3A_1084 = arith.constant 57 : index
    %get3A_1085 = vector.load %arg3[%get3A_1083, %get3A_1084] : memref<128x64xf32, #tpu.memory_space<vmem>>, vector<128x1xf32>
    %gt3A_1086 = arith.constant 5.000000e-01 : f32
    %gt3A_1087 = vector.broadcast %gt3A_1086 : f32 to vector<128x1xf32>
    %gt3A_1088 = arith.cmpf ogt, %get3A_1085, %gt3A_1087 : vector<128x1xf32>
    %broadcast_in_dim3A_1089 = vector.shape_cast %gt3A_1088 : vector<128x1xi1> to vector<128x1xi1>
    %broadcast_in_dim3A_1090 = vector.broadcast %broadcast_in_dim3A_1089 : vector<128x1xi1> to vector<128x64xi1>
    %select_n3A_1091 = arith.select %broadcast_in_dim3A_1090, %get3A_1082, %get3A_1079 : vector<128x64xi1>, vector<128x64xf32>
    %convert_element_type3A_1092 = arith.truncf %select_n3A_1091 : vector<128x64xf32> to vector<128x64xbf16>
    %swap3A_1093 = arith.constant 0 : index
    %swap3A_1094 = arith.constant 3648 : index
    %swap3A_1095 = vector.load %arg5[%swap3A_1093, %swap3A_1094] : memref<128x8192xbf16, #tpu.memory_space<vmem>>, vector<128x64xbf16>
    tpu.vector_store %arg5[%swap3A_1093, %swap3A_1094], %convert_element_type3A_1092 {strides = array<i32>} : memref<128x8192xbf16, #tpu.memory_space<vmem>>, vector<128x64xbf16>,
    %get3A_1096 = arith.constant 0 : index
    %get3A_1097 = arith.constant 7424 : index
    %get3A_1098 = vector.load %arg1[%get3A_1096, %get3A_1097] : memref<128x8192xf32, #tpu.memory_space<vmem>>, vector<128x64xf32>
    %get3A_1099 = arith.constant 0 : index
    %get3A_1100 = arith.constant 7488 : index
    %get3A_1101 = vector.load %arg1[%get3A_1099, %get3A_1100] : memref<128x8192xf32, #tpu.memory_space<vmem>>, vector<128x64xf32>
    %get3A_1102 = arith.constant 0 : index
    %get3A_1103 = arith.constant 58 : index
    %get3A_1104 = vector.load %arg3[%get3A_1102, %get3A_1103] : memref<128x64xf32, #tpu.memory_space<vmem>>, vector<128x1xf32>
    %gt3A_1105 = arith.constant 5.000000e-01 : f32
    %gt3A_1106 = vector.broadcast %gt3A_1105 : f32 to vector<128x1xf32>
    %gt3A_1107 = arith.cmpf ogt, %get3A_1104, %gt3A_1106 : vector<128x1xf32>
    %broadcast_in_dim3A_1108 = vector.shape_cast %gt3A_1107 : vector<128x1xi1> to vector<128x1xi1>
    %broadcast_in_dim3A_1109 = vector.broadcast %broadcast_in_dim3A_1108 : vector<128x1xi1> to vector<128x64xi1>
    %select_n3A_1110 = arith.select %broadcast_in_dim3A_1109, %get3A_1101, %get3A_1098 : vector<128x64xi1>, vector<128x64xf32>
    %convert_element_type3A_1111 = arith.truncf %select_n3A_1110 : vector<128x64xf32> to vector<128x64xbf16>
    %swap3A_1112 = arith.constant 0 : index
    %swap3A_1113 = arith.constant 3712 : index
    %swap3A_1114 = vector.load %arg5[%swap3A_1112, %swap3A_1113] : memref<128x8192xbf16, #tpu.memory_space<vmem>>, vector<128x64xbf16>
    tpu.vector_store %arg5[%swap3A_1112, %swap3A_1113], %convert_element_type3A_1111 {strides = array<i32>} : memref<128x8192xbf16, #tpu.memory_space<vmem>>, vector<128x64xbf16>,
    %get3A_1115 = arith.constant 0 : index
    %get3A_1116 = arith.constant 7552 : index
    %get3A_1117 = vector.load %arg1[%get3A_1115, %get3A_1116] : memref<128x8192xf32, #tpu.memory_space<vmem>>, vector<128x64xf32>
    %get3A_1118 = arith.constant 0 : index
    %get3A_1119 = arith.constant 7616 : index
    %get3A_1120 = vector.load %arg1[%get3A_1118, %get3A_1119] : memref<128x8192xf32, #tpu.memory_space<vmem>>, vector<128x64xf32>
    %get3A_1121 = arith.constant 0 : index
    %get3A_1122 = arith.constant 59 : index
    %get3A_1123 = vector.load %arg3[%get3A_1121, %get3A_1122] : memref<128x64xf32, #tpu.memory_space<vmem>>, vector<128x1xf32>
    %gt3A_1124 = arith.constant 5.000000e-01 : f32
    %gt3A_1125 = vector.broadcast %gt3A_1124 : f32 to vector<128x1xf32>
    %gt3A_1126 = arith.cmpf ogt, %get3A_1123, %gt3A_1125 : vector<128x1xf32>
    %broadcast_in_dim3A_1127 = vector.shape_cast %gt3A_1126 : vector<128x1xi1> to vector<128x1xi1>
    %broadcast_in_dim3A_1128 = vector.broadcast %broadcast_in_dim3A_1127 : vector<128x1xi1> to vector<128x64xi1>
    %select_n3A_1129 = arith.select %broadcast_in_dim3A_1128, %get3A_1120, %get3A_1117 : vector<128x64xi1>, vector<128x64xf32>
    %convert_element_type3A_1130 = arith.truncf %select_n3A_1129 : vector<128x64xf32> to vector<128x64xbf16>
    %swap3A_1131 = arith.constant 0 : index
    %swap3A_1132 = arith.constant 3776 : index
    %swap3A_1133 = vector.load %arg5[%swap3A_1131, %swap3A_1132] : memref<128x8192xbf16, #tpu.memory_space<vmem>>, vector<128x64xbf16>
    tpu.vector_store %arg5[%swap3A_1131, %swap3A_1132], %convert_element_type3A_1130 {strides = array<i32>} : memref<128x8192xbf16, #tpu.memory_space<vmem>>, vector<128x64xbf16>,
    %get3A_1134 = arith.constant 0 : index
    %get3A_1135 = arith.constant 7680 : index
    %get3A_1136 = vector.load %arg1[%get3A_1134, %get3A_1135] : memref<128x8192xf32, #tpu.memory_space<vmem>>, vector<128x64xf32>
    %get3A_1137 = arith.constant 0 : index
    %get3A_1138 = arith.constant 7744 : index
    %get3A_1139 = vector.load %arg1[%get3A_1137, %get3A_1138] : memref<128x8192xf32, #tpu.memory_space<vmem>>, vector<128x64xf32>
    %get3A_1140 = arith.constant 0 : index
    %get3A_1141 = arith.constant 60 : index
    %get3A_1142 = vector.load %arg3[%get3A_1140, %get3A_1141] : memref<128x64xf32, #tpu.memory_space<vmem>>, vector<128x1xf32>
    %gt3A_1143 = arith.constant 5.000000e-01 : f32
    %gt3A_1144 = vector.broadcast %gt3A_1143 : f32 to vector<128x1xf32>
    %gt3A_1145 = arith.cmpf ogt, %get3A_1142, %gt3A_1144 : vector<128x1xf32>
    %broadcast_in_dim3A_1146 = vector.shape_cast %gt3A_1145 : vector<128x1xi1> to vector<128x1xi1>
    %broadcast_in_dim3A_1147 = vector.broadcast %broadcast_in_dim3A_1146 : vector<128x1xi1> to vector<128x64xi1>
    %select_n3A_1148 = arith.select %broadcast_in_dim3A_1147, %get3A_1139, %get3A_1136 : vector<128x64xi1>, vector<128x64xf32>
    %convert_element_type3A_1149 = arith.truncf %select_n3A_1148 : vector<128x64xf32> to vector<128x64xbf16>
    %swap3A_1150 = arith.constant 0 : index
    %swap3A_1151 = arith.constant 3840 : index
    %swap3A_1152 = vector.load %arg5[%swap3A_1150, %swap3A_1151] : memref<128x8192xbf16, #tpu.memory_space<vmem>>, vector<128x64xbf16>
    tpu.vector_store %arg5[%swap3A_1150, %swap3A_1151], %convert_element_type3A_1149 {strides = array<i32>} : memref<128x8192xbf16, #tpu.memory_space<vmem>>, vector<128x64xbf16>,
    %get3A_1153 = arith.constant 0 : index
    %get3A_1154 = arith.constant 7808 : index
    %get3A_1155 = vector.load %arg1[%get3A_1153, %get3A_1154] : memref<128x8192xf32, #tpu.memory_space<vmem>>, vector<128x64xf32>
    %get3A_1156 = arith.constant 0 : index
    %get3A_1157 = arith.constant 7872 : index
    %get3A_1158 = vector.load %arg1[%get3A_1156, %get3A_1157] : memref<128x8192xf32, #tpu.memory_space<vmem>>, vector<128x64xf32>
    %get3A_1159 = arith.constant 0 : index
    %get3A_1160 = arith.constant 61 : index
    %get3A_1161 = vector.load %arg3[%get3A_1159, %get3A_1160] : memref<128x64xf32, #tpu.memory_space<vmem>>, vector<128x1xf32>
    %gt3A_1162 = arith.constant 5.000000e-01 : f32
    %gt3A_1163 = vector.broadcast %gt3A_1162 : f32 to vector<128x1xf32>
    %gt3A_1164 = arith.cmpf ogt, %get3A_1161, %gt3A_1163 : vector<128x1xf32>
    %broadcast_in_dim3A_1165 = vector.shape_cast %gt3A_1164 : vector<128x1xi1> to vector<128x1xi1>
    %broadcast_in_dim3A_1166 = vector.broadcast %broadcast_in_dim3A_1165 : vector<128x1xi1> to vector<128x64xi1>
    %select_n3A_1167 = arith.select %broadcast_in_dim3A_1166, %get3A_1158, %get3A_1155 : vector<128x64xi1>, vector<128x64xf32>
    %convert_element_type3A_1168 = arith.truncf %select_n3A_1167 : vector<128x64xf32> to vector<128x64xbf16>
    %swap3A_1169 = arith.constant 0 : index
    %swap3A_1170 = arith.constant 3904 : index
    %swap3A_1171 = vector.load %arg5[%swap3A_1169, %swap3A_1170] : memref<128x8192xbf16, #tpu.memory_space<vmem>>, vector<128x64xbf16>
    tpu.vector_store %arg5[%swap3A_1169, %swap3A_1170], %convert_element_type3A_1168 {strides = array<i32>} : memref<128x8192xbf16, #tpu.memory_space<vmem>>, vector<128x64xbf16>,
    %get3A_1172 = arith.constant 0 : index
    %get3A_1173 = arith.constant 7936 : index
    %get3A_1174 = vector.load %arg1[%get3A_1172, %get3A_1173] : memref<128x8192xf32, #tpu.memory_space<vmem>>, vector<128x64xf32>
    %get3A_1175 = arith.constant 0 : index
    %get3A_1176 = arith.constant 8000 : index
    %get3A_1177 = vector.load %arg1[%get3A_1175, %get3A_1176] : memref<128x8192xf32, #tpu.memory_space<vmem>>, vector<128x64xf32>
    %get3A_1178 = arith.constant 0 : index
    %get3A_1179 = arith.constant 62 : index
    %get3A_1180 = vector.load %arg3[%get3A_1178, %get3A_1179] : memref<128x64xf32, #tpu.memory_space<vmem>>, vector<128x1xf32>
    %gt3A_1181 = arith.constant 5.000000e-01 : f32
    %gt3A_1182 = vector.broadcast %gt3A_1181 : f32 to vector<128x1xf32>
    %gt3A_1183 = arith.cmpf ogt, %get3A_1180, %gt3A_1182 : vector<128x1xf32>
    %broadcast_in_dim3A_1184 = vector.shape_cast %gt3A_1183 : vector<128x1xi1> to vector<128x1xi1>
    %broadcast_in_dim3A_1185 = vector.broadcast %broadcast_in_dim3A_1184 : vector<128x1xi1> to vector<128x64xi1>
    %select_n3A_1186 = arith.select %broadcast_in_dim3A_1185, %get3A_1177, %get3A_1174 : vector<128x64xi1>, vector<128x64xf32>
    %convert_element_type3A_1187 = arith.truncf %select_n3A_1186 : vector<128x64xf32> to vector<128x64xbf16>
    %swap3A_1188 = arith.constant 0 : index
    %swap3A_1189 = arith.constant 3968 : index
    %swap3A_1190 = vector.load %arg5[%swap3A_1188, %swap3A_1189] : memref<128x8192xbf16, #tpu.memory_space<vmem>>, vector<128x64xbf16>
    tpu.vector_store %arg5[%swap3A_1188, %swap3A_1189], %convert_element_type3A_1187 {strides = array<i32>} : memref<128x8192xbf16, #tpu.memory_space<vmem>>, vector<128x64xbf16>,
    %get3A_1191 = arith.constant 0 : index
    %get3A_1192 = arith.constant 8064 : index
    %get3A_1193 = vector.load %arg1[%get3A_1191, %get3A_1192] : memref<128x8192xf32, #tpu.memory_space<vmem>>, vector<128x64xf32>
    %get3A_1194 = arith.constant 0 : index
    %get3A_1195 = arith.constant 8128 : index
    %get3A_1196 = vector.load %arg1[%get3A_1194, %get3A_1195] : memref<128x8192xf32, #tpu.memory_space<vmem>>, vector<128x64xf32>
    %get3A_1197 = arith.constant 0 : index
    %get3A_1198 = arith.constant 63 : index
    %get3A_1199 = vector.load %arg3[%get3A_1197, %get3A_1198] : memref<128x64xf32, #tpu.memory_space<vmem>>, vector<128x1xf32>
    %gt3A_1200 = arith.constant 5.000000e-01 : f32
    %gt3A_1201 = vector.broadcast %gt3A_1200 : f32 to vector<128x1xf32>
    %gt3A_1202 = arith.cmpf ogt, %get3A_1199, %gt3A_1201 : vector<128x1xf32>
    %broadcast_in_dim3A_1203 = vector.shape_cast %gt3A_1202 : vector<128x1xi1> to vector<128x1xi1>
    %broadcast_in_dim3A_1204 = vector.broadcast %broadcast_in_dim3A_1203 : vector<128x1xi1> to vector<128x64xi1>
    %select_n3A_1205 = arith.select %broadcast_in_dim3A_1204, %get3A_1196, %get3A_1193 : vector<128x64xi1>, vector<128x64xf32>
    %convert_element_type3A_1206 = arith.truncf %select_n3A_1205 : vector<128x64xf32> to vector<128x64xbf16>
    %swap3A_1207 = arith.constant 0 : index
    %swap3A_1208 = arith.constant 4032 : index
    %swap3A_1209 = vector.load %arg5[%swap3A_1207, %swap3A_1208] : memref<128x8192xbf16, #tpu.memory_space<vmem>>, vector<128x64xbf16>
    tpu.vector_store %arg5[%swap3A_1207, %swap3A_1208], %convert_element_type3A_1206 {strides = array<i32>} : memref<128x8192xbf16, #tpu.memory_space<vmem>>, vector<128x64xbf16>,
    %get3A_1210 = arith.constant 0 : index
    %get3A_1211 = arith.constant 0 : index
    %get3A_1212 = vector.load %arg2[%get3A_1210, %get3A_1211] : memref<128x8192xf32, #tpu.memory_space<vmem>>, vector<128x64xf32>
    %get3A_1213 = arith.constant 0 : index
    %get3A_1214 = arith.constant 64 : index
    %get3A_1215 = vector.load %arg2[%get3A_1213, %get3A_1214] : memref<128x8192xf32, #tpu.memory_space<vmem>>, vector<128x64xf32>
    %get3A_1216 = arith.constant 0 : index
    %get3A_1217 = arith.constant 0 : index
    %get3A_1218 = vector.load %arg4[%get3A_1216, %get3A_1217] : memref<128x64xf32, #tpu.memory_space<vmem>>, vector<128x1xf32>
    %gt3A_1219 = arith.constant 5.000000e-01 : f32
    %gt3A_1220 = vector.broadcast %gt3A_1219 : f32 to vector<128x1xf32>
    %gt3A_1221 = arith.cmpf ogt, %get3A_1218, %gt3A_1220 : vector<128x1xf32>
    %broadcast_in_dim3A_1222 = vector.shape_cast %gt3A_1221 : vector<128x1xi1> to vector<128x1xi1>
    %broadcast_in_dim3A_1223 = vector.broadcast %broadcast_in_dim3A_1222 : vector<128x1xi1> to vector<128x64xi1>
    %select_n3A_1224 = arith.select %broadcast_in_dim3A_1223, %get3A_1215, %get3A_1212 : vector<128x64xi1>, vector<128x64xf32>
    %convert_element_type3A_1225 = arith.truncf %select_n3A_1224 : vector<128x64xf32> to vector<128x64xbf16>
    %swap3A_1226 = arith.constant 0 : index
    %swap3A_1227 = arith.constant 4096 : index
    %swap3A_1228 = vector.load %arg5[%swap3A_1226, %swap3A_1227] : memref<128x8192xbf16, #tpu.memory_space<vmem>>, vector<128x64xbf16>
    tpu.vector_store %arg5[%swap3A_1226, %swap3A_1227], %convert_element_type3A_1225 {strides = array<i32>} : memref<128x8192xbf16, #tpu.memory_space<vmem>>, vector<128x64xbf16>,
    %get3A_1229 = arith.constant 0 : index
    %get3A_1230 = arith.constant 128 : index
    %get3A_1231 = vector.load %arg2[%get3A_1229, %get3A_1230] : memref<128x8192xf32, #tpu.memory_space<vmem>>, vector<128x64xf32>
    %get3A_1232 = arith.constant 0 : index
    %get3A_1233 = arith.constant 192 : index
    %get3A_1234 = vector.load %arg2[%get3A_1232, %get3A_1233] : memref<128x8192xf32, #tpu.memory_space<vmem>>, vector<128x64xf32>
    %get3A_1235 = arith.constant 0 : index
    %get3A_1236 = arith.constant 1 : index
    %get3A_1237 = vector.load %arg4[%get3A_1235, %get3A_1236] : memref<128x64xf32, #tpu.memory_space<vmem>>, vector<128x1xf32>
    %gt3A_1238 = arith.constant 5.000000e-01 : f32
    %gt3A_1239 = vector.broadcast %gt3A_1238 : f32 to vector<128x1xf32>
    %gt3A_1240 = arith.cmpf ogt, %get3A_1237, %gt3A_1239 : vector<128x1xf32>
    %broadcast_in_dim3A_1241 = vector.shape_cast %gt3A_1240 : vector<128x1xi1> to vector<128x1xi1>
    %broadcast_in_dim3A_1242 = vector.broadcast %broadcast_in_dim3A_1241 : vector<128x1xi1> to vector<128x64xi1>
    %select_n3A_1243 = arith.select %broadcast_in_dim3A_1242, %get3A_1234, %get3A_1231 : vector<128x64xi1>, vector<128x64xf32>
    %convert_element_type3A_1244 = arith.truncf %select_n3A_1243 : vector<128x64xf32> to vector<128x64xbf16>
    %swap3A_1245 = arith.constant 0 : index
    %swap3A_1246 = arith.constant 4160 : index
    %swap3A_1247 = vector.load %arg5[%swap3A_1245, %swap3A_1246] : memref<128x8192xbf16, #tpu.memory_space<vmem>>, vector<128x64xbf16>
    tpu.vector_store %arg5[%swap3A_1245, %swap3A_1246], %convert_element_type3A_1244 {strides = array<i32>} : memref<128x8192xbf16, #tpu.memory_space<vmem>>, vector<128x64xbf16>,
    %get3A_1248 = arith.constant 0 : index
    %get3A_1249 = arith.constant 256 : index
    %get3A_1250 = vector.load %arg2[%get3A_1248, %get3A_1249] : memref<128x8192xf32, #tpu.memory_space<vmem>>, vector<128x64xf32>
    %get3A_1251 = arith.constant 0 : index
    %get3A_1252 = arith.constant 320 : index
    %get3A_1253 = vector.load %arg2[%get3A_1251, %get3A_1252] : memref<128x8192xf32, #tpu.memory_space<vmem>>, vector<128x64xf32>
    %get3A_1254 = arith.constant 0 : index
    %get3A_1255 = arith.constant 2 : index
    %get3A_1256 = vector.load %arg4[%get3A_1254, %get3A_1255] : memref<128x64xf32, #tpu.memory_space<vmem>>, vector<128x1xf32>
    %gt3A_1257 = arith.constant 5.000000e-01 : f32
    %gt3A_1258 = vector.broadcast %gt3A_1257 : f32 to vector<128x1xf32>
    %gt3A_1259 = arith.cmpf ogt, %get3A_1256, %gt3A_1258 : vector<128x1xf32>
    %broadcast_in_dim3A_1260 = vector.shape_cast %gt3A_1259 : vector<128x1xi1> to vector<128x1xi1>
    %broadcast_in_dim3A_1261 = vector.broadcast %broadcast_in_dim3A_1260 : vector<128x1xi1> to vector<128x64xi1>
    %select_n3A_1262 = arith.select %broadcast_in_dim3A_1261, %get3A_1253, %get3A_1250 : vector<128x64xi1>, vector<128x64xf32>
    %convert_element_type3A_1263 = arith.truncf %select_n3A_1262 : vector<128x64xf32> to vector<128x64xbf16>
    %swap3A_1264 = arith.constant 0 : index
    %swap3A_1265 = arith.constant 4224 : index
    %swap3A_1266 = vector.load %arg5[%swap3A_1264, %swap3A_1265] : memref<128x8192xbf16, #tpu.memory_space<vmem>>, vector<128x64xbf16>
    tpu.vector_store %arg5[%swap3A_1264, %swap3A_1265], %convert_element_type3A_1263 {strides = array<i32>} : memref<128x8192xbf16, #tpu.memory_space<vmem>>, vector<128x64xbf16>,
    %get3A_1267 = arith.constant 0 : index
    %get3A_1268 = arith.constant 384 : index
    %get3A_1269 = vector.load %arg2[%get3A_1267, %get3A_1268] : memref<128x8192xf32, #tpu.memory_space<vmem>>, vector<128x64xf32>
    %get3A_1270 = arith.constant 0 : index
    %get3A_1271 = arith.constant 448 : index
    %get3A_1272 = vector.load %arg2[%get3A_1270, %get3A_1271] : memref<128x8192xf32, #tpu.memory_space<vmem>>, vector<128x64xf32>
    %get3A_1273 = arith.constant 0 : index
    %get3A_1274 = arith.constant 3 : index
    %get3A_1275 = vector.load %arg4[%get3A_1273, %get3A_1274] : memref<128x64xf32, #tpu.memory_space<vmem>>, vector<128x1xf32>
    %gt3A_1276 = arith.constant 5.000000e-01 : f32
    %gt3A_1277 = vector.broadcast %gt3A_1276 : f32 to vector<128x1xf32>
    %gt3A_1278 = arith.cmpf ogt, %get3A_1275, %gt3A_1277 : vector<128x1xf32>
    %broadcast_in_dim3A_1279 = vector.shape_cast %gt3A_1278 : vector<128x1xi1> to vector<128x1xi1>
    %broadcast_in_dim3A_1280 = vector.broadcast %broadcast_in_dim3A_1279 : vector<128x1xi1> to vector<128x64xi1>
    %select_n3A_1281 = arith.select %broadcast_in_dim3A_1280, %get3A_1272, %get3A_1269 : vector<128x64xi1>, vector<128x64xf32>
    %convert_element_type3A_1282 = arith.truncf %select_n3A_1281 : vector<128x64xf32> to vector<128x64xbf16>
    %swap3A_1283 = arith.constant 0 : index
    %swap3A_1284 = arith.constant 4288 : index
    %swap3A_1285 = vector.load %arg5[%swap3A_1283, %swap3A_1284] : memref<128x8192xbf16, #tpu.memory_space<vmem>>, vector<128x64xbf16>
    tpu.vector_store %arg5[%swap3A_1283, %swap3A_1284], %convert_element_type3A_1282 {strides = array<i32>} : memref<128x8192xbf16, #tpu.memory_space<vmem>>, vector<128x64xbf16>,
    %get3A_1286 = arith.constant 0 : index
    %get3A_1287 = arith.constant 512 : index
    %get3A_1288 = vector.load %arg2[%get3A_1286, %get3A_1287] : memref<128x8192xf32, #tpu.memory_space<vmem>>, vector<128x64xf32>
    %get3A_1289 = arith.constant 0 : index
    %get3A_1290 = arith.constant 576 : index
    %get3A_1291 = vector.load %arg2[%get3A_1289, %get3A_1290] : memref<128x8192xf32, #tpu.memory_space<vmem>>, vector<128x64xf32>
    %get3A_1292 = arith.constant 0 : index
    %get3A_1293 = arith.constant 4 : index
    %get3A_1294 = vector.load %arg4[%get3A_1292, %get3A_1293] : memref<128x64xf32, #tpu.memory_space<vmem>>, vector<128x1xf32>
    %gt3A_1295 = arith.constant 5.000000e-01 : f32
    %gt3A_1296 = vector.broadcast %gt3A_1295 : f32 to vector<128x1xf32>
    %gt3A_1297 = arith.cmpf ogt, %get3A_1294, %gt3A_1296 : vector<128x1xf32>
    %broadcast_in_dim3A_1298 = vector.shape_cast %gt3A_1297 : vector<128x1xi1> to vector<128x1xi1>
    %broadcast_in_dim3A_1299 = vector.broadcast %broadcast_in_dim3A_1298 : vector<128x1xi1> to vector<128x64xi1>
    %select_n3A_1300 = arith.select %broadcast_in_dim3A_1299, %get3A_1291, %get3A_1288 : vector<128x64xi1>, vector<128x64xf32>
    %convert_element_type3A_1301 = arith.truncf %select_n3A_1300 : vector<128x64xf32> to vector<128x64xbf16>
    %swap3A_1302 = arith.constant 0 : index
    %swap3A_1303 = arith.constant 4352 : index
    %swap3A_1304 = vector.load %arg5[%swap3A_1302, %swap3A_1303] : memref<128x8192xbf16, #tpu.memory_space<vmem>>, vector<128x64xbf16>
    tpu.vector_store %arg5[%swap3A_1302, %swap3A_1303], %convert_element_type3A_1301 {strides = array<i32>} : memref<128x8192xbf16, #tpu.memory_space<vmem>>, vector<128x64xbf16>,
    %get3A_1305 = arith.constant 0 : index
    %get3A_1306 = arith.constant 640 : index
    %get3A_1307 = vector.load %arg2[%get3A_1305, %get3A_1306] : memref<128x8192xf32, #tpu.memory_space<vmem>>, vector<128x64xf32>
    %get3A_1308 = arith.constant 0 : index
    %get3A_1309 = arith.constant 704 : index
    %get3A_1310 = vector.load %arg2[%get3A_1308, %get3A_1309] : memref<128x8192xf32, #tpu.memory_space<vmem>>, vector<128x64xf32>
    %get3A_1311 = arith.constant 0 : index
    %get3A_1312 = arith.constant 5 : index
    %get3A_1313 = vector.load %arg4[%get3A_1311, %get3A_1312] : memref<128x64xf32, #tpu.memory_space<vmem>>, vector<128x1xf32>
    %gt3A_1314 = arith.constant 5.000000e-01 : f32
    %gt3A_1315 = vector.broadcast %gt3A_1314 : f32 to vector<128x1xf32>
    %gt3A_1316 = arith.cmpf ogt, %get3A_1313, %gt3A_1315 : vector<128x1xf32>
    %broadcast_in_dim3A_1317 = vector.shape_cast %gt3A_1316 : vector<128x1xi1> to vector<128x1xi1>
    %broadcast_in_dim3A_1318 = vector.broadcast %broadcast_in_dim3A_1317 : vector<128x1xi1> to vector<128x64xi1>
    %select_n3A_1319 = arith.select %broadcast_in_dim3A_1318, %get3A_1310, %get3A_1307 : vector<128x64xi1>, vector<128x64xf32>
    %convert_element_type3A_1320 = arith.truncf %select_n3A_1319 : vector<128x64xf32> to vector<128x64xbf16>
    %swap3A_1321 = arith.constant 0 : index
    %swap3A_1322 = arith.constant 4416 : index
    %swap3A_1323 = vector.load %arg5[%swap3A_1321, %swap3A_1322] : memref<128x8192xbf16, #tpu.memory_space<vmem>>, vector<128x64xbf16>
    tpu.vector_store %arg5[%swap3A_1321, %swap3A_1322], %convert_element_type3A_1320 {strides = array<i32>} : memref<128x8192xbf16, #tpu.memory_space<vmem>>, vector<128x64xbf16>,
    %get3A_1324 = arith.constant 0 : index
    %get3A_1325 = arith.constant 768 : index
    %get3A_1326 = vector.load %arg2[%get3A_1324, %get3A_1325] : memref<128x8192xf32, #tpu.memory_space<vmem>>, vector<128x64xf32>
    %get3A_1327 = arith.constant 0 : index
    %get3A_1328 = arith.constant 832 : index
    %get3A_1329 = vector.load %arg2[%get3A_1327, %get3A_1328] : memref<128x8192xf32, #tpu.memory_space<vmem>>, vector<128x64xf32>
    %get3A_1330 = arith.constant 0 : index
    %get3A_1331 = arith.constant 6 : index
    %get3A_1332 = vector.load %arg4[%get3A_1330, %get3A_1331] : memref<128x64xf32, #tpu.memory_space<vmem>>, vector<128x1xf32>
    %gt3A_1333 = arith.constant 5.000000e-01 : f32
    %gt3A_1334 = vector.broadcast %gt3A_1333 : f32 to vector<128x1xf32>
    %gt3A_1335 = arith.cmpf ogt, %get3A_1332, %gt3A_1334 : vector<128x1xf32>
    %broadcast_in_dim3A_1336 = vector.shape_cast %gt3A_1335 : vector<128x1xi1> to vector<128x1xi1>
    %broadcast_in_dim3A_1337 = vector.broadcast %broadcast_in_dim3A_1336 : vector<128x1xi1> to vector<128x64xi1>
    %select_n3A_1338 = arith.select %broadcast_in_dim3A_1337, %get3A_1329, %get3A_1326 : vector<128x64xi1>, vector<128x64xf32>
    %convert_element_type3A_1339 = arith.truncf %select_n3A_1338 : vector<128x64xf32> to vector<128x64xbf16>
    %swap3A_1340 = arith.constant 0 : index
    %swap3A_1341 = arith.constant 4480 : index
    %swap3A_1342 = vector.load %arg5[%swap3A_1340, %swap3A_1341] : memref<128x8192xbf16, #tpu.memory_space<vmem>>, vector<128x64xbf16>
    tpu.vector_store %arg5[%swap3A_1340, %swap3A_1341], %convert_element_type3A_1339 {strides = array<i32>} : memref<128x8192xbf16, #tpu.memory_space<vmem>>, vector<128x64xbf16>,
    %get3A_1343 = arith.constant 0 : index
    %get3A_1344 = arith.constant 896 : index
    %get3A_1345 = vector.load %arg2[%get3A_1343, %get3A_1344] : memref<128x8192xf32, #tpu.memory_space<vmem>>, vector<128x64xf32>
    %get3A_1346 = arith.constant 0 : index
    %get3A_1347 = arith.constant 960 : index
    %get3A_1348 = vector.load %arg2[%get3A_1346, %get3A_1347] : memref<128x8192xf32, #tpu.memory_space<vmem>>, vector<128x64xf32>
    %get3A_1349 = arith.constant 0 : index
    %get3A_1350 = arith.constant 7 : index
    %get3A_1351 = vector.load %arg4[%get3A_1349, %get3A_1350] : memref<128x64xf32, #tpu.memory_space<vmem>>, vector<128x1xf32>
    %gt3A_1352 = arith.constant 5.000000e-01 : f32
    %gt3A_1353 = vector.broadcast %gt3A_1352 : f32 to vector<128x1xf32>
    %gt3A_1354 = arith.cmpf ogt, %get3A_1351, %gt3A_1353 : vector<128x1xf32>
    %broadcast_in_dim3A_1355 = vector.shape_cast %gt3A_1354 : vector<128x1xi1> to vector<128x1xi1>
    %broadcast_in_dim3A_1356 = vector.broadcast %broadcast_in_dim3A_1355 : vector<128x1xi1> to vector<128x64xi1>
    %select_n3A_1357 = arith.select %broadcast_in_dim3A_1356, %get3A_1348, %get3A_1345 : vector<128x64xi1>, vector<128x64xf32>
    %convert_element_type3A_1358 = arith.truncf %select_n3A_1357 : vector<128x64xf32> to vector<128x64xbf16>
    %swap3A_1359 = arith.constant 0 : index
    %swap3A_1360 = arith.constant 4544 : index
    %swap3A_1361 = vector.load %arg5[%swap3A_1359, %swap3A_1360] : memref<128x8192xbf16, #tpu.memory_space<vmem>>, vector<128x64xbf16>
    tpu.vector_store %arg5[%swap3A_1359, %swap3A_1360], %convert_element_type3A_1358 {strides = array<i32>} : memref<128x8192xbf16, #tpu.memory_space<vmem>>, vector<128x64xbf16>,
    %get3A_1362 = arith.constant 0 : index
    %get3A_1363 = arith.constant 1024 : index
    %get3A_1364 = vector.load %arg2[%get3A_1362, %get3A_1363] : memref<128x8192xf32, #tpu.memory_space<vmem>>, vector<128x64xf32>
    %get3A_1365 = arith.constant 0 : index
    %get3A_1366 = arith.constant 1088 : index
    %get3A_1367 = vector.load %arg2[%get3A_1365, %get3A_1366] : memref<128x8192xf32, #tpu.memory_space<vmem>>, vector<128x64xf32>
    %get3A_1368 = arith.constant 0 : index
    %get3A_1369 = arith.constant 8 : index
    %get3A_1370 = vector.load %arg4[%get3A_1368, %get3A_1369] : memref<128x64xf32, #tpu.memory_space<vmem>>, vector<128x1xf32>
    %gt3A_1371 = arith.constant 5.000000e-01 : f32
    %gt3A_1372 = vector.broadcast %gt3A_1371 : f32 to vector<128x1xf32>
    %gt3A_1373 = arith.cmpf ogt, %get3A_1370, %gt3A_1372 : vector<128x1xf32>
    %broadcast_in_dim3A_1374 = vector.shape_cast %gt3A_1373 : vector<128x1xi1> to vector<128x1xi1>
    %broadcast_in_dim3A_1375 = vector.broadcast %broadcast_in_dim3A_1374 : vector<128x1xi1> to vector<128x64xi1>
    %select_n3A_1376 = arith.select %broadcast_in_dim3A_1375, %get3A_1367, %get3A_1364 : vector<128x64xi1>, vector<128x64xf32>
    %convert_element_type3A_1377 = arith.truncf %select_n3A_1376 : vector<128x64xf32> to vector<128x64xbf16>
    %swap3A_1378 = arith.constant 0 : index
    %swap3A_1379 = arith.constant 4608 : index
    %swap3A_1380 = vector.load %arg5[%swap3A_1378, %swap3A_1379] : memref<128x8192xbf16, #tpu.memory_space<vmem>>, vector<128x64xbf16>
    tpu.vector_store %arg5[%swap3A_1378, %swap3A_1379], %convert_element_type3A_1377 {strides = array<i32>} : memref<128x8192xbf16, #tpu.memory_space<vmem>>, vector<128x64xbf16>,
    %get3A_1381 = arith.constant 0 : index
    %get3A_1382 = arith.constant 1152 : index
    %get3A_1383 = vector.load %arg2[%get3A_1381, %get3A_1382] : memref<128x8192xf32, #tpu.memory_space<vmem>>, vector<128x64xf32>
    %get3A_1384 = arith.constant 0 : index
    %get3A_1385 = arith.constant 1216 : index
    %get3A_1386 = vector.load %arg2[%get3A_1384, %get3A_1385] : memref<128x8192xf32, #tpu.memory_space<vmem>>, vector<128x64xf32>
    %get3A_1387 = arith.constant 0 : index
    %get3A_1388 = arith.constant 9 : index
    %get3A_1389 = vector.load %arg4[%get3A_1387, %get3A_1388] : memref<128x64xf32, #tpu.memory_space<vmem>>, vector<128x1xf32>
    %gt3A_1390 = arith.constant 5.000000e-01 : f32
    %gt3A_1391 = vector.broadcast %gt3A_1390 : f32 to vector<128x1xf32>
    %gt3A_1392 = arith.cmpf ogt, %get3A_1389, %gt3A_1391 : vector<128x1xf32>
    %broadcast_in_dim3A_1393 = vector.shape_cast %gt3A_1392 : vector<128x1xi1> to vector<128x1xi1>
    %broadcast_in_dim3A_1394 = vector.broadcast %broadcast_in_dim3A_1393 : vector<128x1xi1> to vector<128x64xi1>
    %select_n3A_1395 = arith.select %broadcast_in_dim3A_1394, %get3A_1386, %get3A_1383 : vector<128x64xi1>, vector<128x64xf32>
    %convert_element_type3A_1396 = arith.truncf %select_n3A_1395 : vector<128x64xf32> to vector<128x64xbf16>
    %swap3A_1397 = arith.constant 0 : index
    %swap3A_1398 = arith.constant 4672 : index
    %swap3A_1399 = vector.load %arg5[%swap3A_1397, %swap3A_1398] : memref<128x8192xbf16, #tpu.memory_space<vmem>>, vector<128x64xbf16>
    tpu.vector_store %arg5[%swap3A_1397, %swap3A_1398], %convert_element_type3A_1396 {strides = array<i32>} : memref<128x8192xbf16, #tpu.memory_space<vmem>>, vector<128x64xbf16>,
    %get3A_1400 = arith.constant 0 : index
    %get3A_1401 = arith.constant 1280 : index
    %get3A_1402 = vector.load %arg2[%get3A_1400, %get3A_1401] : memref<128x8192xf32, #tpu.memory_space<vmem>>, vector<128x64xf32>
    %get3A_1403 = arith.constant 0 : index
    %get3A_1404 = arith.constant 1344 : index
    %get3A_1405 = vector.load %arg2[%get3A_1403, %get3A_1404] : memref<128x8192xf32, #tpu.memory_space<vmem>>, vector<128x64xf32>
    %get3A_1406 = arith.constant 0 : index
    %get3A_1407 = arith.constant 10 : index
    %get3A_1408 = vector.load %arg4[%get3A_1406, %get3A_1407] : memref<128x64xf32, #tpu.memory_space<vmem>>, vector<128x1xf32>
    %gt3A_1409 = arith.constant 5.000000e-01 : f32
    %gt3A_1410 = vector.broadcast %gt3A_1409 : f32 to vector<128x1xf32>
    %gt3A_1411 = arith.cmpf ogt, %get3A_1408, %gt3A_1410 : vector<128x1xf32>
    %broadcast_in_dim3A_1412 = vector.shape_cast %gt3A_1411 : vector<128x1xi1> to vector<128x1xi1>
    %broadcast_in_dim3A_1413 = vector.broadcast %broadcast_in_dim3A_1412 : vector<128x1xi1> to vector<128x64xi1>
    %select_n3A_1414 = arith.select %broadcast_in_dim3A_1413, %get3A_1405, %get3A_1402 : vector<128x64xi1>, vector<128x64xf32>
    %convert_element_type3A_1415 = arith.truncf %select_n3A_1414 : vector<128x64xf32> to vector<128x64xbf16>
    %swap3A_1416 = arith.constant 0 : index
    %swap3A_1417 = arith.constant 4736 : index
    %swap3A_1418 = vector.load %arg5[%swap3A_1416, %swap3A_1417] : memref<128x8192xbf16, #tpu.memory_space<vmem>>, vector<128x64xbf16>
    tpu.vector_store %arg5[%swap3A_1416, %swap3A_1417], %convert_element_type3A_1415 {strides = array<i32>} : memref<128x8192xbf16, #tpu.memory_space<vmem>>, vector<128x64xbf16>,
    %get3A_1419 = arith.constant 0 : index
    %get3A_1420 = arith.constant 1408 : index
    %get3A_1421 = vector.load %arg2[%get3A_1419, %get3A_1420] : memref<128x8192xf32, #tpu.memory_space<vmem>>, vector<128x64xf32>
    %get3A_1422 = arith.constant 0 : index
    %get3A_1423 = arith.constant 1472 : index
    %get3A_1424 = vector.load %arg2[%get3A_1422, %get3A_1423] : memref<128x8192xf32, #tpu.memory_space<vmem>>, vector<128x64xf32>
    %get3A_1425 = arith.constant 0 : index
    %get3A_1426 = arith.constant 11 : index
    %get3A_1427 = vector.load %arg4[%get3A_1425, %get3A_1426] : memref<128x64xf32, #tpu.memory_space<vmem>>, vector<128x1xf32>
    %gt3A_1428 = arith.constant 5.000000e-01 : f32
    %gt3A_1429 = vector.broadcast %gt3A_1428 : f32 to vector<128x1xf32>
    %gt3A_1430 = arith.cmpf ogt, %get3A_1427, %gt3A_1429 : vector<128x1xf32>
    %broadcast_in_dim3A_1431 = vector.shape_cast %gt3A_1430 : vector<128x1xi1> to vector<128x1xi1>
    %broadcast_in_dim3A_1432 = vector.broadcast %broadcast_in_dim3A_1431 : vector<128x1xi1> to vector<128x64xi1>
    %select_n3A_1433 = arith.select %broadcast_in_dim3A_1432, %get3A_1424, %get3A_1421 : vector<128x64xi1>, vector<128x64xf32>
    %convert_element_type3A_1434 = arith.truncf %select_n3A_1433 : vector<128x64xf32> to vector<128x64xbf16>
    %swap3A_1435 = arith.constant 0 : index
    %swap3A_1436 = arith.constant 4800 : index
    %swap3A_1437 = vector.load %arg5[%swap3A_1435, %swap3A_1436] : memref<128x8192xbf16, #tpu.memory_space<vmem>>, vector<128x64xbf16>
    tpu.vector_store %arg5[%swap3A_1435, %swap3A_1436], %convert_element_type3A_1434 {strides = array<i32>} : memref<128x8192xbf16, #tpu.memory_space<vmem>>, vector<128x64xbf16>,
    %get3A_1438 = arith.constant 0 : index
    %get3A_1439 = arith.constant 1536 : index
    %get3A_1440 = vector.load %arg2[%get3A_1438, %get3A_1439] : memref<128x8192xf32, #tpu.memory_space<vmem>>, vector<128x64xf32>
    %get3A_1441 = arith.constant 0 : index
    %get3A_1442 = arith.constant 1600 : index
    %get3A_1443 = vector.load %arg2[%get3A_1441, %get3A_1442] : memref<128x8192xf32, #tpu.memory_space<vmem>>, vector<128x64xf32>
    %get3A_1444 = arith.constant 0 : index
    %get3A_1445 = arith.constant 12 : index
    %get3A_1446 = vector.load %arg4[%get3A_1444, %get3A_1445] : memref<128x64xf32, #tpu.memory_space<vmem>>, vector<128x1xf32>
    %gt3A_1447 = arith.constant 5.000000e-01 : f32
    %gt3A_1448 = vector.broadcast %gt3A_1447 : f32 to vector<128x1xf32>
    %gt3A_1449 = arith.cmpf ogt, %get3A_1446, %gt3A_1448 : vector<128x1xf32>
    %broadcast_in_dim3A_1450 = vector.shape_cast %gt3A_1449 : vector<128x1xi1> to vector<128x1xi1>
    %broadcast_in_dim3A_1451 = vector.broadcast %broadcast_in_dim3A_1450 : vector<128x1xi1> to vector<128x64xi1>
    %select_n3A_1452 = arith.select %broadcast_in_dim3A_1451, %get3A_1443, %get3A_1440 : vector<128x64xi1>, vector<128x64xf32>
    %convert_element_type3A_1453 = arith.truncf %select_n3A_1452 : vector<128x64xf32> to vector<128x64xbf16>
    %swap3A_1454 = arith.constant 0 : index
    %swap3A_1455 = arith.constant 4864 : index
    %swap3A_1456 = vector.load %arg5[%swap3A_1454, %swap3A_1455] : memref<128x8192xbf16, #tpu.memory_space<vmem>>, vector<128x64xbf16>
    tpu.vector_store %arg5[%swap3A_1454, %swap3A_1455], %convert_element_type3A_1453 {strides = array<i32>} : memref<128x8192xbf16, #tpu.memory_space<vmem>>, vector<128x64xbf16>,
    %get3A_1457 = arith.constant 0 : index
    %get3A_1458 = arith.constant 1664 : index
    %get3A_1459 = vector.load %arg2[%get3A_1457, %get3A_1458] : memref<128x8192xf32, #tpu.memory_space<vmem>>, vector<128x64xf32>
    %get3A_1460 = arith.constant 0 : index
    %get3A_1461 = arith.constant 1728 : index
    %get3A_1462 = vector.load %arg2[%get3A_1460, %get3A_1461] : memref<128x8192xf32, #tpu.memory_space<vmem>>, vector<128x64xf32>
    %get3A_1463 = arith.constant 0 : index
    %get3A_1464 = arith.constant 13 : index
    %get3A_1465 = vector.load %arg4[%get3A_1463, %get3A_1464] : memref<128x64xf32, #tpu.memory_space<vmem>>, vector<128x1xf32>
    %gt3A_1466 = arith.constant 5.000000e-01 : f32
    %gt3A_1467 = vector.broadcast %gt3A_1466 : f32 to vector<128x1xf32>
    %gt3A_1468 = arith.cmpf ogt, %get3A_1465, %gt3A_1467 : vector<128x1xf32>
    %broadcast_in_dim3A_1469 = vector.shape_cast %gt3A_1468 : vector<128x1xi1> to vector<128x1xi1>
    %broadcast_in_dim3A_1470 = vector.broadcast %broadcast_in_dim3A_1469 : vector<128x1xi1> to vector<128x64xi1>
    %select_n3A_1471 = arith.select %broadcast_in_dim3A_1470, %get3A_1462, %get3A_1459 : vector<128x64xi1>, vector<128x64xf32>
    %convert_element_type3A_1472 = arith.truncf %select_n3A_1471 : vector<128x64xf32> to vector<128x64xbf16>
    %swap3A_1473 = arith.constant 0 : index
    %swap3A_1474 = arith.constant 4928 : index
    %swap3A_1475 = vector.load %arg5[%swap3A_1473, %swap3A_1474] : memref<128x8192xbf16, #tpu.memory_space<vmem>>, vector<128x64xbf16>
    tpu.vector_store %arg5[%swap3A_1473, %swap3A_1474], %convert_element_type3A_1472 {strides = array<i32>} : memref<128x8192xbf16, #tpu.memory_space<vmem>>, vector<128x64xbf16>,
    %get3A_1476 = arith.constant 0 : index
    %get3A_1477 = arith.constant 1792 : index
    %get3A_1478 = vector.load %arg2[%get3A_1476, %get3A_1477] : memref<128x8192xf32, #tpu.memory_space<vmem>>, vector<128x64xf32>
    %get3A_1479 = arith.constant 0 : index
    %get3A_1480 = arith.constant 1856 : index
    %get3A_1481 = vector.load %arg2[%get3A_1479, %get3A_1480] : memref<128x8192xf32, #tpu.memory_space<vmem>>, vector<128x64xf32>
    %get3A_1482 = arith.constant 0 : index
    %get3A_1483 = arith.constant 14 : index
    %get3A_1484 = vector.load %arg4[%get3A_1482, %get3A_1483] : memref<128x64xf32, #tpu.memory_space<vmem>>, vector<128x1xf32>
    %gt3A_1485 = arith.constant 5.000000e-01 : f32
    %gt3A_1486 = vector.broadcast %gt3A_1485 : f32 to vector<128x1xf32>
    %gt3A_1487 = arith.cmpf ogt, %get3A_1484, %gt3A_1486 : vector<128x1xf32>
    %broadcast_in_dim3A_1488 = vector.shape_cast %gt3A_1487 : vector<128x1xi1> to vector<128x1xi1>
    %broadcast_in_dim3A_1489 = vector.broadcast %broadcast_in_dim3A_1488 : vector<128x1xi1> to vector<128x64xi1>
    %select_n3A_1490 = arith.select %broadcast_in_dim3A_1489, %get3A_1481, %get3A_1478 : vector<128x64xi1>, vector<128x64xf32>
    %convert_element_type3A_1491 = arith.truncf %select_n3A_1490 : vector<128x64xf32> to vector<128x64xbf16>
    %swap3A_1492 = arith.constant 0 : index
    %swap3A_1493 = arith.constant 4992 : index
    %swap3A_1494 = vector.load %arg5[%swap3A_1492, %swap3A_1493] : memref<128x8192xbf16, #tpu.memory_space<vmem>>, vector<128x64xbf16>
    tpu.vector_store %arg5[%swap3A_1492, %swap3A_1493], %convert_element_type3A_1491 {strides = array<i32>} : memref<128x8192xbf16, #tpu.memory_space<vmem>>, vector<128x64xbf16>,
    %get3A_1495 = arith.constant 0 : index
    %get3A_1496 = arith.constant 1920 : index
    %get3A_1497 = vector.load %arg2[%get3A_1495, %get3A_1496] : memref<128x8192xf32, #tpu.memory_space<vmem>>, vector<128x64xf32>
    %get3A_1498 = arith.constant 0 : index
    %get3A_1499 = arith.constant 1984 : index
    %get3A_1500 = vector.load %arg2[%get3A_1498, %get3A_1499] : memref<128x8192xf32, #tpu.memory_space<vmem>>, vector<128x64xf32>
    %get3A_1501 = arith.constant 0 : index
    %get3A_1502 = arith.constant 15 : index
    %get3A_1503 = vector.load %arg4[%get3A_1501, %get3A_1502] : memref<128x64xf32, #tpu.memory_space<vmem>>, vector<128x1xf32>
    %gt3A_1504 = arith.constant 5.000000e-01 : f32
    %gt3A_1505 = vector.broadcast %gt3A_1504 : f32 to vector<128x1xf32>
    %gt3A_1506 = arith.cmpf ogt, %get3A_1503, %gt3A_1505 : vector<128x1xf32>
    %broadcast_in_dim3A_1507 = vector.shape_cast %gt3A_1506 : vector<128x1xi1> to vector<128x1xi1>
    %broadcast_in_dim3A_1508 = vector.broadcast %broadcast_in_dim3A_1507 : vector<128x1xi1> to vector<128x64xi1>
    %select_n3A_1509 = arith.select %broadcast_in_dim3A_1508, %get3A_1500, %get3A_1497 : vector<128x64xi1>, vector<128x64xf32>
    %convert_element_type3A_1510 = arith.truncf %select_n3A_1509 : vector<128x64xf32> to vector<128x64xbf16>
    %swap3A_1511 = arith.constant 0 : index
    %swap3A_1512 = arith.constant 5056 : index
    %swap3A_1513 = vector.load %arg5[%swap3A_1511, %swap3A_1512] : memref<128x8192xbf16, #tpu.memory_space<vmem>>, vector<128x64xbf16>
    tpu.vector_store %arg5[%swap3A_1511, %swap3A_1512], %convert_element_type3A_1510 {strides = array<i32>} : memref<128x8192xbf16, #tpu.memory_space<vmem>>, vector<128x64xbf16>,
    %get3A_1514 = arith.constant 0 : index
    %get3A_1515 = arith.constant 2048 : index
    %get3A_1516 = vector.load %arg2[%get3A_1514, %get3A_1515] : memref<128x8192xf32, #tpu.memory_space<vmem>>, vector<128x64xf32>
    %get3A_1517 = arith.constant 0 : index
    %get3A_1518 = arith.constant 2112 : index
    %get3A_1519 = vector.load %arg2[%get3A_1517, %get3A_1518] : memref<128x8192xf32, #tpu.memory_space<vmem>>, vector<128x64xf32>
    %get3A_1520 = arith.constant 0 : index
    %get3A_1521 = arith.constant 16 : index
    %get3A_1522 = vector.load %arg4[%get3A_1520, %get3A_1521] : memref<128x64xf32, #tpu.memory_space<vmem>>, vector<128x1xf32>
    %gt3A_1523 = arith.constant 5.000000e-01 : f32
    %gt3A_1524 = vector.broadcast %gt3A_1523 : f32 to vector<128x1xf32>
    %gt3A_1525 = arith.cmpf ogt, %get3A_1522, %gt3A_1524 : vector<128x1xf32>
    %broadcast_in_dim3A_1526 = vector.shape_cast %gt3A_1525 : vector<128x1xi1> to vector<128x1xi1>
    %broadcast_in_dim3A_1527 = vector.broadcast %broadcast_in_dim3A_1526 : vector<128x1xi1> to vector<128x64xi1>
    %select_n3A_1528 = arith.select %broadcast_in_dim3A_1527, %get3A_1519, %get3A_1516 : vector<128x64xi1>, vector<128x64xf32>
    %convert_element_type3A_1529 = arith.truncf %select_n3A_1528 : vector<128x64xf32> to vector<128x64xbf16>
    %swap3A_1530 = arith.constant 0 : index
    %swap3A_1531 = arith.constant 5120 : index
    %swap3A_1532 = vector.load %arg5[%swap3A_1530, %swap3A_1531] : memref<128x8192xbf16, #tpu.memory_space<vmem>>, vector<128x64xbf16>
    tpu.vector_store %arg5[%swap3A_1530, %swap3A_1531], %convert_element_type3A_1529 {strides = array<i32>} : memref<128x8192xbf16, #tpu.memory_space<vmem>>, vector<128x64xbf16>,
    %get3A_1533 = arith.constant 0 : index
    %get3A_1534 = arith.constant 2176 : index
    %get3A_1535 = vector.load %arg2[%get3A_1533, %get3A_1534] : memref<128x8192xf32, #tpu.memory_space<vmem>>, vector<128x64xf32>
    %get3A_1536 = arith.constant 0 : index
    %get3A_1537 = arith.constant 2240 : index
    %get3A_1538 = vector.load %arg2[%get3A_1536, %get3A_1537] : memref<128x8192xf32, #tpu.memory_space<vmem>>, vector<128x64xf32>
    %get3A_1539 = arith.constant 0 : index
    %get3A_1540 = arith.constant 17 : index
    %get3A_1541 = vector.load %arg4[%get3A_1539, %get3A_1540] : memref<128x64xf32, #tpu.memory_space<vmem>>, vector<128x1xf32>
    %gt3A_1542 = arith.constant 5.000000e-01 : f32
    %gt3A_1543 = vector.broadcast %gt3A_1542 : f32 to vector<128x1xf32>
    %gt3A_1544 = arith.cmpf ogt, %get3A_1541, %gt3A_1543 : vector<128x1xf32>
    %broadcast_in_dim3A_1545 = vector.shape_cast %gt3A_1544 : vector<128x1xi1> to vector<128x1xi1>
    %broadcast_in_dim3A_1546 = vector.broadcast %broadcast_in_dim3A_1545 : vector<128x1xi1> to vector<128x64xi1>
    %select_n3A_1547 = arith.select %broadcast_in_dim3A_1546, %get3A_1538, %get3A_1535 : vector<128x64xi1>, vector<128x64xf32>
    %convert_element_type3A_1548 = arith.truncf %select_n3A_1547 : vector<128x64xf32> to vector<128x64xbf16>
    %swap3A_1549 = arith.constant 0 : index
    %swap3A_1550 = arith.constant 5184 : index
    %swap3A_1551 = vector.load %arg5[%swap3A_1549, %swap3A_1550] : memref<128x8192xbf16, #tpu.memory_space<vmem>>, vector<128x64xbf16>
    tpu.vector_store %arg5[%swap3A_1549, %swap3A_1550], %convert_element_type3A_1548 {strides = array<i32>} : memref<128x8192xbf16, #tpu.memory_space<vmem>>, vector<128x64xbf16>,
    %get3A_1552 = arith.constant 0 : index
    %get3A_1553 = arith.constant 2304 : index
    %get3A_1554 = vector.load %arg2[%get3A_1552, %get3A_1553] : memref<128x8192xf32, #tpu.memory_space<vmem>>, vector<128x64xf32>
    %get3A_1555 = arith.constant 0 : index
    %get3A_1556 = arith.constant 2368 : index
    %get3A_1557 = vector.load %arg2[%get3A_1555, %get3A_1556] : memref<128x8192xf32, #tpu.memory_space<vmem>>, vector<128x64xf32>
    %get3A_1558 = arith.constant 0 : index
    %get3A_1559 = arith.constant 18 : index
    %get3A_1560 = vector.load %arg4[%get3A_1558, %get3A_1559] : memref<128x64xf32, #tpu.memory_space<vmem>>, vector<128x1xf32>
    %gt3A_1561 = arith.constant 5.000000e-01 : f32
    %gt3A_1562 = vector.broadcast %gt3A_1561 : f32 to vector<128x1xf32>
    %gt3A_1563 = arith.cmpf ogt, %get3A_1560, %gt3A_1562 : vector<128x1xf32>
    %broadcast_in_dim3A_1564 = vector.shape_cast %gt3A_1563 : vector<128x1xi1> to vector<128x1xi1>
    %broadcast_in_dim3A_1565 = vector.broadcast %broadcast_in_dim3A_1564 : vector<128x1xi1> to vector<128x64xi1>
    %select_n3A_1566 = arith.select %broadcast_in_dim3A_1565, %get3A_1557, %get3A_1554 : vector<128x64xi1>, vector<128x64xf32>
    %convert_element_type3A_1567 = arith.truncf %select_n3A_1566 : vector<128x64xf32> to vector<128x64xbf16>
    %swap3A_1568 = arith.constant 0 : index
    %swap3A_1569 = arith.constant 5248 : index
    %swap3A_1570 = vector.load %arg5[%swap3A_1568, %swap3A_1569] : memref<128x8192xbf16, #tpu.memory_space<vmem>>, vector<128x64xbf16>
    tpu.vector_store %arg5[%swap3A_1568, %swap3A_1569], %convert_element_type3A_1567 {strides = array<i32>} : memref<128x8192xbf16, #tpu.memory_space<vmem>>, vector<128x64xbf16>,
    %get3A_1571 = arith.constant 0 : index
    %get3A_1572 = arith.constant 2432 : index
    %get3A_1573 = vector.load %arg2[%get3A_1571, %get3A_1572] : memref<128x8192xf32, #tpu.memory_space<vmem>>, vector<128x64xf32>
    %get3A_1574 = arith.constant 0 : index
    %get3A_1575 = arith.constant 2496 : index
    %get3A_1576 = vector.load %arg2[%get3A_1574, %get3A_1575] : memref<128x8192xf32, #tpu.memory_space<vmem>>, vector<128x64xf32>
    %get3A_1577 = arith.constant 0 : index
    %get3A_1578 = arith.constant 19 : index
    %get3A_1579 = vector.load %arg4[%get3A_1577, %get3A_1578] : memref<128x64xf32, #tpu.memory_space<vmem>>, vector<128x1xf32>
    %gt3A_1580 = arith.constant 5.000000e-01 : f32
    %gt3A_1581 = vector.broadcast %gt3A_1580 : f32 to vector<128x1xf32>
    %gt3A_1582 = arith.cmpf ogt, %get3A_1579, %gt3A_1581 : vector<128x1xf32>
    %broadcast_in_dim3A_1583 = vector.shape_cast %gt3A_1582 : vector<128x1xi1> to vector<128x1xi1>
    %broadcast_in_dim3A_1584 = vector.broadcast %broadcast_in_dim3A_1583 : vector<128x1xi1> to vector<128x64xi1>
    %select_n3A_1585 = arith.select %broadcast_in_dim3A_1584, %get3A_1576, %get3A_1573 : vector<128x64xi1>, vector<128x64xf32>
    %convert_element_type3A_1586 = arith.truncf %select_n3A_1585 : vector<128x64xf32> to vector<128x64xbf16>
    %swap3A_1587 = arith.constant 0 : index
    %swap3A_1588 = arith.constant 5312 : index
    %swap3A_1589 = vector.load %arg5[%swap3A_1587, %swap3A_1588] : memref<128x8192xbf16, #tpu.memory_space<vmem>>, vector<128x64xbf16>
    tpu.vector_store %arg5[%swap3A_1587, %swap3A_1588], %convert_element_type3A_1586 {strides = array<i32>} : memref<128x8192xbf16, #tpu.memory_space<vmem>>, vector<128x64xbf16>,
    %get3A_1590 = arith.constant 0 : index
    %get3A_1591 = arith.constant 2560 : index
    %get3A_1592 = vector.load %arg2[%get3A_1590, %get3A_1591] : memref<128x8192xf32, #tpu.memory_space<vmem>>, vector<128x64xf32>
    %get3A_1593 = arith.constant 0 : index
    %get3A_1594 = arith.constant 2624 : index
    %get3A_1595 = vector.load %arg2[%get3A_1593, %get3A_1594] : memref<128x8192xf32, #tpu.memory_space<vmem>>, vector<128x64xf32>
    %get3A_1596 = arith.constant 0 : index
    %get3A_1597 = arith.constant 20 : index
    %get3A_1598 = vector.load %arg4[%get3A_1596, %get3A_1597] : memref<128x64xf32, #tpu.memory_space<vmem>>, vector<128x1xf32>
    %gt3A_1599 = arith.constant 5.000000e-01 : f32
    %gt3A_1600 = vector.broadcast %gt3A_1599 : f32 to vector<128x1xf32>
    %gt3A_1601 = arith.cmpf ogt, %get3A_1598, %gt3A_1600 : vector<128x1xf32>
    %broadcast_in_dim3A_1602 = vector.shape_cast %gt3A_1601 : vector<128x1xi1> to vector<128x1xi1>
    %broadcast_in_dim3A_1603 = vector.broadcast %broadcast_in_dim3A_1602 : vector<128x1xi1> to vector<128x64xi1>
    %select_n3A_1604 = arith.select %broadcast_in_dim3A_1603, %get3A_1595, %get3A_1592 : vector<128x64xi1>, vector<128x64xf32>
    %convert_element_type3A_1605 = arith.truncf %select_n3A_1604 : vector<128x64xf32> to vector<128x64xbf16>
    %swap3A_1606 = arith.constant 0 : index
    %swap3A_1607 = arith.constant 5376 : index
    %swap3A_1608 = vector.load %arg5[%swap3A_1606, %swap3A_1607] : memref<128x8192xbf16, #tpu.memory_space<vmem>>, vector<128x64xbf16>
    tpu.vector_store %arg5[%swap3A_1606, %swap3A_1607], %convert_element_type3A_1605 {strides = array<i32>} : memref<128x8192xbf16, #tpu.memory_space<vmem>>, vector<128x64xbf16>,
    %get3A_1609 = arith.constant 0 : index
    %get3A_1610 = arith.constant 2688 : index
    %get3A_1611 = vector.load %arg2[%get3A_1609, %get3A_1610] : memref<128x8192xf32, #tpu.memory_space<vmem>>, vector<128x64xf32>
    %get3A_1612 = arith.constant 0 : index
    %get3A_1613 = arith.constant 2752 : index
    %get3A_1614 = vector.load %arg2[%get3A_1612, %get3A_1613] : memref<128x8192xf32, #tpu.memory_space<vmem>>, vector<128x64xf32>
    %get3A_1615 = arith.constant 0 : index
    %get3A_1616 = arith.constant 21 : index
    %get3A_1617 = vector.load %arg4[%get3A_1615, %get3A_1616] : memref<128x64xf32, #tpu.memory_space<vmem>>, vector<128x1xf32>
    %gt3A_1618 = arith.constant 5.000000e-01 : f32
    %gt3A_1619 = vector.broadcast %gt3A_1618 : f32 to vector<128x1xf32>
    %gt3A_1620 = arith.cmpf ogt, %get3A_1617, %gt3A_1619 : vector<128x1xf32>
    %broadcast_in_dim3A_1621 = vector.shape_cast %gt3A_1620 : vector<128x1xi1> to vector<128x1xi1>
    %broadcast_in_dim3A_1622 = vector.broadcast %broadcast_in_dim3A_1621 : vector<128x1xi1> to vector<128x64xi1>
    %select_n3A_1623 = arith.select %broadcast_in_dim3A_1622, %get3A_1614, %get3A_1611 : vector<128x64xi1>, vector<128x64xf32>
    %convert_element_type3A_1624 = arith.truncf %select_n3A_1623 : vector<128x64xf32> to vector<128x64xbf16>
    %swap3A_1625 = arith.constant 0 : index
    %swap3A_1626 = arith.constant 5440 : index
    %swap3A_1627 = vector.load %arg5[%swap3A_1625, %swap3A_1626] : memref<128x8192xbf16, #tpu.memory_space<vmem>>, vector<128x64xbf16>
    tpu.vector_store %arg5[%swap3A_1625, %swap3A_1626], %convert_element_type3A_1624 {strides = array<i32>} : memref<128x8192xbf16, #tpu.memory_space<vmem>>, vector<128x64xbf16>,
    %get3A_1628 = arith.constant 0 : index
    %get3A_1629 = arith.constant 2816 : index
    %get3A_1630 = vector.load %arg2[%get3A_1628, %get3A_1629] : memref<128x8192xf32, #tpu.memory_space<vmem>>, vector<128x64xf32>
    %get3A_1631 = arith.constant 0 : index
    %get3A_1632 = arith.constant 2880 : index
    %get3A_1633 = vector.load %arg2[%get3A_1631, %get3A_1632] : memref<128x8192xf32, #tpu.memory_space<vmem>>, vector<128x64xf32>
    %get3A_1634 = arith.constant 0 : index
    %get3A_1635 = arith.constant 22 : index
    %get3A_1636 = vector.load %arg4[%get3A_1634, %get3A_1635] : memref<128x64xf32, #tpu.memory_space<vmem>>, vector<128x1xf32>
    %gt3A_1637 = arith.constant 5.000000e-01 : f32
    %gt3A_1638 = vector.broadcast %gt3A_1637 : f32 to vector<128x1xf32>
    %gt3A_1639 = arith.cmpf ogt, %get3A_1636, %gt3A_1638 : vector<128x1xf32>
    %broadcast_in_dim3A_1640 = vector.shape_cast %gt3A_1639 : vector<128x1xi1> to vector<128x1xi1>
    %broadcast_in_dim3A_1641 = vector.broadcast %broadcast_in_dim3A_1640 : vector<128x1xi1> to vector<128x64xi1>
    %select_n3A_1642 = arith.select %broadcast_in_dim3A_1641, %get3A_1633, %get3A_1630 : vector<128x64xi1>, vector<128x64xf32>
    %convert_element_type3A_1643 = arith.truncf %select_n3A_1642 : vector<128x64xf32> to vector<128x64xbf16>
    %swap3A_1644 = arith.constant 0 : index
    %swap3A_1645 = arith.constant 5504 : index
    %swap3A_1646 = vector.load %arg5[%swap3A_1644, %swap3A_1645] : memref<128x8192xbf16, #tpu.memory_space<vmem>>, vector<128x64xbf16>
    tpu.vector_store %arg5[%swap3A_1644, %swap3A_1645], %convert_element_type3A_1643 {strides = array<i32>} : memref<128x8192xbf16, #tpu.memory_space<vmem>>, vector<128x64xbf16>,
    %get3A_1647 = arith.constant 0 : index
    %get3A_1648 = arith.constant 2944 : index
    %get3A_1649 = vector.load %arg2[%get3A_1647, %get3A_1648] : memref<128x8192xf32, #tpu.memory_space<vmem>>, vector<128x64xf32>
    %get3A_1650 = arith.constant 0 : index
    %get3A_1651 = arith.constant 3008 : index
    %get3A_1652 = vector.load %arg2[%get3A_1650, %get3A_1651] : memref<128x8192xf32, #tpu.memory_space<vmem>>, vector<128x64xf32>
    %get3A_1653 = arith.constant 0 : index
    %get3A_1654 = arith.constant 23 : index
    %get3A_1655 = vector.load %arg4[%get3A_1653, %get3A_1654] : memref<128x64xf32, #tpu.memory_space<vmem>>, vector<128x1xf32>
    %gt3A_1656 = arith.constant 5.000000e-01 : f32
    %gt3A_1657 = vector.broadcast %gt3A_1656 : f32 to vector<128x1xf32>
    %gt3A_1658 = arith.cmpf ogt, %get3A_1655, %gt3A_1657 : vector<128x1xf32>
    %broadcast_in_dim3A_1659 = vector.shape_cast %gt3A_1658 : vector<128x1xi1> to vector<128x1xi1>
    %broadcast_in_dim3A_1660 = vector.broadcast %broadcast_in_dim3A_1659 : vector<128x1xi1> to vector<128x64xi1>
    %select_n3A_1661 = arith.select %broadcast_in_dim3A_1660, %get3A_1652, %get3A_1649 : vector<128x64xi1>, vector<128x64xf32>
    %convert_element_type3A_1662 = arith.truncf %select_n3A_1661 : vector<128x64xf32> to vector<128x64xbf16>
    %swap3A_1663 = arith.constant 0 : index
    %swap3A_1664 = arith.constant 5568 : index
    %swap3A_1665 = vector.load %arg5[%swap3A_1663, %swap3A_1664] : memref<128x8192xbf16, #tpu.memory_space<vmem>>, vector<128x64xbf16>
    tpu.vector_store %arg5[%swap3A_1663, %swap3A_1664], %convert_element_type3A_1662 {strides = array<i32>} : memref<128x8192xbf16, #tpu.memory_space<vmem>>, vector<128x64xbf16>,
    %get3A_1666 = arith.constant 0 : index
    %get3A_1667 = arith.constant 3072 : index
    %get3A_1668 = vector.load %arg2[%get3A_1666, %get3A_1667] : memref<128x8192xf32, #tpu.memory_space<vmem>>, vector<128x64xf32>
    %get3A_1669 = arith.constant 0 : index
    %get3A_1670 = arith.constant 3136 : index
    %get3A_1671 = vector.load %arg2[%get3A_1669, %get3A_1670] : memref<128x8192xf32, #tpu.memory_space<vmem>>, vector<128x64xf32>
    %get3A_1672 = arith.constant 0 : index
    %get3A_1673 = arith.constant 24 : index
    %get3A_1674 = vector.load %arg4[%get3A_1672, %get3A_1673] : memref<128x64xf32, #tpu.memory_space<vmem>>, vector<128x1xf32>
    %gt3A_1675 = arith.constant 5.000000e-01 : f32
    %gt3A_1676 = vector.broadcast %gt3A_1675 : f32 to vector<128x1xf32>
    %gt3A_1677 = arith.cmpf ogt, %get3A_1674, %gt3A_1676 : vector<128x1xf32>
    %broadcast_in_dim3A_1678 = vector.shape_cast %gt3A_1677 : vector<128x1xi1> to vector<128x1xi1>
    %broadcast_in_dim3A_1679 = vector.broadcast %broadcast_in_dim3A_1678 : vector<128x1xi1> to vector<128x64xi1>
    %select_n3A_1680 = arith.select %broadcast_in_dim3A_1679, %get3A_1671, %get3A_1668 : vector<128x64xi1>, vector<128x64xf32>
    %convert_element_type3A_1681 = arith.truncf %select_n3A_1680 : vector<128x64xf32> to vector<128x64xbf16>
    %swap3A_1682 = arith.constant 0 : index
    %swap3A_1683 = arith.constant 5632 : index
    %swap3A_1684 = vector.load %arg5[%swap3A_1682, %swap3A_1683] : memref<128x8192xbf16, #tpu.memory_space<vmem>>, vector<128x64xbf16>
    tpu.vector_store %arg5[%swap3A_1682, %swap3A_1683], %convert_element_type3A_1681 {strides = array<i32>} : memref<128x8192xbf16, #tpu.memory_space<vmem>>, vector<128x64xbf16>,
    %get3A_1685 = arith.constant 0 : index
    %get3A_1686 = arith.constant 3200 : index
    %get3A_1687 = vector.load %arg2[%get3A_1685, %get3A_1686] : memref<128x8192xf32, #tpu.memory_space<vmem>>, vector<128x64xf32>
    %get3A_1688 = arith.constant 0 : index
    %get3A_1689 = arith.constant 3264 : index
    %get3A_1690 = vector.load %arg2[%get3A_1688, %get3A_1689] : memref<128x8192xf32, #tpu.memory_space<vmem>>, vector<128x64xf32>
    %get3A_1691 = arith.constant 0 : index
    %get3A_1692 = arith.constant 25 : index
    %get3A_1693 = vector.load %arg4[%get3A_1691, %get3A_1692] : memref<128x64xf32, #tpu.memory_space<vmem>>, vector<128x1xf32>
    %gt3A_1694 = arith.constant 5.000000e-01 : f32
    %gt3A_1695 = vector.broadcast %gt3A_1694 : f32 to vector<128x1xf32>
    %gt3A_1696 = arith.cmpf ogt, %get3A_1693, %gt3A_1695 : vector<128x1xf32>
    %broadcast_in_dim3A_1697 = vector.shape_cast %gt3A_1696 : vector<128x1xi1> to vector<128x1xi1>
    %broadcast_in_dim3A_1698 = vector.broadcast %broadcast_in_dim3A_1697 : vector<128x1xi1> to vector<128x64xi1>
    %select_n3A_1699 = arith.select %broadcast_in_dim3A_1698, %get3A_1690, %get3A_1687 : vector<128x64xi1>, vector<128x64xf32>
    %convert_element_type3A_1700 = arith.truncf %select_n3A_1699 : vector<128x64xf32> to vector<128x64xbf16>
    %swap3A_1701 = arith.constant 0 : index
    %swap3A_1702 = arith.constant 5696 : index
    %swap3A_1703 = vector.load %arg5[%swap3A_1701, %swap3A_1702] : memref<128x8192xbf16, #tpu.memory_space<vmem>>, vector<128x64xbf16>
    tpu.vector_store %arg5[%swap3A_1701, %swap3A_1702], %convert_element_type3A_1700 {strides = array<i32>} : memref<128x8192xbf16, #tpu.memory_space<vmem>>, vector<128x64xbf16>,
    %get3A_1704 = arith.constant 0 : index
    %get3A_1705 = arith.constant 3328 : index
    %get3A_1706 = vector.load %arg2[%get3A_1704, %get3A_1705] : memref<128x8192xf32, #tpu.memory_space<vmem>>, vector<128x64xf32>
    %get3A_1707 = arith.constant 0 : index
    %get3A_1708 = arith.constant 3392 : index
    %get3A_1709 = vector.load %arg2[%get3A_1707, %get3A_1708] : memref<128x8192xf32, #tpu.memory_space<vmem>>, vector<128x64xf32>
    %get3A_1710 = arith.constant 0 : index
    %get3A_1711 = arith.constant 26 : index
    %get3A_1712 = vector.load %arg4[%get3A_1710, %get3A_1711] : memref<128x64xf32, #tpu.memory_space<vmem>>, vector<128x1xf32>
    %gt3A_1713 = arith.constant 5.000000e-01 : f32
    %gt3A_1714 = vector.broadcast %gt3A_1713 : f32 to vector<128x1xf32>
    %gt3A_1715 = arith.cmpf ogt, %get3A_1712, %gt3A_1714 : vector<128x1xf32>
    %broadcast_in_dim3A_1716 = vector.shape_cast %gt3A_1715 : vector<128x1xi1> to vector<128x1xi1>
    %broadcast_in_dim3A_1717 = vector.broadcast %broadcast_in_dim3A_1716 : vector<128x1xi1> to vector<128x64xi1>
    %select_n3A_1718 = arith.select %broadcast_in_dim3A_1717, %get3A_1709, %get3A_1706 : vector<128x64xi1>, vector<128x64xf32>
    %convert_element_type3A_1719 = arith.truncf %select_n3A_1718 : vector<128x64xf32> to vector<128x64xbf16>
    %swap3A_1720 = arith.constant 0 : index
    %swap3A_1721 = arith.constant 5760 : index
    %swap3A_1722 = vector.load %arg5[%swap3A_1720, %swap3A_1721] : memref<128x8192xbf16, #tpu.memory_space<vmem>>, vector<128x64xbf16>
    tpu.vector_store %arg5[%swap3A_1720, %swap3A_1721], %convert_element_type3A_1719 {strides = array<i32>} : memref<128x8192xbf16, #tpu.memory_space<vmem>>, vector<128x64xbf16>,
    %get3A_1723 = arith.constant 0 : index
    %get3A_1724 = arith.constant 3456 : index
    %get3A_1725 = vector.load %arg2[%get3A_1723, %get3A_1724] : memref<128x8192xf32, #tpu.memory_space<vmem>>, vector<128x64xf32>
    %get3A_1726 = arith.constant 0 : index
    %get3A_1727 = arith.constant 3520 : index
    %get3A_1728 = vector.load %arg2[%get3A_1726, %get3A_1727] : memref<128x8192xf32, #tpu.memory_space<vmem>>, vector<128x64xf32>
    %get3A_1729 = arith.constant 0 : index
    %get3A_1730 = arith.constant 27 : index
    %get3A_1731 = vector.load %arg4[%get3A_1729, %get3A_1730] : memref<128x64xf32, #tpu.memory_space<vmem>>, vector<128x1xf32>
    %gt3A_1732 = arith.constant 5.000000e-01 : f32
    %gt3A_1733 = vector.broadcast %gt3A_1732 : f32 to vector<128x1xf32>
    %gt3A_1734 = arith.cmpf ogt, %get3A_1731, %gt3A_1733 : vector<128x1xf32>
    %broadcast_in_dim3A_1735 = vector.shape_cast %gt3A_1734 : vector<128x1xi1> to vector<128x1xi1>
    %broadcast_in_dim3A_1736 = vector.broadcast %broadcast_in_dim3A_1735 : vector<128x1xi1> to vector<128x64xi1>
    %select_n3A_1737 = arith.select %broadcast_in_dim3A_1736, %get3A_1728, %get3A_1725 : vector<128x64xi1>, vector<128x64xf32>
    %convert_element_type3A_1738 = arith.truncf %select_n3A_1737 : vector<128x64xf32> to vector<128x64xbf16>
    %swap3A_1739 = arith.constant 0 : index
    %swap3A_1740 = arith.constant 5824 : index
    %swap3A_1741 = vector.load %arg5[%swap3A_1739, %swap3A_1740] : memref<128x8192xbf16, #tpu.memory_space<vmem>>, vector<128x64xbf16>
    tpu.vector_store %arg5[%swap3A_1739, %swap3A_1740], %convert_element_type3A_1738 {strides = array<i32>} : memref<128x8192xbf16, #tpu.memory_space<vmem>>, vector<128x64xbf16>,
    %get3A_1742 = arith.constant 0 : index
    %get3A_1743 = arith.constant 3584 : index
    %get3A_1744 = vector.load %arg2[%get3A_1742, %get3A_1743] : memref<128x8192xf32, #tpu.memory_space<vmem>>, vector<128x64xf32>
    %get3A_1745 = arith.constant 0 : index
    %get3A_1746 = arith.constant 3648 : index
    %get3A_1747 = vector.load %arg2[%get3A_1745, %get3A_1746] : memref<128x8192xf32, #tpu.memory_space<vmem>>, vector<128x64xf32>
    %get3A_1748 = arith.constant 0 : index
    %get3A_1749 = arith.constant 28 : index
    %get3A_1750 = vector.load %arg4[%get3A_1748, %get3A_1749] : memref<128x64xf32, #tpu.memory_space<vmem>>, vector<128x1xf32>
    %gt3A_1751 = arith.constant 5.000000e-01 : f32
    %gt3A_1752 = vector.broadcast %gt3A_1751 : f32 to vector<128x1xf32>
    %gt3A_1753 = arith.cmpf ogt, %get3A_1750, %gt3A_1752 : vector<128x1xf32>
    %broadcast_in_dim3A_1754 = vector.shape_cast %gt3A_1753 : vector<128x1xi1> to vector<128x1xi1>
    %broadcast_in_dim3A_1755 = vector.broadcast %broadcast_in_dim3A_1754 : vector<128x1xi1> to vector<128x64xi1>
    %select_n3A_1756 = arith.select %broadcast_in_dim3A_1755, %get3A_1747, %get3A_1744 : vector<128x64xi1>, vector<128x64xf32>
    %convert_element_type3A_1757 = arith.truncf %select_n3A_1756 : vector<128x64xf32> to vector<128x64xbf16>
    %swap3A_1758 = arith.constant 0 : index
    %swap3A_1759 = arith.constant 5888 : index
    %swap3A_1760 = vector.load %arg5[%swap3A_1758, %swap3A_1759] : memref<128x8192xbf16, #tpu.memory_space<vmem>>, vector<128x64xbf16>
    tpu.vector_store %arg5[%swap3A_1758, %swap3A_1759], %convert_element_type3A_1757 {strides = array<i32>} : memref<128x8192xbf16, #tpu.memory_space<vmem>>, vector<128x64xbf16>,
    %get3A_1761 = arith.constant 0 : index
    %get3A_1762 = arith.constant 3712 : index
    %get3A_1763 = vector.load %arg2[%get3A_1761, %get3A_1762] : memref<128x8192xf32, #tpu.memory_space<vmem>>, vector<128x64xf32>
    %get3A_1764 = arith.constant 0 : index
    %get3A_1765 = arith.constant 3776 : index
    %get3A_1766 = vector.load %arg2[%get3A_1764, %get3A_1765] : memref<128x8192xf32, #tpu.memory_space<vmem>>, vector<128x64xf32>
    %get3A_1767 = arith.constant 0 : index
    %get3A_1768 = arith.constant 29 : index
    %get3A_1769 = vector.load %arg4[%get3A_1767, %get3A_1768] : memref<128x64xf32, #tpu.memory_space<vmem>>, vector<128x1xf32>
    %gt3A_1770 = arith.constant 5.000000e-01 : f32
    %gt3A_1771 = vector.broadcast %gt3A_1770 : f32 to vector<128x1xf32>
    %gt3A_1772 = arith.cmpf ogt, %get3A_1769, %gt3A_1771 : vector<128x1xf32>
    %broadcast_in_dim3A_1773 = vector.shape_cast %gt3A_1772 : vector<128x1xi1> to vector<128x1xi1>
    %broadcast_in_dim3A_1774 = vector.broadcast %broadcast_in_dim3A_1773 : vector<128x1xi1> to vector<128x64xi1>
    %select_n3A_1775 = arith.select %broadcast_in_dim3A_1774, %get3A_1766, %get3A_1763 : vector<128x64xi1>, vector<128x64xf32>
    %convert_element_type3A_1776 = arith.truncf %select_n3A_1775 : vector<128x64xf32> to vector<128x64xbf16>
    %swap3A_1777 = arith.constant 0 : index
    %swap3A_1778 = arith.constant 5952 : index
    %swap3A_1779 = vector.load %arg5[%swap3A_1777, %swap3A_1778] : memref<128x8192xbf16, #tpu.memory_space<vmem>>, vector<128x64xbf16>
    tpu.vector_store %arg5[%swap3A_1777, %swap3A_1778], %convert_element_type3A_1776 {strides = array<i32>} : memref<128x8192xbf16, #tpu.memory_space<vmem>>, vector<128x64xbf16>,
    %get3A_1780 = arith.constant 0 : index
    %get3A_1781 = arith.constant 3840 : index
    %get3A_1782 = vector.load %arg2[%get3A_1780, %get3A_1781] : memref<128x8192xf32, #tpu.memory_space<vmem>>, vector<128x64xf32>
    %get3A_1783 = arith.constant 0 : index
    %get3A_1784 = arith.constant 3904 : index
    %get3A_1785 = vector.load %arg2[%get3A_1783, %get3A_1784] : memref<128x8192xf32, #tpu.memory_space<vmem>>, vector<128x64xf32>
    %get3A_1786 = arith.constant 0 : index
    %get3A_1787 = arith.constant 30 : index
    %get3A_1788 = vector.load %arg4[%get3A_1786, %get3A_1787] : memref<128x64xf32, #tpu.memory_space<vmem>>, vector<128x1xf32>
    %gt3A_1789 = arith.constant 5.000000e-01 : f32
    %gt3A_1790 = vector.broadcast %gt3A_1789 : f32 to vector<128x1xf32>
    %gt3A_1791 = arith.cmpf ogt, %get3A_1788, %gt3A_1790 : vector<128x1xf32>
    %broadcast_in_dim3A_1792 = vector.shape_cast %gt3A_1791 : vector<128x1xi1> to vector<128x1xi1>
    %broadcast_in_dim3A_1793 = vector.broadcast %broadcast_in_dim3A_1792 : vector<128x1xi1> to vector<128x64xi1>
    %select_n3A_1794 = arith.select %broadcast_in_dim3A_1793, %get3A_1785, %get3A_1782 : vector<128x64xi1>, vector<128x64xf32>
    %convert_element_type3A_1795 = arith.truncf %select_n3A_1794 : vector<128x64xf32> to vector<128x64xbf16>
    %swap3A_1796 = arith.constant 0 : index
    %swap3A_1797 = arith.constant 6016 : index
    %swap3A_1798 = vector.load %arg5[%swap3A_1796, %swap3A_1797] : memref<128x8192xbf16, #tpu.memory_space<vmem>>, vector<128x64xbf16>
    tpu.vector_store %arg5[%swap3A_1796, %swap3A_1797], %convert_element_type3A_1795 {strides = array<i32>} : memref<128x8192xbf16, #tpu.memory_space<vmem>>, vector<128x64xbf16>,
    %get3A_1799 = arith.constant 0 : index
    %get3A_1800 = arith.constant 3968 : index
    %get3A_1801 = vector.load %arg2[%get3A_1799, %get3A_1800] : memref<128x8192xf32, #tpu.memory_space<vmem>>, vector<128x64xf32>
    %get3A_1802 = arith.constant 0 : index
    %get3A_1803 = arith.constant 4032 : index
    %get3A_1804 = vector.load %arg2[%get3A_1802, %get3A_1803] : memref<128x8192xf32, #tpu.memory_space<vmem>>, vector<128x64xf32>
    %get3A_1805 = arith.constant 0 : index
    %get3A_1806 = arith.constant 31 : index
    %get3A_1807 = vector.load %arg4[%get3A_1805, %get3A_1806] : memref<128x64xf32, #tpu.memory_space<vmem>>, vector<128x1xf32>
    %gt3A_1808 = arith.constant 5.000000e-01 : f32
    %gt3A_1809 = vector.broadcast %gt3A_1808 : f32 to vector<128x1xf32>
    %gt3A_1810 = arith.cmpf ogt, %get3A_1807, %gt3A_1809 : vector<128x1xf32>
    %broadcast_in_dim3A_1811 = vector.shape_cast %gt3A_1810 : vector<128x1xi1> to vector<128x1xi1>
    %broadcast_in_dim3A_1812 = vector.broadcast %broadcast_in_dim3A_1811 : vector<128x1xi1> to vector<128x64xi1>
    %select_n3A_1813 = arith.select %broadcast_in_dim3A_1812, %get3A_1804, %get3A_1801 : vector<128x64xi1>, vector<128x64xf32>
    %convert_element_type3A_1814 = arith.truncf %select_n3A_1813 : vector<128x64xf32> to vector<128x64xbf16>
    %swap3A_1815 = arith.constant 0 : index
    %swap3A_1816 = arith.constant 6080 : index
    %swap3A_1817 = vector.load %arg5[%swap3A_1815, %swap3A_1816] : memref<128x8192xbf16, #tpu.memory_space<vmem>>, vector<128x64xbf16>
    tpu.vector_store %arg5[%swap3A_1815, %swap3A_1816], %convert_element_type3A_1814 {strides = array<i32>} : memref<128x8192xbf16, #tpu.memory_space<vmem>>, vector<128x64xbf16>,
    %get3A_1818 = arith.constant 0 : index
    %get3A_1819 = arith.constant 4096 : index
    %get3A_1820 = vector.load %arg2[%get3A_1818, %get3A_1819] : memref<128x8192xf32, #tpu.memory_space<vmem>>, vector<128x64xf32>
    %get3A_1821 = arith.constant 0 : index
    %get3A_1822 = arith.constant 4160 : index
    %get3A_1823 = vector.load %arg2[%get3A_1821, %get3A_1822] : memref<128x8192xf32, #tpu.memory_space<vmem>>, vector<128x64xf32>
    %get3A_1824 = arith.constant 0 : index
    %get3A_1825 = arith.constant 32 : index
    %get3A_1826 = vector.load %arg4[%get3A_1824, %get3A_1825] : memref<128x64xf32, #tpu.memory_space<vmem>>, vector<128x1xf32>
    %gt3A_1827 = arith.constant 5.000000e-01 : f32
    %gt3A_1828 = vector.broadcast %gt3A_1827 : f32 to vector<128x1xf32>
    %gt3A_1829 = arith.cmpf ogt, %get3A_1826, %gt3A_1828 : vector<128x1xf32>
    %broadcast_in_dim3A_1830 = vector.shape_cast %gt3A_1829 : vector<128x1xi1> to vector<128x1xi1>
    %broadcast_in_dim3A_1831 = vector.broadcast %broadcast_in_dim3A_1830 : vector<128x1xi1> to vector<128x64xi1>
    %select_n3A_1832 = arith.select %broadcast_in_dim3A_1831, %get3A_1823, %get3A_1820 : vector<128x64xi1>, vector<128x64xf32>
    %convert_element_type3A_1833 = arith.truncf %select_n3A_1832 : vector<128x64xf32> to vector<128x64xbf16>
    %swap3A_1834 = arith.constant 0 : index
    %swap3A_1835 = arith.constant 6144 : index
    %swap3A_1836 = vector.load %arg5[%swap3A_1834, %swap3A_1835] : memref<128x8192xbf16, #tpu.memory_space<vmem>>, vector<128x64xbf16>
    tpu.vector_store %arg5[%swap3A_1834, %swap3A_1835], %convert_element_type3A_1833 {strides = array<i32>} : memref<128x8192xbf16, #tpu.memory_space<vmem>>, vector<128x64xbf16>,
    %get3A_1837 = arith.constant 0 : index
    %get3A_1838 = arith.constant 4224 : index
    %get3A_1839 = vector.load %arg2[%get3A_1837, %get3A_1838] : memref<128x8192xf32, #tpu.memory_space<vmem>>, vector<128x64xf32>
    %get3A_1840 = arith.constant 0 : index
    %get3A_1841 = arith.constant 4288 : index
    %get3A_1842 = vector.load %arg2[%get3A_1840, %get3A_1841] : memref<128x8192xf32, #tpu.memory_space<vmem>>, vector<128x64xf32>
    %get3A_1843 = arith.constant 0 : index
    %get3A_1844 = arith.constant 33 : index
    %get3A_1845 = vector.load %arg4[%get3A_1843, %get3A_1844] : memref<128x64xf32, #tpu.memory_space<vmem>>, vector<128x1xf32>
    %gt3A_1846 = arith.constant 5.000000e-01 : f32
    %gt3A_1847 = vector.broadcast %gt3A_1846 : f32 to vector<128x1xf32>
    %gt3A_1848 = arith.cmpf ogt, %get3A_1845, %gt3A_1847 : vector<128x1xf32>
    %broadcast_in_dim3A_1849 = vector.shape_cast %gt3A_1848 : vector<128x1xi1> to vector<128x1xi1>
    %broadcast_in_dim3A_1850 = vector.broadcast %broadcast_in_dim3A_1849 : vector<128x1xi1> to vector<128x64xi1>
    %select_n3A_1851 = arith.select %broadcast_in_dim3A_1850, %get3A_1842, %get3A_1839 : vector<128x64xi1>, vector<128x64xf32>
    %convert_element_type3A_1852 = arith.truncf %select_n3A_1851 : vector<128x64xf32> to vector<128x64xbf16>
    %swap3A_1853 = arith.constant 0 : index
    %swap3A_1854 = arith.constant 6208 : index
    %swap3A_1855 = vector.load %arg5[%swap3A_1853, %swap3A_1854] : memref<128x8192xbf16, #tpu.memory_space<vmem>>, vector<128x64xbf16>
    tpu.vector_store %arg5[%swap3A_1853, %swap3A_1854], %convert_element_type3A_1852 {strides = array<i32>} : memref<128x8192xbf16, #tpu.memory_space<vmem>>, vector<128x64xbf16>,
    %get3A_1856 = arith.constant 0 : index
    %get3A_1857 = arith.constant 4352 : index
    %get3A_1858 = vector.load %arg2[%get3A_1856, %get3A_1857] : memref<128x8192xf32, #tpu.memory_space<vmem>>, vector<128x64xf32>
    %get3A_1859 = arith.constant 0 : index
    %get3A_1860 = arith.constant 4416 : index
    %get3A_1861 = vector.load %arg2[%get3A_1859, %get3A_1860] : memref<128x8192xf32, #tpu.memory_space<vmem>>, vector<128x64xf32>
    %get3A_1862 = arith.constant 0 : index
    %get3A_1863 = arith.constant 34 : index
    %get3A_1864 = vector.load %arg4[%get3A_1862, %get3A_1863] : memref<128x64xf32, #tpu.memory_space<vmem>>, vector<128x1xf32>
    %gt3A_1865 = arith.constant 5.000000e-01 : f32
    %gt3A_1866 = vector.broadcast %gt3A_1865 : f32 to vector<128x1xf32>
    %gt3A_1867 = arith.cmpf ogt, %get3A_1864, %gt3A_1866 : vector<128x1xf32>
    %broadcast_in_dim3A_1868 = vector.shape_cast %gt3A_1867 : vector<128x1xi1> to vector<128x1xi1>
    %broadcast_in_dim3A_1869 = vector.broadcast %broadcast_in_dim3A_1868 : vector<128x1xi1> to vector<128x64xi1>
    %select_n3A_1870 = arith.select %broadcast_in_dim3A_1869, %get3A_1861, %get3A_1858 : vector<128x64xi1>, vector<128x64xf32>
    %convert_element_type3A_1871 = arith.truncf %select_n3A_1870 : vector<128x64xf32> to vector<128x64xbf16>
    %swap3A_1872 = arith.constant 0 : index
    %swap3A_1873 = arith.constant 6272 : index
    %swap3A_1874 = vector.load %arg5[%swap3A_1872, %swap3A_1873] : memref<128x8192xbf16, #tpu.memory_space<vmem>>, vector<128x64xbf16>
    tpu.vector_store %arg5[%swap3A_1872, %swap3A_1873], %convert_element_type3A_1871 {strides = array<i32>} : memref<128x8192xbf16, #tpu.memory_space<vmem>>, vector<128x64xbf16>,
    %get3A_1875 = arith.constant 0 : index
    %get3A_1876 = arith.constant 4480 : index
    %get3A_1877 = vector.load %arg2[%get3A_1875, %get3A_1876] : memref<128x8192xf32, #tpu.memory_space<vmem>>, vector<128x64xf32>
    %get3A_1878 = arith.constant 0 : index
    %get3A_1879 = arith.constant 4544 : index
    %get3A_1880 = vector.load %arg2[%get3A_1878, %get3A_1879] : memref<128x8192xf32, #tpu.memory_space<vmem>>, vector<128x64xf32>
    %get3A_1881 = arith.constant 0 : index
    %get3A_1882 = arith.constant 35 : index
    %get3A_1883 = vector.load %arg4[%get3A_1881, %get3A_1882] : memref<128x64xf32, #tpu.memory_space<vmem>>, vector<128x1xf32>
    %gt3A_1884 = arith.constant 5.000000e-01 : f32
    %gt3A_1885 = vector.broadcast %gt3A_1884 : f32 to vector<128x1xf32>
    %gt3A_1886 = arith.cmpf ogt, %get3A_1883, %gt3A_1885 : vector<128x1xf32>
    %broadcast_in_dim3A_1887 = vector.shape_cast %gt3A_1886 : vector<128x1xi1> to vector<128x1xi1>
    %broadcast_in_dim3A_1888 = vector.broadcast %broadcast_in_dim3A_1887 : vector<128x1xi1> to vector<128x64xi1>
    %select_n3A_1889 = arith.select %broadcast_in_dim3A_1888, %get3A_1880, %get3A_1877 : vector<128x64xi1>, vector<128x64xf32>
    %convert_element_type3A_1890 = arith.truncf %select_n3A_1889 : vector<128x64xf32> to vector<128x64xbf16>
    %swap3A_1891 = arith.constant 0 : index
    %swap3A_1892 = arith.constant 6336 : index
    %swap3A_1893 = vector.load %arg5[%swap3A_1891, %swap3A_1892] : memref<128x8192xbf16, #tpu.memory_space<vmem>>, vector<128x64xbf16>
    tpu.vector_store %arg5[%swap3A_1891, %swap3A_1892], %convert_element_type3A_1890 {strides = array<i32>} : memref<128x8192xbf16, #tpu.memory_space<vmem>>, vector<128x64xbf16>,
    %get3A_1894 = arith.constant 0 : index
    %get3A_1895 = arith.constant 4608 : index
    %get3A_1896 = vector.load %arg2[%get3A_1894, %get3A_1895] : memref<128x8192xf32, #tpu.memory_space<vmem>>, vector<128x64xf32>
    %get3A_1897 = arith.constant 0 : index
    %get3A_1898 = arith.constant 4672 : index
    %get3A_1899 = vector.load %arg2[%get3A_1897, %get3A_1898] : memref<128x8192xf32, #tpu.memory_space<vmem>>, vector<128x64xf32>
    %get3A_1900 = arith.constant 0 : index
    %get3A_1901 = arith.constant 36 : index
    %get3A_1902 = vector.load %arg4[%get3A_1900, %get3A_1901] : memref<128x64xf32, #tpu.memory_space<vmem>>, vector<128x1xf32>
    %gt3A_1903 = arith.constant 5.000000e-01 : f32
    %gt3A_1904 = vector.broadcast %gt3A_1903 : f32 to vector<128x1xf32>
    %gt3A_1905 = arith.cmpf ogt, %get3A_1902, %gt3A_1904 : vector<128x1xf32>
    %broadcast_in_dim3A_1906 = vector.shape_cast %gt3A_1905 : vector<128x1xi1> to vector<128x1xi1>
    %broadcast_in_dim3A_1907 = vector.broadcast %broadcast_in_dim3A_1906 : vector<128x1xi1> to vector<128x64xi1>
    %select_n3A_1908 = arith.select %broadcast_in_dim3A_1907, %get3A_1899, %get3A_1896 : vector<128x64xi1>, vector<128x64xf32>
    %convert_element_type3A_1909 = arith.truncf %select_n3A_1908 : vector<128x64xf32> to vector<128x64xbf16>
    %swap3A_1910 = arith.constant 0 : index
    %swap3A_1911 = arith.constant 6400 : index
    %swap3A_1912 = vector.load %arg5[%swap3A_1910, %swap3A_1911] : memref<128x8192xbf16, #tpu.memory_space<vmem>>, vector<128x64xbf16>
    tpu.vector_store %arg5[%swap3A_1910, %swap3A_1911], %convert_element_type3A_1909 {strides = array<i32>} : memref<128x8192xbf16, #tpu.memory_space<vmem>>, vector<128x64xbf16>,
    %get3A_1913 = arith.constant 0 : index
    %get3A_1914 = arith.constant 4736 : index
    %get3A_1915 = vector.load %arg2[%get3A_1913, %get3A_1914] : memref<128x8192xf32, #tpu.memory_space<vmem>>, vector<128x64xf32>
    %get3A_1916 = arith.constant 0 : index
    %get3A_1917 = arith.constant 4800 : index
    %get3A_1918 = vector.load %arg2[%get3A_1916, %get3A_1917] : memref<128x8192xf32, #tpu.memory_space<vmem>>, vector<128x64xf32>
    %get3A_1919 = arith.constant 0 : index
    %get3A_1920 = arith.constant 37 : index
    %get3A_1921 = vector.load %arg4[%get3A_1919, %get3A_1920] : memref<128x64xf32, #tpu.memory_space<vmem>>, vector<128x1xf32>
    %gt3A_1922 = arith.constant 5.000000e-01 : f32
    %gt3A_1923 = vector.broadcast %gt3A_1922 : f32 to vector<128x1xf32>
    %gt3A_1924 = arith.cmpf ogt, %get3A_1921, %gt3A_1923 : vector<128x1xf32>
    %broadcast_in_dim3A_1925 = vector.shape_cast %gt3A_1924 : vector<128x1xi1> to vector<128x1xi1>
    %broadcast_in_dim3A_1926 = vector.broadcast %broadcast_in_dim3A_1925 : vector<128x1xi1> to vector<128x64xi1>
    %select_n3A_1927 = arith.select %broadcast_in_dim3A_1926, %get3A_1918, %get3A_1915 : vector<128x64xi1>, vector<128x64xf32>
    %convert_element_type3A_1928 = arith.truncf %select_n3A_1927 : vector<128x64xf32> to vector<128x64xbf16>
    %swap3A_1929 = arith.constant 0 : index
    %swap3A_1930 = arith.constant 6464 : index
    %swap3A_1931 = vector.load %arg5[%swap3A_1929, %swap3A_1930] : memref<128x8192xbf16, #tpu.memory_space<vmem>>, vector<128x64xbf16>
    tpu.vector_store %arg5[%swap3A_1929, %swap3A_1930], %convert_element_type3A_1928 {strides = array<i32>} : memref<128x8192xbf16, #tpu.memory_space<vmem>>, vector<128x64xbf16>,
    %get3A_1932 = arith.constant 0 : index
    %get3A_1933 = arith.constant 4864 : index
    %get3A_1934 = vector.load %arg2[%get3A_1932, %get3A_1933] : memref<128x8192xf32, #tpu.memory_space<vmem>>, vector<128x64xf32>
    %get3A_1935 = arith.constant 0 : index
    %get3A_1936 = arith.constant 4928 : index
    %get3A_1937 = vector.load %arg2[%get3A_1935, %get3A_1936] : memref<128x8192xf32, #tpu.memory_space<vmem>>, vector<128x64xf32>
    %get3A_1938 = arith.constant 0 : index
    %get3A_1939 = arith.constant 38 : index
    %get3A_1940 = vector.load %arg4[%get3A_1938, %get3A_1939] : memref<128x64xf32, #tpu.memory_space<vmem>>, vector<128x1xf32>
    %gt3A_1941 = arith.constant 5.000000e-01 : f32
    %gt3A_1942 = vector.broadcast %gt3A_1941 : f32 to vector<128x1xf32>
    %gt3A_1943 = arith.cmpf ogt, %get3A_1940, %gt3A_1942 : vector<128x1xf32>
    %broadcast_in_dim3A_1944 = vector.shape_cast %gt3A_1943 : vector<128x1xi1> to vector<128x1xi1>
    %broadcast_in_dim3A_1945 = vector.broadcast %broadcast_in_dim3A_1944 : vector<128x1xi1> to vector<128x64xi1>
    %select_n3A_1946 = arith.select %broadcast_in_dim3A_1945, %get3A_1937, %get3A_1934 : vector<128x64xi1>, vector<128x64xf32>
    %convert_element_type3A_1947 = arith.truncf %select_n3A_1946 : vector<128x64xf32> to vector<128x64xbf16>
    %swap3A_1948 = arith.constant 0 : index
    %swap3A_1949 = arith.constant 6528 : index
    %swap3A_1950 = vector.load %arg5[%swap3A_1948, %swap3A_1949] : memref<128x8192xbf16, #tpu.memory_space<vmem>>, vector<128x64xbf16>
    tpu.vector_store %arg5[%swap3A_1948, %swap3A_1949], %convert_element_type3A_1947 {strides = array<i32>} : memref<128x8192xbf16, #tpu.memory_space<vmem>>, vector<128x64xbf16>,
    %get3A_1951 = arith.constant 0 : index
    %get3A_1952 = arith.constant 4992 : index
    %get3A_1953 = vector.load %arg2[%get3A_1951, %get3A_1952] : memref<128x8192xf32, #tpu.memory_space<vmem>>, vector<128x64xf32>
    %get3A_1954 = arith.constant 0 : index
    %get3A_1955 = arith.constant 5056 : index
    %get3A_1956 = vector.load %arg2[%get3A_1954, %get3A_1955] : memref<128x8192xf32, #tpu.memory_space<vmem>>, vector<128x64xf32>
    %get3A_1957 = arith.constant 0 : index
    %get3A_1958 = arith.constant 39 : index
    %get3A_1959 = vector.load %arg4[%get3A_1957, %get3A_1958] : memref<128x64xf32, #tpu.memory_space<vmem>>, vector<128x1xf32>
    %gt3A_1960 = arith.constant 5.000000e-01 : f32
    %gt3A_1961 = vector.broadcast %gt3A_1960 : f32 to vector<128x1xf32>
    %gt3A_1962 = arith.cmpf ogt, %get3A_1959, %gt3A_1961 : vector<128x1xf32>
    %broadcast_in_dim3A_1963 = vector.shape_cast %gt3A_1962 : vector<128x1xi1> to vector<128x1xi1>
    %broadcast_in_dim3A_1964 = vector.broadcast %broadcast_in_dim3A_1963 : vector<128x1xi1> to vector<128x64xi1>
    %select_n3A_1965 = arith.select %broadcast_in_dim3A_1964, %get3A_1956, %get3A_1953 : vector<128x64xi1>, vector<128x64xf32>
    %convert_element_type3A_1966 = arith.truncf %select_n3A_1965 : vector<128x64xf32> to vector<128x64xbf16>
    %swap3A_1967 = arith.constant 0 : index
    %swap3A_1968 = arith.constant 6592 : index
    %swap3A_1969 = vector.load %arg5[%swap3A_1967, %swap3A_1968] : memref<128x8192xbf16, #tpu.memory_space<vmem>>, vector<128x64xbf16>
    tpu.vector_store %arg5[%swap3A_1967, %swap3A_1968], %convert_element_type3A_1966 {strides = array<i32>} : memref<128x8192xbf16, #tpu.memory_space<vmem>>, vector<128x64xbf16>,
    %get3A_1970 = arith.constant 0 : index
    %get3A_1971 = arith.constant 5120 : index
    %get3A_1972 = vector.load %arg2[%get3A_1970, %get3A_1971] : memref<128x8192xf32, #tpu.memory_space<vmem>>, vector<128x64xf32>
    %get3A_1973 = arith.constant 0 : index
    %get3A_1974 = arith.constant 5184 : index
    %get3A_1975 = vector.load %arg2[%get3A_1973, %get3A_1974] : memref<128x8192xf32, #tpu.memory_space<vmem>>, vector<128x64xf32>
    %get3A_1976 = arith.constant 0 : index
    %get3A_1977 = arith.constant 40 : index
    %get3A_1978 = vector.load %arg4[%get3A_1976, %get3A_1977] : memref<128x64xf32, #tpu.memory_space<vmem>>, vector<128x1xf32>
    %gt3A_1979 = arith.constant 5.000000e-01 : f32
    %gt3A_1980 = vector.broadcast %gt3A_1979 : f32 to vector<128x1xf32>
    %gt3A_1981 = arith.cmpf ogt, %get3A_1978, %gt3A_1980 : vector<128x1xf32>
    %broadcast_in_dim3A_1982 = vector.shape_cast %gt3A_1981 : vector<128x1xi1> to vector<128x1xi1>
    %broadcast_in_dim3A_1983 = vector.broadcast %broadcast_in_dim3A_1982 : vector<128x1xi1> to vector<128x64xi1>
    %select_n3A_1984 = arith.select %broadcast_in_dim3A_1983, %get3A_1975, %get3A_1972 : vector<128x64xi1>, vector<128x64xf32>
    %convert_element_type3A_1985 = arith.truncf %select_n3A_1984 : vector<128x64xf32> to vector<128x64xbf16>
    %swap3A_1986 = arith.constant 0 : index
    %swap3A_1987 = arith.constant 6656 : index
    %swap3A_1988 = vector.load %arg5[%swap3A_1986, %swap3A_1987] : memref<128x8192xbf16, #tpu.memory_space<vmem>>, vector<128x64xbf16>
    tpu.vector_store %arg5[%swap3A_1986, %swap3A_1987], %convert_element_type3A_1985 {strides = array<i32>} : memref<128x8192xbf16, #tpu.memory_space<vmem>>, vector<128x64xbf16>,
    %get3A_1989 = arith.constant 0 : index
    %get3A_1990 = arith.constant 5248 : index
    %get3A_1991 = vector.load %arg2[%get3A_1989, %get3A_1990] : memref<128x8192xf32, #tpu.memory_space<vmem>>, vector<128x64xf32>
    %get3A_1992 = arith.constant 0 : index
    %get3A_1993 = arith.constant 5312 : index
    %get3A_1994 = vector.load %arg2[%get3A_1992, %get3A_1993] : memref<128x8192xf32, #tpu.memory_space<vmem>>, vector<128x64xf32>
    %get3A_1995 = arith.constant 0 : index
    %get3A_1996 = arith.constant 41 : index
    %get3A_1997 = vector.load %arg4[%get3A_1995, %get3A_1996] : memref<128x64xf32, #tpu.memory_space<vmem>>, vector<128x1xf32>
    %gt3A_1998 = arith.constant 5.000000e-01 : f32
    %gt3A_1999 = vector.broadcast %gt3A_1998 : f32 to vector<128x1xf32>
    %gt3A_2000 = arith.cmpf ogt, %get3A_1997, %gt3A_1999 : vector<128x1xf32>
    %broadcast_in_dim3A_2001 = vector.shape_cast %gt3A_2000 : vector<128x1xi1> to vector<128x1xi1>
    %broadcast_in_dim3A_2002 = vector.broadcast %broadcast_in_dim3A_2001 : vector<128x1xi1> to vector<128x64xi1>
    %select_n3A_2003 = arith.select %broadcast_in_dim3A_2002, %get3A_1994, %get3A_1991 : vector<128x64xi1>, vector<128x64xf32>
    %convert_element_type3A_2004 = arith.truncf %select_n3A_2003 : vector<128x64xf32> to vector<128x64xbf16>
    %swap3A_2005 = arith.constant 0 : index
    %swap3A_2006 = arith.constant 6720 : index
    %swap3A_2007 = vector.load %arg5[%swap3A_2005, %swap3A_2006] : memref<128x8192xbf16, #tpu.memory_space<vmem>>, vector<128x64xbf16>
    tpu.vector_store %arg5[%swap3A_2005, %swap3A_2006], %convert_element_type3A_2004 {strides = array<i32>} : memref<128x8192xbf16, #tpu.memory_space<vmem>>, vector<128x64xbf16>,
    %get3A_2008 = arith.constant 0 : index
    %get3A_2009 = arith.constant 5376 : index
    %get3A_2010 = vector.load %arg2[%get3A_2008, %get3A_2009] : memref<128x8192xf32, #tpu.memory_space<vmem>>, vector<128x64xf32>
    %get3A_2011 = arith.constant 0 : index
    %get3A_2012 = arith.constant 5440 : index
    %get3A_2013 = vector.load %arg2[%get3A_2011, %get3A_2012] : memref<128x8192xf32, #tpu.memory_space<vmem>>, vector<128x64xf32>
    %get3A_2014 = arith.constant 0 : index
    %get3A_2015 = arith.constant 42 : index
    %get3A_2016 = vector.load %arg4[%get3A_2014, %get3A_2015] : memref<128x64xf32, #tpu.memory_space<vmem>>, vector<128x1xf32>
    %gt3A_2017 = arith.constant 5.000000e-01 : f32
    %gt3A_2018 = vector.broadcast %gt3A_2017 : f32 to vector<128x1xf32>
    %gt3A_2019 = arith.cmpf ogt, %get3A_2016, %gt3A_2018 : vector<128x1xf32>
    %broadcast_in_dim3A_2020 = vector.shape_cast %gt3A_2019 : vector<128x1xi1> to vector<128x1xi1>
    %broadcast_in_dim3A_2021 = vector.broadcast %broadcast_in_dim3A_2020 : vector<128x1xi1> to vector<128x64xi1>
    %select_n3A_2022 = arith.select %broadcast_in_dim3A_2021, %get3A_2013, %get3A_2010 : vector<128x64xi1>, vector<128x64xf32>
    %convert_element_type3A_2023 = arith.truncf %select_n3A_2022 : vector<128x64xf32> to vector<128x64xbf16>
    %swap3A_2024 = arith.constant 0 : index
    %swap3A_2025 = arith.constant 6784 : index
    %swap3A_2026 = vector.load %arg5[%swap3A_2024, %swap3A_2025] : memref<128x8192xbf16, #tpu.memory_space<vmem>>, vector<128x64xbf16>
    tpu.vector_store %arg5[%swap3A_2024, %swap3A_2025], %convert_element_type3A_2023 {strides = array<i32>} : memref<128x8192xbf16, #tpu.memory_space<vmem>>, vector<128x64xbf16>,
    %get3A_2027 = arith.constant 0 : index
    %get3A_2028 = arith.constant 5504 : index
    %get3A_2029 = vector.load %arg2[%get3A_2027, %get3A_2028] : memref<128x8192xf32, #tpu.memory_space<vmem>>, vector<128x64xf32>
    %get3A_2030 = arith.constant 0 : index
    %get3A_2031 = arith.constant 5568 : index
    %get3A_2032 = vector.load %arg2[%get3A_2030, %get3A_2031] : memref<128x8192xf32, #tpu.memory_space<vmem>>, vector<128x64xf32>
    %get3A_2033 = arith.constant 0 : index
    %get3A_2034 = arith.constant 43 : index
    %get3A_2035 = vector.load %arg4[%get3A_2033, %get3A_2034] : memref<128x64xf32, #tpu.memory_space<vmem>>, vector<128x1xf32>
    %gt3A_2036 = arith.constant 5.000000e-01 : f32
    %gt3A_2037 = vector.broadcast %gt3A_2036 : f32 to vector<128x1xf32>
    %gt3A_2038 = arith.cmpf ogt, %get3A_2035, %gt3A_2037 : vector<128x1xf32>
    %broadcast_in_dim3A_2039 = vector.shape_cast %gt3A_2038 : vector<128x1xi1> to vector<128x1xi1>
    %broadcast_in_dim3A_2040 = vector.broadcast %broadcast_in_dim3A_2039 : vector<128x1xi1> to vector<128x64xi1>
    %select_n3A_2041 = arith.select %broadcast_in_dim3A_2040, %get3A_2032, %get3A_2029 : vector<128x64xi1>, vector<128x64xf32>
    %convert_element_type3A_2042 = arith.truncf %select_n3A_2041 : vector<128x64xf32> to vector<128x64xbf16>
    %swap3A_2043 = arith.constant 0 : index
    %swap3A_2044 = arith.constant 6848 : index
    %swap3A_2045 = vector.load %arg5[%swap3A_2043, %swap3A_2044] : memref<128x8192xbf16, #tpu.memory_space<vmem>>, vector<128x64xbf16>
    tpu.vector_store %arg5[%swap3A_2043, %swap3A_2044], %convert_element_type3A_2042 {strides = array<i32>} : memref<128x8192xbf16, #tpu.memory_space<vmem>>, vector<128x64xbf16>,
    %get3A_2046 = arith.constant 0 : index
    %get3A_2047 = arith.constant 5632 : index
    %get3A_2048 = vector.load %arg2[%get3A_2046, %get3A_2047] : memref<128x8192xf32, #tpu.memory_space<vmem>>, vector<128x64xf32>
    %get3A_2049 = arith.constant 0 : index
    %get3A_2050 = arith.constant 5696 : index
    %get3A_2051 = vector.load %arg2[%get3A_2049, %get3A_2050] : memref<128x8192xf32, #tpu.memory_space<vmem>>, vector<128x64xf32>
    %get3A_2052 = arith.constant 0 : index
    %get3A_2053 = arith.constant 44 : index
    %get3A_2054 = vector.load %arg4[%get3A_2052, %get3A_2053] : memref<128x64xf32, #tpu.memory_space<vmem>>, vector<128x1xf32>
    %gt3A_2055 = arith.constant 5.000000e-01 : f32
    %gt3A_2056 = vector.broadcast %gt3A_2055 : f32 to vector<128x1xf32>
    %gt3A_2057 = arith.cmpf ogt, %get3A_2054, %gt3A_2056 : vector<128x1xf32>
    %broadcast_in_dim3A_2058 = vector.shape_cast %gt3A_2057 : vector<128x1xi1> to vector<128x1xi1>
    %broadcast_in_dim3A_2059 = vector.broadcast %broadcast_in_dim3A_2058 : vector<128x1xi1> to vector<128x64xi1>
    %select_n3A_2060 = arith.select %broadcast_in_dim3A_2059, %get3A_2051, %get3A_2048 : vector<128x64xi1>, vector<128x64xf32>
    %convert_element_type3A_2061 = arith.truncf %select_n3A_2060 : vector<128x64xf32> to vector<128x64xbf16>
    %swap3A_2062 = arith.constant 0 : index
    %swap3A_2063 = arith.constant 6912 : index
    %swap3A_2064 = vector.load %arg5[%swap3A_2062, %swap3A_2063] : memref<128x8192xbf16, #tpu.memory_space<vmem>>, vector<128x64xbf16>
    tpu.vector_store %arg5[%swap3A_2062, %swap3A_2063], %convert_element_type3A_2061 {strides = array<i32>} : memref<128x8192xbf16, #tpu.memory_space<vmem>>, vector<128x64xbf16>,
    %get3A_2065 = arith.constant 0 : index
    %get3A_2066 = arith.constant 5760 : index
    %get3A_2067 = vector.load %arg2[%get3A_2065, %get3A_2066] : memref<128x8192xf32, #tpu.memory_space<vmem>>, vector<128x64xf32>
    %get3A_2068 = arith.constant 0 : index
    %get3A_2069 = arith.constant 5824 : index
    %get3A_2070 = vector.load %arg2[%get3A_2068, %get3A_2069] : memref<128x8192xf32, #tpu.memory_space<vmem>>, vector<128x64xf32>
    %get3A_2071 = arith.constant 0 : index
    %get3A_2072 = arith.constant 45 : index
    %get3A_2073 = vector.load %arg4[%get3A_2071, %get3A_2072] : memref<128x64xf32, #tpu.memory_space<vmem>>, vector<128x1xf32>
    %gt3A_2074 = arith.constant 5.000000e-01 : f32
    %gt3A_2075 = vector.broadcast %gt3A_2074 : f32 to vector<128x1xf32>
    %gt3A_2076 = arith.cmpf ogt, %get3A_2073, %gt3A_2075 : vector<128x1xf32>
    %broadcast_in_dim3A_2077 = vector.shape_cast %gt3A_2076 : vector<128x1xi1> to vector<128x1xi1>
    %broadcast_in_dim3A_2078 = vector.broadcast %broadcast_in_dim3A_2077 : vector<128x1xi1> to vector<128x64xi1>
    %select_n3A_2079 = arith.select %broadcast_in_dim3A_2078, %get3A_2070, %get3A_2067 : vector<128x64xi1>, vector<128x64xf32>
    %convert_element_type3A_2080 = arith.truncf %select_n3A_2079 : vector<128x64xf32> to vector<128x64xbf16>
    %swap3A_2081 = arith.constant 0 : index
    %swap3A_2082 = arith.constant 6976 : index
    %swap3A_2083 = vector.load %arg5[%swap3A_2081, %swap3A_2082] : memref<128x8192xbf16, #tpu.memory_space<vmem>>, vector<128x64xbf16>
    tpu.vector_store %arg5[%swap3A_2081, %swap3A_2082], %convert_element_type3A_2080 {strides = array<i32>} : memref<128x8192xbf16, #tpu.memory_space<vmem>>, vector<128x64xbf16>,
    %get3A_2084 = arith.constant 0 : index
    %get3A_2085 = arith.constant 5888 : index
    %get3A_2086 = vector.load %arg2[%get3A_2084, %get3A_2085] : memref<128x8192xf32, #tpu.memory_space<vmem>>, vector<128x64xf32>
    %get3A_2087 = arith.constant 0 : index
    %get3A_2088 = arith.constant 5952 : index
    %get3A_2089 = vector.load %arg2[%get3A_2087, %get3A_2088] : memref<128x8192xf32, #tpu.memory_space<vmem>>, vector<128x64xf32>
    %get3A_2090 = arith.constant 0 : index
    %get3A_2091 = arith.constant 46 : index
    %get3A_2092 = vector.load %arg4[%get3A_2090, %get3A_2091] : memref<128x64xf32, #tpu.memory_space<vmem>>, vector<128x1xf32>
    %gt3A_2093 = arith.constant 5.000000e-01 : f32
    %gt3A_2094 = vector.broadcast %gt3A_2093 : f32 to vector<128x1xf32>
    %gt3A_2095 = arith.cmpf ogt, %get3A_2092, %gt3A_2094 : vector<128x1xf32>
    %broadcast_in_dim3A_2096 = vector.shape_cast %gt3A_2095 : vector<128x1xi1> to vector<128x1xi1>
    %broadcast_in_dim3A_2097 = vector.broadcast %broadcast_in_dim3A_2096 : vector<128x1xi1> to vector<128x64xi1>
    %select_n3A_2098 = arith.select %broadcast_in_dim3A_2097, %get3A_2089, %get3A_2086 : vector<128x64xi1>, vector<128x64xf32>
    %convert_element_type3A_2099 = arith.truncf %select_n3A_2098 : vector<128x64xf32> to vector<128x64xbf16>
    %swap3A_2100 = arith.constant 0 : index
    %swap3A_2101 = arith.constant 7040 : index
    %swap3A_2102 = vector.load %arg5[%swap3A_2100, %swap3A_2101] : memref<128x8192xbf16, #tpu.memory_space<vmem>>, vector<128x64xbf16>
    tpu.vector_store %arg5[%swap3A_2100, %swap3A_2101], %convert_element_type3A_2099 {strides = array<i32>} : memref<128x8192xbf16, #tpu.memory_space<vmem>>, vector<128x64xbf16>,
    %get3A_2103 = arith.constant 0 : index
    %get3A_2104 = arith.constant 6016 : index
    %get3A_2105 = vector.load %arg2[%get3A_2103, %get3A_2104] : memref<128x8192xf32, #tpu.memory_space<vmem>>, vector<128x64xf32>
    %get3A_2106 = arith.constant 0 : index
    %get3A_2107 = arith.constant 6080 : index
    %get3A_2108 = vector.load %arg2[%get3A_2106, %get3A_2107] : memref<128x8192xf32, #tpu.memory_space<vmem>>, vector<128x64xf32>
    %get3A_2109 = arith.constant 0 : index
    %get3A_2110 = arith.constant 47 : index
    %get3A_2111 = vector.load %arg4[%get3A_2109, %get3A_2110] : memref<128x64xf32, #tpu.memory_space<vmem>>, vector<128x1xf32>
    %gt3A_2112 = arith.constant 5.000000e-01 : f32
    %gt3A_2113 = vector.broadcast %gt3A_2112 : f32 to vector<128x1xf32>
    %gt3A_2114 = arith.cmpf ogt, %get3A_2111, %gt3A_2113 : vector<128x1xf32>
    %broadcast_in_dim3A_2115 = vector.shape_cast %gt3A_2114 : vector<128x1xi1> to vector<128x1xi1>
    %broadcast_in_dim3A_2116 = vector.broadcast %broadcast_in_dim3A_2115 : vector<128x1xi1> to vector<128x64xi1>
    %select_n3A_2117 = arith.select %broadcast_in_dim3A_2116, %get3A_2108, %get3A_2105 : vector<128x64xi1>, vector<128x64xf32>
    %convert_element_type3A_2118 = arith.truncf %select_n3A_2117 : vector<128x64xf32> to vector<128x64xbf16>
    %swap3A_2119 = arith.constant 0 : index
    %swap3A_2120 = arith.constant 7104 : index
    %swap3A_2121 = vector.load %arg5[%swap3A_2119, %swap3A_2120] : memref<128x8192xbf16, #tpu.memory_space<vmem>>, vector<128x64xbf16>
    tpu.vector_store %arg5[%swap3A_2119, %swap3A_2120], %convert_element_type3A_2118 {strides = array<i32>} : memref<128x8192xbf16, #tpu.memory_space<vmem>>, vector<128x64xbf16>,
    %get3A_2122 = arith.constant 0 : index
    %get3A_2123 = arith.constant 6144 : index
    %get3A_2124 = vector.load %arg2[%get3A_2122, %get3A_2123] : memref<128x8192xf32, #tpu.memory_space<vmem>>, vector<128x64xf32>
    %get3A_2125 = arith.constant 0 : index
    %get3A_2126 = arith.constant 6208 : index
    %get3A_2127 = vector.load %arg2[%get3A_2125, %get3A_2126] : memref<128x8192xf32, #tpu.memory_space<vmem>>, vector<128x64xf32>
    %get3A_2128 = arith.constant 0 : index
    %get3A_2129 = arith.constant 48 : index
    %get3A_2130 = vector.load %arg4[%get3A_2128, %get3A_2129] : memref<128x64xf32, #tpu.memory_space<vmem>>, vector<128x1xf32>
    %gt3A_2131 = arith.constant 5.000000e-01 : f32
    %gt3A_2132 = vector.broadcast %gt3A_2131 : f32 to vector<128x1xf32>
    %gt3A_2133 = arith.cmpf ogt, %get3A_2130, %gt3A_2132 : vector<128x1xf32>
    %broadcast_in_dim3A_2134 = vector.shape_cast %gt3A_2133 : vector<128x1xi1> to vector<128x1xi1>
    %broadcast_in_dim3A_2135 = vector.broadcast %broadcast_in_dim3A_2134 : vector<128x1xi1> to vector<128x64xi1>
    %select_n3A_2136 = arith.select %broadcast_in_dim3A_2135, %get3A_2127, %get3A_2124 : vector<128x64xi1>, vector<128x64xf32>
    %convert_element_type3A_2137 = arith.truncf %select_n3A_2136 : vector<128x64xf32> to vector<128x64xbf16>
    %swap3A_2138 = arith.constant 0 : index
    %swap3A_2139 = arith.constant 7168 : index
    %swap3A_2140 = vector.load %arg5[%swap3A_2138, %swap3A_2139] : memref<128x8192xbf16, #tpu.memory_space<vmem>>, vector<128x64xbf16>
    tpu.vector_store %arg5[%swap3A_2138, %swap3A_2139], %convert_element_type3A_2137 {strides = array<i32>} : memref<128x8192xbf16, #tpu.memory_space<vmem>>, vector<128x64xbf16>,
    %get3A_2141 = arith.constant 0 : index
    %get3A_2142 = arith.constant 6272 : index
    %get3A_2143 = vector.load %arg2[%get3A_2141, %get3A_2142] : memref<128x8192xf32, #tpu.memory_space<vmem>>, vector<128x64xf32>
    %get3A_2144 = arith.constant 0 : index
    %get3A_2145 = arith.constant 6336 : index
    %get3A_2146 = vector.load %arg2[%get3A_2144, %get3A_2145] : memref<128x8192xf32, #tpu.memory_space<vmem>>, vector<128x64xf32>
    %get3A_2147 = arith.constant 0 : index
    %get3A_2148 = arith.constant 49 : index
    %get3A_2149 = vector.load %arg4[%get3A_2147, %get3A_2148] : memref<128x64xf32, #tpu.memory_space<vmem>>, vector<128x1xf32>
    %gt3A_2150 = arith.constant 5.000000e-01 : f32
    %gt3A_2151 = vector.broadcast %gt3A_2150 : f32 to vector<128x1xf32>
    %gt3A_2152 = arith.cmpf ogt, %get3A_2149, %gt3A_2151 : vector<128x1xf32>
    %broadcast_in_dim3A_2153 = vector.shape_cast %gt3A_2152 : vector<128x1xi1> to vector<128x1xi1>
    %broadcast_in_dim3A_2154 = vector.broadcast %broadcast_in_dim3A_2153 : vector<128x1xi1> to vector<128x64xi1>
    %select_n3A_2155 = arith.select %broadcast_in_dim3A_2154, %get3A_2146, %get3A_2143 : vector<128x64xi1>, vector<128x64xf32>
    %convert_element_type3A_2156 = arith.truncf %select_n3A_2155 : vector<128x64xf32> to vector<128x64xbf16>
    %swap3A_2157 = arith.constant 0 : index
    %swap3A_2158 = arith.constant 7232 : index
    %swap3A_2159 = vector.load %arg5[%swap3A_2157, %swap3A_2158] : memref<128x8192xbf16, #tpu.memory_space<vmem>>, vector<128x64xbf16>
    tpu.vector_store %arg5[%swap3A_2157, %swap3A_2158], %convert_element_type3A_2156 {strides = array<i32>} : memref<128x8192xbf16, #tpu.memory_space<vmem>>, vector<128x64xbf16>,
    %get3A_2160 = arith.constant 0 : index
    %get3A_2161 = arith.constant 6400 : index
    %get3A_2162 = vector.load %arg2[%get3A_2160, %get3A_2161] : memref<128x8192xf32, #tpu.memory_space<vmem>>, vector<128x64xf32>
    %get3A_2163 = arith.constant 0 : index
    %get3A_2164 = arith.constant 6464 : index
    %get3A_2165 = vector.load %arg2[%get3A_2163, %get3A_2164] : memref<128x8192xf32, #tpu.memory_space<vmem>>, vector<128x64xf32>
    %get3A_2166 = arith.constant 0 : index
    %get3A_2167 = arith.constant 50 : index
    %get3A_2168 = vector.load %arg4[%get3A_2166, %get3A_2167] : memref<128x64xf32, #tpu.memory_space<vmem>>, vector<128x1xf32>
    %gt3A_2169 = arith.constant 5.000000e-01 : f32
    %gt3A_2170 = vector.broadcast %gt3A_2169 : f32 to vector<128x1xf32>
    %gt3A_2171 = arith.cmpf ogt, %get3A_2168, %gt3A_2170 : vector<128x1xf32>
    %broadcast_in_dim3A_2172 = vector.shape_cast %gt3A_2171 : vector<128x1xi1> to vector<128x1xi1>
    %broadcast_in_dim3A_2173 = vector.broadcast %broadcast_in_dim3A_2172 : vector<128x1xi1> to vector<128x64xi1>
    %select_n3A_2174 = arith.select %broadcast_in_dim3A_2173, %get3A_2165, %get3A_2162 : vector<128x64xi1>, vector<128x64xf32>
    %convert_element_type3A_2175 = arith.truncf %select_n3A_2174 : vector<128x64xf32> to vector<128x64xbf16>
    %swap3A_2176 = arith.constant 0 : index
    %swap3A_2177 = arith.constant 7296 : index
    %swap3A_2178 = vector.load %arg5[%swap3A_2176, %swap3A_2177] : memref<128x8192xbf16, #tpu.memory_space<vmem>>, vector<128x64xbf16>
    tpu.vector_store %arg5[%swap3A_2176, %swap3A_2177], %convert_element_type3A_2175 {strides = array<i32>} : memref<128x8192xbf16, #tpu.memory_space<vmem>>, vector<128x64xbf16>,
    %get3A_2179 = arith.constant 0 : index
    %get3A_2180 = arith.constant 6528 : index
    %get3A_2181 = vector.load %arg2[%get3A_2179, %get3A_2180] : memref<128x8192xf32, #tpu.memory_space<vmem>>, vector<128x64xf32>
    %get3A_2182 = arith.constant 0 : index
    %get3A_2183 = arith.constant 6592 : index
    %get3A_2184 = vector.load %arg2[%get3A_2182, %get3A_2183] : memref<128x8192xf32, #tpu.memory_space<vmem>>, vector<128x64xf32>
    %get3A_2185 = arith.constant 0 : index
    %get3A_2186 = arith.constant 51 : index
    %get3A_2187 = vector.load %arg4[%get3A_2185, %get3A_2186] : memref<128x64xf32, #tpu.memory_space<vmem>>, vector<128x1xf32>
    %gt3A_2188 = arith.constant 5.000000e-01 : f32
    %gt3A_2189 = vector.broadcast %gt3A_2188 : f32 to vector<128x1xf32>
    %gt3A_2190 = arith.cmpf ogt, %get3A_2187, %gt3A_2189 : vector<128x1xf32>
    %broadcast_in_dim3A_2191 = vector.shape_cast %gt3A_2190 : vector<128x1xi1> to vector<128x1xi1>
    %broadcast_in_dim3A_2192 = vector.broadcast %broadcast_in_dim3A_2191 : vector<128x1xi1> to vector<128x64xi1>
    %select_n3A_2193 = arith.select %broadcast_in_dim3A_2192, %get3A_2184, %get3A_2181 : vector<128x64xi1>, vector<128x64xf32>
    %convert_element_type3A_2194 = arith.truncf %select_n3A_2193 : vector<128x64xf32> to vector<128x64xbf16>
    %swap3A_2195 = arith.constant 0 : index
    %swap3A_2196 = arith.constant 7360 : index
    %swap3A_2197 = vector.load %arg5[%swap3A_2195, %swap3A_2196] : memref<128x8192xbf16, #tpu.memory_space<vmem>>, vector<128x64xbf16>
    tpu.vector_store %arg5[%swap3A_2195, %swap3A_2196], %convert_element_type3A_2194 {strides = array<i32>} : memref<128x8192xbf16, #tpu.memory_space<vmem>>, vector<128x64xbf16>,
    %get3A_2198 = arith.constant 0 : index
    %get3A_2199 = arith.constant 6656 : index
    %get3A_2200 = vector.load %arg2[%get3A_2198, %get3A_2199] : memref<128x8192xf32, #tpu.memory_space<vmem>>, vector<128x64xf32>
    %get3A_2201 = arith.constant 0 : index
    %get3A_2202 = arith.constant 6720 : index
    %get3A_2203 = vector.load %arg2[%get3A_2201, %get3A_2202] : memref<128x8192xf32, #tpu.memory_space<vmem>>, vector<128x64xf32>
    %get3A_2204 = arith.constant 0 : index
    %get3A_2205 = arith.constant 52 : index
    %get3A_2206 = vector.load %arg4[%get3A_2204, %get3A_2205] : memref<128x64xf32, #tpu.memory_space<vmem>>, vector<128x1xf32>
    %gt3A_2207 = arith.constant 5.000000e-01 : f32
    %gt3A_2208 = vector.broadcast %gt3A_2207 : f32 to vector<128x1xf32>
    %gt3A_2209 = arith.cmpf ogt, %get3A_2206, %gt3A_2208 : vector<128x1xf32>
    %broadcast_in_dim3A_2210 = vector.shape_cast %gt3A_2209 : vector<128x1xi1> to vector<128x1xi1>
    %broadcast_in_dim3A_2211 = vector.broadcast %broadcast_in_dim3A_2210 : vector<128x1xi1> to vector<128x64xi1>
    %select_n3A_2212 = arith.select %broadcast_in_dim3A_2211, %get3A_2203, %get3A_2200 : vector<128x64xi1>, vector<128x64xf32>
    %convert_element_type3A_2213 = arith.truncf %select_n3A_2212 : vector<128x64xf32> to vector<128x64xbf16>
    %swap3A_2214 = arith.constant 0 : index
    %swap3A_2215 = arith.constant 7424 : index
    %swap3A_2216 = vector.load %arg5[%swap3A_2214, %swap3A_2215] : memref<128x8192xbf16, #tpu.memory_space<vmem>>, vector<128x64xbf16>
    tpu.vector_store %arg5[%swap3A_2214, %swap3A_2215], %convert_element_type3A_2213 {strides = array<i32>} : memref<128x8192xbf16, #tpu.memory_space<vmem>>, vector<128x64xbf16>,
    %get3A_2217 = arith.constant 0 : index
    %get3A_2218 = arith.constant 6784 : index
    %get3A_2219 = vector.load %arg2[%get3A_2217, %get3A_2218] : memref<128x8192xf32, #tpu.memory_space<vmem>>, vector<128x64xf32>
    %get3A_2220 = arith.constant 0 : index
    %get3A_2221 = arith.constant 6848 : index
    %get3A_2222 = vector.load %arg2[%get3A_2220, %get3A_2221] : memref<128x8192xf32, #tpu.memory_space<vmem>>, vector<128x64xf32>
    %get3A_2223 = arith.constant 0 : index
    %get3A_2224 = arith.constant 53 : index
    %get3A_2225 = vector.load %arg4[%get3A_2223, %get3A_2224] : memref<128x64xf32, #tpu.memory_space<vmem>>, vector<128x1xf32>
    %gt3A_2226 = arith.constant 5.000000e-01 : f32
    %gt3A_2227 = vector.broadcast %gt3A_2226 : f32 to vector<128x1xf32>
    %gt3A_2228 = arith.cmpf ogt, %get3A_2225, %gt3A_2227 : vector<128x1xf32>
    %broadcast_in_dim3A_2229 = vector.shape_cast %gt3A_2228 : vector<128x1xi1> to vector<128x1xi1>
    %broadcast_in_dim3A_2230 = vector.broadcast %broadcast_in_dim3A_2229 : vector<128x1xi1> to vector<128x64xi1>
    %select_n3A_2231 = arith.select %broadcast_in_dim3A_2230, %get3A_2222, %get3A_2219 : vector<128x64xi1>, vector<128x64xf32>
    %convert_element_type3A_2232 = arith.truncf %select_n3A_2231 : vector<128x64xf32> to vector<128x64xbf16>
    %swap3A_2233 = arith.constant 0 : index
    %swap3A_2234 = arith.constant 7488 : index
    %swap3A_2235 = vector.load %arg5[%swap3A_2233, %swap3A_2234] : memref<128x8192xbf16, #tpu.memory_space<vmem>>, vector<128x64xbf16>
    tpu.vector_store %arg5[%swap3A_2233, %swap3A_2234], %convert_element_type3A_2232 {strides = array<i32>} : memref<128x8192xbf16, #tpu.memory_space<vmem>>, vector<128x64xbf16>,
    %get3A_2236 = arith.constant 0 : index
    %get3A_2237 = arith.constant 6912 : index
    %get3A_2238 = vector.load %arg2[%get3A_2236, %get3A_2237] : memref<128x8192xf32, #tpu.memory_space<vmem>>, vector<128x64xf32>
    %get3A_2239 = arith.constant 0 : index
    %get3A_2240 = arith.constant 6976 : index
    %get3A_2241 = vector.load %arg2[%get3A_2239, %get3A_2240] : memref<128x8192xf32, #tpu.memory_space<vmem>>, vector<128x64xf32>
    %get3A_2242 = arith.constant 0 : index
    %get3A_2243 = arith.constant 54 : index
    %get3A_2244 = vector.load %arg4[%get3A_2242, %get3A_2243] : memref<128x64xf32, #tpu.memory_space<vmem>>, vector<128x1xf32>
    %gt3A_2245 = arith.constant 5.000000e-01 : f32
    %gt3A_2246 = vector.broadcast %gt3A_2245 : f32 to vector<128x1xf32>
    %gt3A_2247 = arith.cmpf ogt, %get3A_2244, %gt3A_2246 : vector<128x1xf32>
    %broadcast_in_dim3A_2248 = vector.shape_cast %gt3A_2247 : vector<128x1xi1> to vector<128x1xi1>
    %broadcast_in_dim3A_2249 = vector.broadcast %broadcast_in_dim3A_2248 : vector<128x1xi1> to vector<128x64xi1>
    %select_n3A_2250 = arith.select %broadcast_in_dim3A_2249, %get3A_2241, %get3A_2238 : vector<128x64xi1>, vector<128x64xf32>
    %convert_element_type3A_2251 = arith.truncf %select_n3A_2250 : vector<128x64xf32> to vector<128x64xbf16>
    %swap3A_2252 = arith.constant 0 : index
    %swap3A_2253 = arith.constant 7552 : index
    %swap3A_2254 = vector.load %arg5[%swap3A_2252, %swap3A_2253] : memref<128x8192xbf16, #tpu.memory_space<vmem>>, vector<128x64xbf16>
    tpu.vector_store %arg5[%swap3A_2252, %swap3A_2253], %convert_element_type3A_2251 {strides = array<i32>} : memref<128x8192xbf16, #tpu.memory_space<vmem>>, vector<128x64xbf16>,
    %get3A_2255 = arith.constant 0 : index
    %get3A_2256 = arith.constant 7040 : index
    %get3A_2257 = vector.load %arg2[%get3A_2255, %get3A_2256] : memref<128x8192xf32, #tpu.memory_space<vmem>>, vector<128x64xf32>
    %get3A_2258 = arith.constant 0 : index
    %get3A_2259 = arith.constant 7104 : index
    %get3A_2260 = vector.load %arg2[%get3A_2258, %get3A_2259] : memref<128x8192xf32, #tpu.memory_space<vmem>>, vector<128x64xf32>
    %get3A_2261 = arith.constant 0 : index
    %get3A_2262 = arith.constant 55 : index
    %get3A_2263 = vector.load %arg4[%get3A_2261, %get3A_2262] : memref<128x64xf32, #tpu.memory_space<vmem>>, vector<128x1xf32>
    %gt3A_2264 = arith.constant 5.000000e-01 : f32
    %gt3A_2265 = vector.broadcast %gt3A_2264 : f32 to vector<128x1xf32>
    %gt3A_2266 = arith.cmpf ogt, %get3A_2263, %gt3A_2265 : vector<128x1xf32>
    %broadcast_in_dim3A_2267 = vector.shape_cast %gt3A_2266 : vector<128x1xi1> to vector<128x1xi1>
    %broadcast_in_dim3A_2268 = vector.broadcast %broadcast_in_dim3A_2267 : vector<128x1xi1> to vector<128x64xi1>
    %select_n3A_2269 = arith.select %broadcast_in_dim3A_2268, %get3A_2260, %get3A_2257 : vector<128x64xi1>, vector<128x64xf32>
    %convert_element_type3A_2270 = arith.truncf %select_n3A_2269 : vector<128x64xf32> to vector<128x64xbf16>
    %swap3A_2271 = arith.constant 0 : index
    %swap3A_2272 = arith.constant 7616 : index
    %swap3A_2273 = vector.load %arg5[%swap3A_2271, %swap3A_2272] : memref<128x8192xbf16, #tpu.memory_space<vmem>>, vector<128x64xbf16>
    tpu.vector_store %arg5[%swap3A_2271, %swap3A_2272], %convert_element_type3A_2270 {strides = array<i32>} : memref<128x8192xbf16, #tpu.memory_space<vmem>>, vector<128x64xbf16>,
    %get3A_2274 = arith.constant 0 : index
    %get3A_2275 = arith.constant 7168 : index
    %get3A_2276 = vector.load %arg2[%get3A_2274, %get3A_2275] : memref<128x8192xf32, #tpu.memory_space<vmem>>, vector<128x64xf32>
    %get3A_2277 = arith.constant 0 : index
    %get3A_2278 = arith.constant 7232 : index
    %get3A_2279 = vector.load %arg2[%get3A_2277, %get3A_2278] : memref<128x8192xf32, #tpu.memory_space<vmem>>, vector<128x64xf32>
    %get3A_2280 = arith.constant 0 : index
    %get3A_2281 = arith.constant 56 : index
    %get3A_2282 = vector.load %arg4[%get3A_2280, %get3A_2281] : memref<128x64xf32, #tpu.memory_space<vmem>>, vector<128x1xf32>
    %gt3A_2283 = arith.constant 5.000000e-01 : f32
    %gt3A_2284 = vector.broadcast %gt3A_2283 : f32 to vector<128x1xf32>
    %gt3A_2285 = arith.cmpf ogt, %get3A_2282, %gt3A_2284 : vector<128x1xf32>
    %broadcast_in_dim3A_2286 = vector.shape_cast %gt3A_2285 : vector<128x1xi1> to vector<128x1xi1>
    %broadcast_in_dim3A_2287 = vector.broadcast %broadcast_in_dim3A_2286 : vector<128x1xi1> to vector<128x64xi1>
    %select_n3A_2288 = arith.select %broadcast_in_dim3A_2287, %get3A_2279, %get3A_2276 : vector<128x64xi1>, vector<128x64xf32>
    %convert_element_type3A_2289 = arith.truncf %select_n3A_2288 : vector<128x64xf32> to vector<128x64xbf16>
    %swap3A_2290 = arith.constant 0 : index
    %swap3A_2291 = arith.constant 7680 : index
    %swap3A_2292 = vector.load %arg5[%swap3A_2290, %swap3A_2291] : memref<128x8192xbf16, #tpu.memory_space<vmem>>, vector<128x64xbf16>
    tpu.vector_store %arg5[%swap3A_2290, %swap3A_2291], %convert_element_type3A_2289 {strides = array<i32>} : memref<128x8192xbf16, #tpu.memory_space<vmem>>, vector<128x64xbf16>,
    %get3A_2293 = arith.constant 0 : index
    %get3A_2294 = arith.constant 7296 : index
    %get3A_2295 = vector.load %arg2[%get3A_2293, %get3A_2294] : memref<128x8192xf32, #tpu.memory_space<vmem>>, vector<128x64xf32>
    %get3A_2296 = arith.constant 0 : index
    %get3A_2297 = arith.constant 7360 : index
    %get3A_2298 = vector.load %arg2[%get3A_2296, %get3A_2297] : memref<128x8192xf32, #tpu.memory_space<vmem>>, vector<128x64xf32>
    %get3A_2299 = arith.constant 0 : index
    %get3A_2300 = arith.constant 57 : index
    %get3A_2301 = vector.load %arg4[%get3A_2299, %get3A_2300] : memref<128x64xf32, #tpu.memory_space<vmem>>, vector<128x1xf32>
    %gt3A_2302 = arith.constant 5.000000e-01 : f32
    %gt3A_2303 = vector.broadcast %gt3A_2302 : f32 to vector<128x1xf32>
    %gt3A_2304 = arith.cmpf ogt, %get3A_2301, %gt3A_2303 : vector<128x1xf32>
    %broadcast_in_dim3A_2305 = vector.shape_cast %gt3A_2304 : vector<128x1xi1> to vector<128x1xi1>
    %broadcast_in_dim3A_2306 = vector.broadcast %broadcast_in_dim3A_2305 : vector<128x1xi1> to vector<128x64xi1>
    %select_n3A_2307 = arith.select %broadcast_in_dim3A_2306, %get3A_2298, %get3A_2295 : vector<128x64xi1>, vector<128x64xf32>
    %convert_element_type3A_2308 = arith.truncf %select_n3A_2307 : vector<128x64xf32> to vector<128x64xbf16>
    %swap3A_2309 = arith.constant 0 : index
    %swap3A_2310 = arith.constant 7744 : index
    %swap3A_2311 = vector.load %arg5[%swap3A_2309, %swap3A_2310] : memref<128x8192xbf16, #tpu.memory_space<vmem>>, vector<128x64xbf16>
    tpu.vector_store %arg5[%swap3A_2309, %swap3A_2310], %convert_element_type3A_2308 {strides = array<i32>} : memref<128x8192xbf16, #tpu.memory_space<vmem>>, vector<128x64xbf16>,
    %get3A_2312 = arith.constant 0 : index
    %get3A_2313 = arith.constant 7424 : index
    %get3A_2314 = vector.load %arg2[%get3A_2312, %get3A_2313] : memref<128x8192xf32, #tpu.memory_space<vmem>>, vector<128x64xf32>
    %get3A_2315 = arith.constant 0 : index
    %get3A_2316 = arith.constant 7488 : index
    %get3A_2317 = vector.load %arg2[%get3A_2315, %get3A_2316] : memref<128x8192xf32, #tpu.memory_space<vmem>>, vector<128x64xf32>
    %get3A_2318 = arith.constant 0 : index
    %get3A_2319 = arith.constant 58 : index
    %get3A_2320 = vector.load %arg4[%get3A_2318, %get3A_2319] : memref<128x64xf32, #tpu.memory_space<vmem>>, vector<128x1xf32>
    %gt3A_2321 = arith.constant 5.000000e-01 : f32
    %gt3A_2322 = vector.broadcast %gt3A_2321 : f32 to vector<128x1xf32>
    %gt3A_2323 = arith.cmpf ogt, %get3A_2320, %gt3A_2322 : vector<128x1xf32>
    %broadcast_in_dim3A_2324 = vector.shape_cast %gt3A_2323 : vector<128x1xi1> to vector<128x1xi1>
    %broadcast_in_dim3A_2325 = vector.broadcast %broadcast_in_dim3A_2324 : vector<128x1xi1> to vector<128x64xi1>
    %select_n3A_2326 = arith.select %broadcast_in_dim3A_2325, %get3A_2317, %get3A_2314 : vector<128x64xi1>, vector<128x64xf32>
    %convert_element_type3A_2327 = arith.truncf %select_n3A_2326 : vector<128x64xf32> to vector<128x64xbf16>
    %swap3A_2328 = arith.constant 0 : index
    %swap3A_2329 = arith.constant 7808 : index
    %swap3A_2330 = vector.load %arg5[%swap3A_2328, %swap3A_2329] : memref<128x8192xbf16, #tpu.memory_space<vmem>>, vector<128x64xbf16>
    tpu.vector_store %arg5[%swap3A_2328, %swap3A_2329], %convert_element_type3A_2327 {strides = array<i32>} : memref<128x8192xbf16, #tpu.memory_space<vmem>>, vector<128x64xbf16>,
    %get3A_2331 = arith.constant 0 : index
    %get3A_2332 = arith.constant 7552 : index
    %get3A_2333 = vector.load %arg2[%get3A_2331, %get3A_2332] : memref<128x8192xf32, #tpu.memory_space<vmem>>, vector<128x64xf32>
    %get3A_2334 = arith.constant 0 : index
    %get3A_2335 = arith.constant 7616 : index
    %get3A_2336 = vector.load %arg2[%get3A_2334, %get3A_2335] : memref<128x8192xf32, #tpu.memory_space<vmem>>, vector<128x64xf32>
    %get3A_2337 = arith.constant 0 : index
    %get3A_2338 = arith.constant 59 : index
    %get3A_2339 = vector.load %arg4[%get3A_2337, %get3A_2338] : memref<128x64xf32, #tpu.memory_space<vmem>>, vector<128x1xf32>
    %gt3A_2340 = arith.constant 5.000000e-01 : f32
    %gt3A_2341 = vector.broadcast %gt3A_2340 : f32 to vector<128x1xf32>
    %gt3A_2342 = arith.cmpf ogt, %get3A_2339, %gt3A_2341 : vector<128x1xf32>
    %broadcast_in_dim3A_2343 = vector.shape_cast %gt3A_2342 : vector<128x1xi1> to vector<128x1xi1>
    %broadcast_in_dim3A_2344 = vector.broadcast %broadcast_in_dim3A_2343 : vector<128x1xi1> to vector<128x64xi1>
    %select_n3A_2345 = arith.select %broadcast_in_dim3A_2344, %get3A_2336, %get3A_2333 : vector<128x64xi1>, vector<128x64xf32>
    %convert_element_type3A_2346 = arith.truncf %select_n3A_2345 : vector<128x64xf32> to vector<128x64xbf16>
    %swap3A_2347 = arith.constant 0 : index
    %swap3A_2348 = arith.constant 7872 : index
    %swap3A_2349 = vector.load %arg5[%swap3A_2347, %swap3A_2348] : memref<128x8192xbf16, #tpu.memory_space<vmem>>, vector<128x64xbf16>
    tpu.vector_store %arg5[%swap3A_2347, %swap3A_2348], %convert_element_type3A_2346 {strides = array<i32>} : memref<128x8192xbf16, #tpu.memory_space<vmem>>, vector<128x64xbf16>,
    %get3A_2350 = arith.constant 0 : index
    %get3A_2351 = arith.constant 7680 : index
    %get3A_2352 = vector.load %arg2[%get3A_2350, %get3A_2351] : memref<128x8192xf32, #tpu.memory_space<vmem>>, vector<128x64xf32>
    %get3A_2353 = arith.constant 0 : index
    %get3A_2354 = arith.constant 7744 : index
    %get3A_2355 = vector.load %arg2[%get3A_2353, %get3A_2354] : memref<128x8192xf32, #tpu.memory_space<vmem>>, vector<128x64xf32>
    %get3A_2356 = arith.constant 0 : index
    %get3A_2357 = arith.constant 60 : index
    %get3A_2358 = vector.load %arg4[%get3A_2356, %get3A_2357] : memref<128x64xf32, #tpu.memory_space<vmem>>, vector<128x1xf32>
    %gt3A_2359 = arith.constant 5.000000e-01 : f32
    %gt3A_2360 = vector.broadcast %gt3A_2359 : f32 to vector<128x1xf32>
    %gt3A_2361 = arith.cmpf ogt, %get3A_2358, %gt3A_2360 : vector<128x1xf32>
    %broadcast_in_dim3A_2362 = vector.shape_cast %gt3A_2361 : vector<128x1xi1> to vector<128x1xi1>
    %broadcast_in_dim3A_2363 = vector.broadcast %broadcast_in_dim3A_2362 : vector<128x1xi1> to vector<128x64xi1>
    %select_n3A_2364 = arith.select %broadcast_in_dim3A_2363, %get3A_2355, %get3A_2352 : vector<128x64xi1>, vector<128x64xf32>
    %convert_element_type3A_2365 = arith.truncf %select_n3A_2364 : vector<128x64xf32> to vector<128x64xbf16>
    %swap3A_2366 = arith.constant 0 : index
    %swap3A_2367 = arith.constant 7936 : index
    %swap3A_2368 = vector.load %arg5[%swap3A_2366, %swap3A_2367] : memref<128x8192xbf16, #tpu.memory_space<vmem>>, vector<128x64xbf16>
    tpu.vector_store %arg5[%swap3A_2366, %swap3A_2367], %convert_element_type3A_2365 {strides = array<i32>} : memref<128x8192xbf16, #tpu.memory_space<vmem>>, vector<128x64xbf16>,
    %get3A_2369 = arith.constant 0 : index
    %get3A_2370 = arith.constant 7808 : index
    %get3A_2371 = vector.load %arg2[%get3A_2369, %get3A_2370] : memref<128x8192xf32, #tpu.memory_space<vmem>>, vector<128x64xf32>
    %get3A_2372 = arith.constant 0 : index
    %get3A_2373 = arith.constant 7872 : index
    %get3A_2374 = vector.load %arg2[%get3A_2372, %get3A_2373] : memref<128x8192xf32, #tpu.memory_space<vmem>>, vector<128x64xf32>
    %get3A_2375 = arith.constant 0 : index
    %get3A_2376 = arith.constant 61 : index
    %get3A_2377 = vector.load %arg4[%get3A_2375, %get3A_2376] : memref<128x64xf32, #tpu.memory_space<vmem>>, vector<128x1xf32>
    %gt3A_2378 = arith.constant 5.000000e-01 : f32
    %gt3A_2379 = vector.broadcast %gt3A_2378 : f32 to vector<128x1xf32>
    %gt3A_2380 = arith.cmpf ogt, %get3A_2377, %gt3A_2379 : vector<128x1xf32>
    %broadcast_in_dim3A_2381 = vector.shape_cast %gt3A_2380 : vector<128x1xi1> to vector<128x1xi1>
    %broadcast_in_dim3A_2382 = vector.broadcast %broadcast_in_dim3A_2381 : vector<128x1xi1> to vector<128x64xi1>
    %select_n3A_2383 = arith.select %broadcast_in_dim3A_2382, %get3A_2374, %get3A_2371 : vector<128x64xi1>, vector<128x64xf32>
    %convert_element_type3A_2384 = arith.truncf %select_n3A_2383 : vector<128x64xf32> to vector<128x64xbf16>
    %swap3A_2385 = arith.constant 0 : index
    %swap3A_2386 = arith.constant 8000 : index
    %swap3A_2387 = vector.load %arg5[%swap3A_2385, %swap3A_2386] : memref<128x8192xbf16, #tpu.memory_space<vmem>>, vector<128x64xbf16>
    tpu.vector_store %arg5[%swap3A_2385, %swap3A_2386], %convert_element_type3A_2384 {strides = array<i32>} : memref<128x8192xbf16, #tpu.memory_space<vmem>>, vector<128x64xbf16>,
    %get3A_2388 = arith.constant 0 : index
    %get3A_2389 = arith.constant 7936 : index
    %get3A_2390 = vector.load %arg2[%get3A_2388, %get3A_2389] : memref<128x8192xf32, #tpu.memory_space<vmem>>, vector<128x64xf32>
    %get3A_2391 = arith.constant 0 : index
    %get3A_2392 = arith.constant 8000 : index
    %get3A_2393 = vector.load %arg2[%get3A_2391, %get3A_2392] : memref<128x8192xf32, #tpu.memory_space<vmem>>, vector<128x64xf32>
    %get3A_2394 = arith.constant 0 : index
    %get3A_2395 = arith.constant 62 : index
    %get3A_2396 = vector.load %arg4[%get3A_2394, %get3A_2395] : memref<128x64xf32, #tpu.memory_space<vmem>>, vector<128x1xf32>
    %gt3A_2397 = arith.constant 5.000000e-01 : f32
    %gt3A_2398 = vector.broadcast %gt3A_2397 : f32 to vector<128x1xf32>
    %gt3A_2399 = arith.cmpf ogt, %get3A_2396, %gt3A_2398 : vector<128x1xf32>
    %broadcast_in_dim3A_2400 = vector.shape_cast %gt3A_2399 : vector<128x1xi1> to vector<128x1xi1>
    %broadcast_in_dim3A_2401 = vector.broadcast %broadcast_in_dim3A_2400 : vector<128x1xi1> to vector<128x64xi1>
    %select_n3A_2402 = arith.select %broadcast_in_dim3A_2401, %get3A_2393, %get3A_2390 : vector<128x64xi1>, vector<128x64xf32>
    %convert_element_type3A_2403 = arith.truncf %select_n3A_2402 : vector<128x64xf32> to vector<128x64xbf16>
    %swap3A_2404 = arith.constant 0 : index
    %swap3A_2405 = arith.constant 8064 : index
    %swap3A_2406 = vector.load %arg5[%swap3A_2404, %swap3A_2405] : memref<128x8192xbf16, #tpu.memory_space<vmem>>, vector<128x64xbf16>
    tpu.vector_store %arg5[%swap3A_2404, %swap3A_2405], %convert_element_type3A_2403 {strides = array<i32>} : memref<128x8192xbf16, #tpu.memory_space<vmem>>, vector<128x64xbf16>,
    %get3A_2407 = arith.constant 0 : index
    %get3A_2408 = arith.constant 8064 : index
    %get3A_2409 = vector.load %arg2[%get3A_2407, %get3A_2408] : memref<128x8192xf32, #tpu.memory_space<vmem>>, vector<128x64xf32>
    %get3A_2410 = arith.constant 0 : index
    %get3A_2411 = arith.constant 8128 : index
    %get3A_2412 = vector.load %arg2[%get3A_2410, %get3A_2411] : memref<128x8192xf32, #tpu.memory_space<vmem>>, vector<128x64xf32>
    %get3A_2413 = arith.constant 0 : index
    %get3A_2414 = arith.constant 63 : index
    %get3A_2415 = vector.load %arg4[%get3A_2413, %get3A_2414] : memref<128x64xf32, #tpu.memory_space<vmem>>, vector<128x1xf32>
    %gt3A_2416 = arith.constant 5.000000e-01 : f32
    %gt3A_2417 = vector.broadcast %gt3A_2416 : f32 to vector<128x1xf32>
    %gt3A_2418 = arith.cmpf ogt, %get3A_2415, %gt3A_2417 : vector<128x1xf32>
    %broadcast_in_dim3A_2419 = vector.shape_cast %gt3A_2418 : vector<128x1xi1> to vector<128x1xi1>
    %broadcast_in_dim3A_2420 = vector.broadcast %broadcast_in_dim3A_2419 : vector<128x1xi1> to vector<128x64xi1>
    %select_n3A_2421 = arith.select %broadcast_in_dim3A_2420, %get3A_2412, %get3A_2409 : vector<128x64xi1>, vector<128x64xf32>
    %convert_element_type3A_2422 = arith.truncf %select_n3A_2421 : vector<128x64xf32> to vector<128x64xbf16>
    %swap3A_2423 = arith.constant 0 : index
    %swap3A_2424 = arith.constant 8128 : index
    %swap3A_2425 = vector.load %arg5[%swap3A_2423, %swap3A_2424] : memref<128x8192xbf16, #tpu.memory_space<vmem>>, vector<128x64xbf16>
    tpu.vector_store %arg5[%swap3A_2423, %swap3A_2424], %convert_element_type3A_2422 {strides = array<i32>} : memref<128x8192xbf16, #tpu.memory_space<vmem>>, vector<128x64xbf16>,
    return
  }
  func.func @transform_0(%arg0: i32) -> (i32, i32) {
    %c0_i32 = arith.constant 0 : i32
    %c0_i32_0 = arith.constant 0 : i32
    return %arg0, %c0_i32 : i32, i32
  }
  func.func @transform_1(%arg0: i32) -> (i32, i32) {
    %c0_i32 = arith.constant 0 : i32
    %c0_i32_0 = arith.constant 0 : i32
    return %arg0, %c0_i32 : i32, i32
  }
  func.func @transform_2(%arg0: i32) -> (i32, i32) {
    %c0_i32 = arith.constant 0 : i32
    %c0_i32_0 = arith.constant 0 : i32
    return %arg0, %c0_i32 : i32, i32
  }
  func.func @transform_3(%arg0: i32) -> (i32, i32) {
    %c0_i32 = arith.constant 0 : i32
    %c0_i32_0 = arith.constant 0 : i32
    return %arg0, %c0_i32 : i32, i32
  }
  func.func @transform_4(%arg0: i32) -> (i32, i32) {
    %c0_i32 = arith.constant 0 : i32
    %c0_i32_0 = arith.constant 0 : i32
    return %arg0, %c0_i32 : i32, i32
  }
}

module attributes {stable_mosaic.version = 14 : i64} {
  func.func @_fused_body(%arg0: i32, %arg1: memref<512x8192xbf16, #tpu.memory_space<vmem>>, %arg2: memref<8192x256xbf16, #tpu.memory_space<vmem>>, %arg3: memref<256x128xf32, #tpu.memory_space<vmem>>, %arg4: memref<512x128xf32, #tpu.memory_space<vmem>>, %arg5: memref<512x8192xbf16, #tpu.memory_space<vmem>>, %arg6: memref<512x512xf32, #tpu.memory_space<vmem>>) attributes {dimension_semantics = [#tpu.dimension_semantics<arbitrary>], iteration_bounds = array<i64: 4>, scalar_prefetch = 0 : i64, scratch_operands = 2 : i64, tpu.core_type = #tpu.core_type<tc>, window_params = [{pipeline_mode = #tpu.pipeline_mode<synchronous>, transform_indices = @transform_0, window_bounds = array<i64: 512, 8192>}, {transform_indices = @transform_1, window_bounds = array<i64: 8192, 256>}, {transform_indices = @transform_2, window_bounds = array<i64: 256, 128>}, {pipeline_mode = #tpu.pipeline_mode<synchronous>, transform_indices = @transform_3, window_bounds = array<i64: 512, 128>}]} {
    %eq3A = arith.constant 0 : i32
    %eq3A_0 = arith.cmpi eq, %arg0, %eq3A : i32
    %convert_element_type3A = arith.extui %eq3A_0 : i1 to i32
    %cond3A = arith.constant 0 : i32
    %cond3A_1 = arith.cmpi ne, %convert_element_type3A, %cond3A : i32
    scf.if %cond3A_1 {
      %get3A_160 = arith.constant 0 : index
      %get3A_161 = arith.constant 0 : index
      %get3A_162 = vector.load %arg1[%get3A_160, %get3A_161] : memref<512x8192xbf16, #tpu.memory_space<vmem>>, vector<512x512xbf16>
      %dot_general3A_163 = arith.constant dense<0.000000e+00> : vector<512x512xf32>
      %dot_general3A_164 = tpu.matmul %get3A_162, %get3A_162, %dot_general3A_163 {dimension_numbers = #tpu.dot_dimension_numbers<[1], [1], [0], [0], [0, 0, 1, 0], [], []>, transpose_lhs_hint = false} : vector<512x512xbf16>, vector<512x512xbf16>, vector<512x512xf32> -> vector<512x512xf32>
      %swap3A = arith.constant 0 : index
      %swap3A_165 = arith.constant 0 : index
      %swap3A_166 = vector.load %arg6[%swap3A, %swap3A_165] : memref<512x512xf32, #tpu.memory_space<vmem>>, vector<512x512xf32>
      tpu.vector_store %arg6[%swap3A, %swap3A_165], %dot_general3A_164 {strides = array<i32>} : memref<512x512xf32, #tpu.memory_space<vmem>>, vector<512x512xf32>,
      %get3A_167 = arith.constant 0 : index
      %get3A_168 = arith.constant 512 : index
      %get3A_169 = vector.load %arg1[%get3A_167, %get3A_168] : memref<512x8192xbf16, #tpu.memory_space<vmem>>, vector<512x512xbf16>
      %dot_general3A_170 = arith.constant dense<0.000000e+00> : vector<512x512xf32>
      %dot_general3A_171 = tpu.matmul %get3A_169, %get3A_169, %dot_general3A_170 {dimension_numbers = #tpu.dot_dimension_numbers<[1], [1], [0], [0], [0, 0, 1, 0], [], []>, transpose_lhs_hint = false} : vector<512x512xbf16>, vector<512x512xbf16>, vector<512x512xf32> -> vector<512x512xf32>
      %get3A_172 = arith.constant 0 : index
      %get3A_173 = arith.constant 0 : index
      %get3A_174 = vector.load %arg6[%get3A_172, %get3A_173] : memref<512x512xf32, #tpu.memory_space<vmem>>, vector<512x512xf32>
      %add3A_175 = arith.addf %get3A_174, %dot_general3A_171 : vector<512x512xf32>
      %swap3A_176 = arith.constant 0 : index
      %swap3A_177 = arith.constant 0 : index
      %swap3A_178 = vector.load %arg6[%swap3A_176, %swap3A_177] : memref<512x512xf32, #tpu.memory_space<vmem>>, vector<512x512xf32>
      tpu.vector_store %arg6[%swap3A_176, %swap3A_177], %add3A_175 {strides = array<i32>} : memref<512x512xf32, #tpu.memory_space<vmem>>, vector<512x512xf32>,
      %get3A_179 = arith.constant 0 : index
      %get3A_180 = arith.constant 1024 : index
      %get3A_181 = vector.load %arg1[%get3A_179, %get3A_180] : memref<512x8192xbf16, #tpu.memory_space<vmem>>, vector<512x512xbf16>
      %dot_general3A_182 = arith.constant dense<0.000000e+00> : vector<512x512xf32>
      %dot_general3A_183 = tpu.matmul %get3A_181, %get3A_181, %dot_general3A_182 {dimension_numbers = #tpu.dot_dimension_numbers<[1], [1], [0], [0], [0, 0, 1, 0], [], []>, transpose_lhs_hint = false} : vector<512x512xbf16>, vector<512x512xbf16>, vector<512x512xf32> -> vector<512x512xf32>
      %get3A_184 = arith.constant 0 : index
      %get3A_185 = arith.constant 0 : index
      %get3A_186 = vector.load %arg6[%get3A_184, %get3A_185] : memref<512x512xf32, #tpu.memory_space<vmem>>, vector<512x512xf32>
      %add3A_187 = arith.addf %get3A_186, %dot_general3A_183 : vector<512x512xf32>
      %swap3A_188 = arith.constant 0 : index
      %swap3A_189 = arith.constant 0 : index
      %swap3A_190 = vector.load %arg6[%swap3A_188, %swap3A_189] : memref<512x512xf32, #tpu.memory_space<vmem>>, vector<512x512xf32>
      tpu.vector_store %arg6[%swap3A_188, %swap3A_189], %add3A_187 {strides = array<i32>} : memref<512x512xf32, #tpu.memory_space<vmem>>, vector<512x512xf32>,
      %get3A_191 = arith.constant 0 : index
      %get3A_192 = arith.constant 1536 : index
      %get3A_193 = vector.load %arg1[%get3A_191, %get3A_192] : memref<512x8192xbf16, #tpu.memory_space<vmem>>, vector<512x512xbf16>
      %dot_general3A_194 = arith.constant dense<0.000000e+00> : vector<512x512xf32>
      %dot_general3A_195 = tpu.matmul %get3A_193, %get3A_193, %dot_general3A_194 {dimension_numbers = #tpu.dot_dimension_numbers<[1], [1], [0], [0], [0, 0, 1, 0], [], []>, transpose_lhs_hint = false} : vector<512x512xbf16>, vector<512x512xbf16>, vector<512x512xf32> -> vector<512x512xf32>
      %get3A_196 = arith.constant 0 : index
      %get3A_197 = arith.constant 0 : index
      %get3A_198 = vector.load %arg6[%get3A_196, %get3A_197] : memref<512x512xf32, #tpu.memory_space<vmem>>, vector<512x512xf32>
      %add3A_199 = arith.addf %get3A_198, %dot_general3A_195 : vector<512x512xf32>
      %swap3A_200 = arith.constant 0 : index
      %swap3A_201 = arith.constant 0 : index
      %swap3A_202 = vector.load %arg6[%swap3A_200, %swap3A_201] : memref<512x512xf32, #tpu.memory_space<vmem>>, vector<512x512xf32>
      tpu.vector_store %arg6[%swap3A_200, %swap3A_201], %add3A_199 {strides = array<i32>} : memref<512x512xf32, #tpu.memory_space<vmem>>, vector<512x512xf32>,
      %get3A_203 = arith.constant 0 : index
      %get3A_204 = arith.constant 2048 : index
      %get3A_205 = vector.load %arg1[%get3A_203, %get3A_204] : memref<512x8192xbf16, #tpu.memory_space<vmem>>, vector<512x512xbf16>
      %dot_general3A_206 = arith.constant dense<0.000000e+00> : vector<512x512xf32>
      %dot_general3A_207 = tpu.matmul %get3A_205, %get3A_205, %dot_general3A_206 {dimension_numbers = #tpu.dot_dimension_numbers<[1], [1], [0], [0], [0, 0, 1, 0], [], []>, transpose_lhs_hint = false} : vector<512x512xbf16>, vector<512x512xbf16>, vector<512x512xf32> -> vector<512x512xf32>
      %get3A_208 = arith.constant 0 : index
      %get3A_209 = arith.constant 0 : index
      %get3A_210 = vector.load %arg6[%get3A_208, %get3A_209] : memref<512x512xf32, #tpu.memory_space<vmem>>, vector<512x512xf32>
      %add3A_211 = arith.addf %get3A_210, %dot_general3A_207 : vector<512x512xf32>
      %swap3A_212 = arith.constant 0 : index
      %swap3A_213 = arith.constant 0 : index
      %swap3A_214 = vector.load %arg6[%swap3A_212, %swap3A_213] : memref<512x512xf32, #tpu.memory_space<vmem>>, vector<512x512xf32>
      tpu.vector_store %arg6[%swap3A_212, %swap3A_213], %add3A_211 {strides = array<i32>} : memref<512x512xf32, #tpu.memory_space<vmem>>, vector<512x512xf32>,
      %get3A_215 = arith.constant 0 : index
      %get3A_216 = arith.constant 2560 : index
      %get3A_217 = vector.load %arg1[%get3A_215, %get3A_216] : memref<512x8192xbf16, #tpu.memory_space<vmem>>, vector<512x512xbf16>
      %dot_general3A_218 = arith.constant dense<0.000000e+00> : vector<512x512xf32>
      %dot_general3A_219 = tpu.matmul %get3A_217, %get3A_217, %dot_general3A_218 {dimension_numbers = #tpu.dot_dimension_numbers<[1], [1], [0], [0], [0, 0, 1, 0], [], []>, transpose_lhs_hint = false} : vector<512x512xbf16>, vector<512x512xbf16>, vector<512x512xf32> -> vector<512x512xf32>
      %get3A_220 = arith.constant 0 : index
      %get3A_221 = arith.constant 0 : index
      %get3A_222 = vector.load %arg6[%get3A_220, %get3A_221] : memref<512x512xf32, #tpu.memory_space<vmem>>, vector<512x512xf32>
      %add3A_223 = arith.addf %get3A_222, %dot_general3A_219 : vector<512x512xf32>
      %swap3A_224 = arith.constant 0 : index
      %swap3A_225 = arith.constant 0 : index
      %swap3A_226 = vector.load %arg6[%swap3A_224, %swap3A_225] : memref<512x512xf32, #tpu.memory_space<vmem>>, vector<512x512xf32>
      tpu.vector_store %arg6[%swap3A_224, %swap3A_225], %add3A_223 {strides = array<i32>} : memref<512x512xf32, #tpu.memory_space<vmem>>, vector<512x512xf32>,
      %get3A_227 = arith.constant 0 : index
      %get3A_228 = arith.constant 3072 : index
      %get3A_229 = vector.load %arg1[%get3A_227, %get3A_228] : memref<512x8192xbf16, #tpu.memory_space<vmem>>, vector<512x512xbf16>
      %dot_general3A_230 = arith.constant dense<0.000000e+00> : vector<512x512xf32>
      %dot_general3A_231 = tpu.matmul %get3A_229, %get3A_229, %dot_general3A_230 {dimension_numbers = #tpu.dot_dimension_numbers<[1], [1], [0], [0], [0, 0, 1, 0], [], []>, transpose_lhs_hint = false} : vector<512x512xbf16>, vector<512x512xbf16>, vector<512x512xf32> -> vector<512x512xf32>
      %get3A_232 = arith.constant 0 : index
      %get3A_233 = arith.constant 0 : index
      %get3A_234 = vector.load %arg6[%get3A_232, %get3A_233] : memref<512x512xf32, #tpu.memory_space<vmem>>, vector<512x512xf32>
      %add3A_235 = arith.addf %get3A_234, %dot_general3A_231 : vector<512x512xf32>
      %swap3A_236 = arith.constant 0 : index
      %swap3A_237 = arith.constant 0 : index
      %swap3A_238 = vector.load %arg6[%swap3A_236, %swap3A_237] : memref<512x512xf32, #tpu.memory_space<vmem>>, vector<512x512xf32>
      tpu.vector_store %arg6[%swap3A_236, %swap3A_237], %add3A_235 {strides = array<i32>} : memref<512x512xf32, #tpu.memory_space<vmem>>, vector<512x512xf32>,
      %get3A_239 = arith.constant 0 : index
      %get3A_240 = arith.constant 3584 : index
      %get3A_241 = vector.load %arg1[%get3A_239, %get3A_240] : memref<512x8192xbf16, #tpu.memory_space<vmem>>, vector<512x512xbf16>
      %dot_general3A_242 = arith.constant dense<0.000000e+00> : vector<512x512xf32>
      %dot_general3A_243 = tpu.matmul %get3A_241, %get3A_241, %dot_general3A_242 {dimension_numbers = #tpu.dot_dimension_numbers<[1], [1], [0], [0], [0, 0, 1, 0], [], []>, transpose_lhs_hint = false} : vector<512x512xbf16>, vector<512x512xbf16>, vector<512x512xf32> -> vector<512x512xf32>
      %get3A_244 = arith.constant 0 : index
      %get3A_245 = arith.constant 0 : index
      %get3A_246 = vector.load %arg6[%get3A_244, %get3A_245] : memref<512x512xf32, #tpu.memory_space<vmem>>, vector<512x512xf32>
      %add3A_247 = arith.addf %get3A_246, %dot_general3A_243 : vector<512x512xf32>
      %swap3A_248 = arith.constant 0 : index
      %swap3A_249 = arith.constant 0 : index
      %swap3A_250 = vector.load %arg6[%swap3A_248, %swap3A_249] : memref<512x512xf32, #tpu.memory_space<vmem>>, vector<512x512xf32>
      tpu.vector_store %arg6[%swap3A_248, %swap3A_249], %add3A_247 {strides = array<i32>} : memref<512x512xf32, #tpu.memory_space<vmem>>, vector<512x512xf32>,
      %get3A_251 = arith.constant 0 : index
      %get3A_252 = arith.constant 4096 : index
      %get3A_253 = vector.load %arg1[%get3A_251, %get3A_252] : memref<512x8192xbf16, #tpu.memory_space<vmem>>, vector<512x512xbf16>
      %dot_general3A_254 = arith.constant dense<0.000000e+00> : vector<512x512xf32>
      %dot_general3A_255 = tpu.matmul %get3A_253, %get3A_253, %dot_general3A_254 {dimension_numbers = #tpu.dot_dimension_numbers<[1], [1], [0], [0], [0, 0, 1, 0], [], []>, transpose_lhs_hint = false} : vector<512x512xbf16>, vector<512x512xbf16>, vector<512x512xf32> -> vector<512x512xf32>
      %get3A_256 = arith.constant 0 : index
      %get3A_257 = arith.constant 0 : index
      %get3A_258 = vector.load %arg6[%get3A_256, %get3A_257] : memref<512x512xf32, #tpu.memory_space<vmem>>, vector<512x512xf32>
      %add3A_259 = arith.addf %get3A_258, %dot_general3A_255 : vector<512x512xf32>
      %swap3A_260 = arith.constant 0 : index
      %swap3A_261 = arith.constant 0 : index
      %swap3A_262 = vector.load %arg6[%swap3A_260, %swap3A_261] : memref<512x512xf32, #tpu.memory_space<vmem>>, vector<512x512xf32>
      tpu.vector_store %arg6[%swap3A_260, %swap3A_261], %add3A_259 {strides = array<i32>} : memref<512x512xf32, #tpu.memory_space<vmem>>, vector<512x512xf32>,
      %get3A_263 = arith.constant 0 : index
      %get3A_264 = arith.constant 4608 : index
      %get3A_265 = vector.load %arg1[%get3A_263, %get3A_264] : memref<512x8192xbf16, #tpu.memory_space<vmem>>, vector<512x512xbf16>
      %dot_general3A_266 = arith.constant dense<0.000000e+00> : vector<512x512xf32>
      %dot_general3A_267 = tpu.matmul %get3A_265, %get3A_265, %dot_general3A_266 {dimension_numbers = #tpu.dot_dimension_numbers<[1], [1], [0], [0], [0, 0, 1, 0], [], []>, transpose_lhs_hint = false} : vector<512x512xbf16>, vector<512x512xbf16>, vector<512x512xf32> -> vector<512x512xf32>
      %get3A_268 = arith.constant 0 : index
      %get3A_269 = arith.constant 0 : index
      %get3A_270 = vector.load %arg6[%get3A_268, %get3A_269] : memref<512x512xf32, #tpu.memory_space<vmem>>, vector<512x512xf32>
      %add3A_271 = arith.addf %get3A_270, %dot_general3A_267 : vector<512x512xf32>
      %swap3A_272 = arith.constant 0 : index
      %swap3A_273 = arith.constant 0 : index
      %swap3A_274 = vector.load %arg6[%swap3A_272, %swap3A_273] : memref<512x512xf32, #tpu.memory_space<vmem>>, vector<512x512xf32>
      tpu.vector_store %arg6[%swap3A_272, %swap3A_273], %add3A_271 {strides = array<i32>} : memref<512x512xf32, #tpu.memory_space<vmem>>, vector<512x512xf32>,
      %get3A_275 = arith.constant 0 : index
      %get3A_276 = arith.constant 5120 : index
      %get3A_277 = vector.load %arg1[%get3A_275, %get3A_276] : memref<512x8192xbf16, #tpu.memory_space<vmem>>, vector<512x512xbf16>
      %dot_general3A_278 = arith.constant dense<0.000000e+00> : vector<512x512xf32>
      %dot_general3A_279 = tpu.matmul %get3A_277, %get3A_277, %dot_general3A_278 {dimension_numbers = #tpu.dot_dimension_numbers<[1], [1], [0], [0], [0, 0, 1, 0], [], []>, transpose_lhs_hint = false} : vector<512x512xbf16>, vector<512x512xbf16>, vector<512x512xf32> -> vector<512x512xf32>
      %get3A_280 = arith.constant 0 : index
      %get3A_281 = arith.constant 0 : index
      %get3A_282 = vector.load %arg6[%get3A_280, %get3A_281] : memref<512x512xf32, #tpu.memory_space<vmem>>, vector<512x512xf32>
      %add3A_283 = arith.addf %get3A_282, %dot_general3A_279 : vector<512x512xf32>
      %swap3A_284 = arith.constant 0 : index
      %swap3A_285 = arith.constant 0 : index
      %swap3A_286 = vector.load %arg6[%swap3A_284, %swap3A_285] : memref<512x512xf32, #tpu.memory_space<vmem>>, vector<512x512xf32>
      tpu.vector_store %arg6[%swap3A_284, %swap3A_285], %add3A_283 {strides = array<i32>} : memref<512x512xf32, #tpu.memory_space<vmem>>, vector<512x512xf32>,
      %get3A_287 = arith.constant 0 : index
      %get3A_288 = arith.constant 5632 : index
      %get3A_289 = vector.load %arg1[%get3A_287, %get3A_288] : memref<512x8192xbf16, #tpu.memory_space<vmem>>, vector<512x512xbf16>
      %dot_general3A_290 = arith.constant dense<0.000000e+00> : vector<512x512xf32>
      %dot_general3A_291 = tpu.matmul %get3A_289, %get3A_289, %dot_general3A_290 {dimension_numbers = #tpu.dot_dimension_numbers<[1], [1], [0], [0], [0, 0, 1, 0], [], []>, transpose_lhs_hint = false} : vector<512x512xbf16>, vector<512x512xbf16>, vector<512x512xf32> -> vector<512x512xf32>
      %get3A_292 = arith.constant 0 : index
      %get3A_293 = arith.constant 0 : index
      %get3A_294 = vector.load %arg6[%get3A_292, %get3A_293] : memref<512x512xf32, #tpu.memory_space<vmem>>, vector<512x512xf32>
      %add3A_295 = arith.addf %get3A_294, %dot_general3A_291 : vector<512x512xf32>
      %swap3A_296 = arith.constant 0 : index
      %swap3A_297 = arith.constant 0 : index
      %swap3A_298 = vector.load %arg6[%swap3A_296, %swap3A_297] : memref<512x512xf32, #tpu.memory_space<vmem>>, vector<512x512xf32>
      tpu.vector_store %arg6[%swap3A_296, %swap3A_297], %add3A_295 {strides = array<i32>} : memref<512x512xf32, #tpu.memory_space<vmem>>, vector<512x512xf32>,
      %get3A_299 = arith.constant 0 : index
      %get3A_300 = arith.constant 6144 : index
      %get3A_301 = vector.load %arg1[%get3A_299, %get3A_300] : memref<512x8192xbf16, #tpu.memory_space<vmem>>, vector<512x512xbf16>
      %dot_general3A_302 = arith.constant dense<0.000000e+00> : vector<512x512xf32>
      %dot_general3A_303 = tpu.matmul %get3A_301, %get3A_301, %dot_general3A_302 {dimension_numbers = #tpu.dot_dimension_numbers<[1], [1], [0], [0], [0, 0, 1, 0], [], []>, transpose_lhs_hint = false} : vector<512x512xbf16>, vector<512x512xbf16>, vector<512x512xf32> -> vector<512x512xf32>
      %get3A_304 = arith.constant 0 : index
      %get3A_305 = arith.constant 0 : index
      %get3A_306 = vector.load %arg6[%get3A_304, %get3A_305] : memref<512x512xf32, #tpu.memory_space<vmem>>, vector<512x512xf32>
      %add3A_307 = arith.addf %get3A_306, %dot_general3A_303 : vector<512x512xf32>
      %swap3A_308 = arith.constant 0 : index
      %swap3A_309 = arith.constant 0 : index
      %swap3A_310 = vector.load %arg6[%swap3A_308, %swap3A_309] : memref<512x512xf32, #tpu.memory_space<vmem>>, vector<512x512xf32>
      tpu.vector_store %arg6[%swap3A_308, %swap3A_309], %add3A_307 {strides = array<i32>} : memref<512x512xf32, #tpu.memory_space<vmem>>, vector<512x512xf32>,
      %get3A_311 = arith.constant 0 : index
      %get3A_312 = arith.constant 6656 : index
      %get3A_313 = vector.load %arg1[%get3A_311, %get3A_312] : memref<512x8192xbf16, #tpu.memory_space<vmem>>, vector<512x512xbf16>
      %dot_general3A_314 = arith.constant dense<0.000000e+00> : vector<512x512xf32>
      %dot_general3A_315 = tpu.matmul %get3A_313, %get3A_313, %dot_general3A_314 {dimension_numbers = #tpu.dot_dimension_numbers<[1], [1], [0], [0], [0, 0, 1, 0], [], []>, transpose_lhs_hint = false} : vector<512x512xbf16>, vector<512x512xbf16>, vector<512x512xf32> -> vector<512x512xf32>
      %get3A_316 = arith.constant 0 : index
      %get3A_317 = arith.constant 0 : index
      %get3A_318 = vector.load %arg6[%get3A_316, %get3A_317] : memref<512x512xf32, #tpu.memory_space<vmem>>, vector<512x512xf32>
      %add3A_319 = arith.addf %get3A_318, %dot_general3A_315 : vector<512x512xf32>
      %swap3A_320 = arith.constant 0 : index
      %swap3A_321 = arith.constant 0 : index
      %swap3A_322 = vector.load %arg6[%swap3A_320, %swap3A_321] : memref<512x512xf32, #tpu.memory_space<vmem>>, vector<512x512xf32>
      tpu.vector_store %arg6[%swap3A_320, %swap3A_321], %add3A_319 {strides = array<i32>} : memref<512x512xf32, #tpu.memory_space<vmem>>, vector<512x512xf32>,
      %get3A_323 = arith.constant 0 : index
      %get3A_324 = arith.constant 7168 : index
      %get3A_325 = vector.load %arg1[%get3A_323, %get3A_324] : memref<512x8192xbf16, #tpu.memory_space<vmem>>, vector<512x512xbf16>
      %dot_general3A_326 = arith.constant dense<0.000000e+00> : vector<512x512xf32>
      %dot_general3A_327 = tpu.matmul %get3A_325, %get3A_325, %dot_general3A_326 {dimension_numbers = #tpu.dot_dimension_numbers<[1], [1], [0], [0], [0, 0, 1, 0], [], []>, transpose_lhs_hint = false} : vector<512x512xbf16>, vector<512x512xbf16>, vector<512x512xf32> -> vector<512x512xf32>
      %get3A_328 = arith.constant 0 : index
      %get3A_329 = arith.constant 0 : index
      %get3A_330 = vector.load %arg6[%get3A_328, %get3A_329] : memref<512x512xf32, #tpu.memory_space<vmem>>, vector<512x512xf32>
      %add3A_331 = arith.addf %get3A_330, %dot_general3A_327 : vector<512x512xf32>
      %swap3A_332 = arith.constant 0 : index
      %swap3A_333 = arith.constant 0 : index
      %swap3A_334 = vector.load %arg6[%swap3A_332, %swap3A_333] : memref<512x512xf32, #tpu.memory_space<vmem>>, vector<512x512xf32>
      tpu.vector_store %arg6[%swap3A_332, %swap3A_333], %add3A_331 {strides = array<i32>} : memref<512x512xf32, #tpu.memory_space<vmem>>, vector<512x512xf32>,
      %get3A_335 = arith.constant 0 : index
      %get3A_336 = arith.constant 7680 : index
      %get3A_337 = vector.load %arg1[%get3A_335, %get3A_336] : memref<512x8192xbf16, #tpu.memory_space<vmem>>, vector<512x512xbf16>
      %dot_general3A_338 = arith.constant dense<0.000000e+00> : vector<512x512xf32>
      %dot_general3A_339 = tpu.matmul %get3A_337, %get3A_337, %dot_general3A_338 {dimension_numbers = #tpu.dot_dimension_numbers<[1], [1], [0], [0], [0, 0, 1, 0], [], []>, transpose_lhs_hint = false} : vector<512x512xbf16>, vector<512x512xbf16>, vector<512x512xf32> -> vector<512x512xf32>
      %get3A_340 = arith.constant 0 : index
      %get3A_341 = arith.constant 0 : index
      %get3A_342 = vector.load %arg6[%get3A_340, %get3A_341] : memref<512x512xf32, #tpu.memory_space<vmem>>, vector<512x512xf32>
      %add3A_343 = arith.addf %get3A_342, %dot_general3A_339 : vector<512x512xf32>
      %swap3A_344 = arith.constant 0 : index
      %swap3A_345 = arith.constant 0 : index
      %swap3A_346 = vector.load %arg6[%swap3A_344, %swap3A_345] : memref<512x512xf32, #tpu.memory_space<vmem>>, vector<512x512xf32>
      tpu.vector_store %arg6[%swap3A_344, %swap3A_345], %add3A_343 {strides = array<i32>} : memref<512x512xf32, #tpu.memory_space<vmem>>, vector<512x512xf32>,
      %get3A_347 = arith.constant 0 : index
      %get3A_348 = arith.constant 0 : index
      %get3A_349 = vector.load %arg6[%get3A_347, %get3A_348] : memref<512x512xf32, #tpu.memory_space<vmem>>, vector<512x512xf32>
      %mul3A = arith.constant 0.0110485433 : f32
      %mul3A_350 = vector.broadcast %mul3A : f32 to vector<512x512xf32>
      %mul3A_351 = arith.mulf %get3A_349, %mul3A_350 : vector<512x512xf32>
      %reduce_max3A = arith.constant dense<0xFF800000> : vector<512xf32>
      %reduce_max3A_352 = vector.multi_reduction <maximumf>, %mul3A_351, %reduce_max3A [1] : vector<512x512xf32> to vector<512xf32>
      %broadcast_in_dim3A = vector.shape_cast %reduce_max3A_352 : vector<512xf32> to vector<512x1xf32>
      %sub3A = vector.broadcast %broadcast_in_dim3A : vector<512x1xf32> to vector<512x512xf32>
      %sub3A_353 = arith.subf %mul3A_351, %sub3A : vector<512x512xf32>
      %exp3A = math.exp %sub3A_353 : vector<512x512xf32>
      %reduce_sum3A = arith.constant dense<0.000000e+00> : vector<512xf32>
      %reduce_sum3A_354 = vector.multi_reduction <add>, %exp3A, %reduce_sum3A [1] : vector<512x512xf32> to vector<512xf32>
      %broadcast_in_dim3A_355 = vector.shape_cast %reduce_sum3A_354 : vector<512xf32> to vector<512x1xf32>
      %div3A = vector.broadcast %broadcast_in_dim3A_355 : vector<512x1xf32> to vector<512x512xf32>
      %div3A_356 = arith.divf %exp3A, %div3A : vector<512x512xf32>
      %convert_element_type3A_357 = arith.truncf %div3A_356 : vector<512x512xf32> to vector<512x512xbf16>
      %get3A_358 = arith.constant 0 : index
      %get3A_359 = arith.constant 0 : index
      %get3A_360 = vector.load %arg1[%get3A_358, %get3A_359] : memref<512x8192xbf16, #tpu.memory_space<vmem>>, vector<512x512xbf16>
      %dot_general3A_361 = arith.constant dense<0.000000e+00> : vector<512x512xf32>
      %dot_general3A_362 = tpu.matmul %convert_element_type3A_357, %get3A_360, %dot_general3A_361 {dimension_numbers = #tpu.dot_dimension_numbers<[1], [0], [0], [1], [0, 0, 1, 1], [], []>, transpose_lhs_hint = false} : vector<512x512xbf16>, vector<512x512xbf16>, vector<512x512xf32> -> vector<512x512xf32>
      %convert_element_type3A_363 = arith.truncf %dot_general3A_362 : vector<512x512xf32> to vector<512x512xbf16>
      %swap3A_364 = arith.constant 0 : index
      %swap3A_365 = arith.constant 0 : index
      %swap3A_366 = vector.load %arg5[%swap3A_364, %swap3A_365] : memref<512x8192xbf16, #tpu.memory_space<vmem>>, vector<512x512xbf16>
      tpu.vector_store %arg5[%swap3A_364, %swap3A_365], %convert_element_type3A_363 {strides = array<i32>} : memref<512x8192xbf16, #tpu.memory_space<vmem>>, vector<512x512xbf16>,
      %get3A_367 = arith.constant 0 : index
      %get3A_368 = arith.constant 512 : index
      %get3A_369 = vector.load %arg1[%get3A_367, %get3A_368] : memref<512x8192xbf16, #tpu.memory_space<vmem>>, vector<512x512xbf16>
      %dot_general3A_370 = arith.constant dense<0.000000e+00> : vector<512x512xf32>
      %dot_general3A_371 = tpu.matmul %convert_element_type3A_357, %get3A_369, %dot_general3A_370 {dimension_numbers = #tpu.dot_dimension_numbers<[1], [0], [0], [1], [0, 0, 1, 1], [], []>, transpose_lhs_hint = false} : vector<512x512xbf16>, vector<512x512xbf16>, vector<512x512xf32> -> vector<512x512xf32>
      %convert_element_type3A_372 = arith.truncf %dot_general3A_371 : vector<512x512xf32> to vector<512x512xbf16>
      %swap3A_373 = arith.constant 0 : index
      %swap3A_374 = arith.constant 512 : index
      %swap3A_375 = vector.load %arg5[%swap3A_373, %swap3A_374] : memref<512x8192xbf16, #tpu.memory_space<vmem>>, vector<512x512xbf16>
      tpu.vector_store %arg5[%swap3A_373, %swap3A_374], %convert_element_type3A_372 {strides = array<i32>} : memref<512x8192xbf16, #tpu.memory_space<vmem>>, vector<512x512xbf16>,
      %get3A_376 = arith.constant 0 : index
      %get3A_377 = arith.constant 1024 : index
      %get3A_378 = vector.load %arg1[%get3A_376, %get3A_377] : memref<512x8192xbf16, #tpu.memory_space<vmem>>, vector<512x512xbf16>
      %dot_general3A_379 = arith.constant dense<0.000000e+00> : vector<512x512xf32>
      %dot_general3A_380 = tpu.matmul %convert_element_type3A_357, %get3A_378, %dot_general3A_379 {dimension_numbers = #tpu.dot_dimension_numbers<[1], [0], [0], [1], [0, 0, 1, 1], [], []>, transpose_lhs_hint = false} : vector<512x512xbf16>, vector<512x512xbf16>, vector<512x512xf32> -> vector<512x512xf32>
      %convert_element_type3A_381 = arith.truncf %dot_general3A_380 : vector<512x512xf32> to vector<512x512xbf16>
      %swap3A_382 = arith.constant 0 : index
      %swap3A_383 = arith.constant 1024 : index
      %swap3A_384 = vector.load %arg5[%swap3A_382, %swap3A_383] : memref<512x8192xbf16, #tpu.memory_space<vmem>>, vector<512x512xbf16>
      tpu.vector_store %arg5[%swap3A_382, %swap3A_383], %convert_element_type3A_381 {strides = array<i32>} : memref<512x8192xbf16, #tpu.memory_space<vmem>>, vector<512x512xbf16>,
      %get3A_385 = arith.constant 0 : index
      %get3A_386 = arith.constant 1536 : index
      %get3A_387 = vector.load %arg1[%get3A_385, %get3A_386] : memref<512x8192xbf16, #tpu.memory_space<vmem>>, vector<512x512xbf16>
      %dot_general3A_388 = arith.constant dense<0.000000e+00> : vector<512x512xf32>
      %dot_general3A_389 = tpu.matmul %convert_element_type3A_357, %get3A_387, %dot_general3A_388 {dimension_numbers = #tpu.dot_dimension_numbers<[1], [0], [0], [1], [0, 0, 1, 1], [], []>, transpose_lhs_hint = false} : vector<512x512xbf16>, vector<512x512xbf16>, vector<512x512xf32> -> vector<512x512xf32>
      %convert_element_type3A_390 = arith.truncf %dot_general3A_389 : vector<512x512xf32> to vector<512x512xbf16>
      %swap3A_391 = arith.constant 0 : index
      %swap3A_392 = arith.constant 1536 : index
      %swap3A_393 = vector.load %arg5[%swap3A_391, %swap3A_392] : memref<512x8192xbf16, #tpu.memory_space<vmem>>, vector<512x512xbf16>
      tpu.vector_store %arg5[%swap3A_391, %swap3A_392], %convert_element_type3A_390 {strides = array<i32>} : memref<512x8192xbf16, #tpu.memory_space<vmem>>, vector<512x512xbf16>,
      %get3A_394 = arith.constant 0 : index
      %get3A_395 = arith.constant 2048 : index
      %get3A_396 = vector.load %arg1[%get3A_394, %get3A_395] : memref<512x8192xbf16, #tpu.memory_space<vmem>>, vector<512x512xbf16>
      %dot_general3A_397 = arith.constant dense<0.000000e+00> : vector<512x512xf32>
      %dot_general3A_398 = tpu.matmul %convert_element_type3A_357, %get3A_396, %dot_general3A_397 {dimension_numbers = #tpu.dot_dimension_numbers<[1], [0], [0], [1], [0, 0, 1, 1], [], []>, transpose_lhs_hint = false} : vector<512x512xbf16>, vector<512x512xbf16>, vector<512x512xf32> -> vector<512x512xf32>
      %convert_element_type3A_399 = arith.truncf %dot_general3A_398 : vector<512x512xf32> to vector<512x512xbf16>
      %swap3A_400 = arith.constant 0 : index
      %swap3A_401 = arith.constant 2048 : index
      %swap3A_402 = vector.load %arg5[%swap3A_400, %swap3A_401] : memref<512x8192xbf16, #tpu.memory_space<vmem>>, vector<512x512xbf16>
      tpu.vector_store %arg5[%swap3A_400, %swap3A_401], %convert_element_type3A_399 {strides = array<i32>} : memref<512x8192xbf16, #tpu.memory_space<vmem>>, vector<512x512xbf16>,
      %get3A_403 = arith.constant 0 : index
      %get3A_404 = arith.constant 2560 : index
      %get3A_405 = vector.load %arg1[%get3A_403, %get3A_404] : memref<512x8192xbf16, #tpu.memory_space<vmem>>, vector<512x512xbf16>
      %dot_general3A_406 = arith.constant dense<0.000000e+00> : vector<512x512xf32>
      %dot_general3A_407 = tpu.matmul %convert_element_type3A_357, %get3A_405, %dot_general3A_406 {dimension_numbers = #tpu.dot_dimension_numbers<[1], [0], [0], [1], [0, 0, 1, 1], [], []>, transpose_lhs_hint = false} : vector<512x512xbf16>, vector<512x512xbf16>, vector<512x512xf32> -> vector<512x512xf32>
      %convert_element_type3A_408 = arith.truncf %dot_general3A_407 : vector<512x512xf32> to vector<512x512xbf16>
      %swap3A_409 = arith.constant 0 : index
      %swap3A_410 = arith.constant 2560 : index
      %swap3A_411 = vector.load %arg5[%swap3A_409, %swap3A_410] : memref<512x8192xbf16, #tpu.memory_space<vmem>>, vector<512x512xbf16>
      tpu.vector_store %arg5[%swap3A_409, %swap3A_410], %convert_element_type3A_408 {strides = array<i32>} : memref<512x8192xbf16, #tpu.memory_space<vmem>>, vector<512x512xbf16>,
      %get3A_412 = arith.constant 0 : index
      %get3A_413 = arith.constant 3072 : index
      %get3A_414 = vector.load %arg1[%get3A_412, %get3A_413] : memref<512x8192xbf16, #tpu.memory_space<vmem>>, vector<512x512xbf16>
      %dot_general3A_415 = arith.constant dense<0.000000e+00> : vector<512x512xf32>
      %dot_general3A_416 = tpu.matmul %convert_element_type3A_357, %get3A_414, %dot_general3A_415 {dimension_numbers = #tpu.dot_dimension_numbers<[1], [0], [0], [1], [0, 0, 1, 1], [], []>, transpose_lhs_hint = false} : vector<512x512xbf16>, vector<512x512xbf16>, vector<512x512xf32> -> vector<512x512xf32>
      %convert_element_type3A_417 = arith.truncf %dot_general3A_416 : vector<512x512xf32> to vector<512x512xbf16>
      %swap3A_418 = arith.constant 0 : index
      %swap3A_419 = arith.constant 3072 : index
      %swap3A_420 = vector.load %arg5[%swap3A_418, %swap3A_419] : memref<512x8192xbf16, #tpu.memory_space<vmem>>, vector<512x512xbf16>
      tpu.vector_store %arg5[%swap3A_418, %swap3A_419], %convert_element_type3A_417 {strides = array<i32>} : memref<512x8192xbf16, #tpu.memory_space<vmem>>, vector<512x512xbf16>,
      %get3A_421 = arith.constant 0 : index
      %get3A_422 = arith.constant 3584 : index
      %get3A_423 = vector.load %arg1[%get3A_421, %get3A_422] : memref<512x8192xbf16, #tpu.memory_space<vmem>>, vector<512x512xbf16>
      %dot_general3A_424 = arith.constant dense<0.000000e+00> : vector<512x512xf32>
      %dot_general3A_425 = tpu.matmul %convert_element_type3A_357, %get3A_423, %dot_general3A_424 {dimension_numbers = #tpu.dot_dimension_numbers<[1], [0], [0], [1], [0, 0, 1, 1], [], []>, transpose_lhs_hint = false} : vector<512x512xbf16>, vector<512x512xbf16>, vector<512x512xf32> -> vector<512x512xf32>
      %convert_element_type3A_426 = arith.truncf %dot_general3A_425 : vector<512x512xf32> to vector<512x512xbf16>
      %swap3A_427 = arith.constant 0 : index
      %swap3A_428 = arith.constant 3584 : index
      %swap3A_429 = vector.load %arg5[%swap3A_427, %swap3A_428] : memref<512x8192xbf16, #tpu.memory_space<vmem>>, vector<512x512xbf16>
      tpu.vector_store %arg5[%swap3A_427, %swap3A_428], %convert_element_type3A_426 {strides = array<i32>} : memref<512x8192xbf16, #tpu.memory_space<vmem>>, vector<512x512xbf16>,
      %get3A_430 = arith.constant 0 : index
      %get3A_431 = arith.constant 4096 : index
      %get3A_432 = vector.load %arg1[%get3A_430, %get3A_431] : memref<512x8192xbf16, #tpu.memory_space<vmem>>, vector<512x512xbf16>
      %dot_general3A_433 = arith.constant dense<0.000000e+00> : vector<512x512xf32>
      %dot_general3A_434 = tpu.matmul %convert_element_type3A_357, %get3A_432, %dot_general3A_433 {dimension_numbers = #tpu.dot_dimension_numbers<[1], [0], [0], [1], [0, 0, 1, 1], [], []>, transpose_lhs_hint = false} : vector<512x512xbf16>, vector<512x512xbf16>, vector<512x512xf32> -> vector<512x512xf32>
      %convert_element_type3A_435 = arith.truncf %dot_general3A_434 : vector<512x512xf32> to vector<512x512xbf16>
      %swap3A_436 = arith.constant 0 : index
      %swap3A_437 = arith.constant 4096 : index
      %swap3A_438 = vector.load %arg5[%swap3A_436, %swap3A_437] : memref<512x8192xbf16, #tpu.memory_space<vmem>>, vector<512x512xbf16>
      tpu.vector_store %arg5[%swap3A_436, %swap3A_437], %convert_element_type3A_435 {strides = array<i32>} : memref<512x8192xbf16, #tpu.memory_space<vmem>>, vector<512x512xbf16>,
      %get3A_439 = arith.constant 0 : index
      %get3A_440 = arith.constant 4608 : index
      %get3A_441 = vector.load %arg1[%get3A_439, %get3A_440] : memref<512x8192xbf16, #tpu.memory_space<vmem>>, vector<512x512xbf16>
      %dot_general3A_442 = arith.constant dense<0.000000e+00> : vector<512x512xf32>
      %dot_general3A_443 = tpu.matmul %convert_element_type3A_357, %get3A_441, %dot_general3A_442 {dimension_numbers = #tpu.dot_dimension_numbers<[1], [0], [0], [1], [0, 0, 1, 1], [], []>, transpose_lhs_hint = false} : vector<512x512xbf16>, vector<512x512xbf16>, vector<512x512xf32> -> vector<512x512xf32>
      %convert_element_type3A_444 = arith.truncf %dot_general3A_443 : vector<512x512xf32> to vector<512x512xbf16>
      %swap3A_445 = arith.constant 0 : index
      %swap3A_446 = arith.constant 4608 : index
      %swap3A_447 = vector.load %arg5[%swap3A_445, %swap3A_446] : memref<512x8192xbf16, #tpu.memory_space<vmem>>, vector<512x512xbf16>
      tpu.vector_store %arg5[%swap3A_445, %swap3A_446], %convert_element_type3A_444 {strides = array<i32>} : memref<512x8192xbf16, #tpu.memory_space<vmem>>, vector<512x512xbf16>,
      %get3A_448 = arith.constant 0 : index
      %get3A_449 = arith.constant 5120 : index
      %get3A_450 = vector.load %arg1[%get3A_448, %get3A_449] : memref<512x8192xbf16, #tpu.memory_space<vmem>>, vector<512x512xbf16>
      %dot_general3A_451 = arith.constant dense<0.000000e+00> : vector<512x512xf32>
      %dot_general3A_452 = tpu.matmul %convert_element_type3A_357, %get3A_450, %dot_general3A_451 {dimension_numbers = #tpu.dot_dimension_numbers<[1], [0], [0], [1], [0, 0, 1, 1], [], []>, transpose_lhs_hint = false} : vector<512x512xbf16>, vector<512x512xbf16>, vector<512x512xf32> -> vector<512x512xf32>
      %convert_element_type3A_453 = arith.truncf %dot_general3A_452 : vector<512x512xf32> to vector<512x512xbf16>
      %swap3A_454 = arith.constant 0 : index
      %swap3A_455 = arith.constant 5120 : index
      %swap3A_456 = vector.load %arg5[%swap3A_454, %swap3A_455] : memref<512x8192xbf16, #tpu.memory_space<vmem>>, vector<512x512xbf16>
      tpu.vector_store %arg5[%swap3A_454, %swap3A_455], %convert_element_type3A_453 {strides = array<i32>} : memref<512x8192xbf16, #tpu.memory_space<vmem>>, vector<512x512xbf16>,
      %get3A_457 = arith.constant 0 : index
      %get3A_458 = arith.constant 5632 : index
      %get3A_459 = vector.load %arg1[%get3A_457, %get3A_458] : memref<512x8192xbf16, #tpu.memory_space<vmem>>, vector<512x512xbf16>
      %dot_general3A_460 = arith.constant dense<0.000000e+00> : vector<512x512xf32>
      %dot_general3A_461 = tpu.matmul %convert_element_type3A_357, %get3A_459, %dot_general3A_460 {dimension_numbers = #tpu.dot_dimension_numbers<[1], [0], [0], [1], [0, 0, 1, 1], [], []>, transpose_lhs_hint = false} : vector<512x512xbf16>, vector<512x512xbf16>, vector<512x512xf32> -> vector<512x512xf32>
      %convert_element_type3A_462 = arith.truncf %dot_general3A_461 : vector<512x512xf32> to vector<512x512xbf16>
      %swap3A_463 = arith.constant 0 : index
      %swap3A_464 = arith.constant 5632 : index
      %swap3A_465 = vector.load %arg5[%swap3A_463, %swap3A_464] : memref<512x8192xbf16, #tpu.memory_space<vmem>>, vector<512x512xbf16>
      tpu.vector_store %arg5[%swap3A_463, %swap3A_464], %convert_element_type3A_462 {strides = array<i32>} : memref<512x8192xbf16, #tpu.memory_space<vmem>>, vector<512x512xbf16>,
      %get3A_466 = arith.constant 0 : index
      %get3A_467 = arith.constant 6144 : index
      %get3A_468 = vector.load %arg1[%get3A_466, %get3A_467] : memref<512x8192xbf16, #tpu.memory_space<vmem>>, vector<512x512xbf16>
      %dot_general3A_469 = arith.constant dense<0.000000e+00> : vector<512x512xf32>
      %dot_general3A_470 = tpu.matmul %convert_element_type3A_357, %get3A_468, %dot_general3A_469 {dimension_numbers = #tpu.dot_dimension_numbers<[1], [0], [0], [1], [0, 0, 1, 1], [], []>, transpose_lhs_hint = false} : vector<512x512xbf16>, vector<512x512xbf16>, vector<512x512xf32> -> vector<512x512xf32>
      %convert_element_type3A_471 = arith.truncf %dot_general3A_470 : vector<512x512xf32> to vector<512x512xbf16>
      %swap3A_472 = arith.constant 0 : index
      %swap3A_473 = arith.constant 6144 : index
      %swap3A_474 = vector.load %arg5[%swap3A_472, %swap3A_473] : memref<512x8192xbf16, #tpu.memory_space<vmem>>, vector<512x512xbf16>
      tpu.vector_store %arg5[%swap3A_472, %swap3A_473], %convert_element_type3A_471 {strides = array<i32>} : memref<512x8192xbf16, #tpu.memory_space<vmem>>, vector<512x512xbf16>,
      %get3A_475 = arith.constant 0 : index
      %get3A_476 = arith.constant 6656 : index
      %get3A_477 = vector.load %arg1[%get3A_475, %get3A_476] : memref<512x8192xbf16, #tpu.memory_space<vmem>>, vector<512x512xbf16>
      %dot_general3A_478 = arith.constant dense<0.000000e+00> : vector<512x512xf32>
      %dot_general3A_479 = tpu.matmul %convert_element_type3A_357, %get3A_477, %dot_general3A_478 {dimension_numbers = #tpu.dot_dimension_numbers<[1], [0], [0], [1], [0, 0, 1, 1], [], []>, transpose_lhs_hint = false} : vector<512x512xbf16>, vector<512x512xbf16>, vector<512x512xf32> -> vector<512x512xf32>
      %convert_element_type3A_480 = arith.truncf %dot_general3A_479 : vector<512x512xf32> to vector<512x512xbf16>
      %swap3A_481 = arith.constant 0 : index
      %swap3A_482 = arith.constant 6656 : index
      %swap3A_483 = vector.load %arg5[%swap3A_481, %swap3A_482] : memref<512x8192xbf16, #tpu.memory_space<vmem>>, vector<512x512xbf16>
      tpu.vector_store %arg5[%swap3A_481, %swap3A_482], %convert_element_type3A_480 {strides = array<i32>} : memref<512x8192xbf16, #tpu.memory_space<vmem>>, vector<512x512xbf16>,
      %get3A_484 = arith.constant 0 : index
      %get3A_485 = arith.constant 7168 : index
      %get3A_486 = vector.load %arg1[%get3A_484, %get3A_485] : memref<512x8192xbf16, #tpu.memory_space<vmem>>, vector<512x512xbf16>
      %dot_general3A_487 = arith.constant dense<0.000000e+00> : vector<512x512xf32>
      %dot_general3A_488 = tpu.matmul %convert_element_type3A_357, %get3A_486, %dot_general3A_487 {dimension_numbers = #tpu.dot_dimension_numbers<[1], [0], [0], [1], [0, 0, 1, 1], [], []>, transpose_lhs_hint = false} : vector<512x512xbf16>, vector<512x512xbf16>, vector<512x512xf32> -> vector<512x512xf32>
      %convert_element_type3A_489 = arith.truncf %dot_general3A_488 : vector<512x512xf32> to vector<512x512xbf16>
      %swap3A_490 = arith.constant 0 : index
      %swap3A_491 = arith.constant 7168 : index
      %swap3A_492 = vector.load %arg5[%swap3A_490, %swap3A_491] : memref<512x8192xbf16, #tpu.memory_space<vmem>>, vector<512x512xbf16>
      tpu.vector_store %arg5[%swap3A_490, %swap3A_491], %convert_element_type3A_489 {strides = array<i32>} : memref<512x8192xbf16, #tpu.memory_space<vmem>>, vector<512x512xbf16>,
      %get3A_493 = arith.constant 0 : index
      %get3A_494 = arith.constant 7680 : index
      %get3A_495 = vector.load %arg1[%get3A_493, %get3A_494] : memref<512x8192xbf16, #tpu.memory_space<vmem>>, vector<512x512xbf16>
      %dot_general3A_496 = arith.constant dense<0.000000e+00> : vector<512x512xf32>
      %dot_general3A_497 = tpu.matmul %convert_element_type3A_357, %get3A_495, %dot_general3A_496 {dimension_numbers = #tpu.dot_dimension_numbers<[1], [0], [0], [1], [0, 0, 1, 1], [], []>, transpose_lhs_hint = false} : vector<512x512xbf16>, vector<512x512xbf16>, vector<512x512xf32> -> vector<512x512xf32>
      %convert_element_type3A_498 = arith.truncf %dot_general3A_497 : vector<512x512xf32> to vector<512x512xbf16>
      %swap3A_499 = arith.constant 0 : index
      %swap3A_500 = arith.constant 7680 : index
      %swap3A_501 = vector.load %arg5[%swap3A_499, %swap3A_500] : memref<512x8192xbf16, #tpu.memory_space<vmem>>, vector<512x512xbf16>
      tpu.vector_store %arg5[%swap3A_499, %swap3A_500], %convert_element_type3A_498 {strides = array<i32>} : memref<512x8192xbf16, #tpu.memory_space<vmem>>, vector<512x512xbf16>,
    } else {
    }
    %get3A = arith.constant 0 : index
    %get3A_2 = arith.constant 0 : index
    %get3A_3 = vector.load %arg5[%get3A, %get3A_2] : memref<512x8192xbf16, #tpu.memory_space<vmem>>, vector<512x512xbf16>
    %get3A_4 = arith.constant 0 : index
    %get3A_5 = arith.constant 0 : index
    %get3A_6 = vector.load %arg2[%get3A_4, %get3A_5] : memref<8192x256xbf16, #tpu.memory_space<vmem>>, vector<512x256xbf16>
    %dot_general3A = arith.constant dense<0.000000e+00> : vector<512x256xf32>
    %dot_general3A_7 = tpu.matmul %get3A_3, %get3A_6, %dot_general3A {dimension_numbers = #tpu.dot_dimension_numbers<[1], [0], [0], [1], [0, 0, 1, 1], [], []>, transpose_lhs_hint = false} : vector<512x512xbf16>, vector<512x256xbf16>, vector<512x256xf32> -> vector<512x256xf32>
    %get3A_8 = arith.constant 0 : index
    %get3A_9 = arith.constant 512 : index
    %get3A_10 = vector.load %arg5[%get3A_8, %get3A_9] : memref<512x8192xbf16, #tpu.memory_space<vmem>>, vector<512x512xbf16>
    %get3A_11 = arith.constant 512 : index
    %get3A_12 = arith.constant 0 : index
    %get3A_13 = vector.load %arg2[%get3A_11, %get3A_12] : memref<8192x256xbf16, #tpu.memory_space<vmem>>, vector<512x256xbf16>
    %dot_general3A_14 = arith.constant dense<0.000000e+00> : vector<512x256xf32>
    %dot_general3A_15 = tpu.matmul %get3A_10, %get3A_13, %dot_general3A_14 {dimension_numbers = #tpu.dot_dimension_numbers<[1], [0], [0], [1], [0, 0, 1, 1], [], []>, transpose_lhs_hint = false} : vector<512x512xbf16>, vector<512x256xbf16>, vector<512x256xf32> -> vector<512x256xf32>
    %add3A = arith.addf %dot_general3A_7, %dot_general3A_15 : vector<512x256xf32>
    %get3A_16 = arith.constant 0 : index
    %get3A_17 = arith.constant 1024 : index
    %get3A_18 = vector.load %arg5[%get3A_16, %get3A_17] : memref<512x8192xbf16, #tpu.memory_space<vmem>>, vector<512x512xbf16>
    %get3A_19 = arith.constant 1024 : index
    %get3A_20 = arith.constant 0 : index
    %get3A_21 = vector.load %arg2[%get3A_19, %get3A_20] : memref<8192x256xbf16, #tpu.memory_space<vmem>>, vector<512x256xbf16>
    %dot_general3A_22 = arith.constant dense<0.000000e+00> : vector<512x256xf32>
    %dot_general3A_23 = tpu.matmul %get3A_18, %get3A_21, %dot_general3A_22 {dimension_numbers = #tpu.dot_dimension_numbers<[1], [0], [0], [1], [0, 0, 1, 1], [], []>, transpose_lhs_hint = false} : vector<512x512xbf16>, vector<512x256xbf16>, vector<512x256xf32> -> vector<512x256xf32>
    %add3A_24 = arith.addf %add3A, %dot_general3A_23 : vector<512x256xf32>
    %get3A_25 = arith.constant 0 : index
    %get3A_26 = arith.constant 1536 : index
    %get3A_27 = vector.load %arg5[%get3A_25, %get3A_26] : memref<512x8192xbf16, #tpu.memory_space<vmem>>, vector<512x512xbf16>
    %get3A_28 = arith.constant 1536 : index
    %get3A_29 = arith.constant 0 : index
    %get3A_30 = vector.load %arg2[%get3A_28, %get3A_29] : memref<8192x256xbf16, #tpu.memory_space<vmem>>, vector<512x256xbf16>
    %dot_general3A_31 = arith.constant dense<0.000000e+00> : vector<512x256xf32>
    %dot_general3A_32 = tpu.matmul %get3A_27, %get3A_30, %dot_general3A_31 {dimension_numbers = #tpu.dot_dimension_numbers<[1], [0], [0], [1], [0, 0, 1, 1], [], []>, transpose_lhs_hint = false} : vector<512x512xbf16>, vector<512x256xbf16>, vector<512x256xf32> -> vector<512x256xf32>
    %add3A_33 = arith.addf %add3A_24, %dot_general3A_32 : vector<512x256xf32>
    %get3A_34 = arith.constant 0 : index
    %get3A_35 = arith.constant 2048 : index
    %get3A_36 = vector.load %arg5[%get3A_34, %get3A_35] : memref<512x8192xbf16, #tpu.memory_space<vmem>>, vector<512x512xbf16>
    %get3A_37 = arith.constant 2048 : index
    %get3A_38 = arith.constant 0 : index
    %get3A_39 = vector.load %arg2[%get3A_37, %get3A_38] : memref<8192x256xbf16, #tpu.memory_space<vmem>>, vector<512x256xbf16>
    %dot_general3A_40 = arith.constant dense<0.000000e+00> : vector<512x256xf32>
    %dot_general3A_41 = tpu.matmul %get3A_36, %get3A_39, %dot_general3A_40 {dimension_numbers = #tpu.dot_dimension_numbers<[1], [0], [0], [1], [0, 0, 1, 1], [], []>, transpose_lhs_hint = false} : vector<512x512xbf16>, vector<512x256xbf16>, vector<512x256xf32> -> vector<512x256xf32>
    %add3A_42 = arith.addf %add3A_33, %dot_general3A_41 : vector<512x256xf32>
    %get3A_43 = arith.constant 0 : index
    %get3A_44 = arith.constant 2560 : index
    %get3A_45 = vector.load %arg5[%get3A_43, %get3A_44] : memref<512x8192xbf16, #tpu.memory_space<vmem>>, vector<512x512xbf16>
    %get3A_46 = arith.constant 2560 : index
    %get3A_47 = arith.constant 0 : index
    %get3A_48 = vector.load %arg2[%get3A_46, %get3A_47] : memref<8192x256xbf16, #tpu.memory_space<vmem>>, vector<512x256xbf16>
    %dot_general3A_49 = arith.constant dense<0.000000e+00> : vector<512x256xf32>
    %dot_general3A_50 = tpu.matmul %get3A_45, %get3A_48, %dot_general3A_49 {dimension_numbers = #tpu.dot_dimension_numbers<[1], [0], [0], [1], [0, 0, 1, 1], [], []>, transpose_lhs_hint = false} : vector<512x512xbf16>, vector<512x256xbf16>, vector<512x256xf32> -> vector<512x256xf32>
    %add3A_51 = arith.addf %add3A_42, %dot_general3A_50 : vector<512x256xf32>
    %get3A_52 = arith.constant 0 : index
    %get3A_53 = arith.constant 3072 : index
    %get3A_54 = vector.load %arg5[%get3A_52, %get3A_53] : memref<512x8192xbf16, #tpu.memory_space<vmem>>, vector<512x512xbf16>
    %get3A_55 = arith.constant 3072 : index
    %get3A_56 = arith.constant 0 : index
    %get3A_57 = vector.load %arg2[%get3A_55, %get3A_56] : memref<8192x256xbf16, #tpu.memory_space<vmem>>, vector<512x256xbf16>
    %dot_general3A_58 = arith.constant dense<0.000000e+00> : vector<512x256xf32>
    %dot_general3A_59 = tpu.matmul %get3A_54, %get3A_57, %dot_general3A_58 {dimension_numbers = #tpu.dot_dimension_numbers<[1], [0], [0], [1], [0, 0, 1, 1], [], []>, transpose_lhs_hint = false} : vector<512x512xbf16>, vector<512x256xbf16>, vector<512x256xf32> -> vector<512x256xf32>
    %add3A_60 = arith.addf %add3A_51, %dot_general3A_59 : vector<512x256xf32>
    %get3A_61 = arith.constant 0 : index
    %get3A_62 = arith.constant 3584 : index
    %get3A_63 = vector.load %arg5[%get3A_61, %get3A_62] : memref<512x8192xbf16, #tpu.memory_space<vmem>>, vector<512x512xbf16>
    %get3A_64 = arith.constant 3584 : index
    %get3A_65 = arith.constant 0 : index
    %get3A_66 = vector.load %arg2[%get3A_64, %get3A_65] : memref<8192x256xbf16, #tpu.memory_space<vmem>>, vector<512x256xbf16>
    %dot_general3A_67 = arith.constant dense<0.000000e+00> : vector<512x256xf32>
    %dot_general3A_68 = tpu.matmul %get3A_63, %get3A_66, %dot_general3A_67 {dimension_numbers = #tpu.dot_dimension_numbers<[1], [0], [0], [1], [0, 0, 1, 1], [], []>, transpose_lhs_hint = false} : vector<512x512xbf16>, vector<512x256xbf16>, vector<512x256xf32> -> vector<512x256xf32>
    %add3A_69 = arith.addf %add3A_60, %dot_general3A_68 : vector<512x256xf32>
    %get3A_70 = arith.constant 0 : index
    %get3A_71 = arith.constant 4096 : index
    %get3A_72 = vector.load %arg5[%get3A_70, %get3A_71] : memref<512x8192xbf16, #tpu.memory_space<vmem>>, vector<512x512xbf16>
    %get3A_73 = arith.constant 4096 : index
    %get3A_74 = arith.constant 0 : index
    %get3A_75 = vector.load %arg2[%get3A_73, %get3A_74] : memref<8192x256xbf16, #tpu.memory_space<vmem>>, vector<512x256xbf16>
    %dot_general3A_76 = arith.constant dense<0.000000e+00> : vector<512x256xf32>
    %dot_general3A_77 = tpu.matmul %get3A_72, %get3A_75, %dot_general3A_76 {dimension_numbers = #tpu.dot_dimension_numbers<[1], [0], [0], [1], [0, 0, 1, 1], [], []>, transpose_lhs_hint = false} : vector<512x512xbf16>, vector<512x256xbf16>, vector<512x256xf32> -> vector<512x256xf32>
    %add3A_78 = arith.addf %add3A_69, %dot_general3A_77 : vector<512x256xf32>
    %get3A_79 = arith.constant 0 : index
    %get3A_80 = arith.constant 4608 : index
    %get3A_81 = vector.load %arg5[%get3A_79, %get3A_80] : memref<512x8192xbf16, #tpu.memory_space<vmem>>, vector<512x512xbf16>
    %get3A_82 = arith.constant 4608 : index
    %get3A_83 = arith.constant 0 : index
    %get3A_84 = vector.load %arg2[%get3A_82, %get3A_83] : memref<8192x256xbf16, #tpu.memory_space<vmem>>, vector<512x256xbf16>
    %dot_general3A_85 = arith.constant dense<0.000000e+00> : vector<512x256xf32>
    %dot_general3A_86 = tpu.matmul %get3A_81, %get3A_84, %dot_general3A_85 {dimension_numbers = #tpu.dot_dimension_numbers<[1], [0], [0], [1], [0, 0, 1, 1], [], []>, transpose_lhs_hint = false} : vector<512x512xbf16>, vector<512x256xbf16>, vector<512x256xf32> -> vector<512x256xf32>
    %add3A_87 = arith.addf %add3A_78, %dot_general3A_86 : vector<512x256xf32>
    %get3A_88 = arith.constant 0 : index
    %get3A_89 = arith.constant 5120 : index
    %get3A_90 = vector.load %arg5[%get3A_88, %get3A_89] : memref<512x8192xbf16, #tpu.memory_space<vmem>>, vector<512x512xbf16>
    %get3A_91 = arith.constant 5120 : index
    %get3A_92 = arith.constant 0 : index
    %get3A_93 = vector.load %arg2[%get3A_91, %get3A_92] : memref<8192x256xbf16, #tpu.memory_space<vmem>>, vector<512x256xbf16>
    %dot_general3A_94 = arith.constant dense<0.000000e+00> : vector<512x256xf32>
    %dot_general3A_95 = tpu.matmul %get3A_90, %get3A_93, %dot_general3A_94 {dimension_numbers = #tpu.dot_dimension_numbers<[1], [0], [0], [1], [0, 0, 1, 1], [], []>, transpose_lhs_hint = false} : vector<512x512xbf16>, vector<512x256xbf16>, vector<512x256xf32> -> vector<512x256xf32>
    %add3A_96 = arith.addf %add3A_87, %dot_general3A_95 : vector<512x256xf32>
    %get3A_97 = arith.constant 0 : index
    %get3A_98 = arith.constant 5632 : index
    %get3A_99 = vector.load %arg5[%get3A_97, %get3A_98] : memref<512x8192xbf16, #tpu.memory_space<vmem>>, vector<512x512xbf16>
    %get3A_100 = arith.constant 5632 : index
    %get3A_101 = arith.constant 0 : index
    %get3A_102 = vector.load %arg2[%get3A_100, %get3A_101] : memref<8192x256xbf16, #tpu.memory_space<vmem>>, vector<512x256xbf16>
    %dot_general3A_103 = arith.constant dense<0.000000e+00> : vector<512x256xf32>
    %dot_general3A_104 = tpu.matmul %get3A_99, %get3A_102, %dot_general3A_103 {dimension_numbers = #tpu.dot_dimension_numbers<[1], [0], [0], [1], [0, 0, 1, 1], [], []>, transpose_lhs_hint = false} : vector<512x512xbf16>, vector<512x256xbf16>, vector<512x256xf32> -> vector<512x256xf32>
    %add3A_105 = arith.addf %add3A_96, %dot_general3A_104 : vector<512x256xf32>
    %get3A_106 = arith.constant 0 : index
    %get3A_107 = arith.constant 6144 : index
    %get3A_108 = vector.load %arg5[%get3A_106, %get3A_107] : memref<512x8192xbf16, #tpu.memory_space<vmem>>, vector<512x512xbf16>
    %get3A_109 = arith.constant 6144 : index
    %get3A_110 = arith.constant 0 : index
    %get3A_111 = vector.load %arg2[%get3A_109, %get3A_110] : memref<8192x256xbf16, #tpu.memory_space<vmem>>, vector<512x256xbf16>
    %dot_general3A_112 = arith.constant dense<0.000000e+00> : vector<512x256xf32>
    %dot_general3A_113 = tpu.matmul %get3A_108, %get3A_111, %dot_general3A_112 {dimension_numbers = #tpu.dot_dimension_numbers<[1], [0], [0], [1], [0, 0, 1, 1], [], []>, transpose_lhs_hint = false} : vector<512x512xbf16>, vector<512x256xbf16>, vector<512x256xf32> -> vector<512x256xf32>
    %add3A_114 = arith.addf %add3A_105, %dot_general3A_113 : vector<512x256xf32>
    %get3A_115 = arith.constant 0 : index
    %get3A_116 = arith.constant 6656 : index
    %get3A_117 = vector.load %arg5[%get3A_115, %get3A_116] : memref<512x8192xbf16, #tpu.memory_space<vmem>>, vector<512x512xbf16>
    %get3A_118 = arith.constant 6656 : index
    %get3A_119 = arith.constant 0 : index
    %get3A_120 = vector.load %arg2[%get3A_118, %get3A_119] : memref<8192x256xbf16, #tpu.memory_space<vmem>>, vector<512x256xbf16>
    %dot_general3A_121 = arith.constant dense<0.000000e+00> : vector<512x256xf32>
    %dot_general3A_122 = tpu.matmul %get3A_117, %get3A_120, %dot_general3A_121 {dimension_numbers = #tpu.dot_dimension_numbers<[1], [0], [0], [1], [0, 0, 1, 1], [], []>, transpose_lhs_hint = false} : vector<512x512xbf16>, vector<512x256xbf16>, vector<512x256xf32> -> vector<512x256xf32>
    %add3A_123 = arith.addf %add3A_114, %dot_general3A_122 : vector<512x256xf32>
    %get3A_124 = arith.constant 0 : index
    %get3A_125 = arith.constant 7168 : index
    %get3A_126 = vector.load %arg5[%get3A_124, %get3A_125] : memref<512x8192xbf16, #tpu.memory_space<vmem>>, vector<512x512xbf16>
    %get3A_127 = arith.constant 7168 : index
    %get3A_128 = arith.constant 0 : index
    %get3A_129 = vector.load %arg2[%get3A_127, %get3A_128] : memref<8192x256xbf16, #tpu.memory_space<vmem>>, vector<512x256xbf16>
    %dot_general3A_130 = arith.constant dense<0.000000e+00> : vector<512x256xf32>
    %dot_general3A_131 = tpu.matmul %get3A_126, %get3A_129, %dot_general3A_130 {dimension_numbers = #tpu.dot_dimension_numbers<[1], [0], [0], [1], [0, 0, 1, 1], [], []>, transpose_lhs_hint = false} : vector<512x512xbf16>, vector<512x256xbf16>, vector<512x256xf32> -> vector<512x256xf32>
    %add3A_132 = arith.addf %add3A_123, %dot_general3A_131 : vector<512x256xf32>
    %get3A_133 = arith.constant 0 : index
    %get3A_134 = arith.constant 7680 : index
    %get3A_135 = vector.load %arg5[%get3A_133, %get3A_134] : memref<512x8192xbf16, #tpu.memory_space<vmem>>, vector<512x512xbf16>
    %get3A_136 = arith.constant 7680 : index
    %get3A_137 = arith.constant 0 : index
    %get3A_138 = vector.load %arg2[%get3A_136, %get3A_137] : memref<8192x256xbf16, #tpu.memory_space<vmem>>, vector<512x256xbf16>
    %dot_general3A_139 = arith.constant dense<0.000000e+00> : vector<512x256xf32>
    %dot_general3A_140 = tpu.matmul %get3A_135, %get3A_138, %dot_general3A_139 {dimension_numbers = #tpu.dot_dimension_numbers<[1], [0], [0], [1], [0, 0, 1, 1], [], []>, transpose_lhs_hint = false} : vector<512x512xbf16>, vector<512x256xbf16>, vector<512x256xf32> -> vector<512x256xf32>
    %add3A_141 = arith.addf %add3A_132, %dot_general3A_140 : vector<512x256xf32>
    %max3A = arith.constant 0.000000e+00 : f32
    %max3A_142 = vector.broadcast %max3A : f32 to vector<512x256xf32>
    %max3A_143 = arith.maximumf %add3A_141, %max3A_142 : vector<512x256xf32>
    %convert_element_type3A_144 = arith.truncf %max3A_143 : vector<512x256xf32> to vector<512x256xbf16>
    %get3A_145 = arith.constant 0 : index
    %get3A_146 = arith.constant 0 : index
    %get3A_147 = vector.load %arg3[%get3A_145, %get3A_146] : memref<256x128xf32, #tpu.memory_space<vmem>>, vector<256x128xf32>
    %convert_element_type3A_148 = arith.truncf %get3A_147 : vector<256x128xf32> to vector<256x128xbf16>
    %dot_general3A_149 = arith.constant dense<0.000000e+00> : vector<512x128xf32>
    %dot_general3A_150 = tpu.matmul %convert_element_type3A_144, %convert_element_type3A_148, %dot_general3A_149 {dimension_numbers = #tpu.dot_dimension_numbers<[1], [0], [0], [1], [0, 0, 1, 1], [], []>, transpose_lhs_hint = false} : vector<512x256xbf16>, vector<256x128xbf16>, vector<512x128xf32> -> vector<512x128xf32>
    %eq3A_151 = arith.constant 0 : i32
    %eq3A_152 = arith.cmpi eq, %arg0, %eq3A_151 : i32
    %convert_element_type3A_153 = arith.extui %eq3A_152 : i1 to i32
    %cond3A_154 = arith.constant 0 : i32
    %cond3A_155 = arith.cmpi ne, %convert_element_type3A_153, %cond3A_154 : i32
    scf.if %cond3A_155 {
      %swap3A = arith.constant 0 : index
      %swap3A_160 = arith.constant 0 : index
      %swap3A_161 = vector.load %arg4[%swap3A, %swap3A_160] : memref<512x128xf32, #tpu.memory_space<vmem>>, vector<512x128xf32>
      tpu.vector_store %arg4[%swap3A, %swap3A_160], %dot_general3A_150 {strides = array<i32>} : memref<512x128xf32, #tpu.memory_space<vmem>>, vector<512x128xf32>,
    } else {
    }
    %gt3A = arith.constant 0 : i32
    %gt3A_156 = arith.cmpi sgt, %arg0, %gt3A : i32
    %convert_element_type3A_157 = arith.extui %gt3A_156 : i1 to i32
    %cond3A_158 = arith.constant 0 : i32
    %cond3A_159 = arith.cmpi ne, %convert_element_type3A_157, %cond3A_158 : i32
    scf.if %cond3A_159 {
      %get3A_160 = arith.constant 0 : index
      %get3A_161 = arith.constant 0 : index
      %get3A_162 = vector.load %arg4[%get3A_160, %get3A_161] : memref<512x128xf32, #tpu.memory_space<vmem>>, vector<512x128xf32>
      %add3A_163 = arith.addf %get3A_162, %dot_general3A_150 : vector<512x128xf32>
      %swap3A = arith.constant 0 : index
      %swap3A_164 = arith.constant 0 : index
      %swap3A_165 = vector.load %arg4[%swap3A, %swap3A_164] : memref<512x128xf32, #tpu.memory_space<vmem>>, vector<512x128xf32>
      tpu.vector_store %arg4[%swap3A, %swap3A_164], %add3A_163 {strides = array<i32>} : memref<512x128xf32, #tpu.memory_space<vmem>>, vector<512x128xf32>,
    } else {
    }
    return
  }
  func.func @transform_0(%arg0: i32) -> (i32, i32) {
    %c0_i32 = arith.constant 0 : i32
    %c0_i32_0 = arith.constant 0 : i32
    %c0_i32_1 = arith.constant 0 : i32
    return %c0_i32, %c0_i32_0 : i32, i32
  }
  func.func @transform_1(%arg0: i32) -> (i32, i32) {
    %c0_i32 = arith.constant 0 : i32
    %c0_i32_0 = arith.constant 0 : i32
    return %c0_i32, %arg0 : i32, i32
  }
  func.func @transform_2(%arg0: i32) -> (i32, i32) {
    %c0_i32 = arith.constant 0 : i32
    %c0_i32_0 = arith.constant 0 : i32
    return %arg0, %c0_i32 : i32, i32
  }
  func.func @transform_3(%arg0: i32) -> (i32, i32) {
    %c0_i32 = arith.constant 0 : i32
    %c0_i32_0 = arith.constant 0 : i32
    %c0_i32_1 = arith.constant 0 : i32
    return %c0_i32, %c0_i32_0 : i32, i32
  }
}

</mosaic_0001>

<sc_bundles>
// kernel: kernel.9.cloned.1.call-start
scs
__scs_entry_jumppad:
0x0: {  	(pc) =	sbr.rel $0x88, $3  }
0x1: {  	(tag) =	ssettag $0x0;
	lr =	simm.s32 $0x1  }
0x2: {  	[smem:$0x3F96] =	sst lr;
	_ =	strace $0xD0000000  }
0x3: {  	_ = 	snop  }
0x4: {  	_ = 	snop  }
0x5: {  	_ = 	snop  }
0x6: {  	_ = 	snop  }
0x7: {  	_ = 	snop  }
__scs_overlays_trampoline_lowered:
0x8: {  	[smem:$0x3FA5] =	sst s0  }
0x9: {  	[smem:$0x3FA6] =	sst s1  }
0xa: {  	[smem:$0x3FA7] =	sst s2  }
0xb: {  	[smem:$0x3FA8] =	sst s3  }
0xc: {  	[smem:$0x3FA9] =	sst s4  }
0xd: {  	[smem:$0x3FAA] =	sst s5  }
0xe: {  	[smem:$0x3FAB] =	sst s6  }
0xf: {  	[smem:$0x3FAC] =	sst s7  }
0x10: {  	[smem:$0x3FAD] =	sst s8  }
0x11: {  	[smem:$0x3FAE] =	sst s9;
	s0 =	simm.s32 @!p0 $0x0  }
0x12: {  	s1 =	sld [smem:$0x3F94];
	s0 =	simm.s32 @p0 $0x1  }
0x13: {  	[smem:$0x3FAF] =	sst s0;
	s0 =	simm.s32 @!p1 $0x0  }
0x14: {  	s2 =	sld [smem:$0x3F93];
	s0 =	simm.s32 @p1 $0x1  }
0x15: {  	[smem:$0x3FB0] =	sst s0;
	s0 =	simm.s32 @!p2 $0x0  }
0x16: {  	s3 =	sld [smem:$0x3FDB];
	s0 =	simm.s32 @p2 $0x1  }
0x17: {  	s4 =	simm.s32 $0x1BF5;
	[smem:$0x3FB2] =	sst s0  }
0x18: {  	s0 =	sld [smem:$0x3F95];
	_ =	swait.ge [sflag:s4], $0x0  }
0x19: {  	s7 =	sld [smem:$0x3F96]  }
0x1a: {  	s8 =	sadd.s32 $0xFFFFE003, lr  }
0x1b: {  	s9 =	sadd.s32 $0xFFFFFEF7, lr;
	s5 =	simm.s32 $0xFFFFFFFF;
	p2 =	slt.u32 s8, $0xFFFFF086  }
0x1c: {  	p1 =	slt.u32 s9, $0xF7A;
	s5 =	simm.s32 @!p2 $0x0  }
0x1d: {  	s5 =	simm.s32 @p1 $0x1;
	p0 =	seq.s32 s7, s2  }
0x1e: {  	s7 =	smul.u32 @!p0 $0xF7A, s2;
	p2 =	seq.s32 @!p0 s5, $0x0  }
0x1f: {  	s9 =	smul.u32 $0xF7A, s1;
	s8 =	simm.s32 @!p0 $0x1BF5;
	p2 =	por !p2, p0  }
0x20: {  	[sflag:s8] =	ssyncset.s32 @!p0 $0xFFFFF086;
	s6 =	sadd.s32 @!p0 s3, s7;
	s7 =	simm.s32 @!p0 $0x108  }
0x21: {  	s3 =	sadd.s32 s3, s9;
	s6 =	sadd.s32 @!p0 $0x88, s6;
	s7 =	simm.s32 @p2 $0x1082  }
0x22: {  	[simem:s7], [sflag:s8] =	dma.local @!p0 [hbm:s6], $0xF7A  }
0x23: {  	s9 =	sor.u32 $0xD0000000, s2;
	s6 =	simm.s32 $0x108;
	_ =	swait.ge @!p0 [sflag:s8], $0x0  }
0x24: {  	s3 =	sadd.s32 $0x88, s3;
	s6 =	simm.s32 @!p1 $0x1082;
	[sflag:s4] =	ssyncset.s32 $0xFFFFF086  }
0x25: {  	[simem:s6], [sflag:s4] =	dma.local [hbm:s3], $0xF7A  }
0x26: {  	[smem:$0x3F96] =	sst s1;
	(tag) =	ssettag s2;
	_ =	strace s9  }
0x27: {  	s1 =	sld [smem:$0x3FA6]  }
0x28: {  	s2 =	sld [smem:$0x3FA7]  }
0x29: {  	s4 =	sld [smem:$0x3FA9]  }
0x2a: {  	p0 =	seq.s32 s5, $0x0;
	s5 =	sld [smem:$0x3FAA]  }
0x2b: {  	s6 =	sld [smem:$0x3FAB]  }
0x2c: {  	s7 =	sld [smem:$0x3FAC]  }
0x2d: {  	s3 =	simm.s32 $0x108;
	s8 =	sld [smem:$0x3FAD]  }
0x2e: {  	s3 =	simm.s32 @!p0 $0x1082;
	s9 =	sld [smem:$0x3FAE]  }
0x2f: {  	lr =	sadd.s32 s0, s3;
	s0 =	sld [smem:$0x3FA5]  }
0x30: {  	s3 =	sld [smem:$0x3FA8]  }
0x31: {  	[smem:$0x3FB1] =	sst s10  }
0x32: {  	s10 =	sld [smem:$0x3FAF];
	_ =	sdelay $0x3  }
0x33: {  	p0 =	seq.s32 s10, $0x1;
	s10 =	sld [smem:$0x3FB1];
	_ =	sdelay $0x3  }
0x34: {  	[smem:$0x3FB1] =	sst s10  }
0x35: {  	s10 =	sld [smem:$0x3FB0];
	_ =	sdelay $0x3  }
0x36: {  	p1 =	seq.s32 s10, $0x1;
	s10 =	sld [smem:$0x3FB1];
	_ =	sdelay $0x3  }
0x37: {  	[smem:$0x3FB1] =	sst s10  }
0x38: {  	s10 =	sld [smem:$0x3FB2]  }
0x39: {  	_ = 	snop;
	(pc) =	sbr.ind lr, $3  }
0x3a: {  	_ = 	snop  }
0x3b: {  	_ = 	snop  }
0x3c: {  	p2 =	seq.s32 s10, $0x1;
	s10 =	sld [smem:$0x3FB1]  }
0x3d: {  	_ =	shalt  }
0x3e: {  	_ =	shalt  }
0x3f: {  	_ =	shalt  }
0x40: {  	_ =	shalt  }
0x41: {  	_ =	shalt  }
0x42: {  	_ =	shalt  }
0x43: {  	_ =	shalt  }
0x44: {  	_ =	shalt  }
0x45: {  	_ =	shalt  }
0x46: {  	_ =	shalt  }
0x47: {  	_ =	shalt  }
0x48: {  	_ =	shalt  }
0x49: {  	_ =	shalt  }
0x4a: {  	_ =	shalt  }
0x4b: {  	_ =	shalt  }
0x4c: {  	_ =	shalt  }
0x4d: {  	_ =	shalt  }
0x4e: {  	_ =	shalt  }
0x4f: {  	_ =	shalt  }
0x50: {  	_ =	shalt  }
0x51: {  	_ =	shalt  }
0x52: {  	_ =	shalt  }
0x53: {  	_ =	shalt  }
0x54: {  	_ =	shalt  }
0x55: {  	_ =	shalt  }
0x56: {  	_ =	shalt  }
0x57: {  	_ =	shalt  }
0x58: {  	_ =	shalt  }
0x59: {  	_ =	shalt  }
0x5a: {  	_ =	shalt  }
0x5b: {  	_ =	shalt  }
0x5c: {  	_ =	shalt  }
0x5d: {  	_ =	shalt  }
0x5e: {  	_ =	shalt  }
0x5f: {  	_ =	shalt  }
0x60: {  	_ =	shalt  }
0x61: {  	_ =	shalt  }
0x62: {  	_ =	shalt  }
0x63: {  	_ =	shalt  }
0x64: {  	_ =	shalt  }
0x65: {  	_ =	shalt  }
0x66: {  	_ =	shalt  }
0x67: {  	_ =	shalt  }
0x68: {  	_ =	shalt  }
0x69: {  	_ =	shalt  }
0x6a: {  	_ =	shalt  }
0x6b: {  	_ =	shalt  }
0x6c: {  	_ =	shalt  }
0x6d: {  	_ =	shalt  }
0x6e: {  	_ =	shalt  }
0x6f: {  	_ =	shalt  }
0x70: {  	_ =	shalt  }
0x71: {  	_ =	shalt  }
0x72: {  	_ =	shalt  }
0x73: {  	_ =	shalt  }
0x74: {  	_ =	shalt  }
0x75: {  	_ =	shalt  }
0x76: {  	_ =	shalt  }
0x77: {  	_ =	shalt  }
0x78: {  	_ =	shalt  }
0x79: {  	_ =	shalt  }
0x7a: {  	_ =	shalt  }
0x7b: {  	_ =	shalt  }
0x7c: {  	_ =	shalt  }
0x7d: {  	_ =	shalt  }
0x7e: {  	_ =	shalt  }
0x7f: {  	_ =	shalt  }
0x80: {  	_ =	shalt  }
0x81: {  	_ =	shalt  }
0x82: {  	_ =	shalt  }
0x83: {  	_ =	shalt  }
0x84: {  	_ =	shalt  }
0x85: {  	_ =	shalt  }
0x86: {  	_ =	shalt  }
0x87: {  	_ =	shalt  }
.Lfunc_end0:
.L_simem_size_0:
called_computation_lowered:
.L_overlay_start_0:
0x88: {  	s2 =	sld [smem:$0x3FD9]  }
0x89: {  	s3 =	sld [smem:$0x3FFE];
	_ =	sdelay $0x1  }
0x8a: {  	s1 =	srdreg.scid  }
0x8b: {  	s0 =	sand.u32 $0x1, s1  }
0x8c: {  	s14 =	sshll.u32 s0, $0xA;
	s2 =	sadd.s32 s3, s2  }
0x8d: {  	s2 =	sadd.s32 s2, s14  }
0x8e: {  	[smem:$0x3FBD] =	sst s2  }
0x8f: {  	_ = 	snop  }
0x90: {  	s2 =	sld [smem:$0x3FD0];
	_ =	sdelay $0x2  }
0x91: {  	s15 =	simm.s32 $0xA;
	s4 =	simm.s32 $0x10  }
0x92: {  	[smem:s4], [sflag:s15] =	dma.local [hbm:s2], $0x1  }
0x93: {  	_ =	swait.eq [sflag:s15], $0x1  }
0x94: {  	[sflag:s15] =	ssyncset.done $0x0  }
0x95: {  	s16 =	sld [smem:$0x10];
	[sflag:s15] =	ssyncadd.s32 $0xFFFFFFFF  }
0x96: {  	s17 =	sld [smem:$0x11];
	(tm) =	ssettm $0x1  }
0x97: {  	s18 =	sld [smem:$0x3FFB];
	_ =	sdelay $0x3  }
0x98: {  	_ =	strace s18  }
0x99: {  	s4 =	sld [smem:$0x3FFC];
	_ =	sdelay $0x3  }
0x9a: {  	_ =	strace s4  }
0x9b: {  	s4 =	sld [smem:$0x3FFD];
	_ =	sdelay $0x3  }
0x9c: {  	_ =	strace s4  }
0x9d: {  	_ =	strace $0x8FFFFFFF  }
0x9e: {  	s19 =	sld [smem:$0x3FDB];
	_ =	sdelay $0x1  }
0x9f: {  	s5 =	simm.s32 $_scs_section_size  }
0xa0: {  	s6 =	simm.s32 $_size__tile_overlayer_lowered;
	s7 =	simm.s32 $_tile_overlayer_lowered  }
0xa1: {  	s22 =	simm.s32 $0x1BFF;
	s21 =	sshll.u32 s7, $0x1;
	s4 =	sadd.s32 s5, s19  }
0xa2: {  	s8 =	simm.s32 $0x0;
	s20 =	sshll.u32 s6, $0x1;
	s6 =	sadd.s32 s21, s4  }
0xa3: {  	[timem:s8], [sflag:s22] =	dma.local [hbm:s6], s20  }
0xa4: {  	_ =	swait.ge [sflag:s22], s20  }
0xa5: {  	s5 =	ssub.s32 $0x0, s20;
	[sflag:s22] =	ssyncset.done $0x0  }
0xa6: {  	[sflag:s22] =	ssyncadd.s32 s5;
	_ =	sdelay $0x1  }
0xa7: {  	s23 =	simm.s32 $0x1B8B  }
0xa8: {  	_ =	swait.ge [sflag:s23], $0x1  }
0xa9: {  	[sflag:s23] =	ssyncset.done $0x0  }
0xaa: {  	s25 =	simm.s32 $0x1B8E;
	s24 =	sld [smem:$0x3FFE];
	[sflag:s23] =	ssyncadd.s32 $0xFFFFFFFF  }
0xab: {  	s26 =	simm.s32 $execute0_lowered;
	[smem:$0x3FD2] =	sst s25  }
0xac: {  	s6 =	sshll.u32 s26, $0x1;
	_ =	strace $0x80000046;
	[dreg:$0x1] =	wrdreg $0xFFFFFFFF  }
0xad: {  	s28 =	simm.s32 $_size_execute0_lowered;
	s4 =	sadd.s32 s4, s6;
	[dreg:$0x0] =	wrdreg $0x0  }
0xae: {  	s6 =	sshll.u32 s28, $0x1;
	[dreg:$0x2] =	wrdreg s4  }
0xaf: {  	[dreg:$0x3] =	wrdreg s6  }
0xb0: {  	[dreg:$0x4] =	wrdreg $0xC0  }
0xb1: {  	_ =	task [dreg:s8], $0x5FFFF  }
0xb2: {  	[dreg:$0x1] =	wrdreg $0xFFFFFFFF  }
0xb3: {  	[dreg:$0x0] =	wrdreg $0x60  }
0xb4: {  	[dreg:$0x2] =	wrdreg s17  }
0xb5: {  	[dreg:$0x3] =	wrdreg s16  }
0xb6: {  	[dreg:$0x4] =	wrdreg s24  }
0xb7: {  	[dreg:$0x5] =	wrdreg $0x9  }
0xb8: {  	_ =	task.clear_ibuf [dreg:s8], $0x6FFFF;
	_ =	strace $0x90000046  }
0xb9: {  	s29 =	simm.s32 $0x9;
	_ =	strace $0x80000064  }
0xba: {  	_ =	swait.ge [sflag:s29], $0x1  }
0xbb: {  	[sflag:s29] =	ssyncadd.s32 $0xFFFFFFFF  }
0xbc: {  	_ =	strace $0x90000064  }
0xbd: {  	_ =	sfence  }
0xbe: {  	s30 =	sld [smem:$0x0];
	_ =	sdelay $0x2  }
0xbf: {  	s31 =	sshll.u32 s1, $0xD;
	s1 =	sshrl.u32 s1, $0x2  }
0xc0: {  	s3 =	sand.u32 $0x4000, s31;
	s1 =	sadd.s32 s1, s30  }
0xc1: {  	s0 =	sor.u32 s3, s0;
	s1 =	sshll.u32 s1, $0x11  }
0xc2: {  	s0 =	sor.u32 s1, s0  }
0xc3: {  	s0 =	sadd.s32 $0x8F2B, s0  }
0xc4: {  	[sflag:s0] =	ssyncadd.remote.s32 $0x1  }
0xc5: {  	_ =	sfence.sel $0xFFFF  }
0xc6: {  	[dreg:$0x0] =	wrdreg $0xFFFFFFFF;
	(pc) =	sbr.abs _section_cstart, $3  }
0xc7: {  	[dreg:$0x1] =	wrdreg $0xFFFFFFFF  }
0xc8: {  	_ =	task.clear_ibuf [dreg:s8], $0x2FFFF;
	_ =	strace $0x9FFFFFFF  }
0xc9: {  	(tm) =	ssettm $0x7FFFFFFF  }
tec
execute0_lowered:
.L_overlay_start_1:
0x0: {  	(tag) =	ssettag $0x1  }
0x1: {  	s1 =	rddreg [dreg:$0x0]  }
0x2: {  	s4 =	rddreg [dreg:$0x1]  }
0x3: {  	s0 =	rddreg [dreg:$0x2];
	s2 =	simm.s32 $0x0;
	s3 =	srdreg.scid  }
0x4: {  	s7 =	stileid.u32;
	[smem:$0x7FF] =	sst s2;
	s3 =	sand.u32 $0x1, s3  }
0x5: {  	s5 =	sadd.s32 $0x4000, s0;
	s6 =	sadd.s32 $0x84000, s0;
	s28 =	sshll.u32 s3, $0x4  }
0x6: {  	_ =	strace $0x80000047;
	[dreg:$0x4] =	wrdreg s5;
	s5 =	sor.u32 s7, s28  }
0x7: {  	s30 =	sadd.s32 $0x104000, s0;
	s3 =	ssub.s32 $0x2, s3;
	s9 =	sshll.u32 s5, $0xE  }
0x8: {  	s10 =	sadd.s32 $0x184000, s0;
	s8 =	sshrl.u32 s3, $0x1;
	s11 =	sadd.s32 s6, s9  }
0x9: {  	s3 =	ssub.s32 s3, s8;
	s21 =	sadd.s32 s30, s9;
	[dreg:$0x5] =	wrdreg s11  }
0xa: {  	s8 =	sor.u32 $0x800, s9;
	s7 =	sadd.s32 s10, s9;
	[dreg:$0xd] =	wrdreg s21  }
0xb: {  	s13 =	sor.u32 $0x2000, s9;
	s17 =	sadd.s32 s6, s8;
	[dreg:$0x15] =	wrdreg s7  }
0xc: {  	s19 =	sor.u32 $0x2800, s9;
	s18 =	sadd.s32 s6, s13;
	[dreg:$0x6] =	wrdreg s17  }
0xd: {  	s15 =	sadd.s32 s6, s19;
	[dreg:$0x9] =	wrdreg s18  }
0xe: {  	s22 =	sadd.s32 s30, s8;
	[dreg:$0xa] =	wrdreg s15  }
0xf: {  	s25 =	sadd.s32 s30, s13;
	[dreg:$0xe] =	wrdreg s22  }
0x10: {  	s20 =	sor.u32 $0x3000, s9;
	s26 =	sadd.s32 s30, s19;
	[dreg:$0x11] =	wrdreg s25  }
0x11: {  	s28 =	sadd.s32 s30, s20;
	[dreg:$0x12] =	wrdreg s26  }
0x12: {  	s11 =	sor.u32 $0x1000, s9;
	s13 =	sadd.s32 s10, s13;
	[dreg:$0x13] =	wrdreg s28  }
0x13: {  	s12 =	sadd.s32 s6, s11;
	[dreg:$0x19] =	wrdreg s13  }
0x14: {  	s17 =	sadd.s32 s6, s20;
	[dreg:$0x7] =	wrdreg s12  }
0x15: {  	s23 =	sadd.s32 s30, s11;
	[dreg:$0xb] =	wrdreg s17  }
0x16: {  	s11 =	sadd.s32 s10, s11;
	[dreg:$0xf] =	wrdreg s23  }
0x17: {  	s15 =	sadd.s32 s10, s20;
	[dreg:$0x17] =	wrdreg s11  }
0x18: {  	s16 =	sor.u32 $0x3800, s9;
	s25 =	sadd.s32 $0x3000, s0;
	[dreg:$0x1b] =	wrdreg s15  }
0x19: {  	s12 =	sor.u32 $0x1800, s9;
	s9 =	sadd.s32 s10, s8;
	[smem:$0x7EB] =	sst s25  }
0x1a: {  	s14 =	sadd.s32 s6, s12;
	[dreg:$0x16] =	wrdreg s9  }
0x1b: {  	s6 =	sadd.s32 s6, s16;
	[dreg:$0x8] =	wrdreg s14  }
0x1c: {  	s24 =	sadd.s32 s30, s12;
	[dreg:$0xc] =	wrdreg s6  }
0x1d: {  	s30 =	sadd.s32 s30, s16;
	[dreg:$0x10] =	wrdreg s24  }
0x1e: {  	s12 =	sadd.s32 s10, s12;
	[dreg:$0x14] =	wrdreg s30  }
0x1f: {  	s16 =	sadd.s32 s10, s16;
	[dreg:$0x18] =	wrdreg s12  }
0x20: {  	s14 =	sadd.s32 s10, s19;
	[dreg:$0x1c] =	wrdreg s16  }
0x21: {  	s6 =	sshll.u32 s5, $0x7;
	s24 =	sadd.s32 $0x2000, s0;
	[dreg:$0x1a] =	wrdreg s14  }
0x22: {  	s29 =	sshll.u32 s5, $0x3;
	s17 =	sadd.s32 s4, s6;
	[smem:$0x7EA] =	sst s24  }
0x23: {  	s5 =	sor.u32 $0x10, s6;
	s26 =	sadd.s32 s0, s6;
	[dreg:$0x1d] =	wrdreg s17  }
0x24: {  	s7 =	sor.u32 $0x20, s6;
	s18 =	sadd.s32 s4, s5;
	[smem:$0x7EC] =	sst s26  }
0x25: {  	s11 =	sor.u32 $0x30, s6;
	s19 =	sadd.s32 s4, s7;
	[dreg:$0x1e] =	wrdreg s18  }
0x26: {  	s12 =	sor.u32 $0x40, s6;
	s20 =	sadd.s32 s4, s11;
	[dreg:$0x1f] =	wrdreg s19  }
0x27: {  	s13 =	sor.u32 $0x50, s6;
	s21 =	sadd.s32 s4, s12;
	[smem:$0x7E5] =	sst s20  }
0x28: {  	s14 =	sor.u32 $0x60, s6;
	s22 =	sadd.s32 s4, s13;
	[smem:$0x7E6] =	sst s21  }
0x29: {  	s15 =	sor.u32 $0x70, s6;
	s23 =	sadd.s32 s4, s14;
	[smem:$0x7E7] =	sst s22  }
0x2a: {  	s4 =	sadd.s32 s4, s15;
	[smem:$0x7E8] =	sst s23  }
0x2b: {  	s28 =	sadd.s32 s0, s5;
	[smem:$0x7E9] =	sst s4  }
0x2c: {  	s30 =	sadd.s32 s0, s7;
	[smem:$0x7ED] =	sst s28  }
0x2d: {  	s10 =	sadd.s32 s0, s11;
	[smem:$0x7EE] =	sst s30  }
0x2e: {  	s16 =	sadd.s32 s0, s12;
	[smem:$0x7EF] =	sst s10  }
0x2f: {  	s17 =	sadd.s32 s0, s13;
	[smem:$0x7F0] =	sst s16  }
0x30: {  	s8 =	sadd.s32 $0xF44400, s0;
	[smem:$0x7F1] =	sst s17;
	s18 =	sadd.s32 s0, s14  }
0x31: {  	s4 =	sadd.s32 $0x1000, s0;
	s0 =	sadd.s32 s0, s15;
	[smem:$0x7F2] =	sst s18  }
0x32: {  	s28 =	sadd.s32 s1, s6;
	[smem:$0x7F3] =	sst s0  }
0x33: {  	s30 =	smax.u32 s3, $0x1;
	[smem:$0x7FC] =	sst s28  }
0x34: {  	s19 =	sadd.s32 s4, s5;
	[smem:$0x7FD] =	sst s30  }
0x35: {  	s31 =	simm.s32 $0x1;
	s20 =	sadd.s32 s4, s7;
	[smem:$0x7F4] =	sst s19  }
0x36: {  	s3 =	simm.s32 $0x5;
	s21 =	sadd.s32 s4, s11;
	[smem:$0x7F5] =	sst s20  }
0x37: {  	s10 =	simm.s32 $0x0;
	s22 =	sadd.s32 s4, s12;
	[smem:$0x7F6] =	sst s21  }
0x38: {  	s23 =	sadd.s32 s4, s13;
	s24 =	sadd.s32 s4, s14;
	[smem:$0x7F7] =	sst s22  }
0x39: {  	s25 =	sadd.s32 s4, s15;
	s26 =	sadd.s32 s4, s6;
	[smem:$0x7F8] =	sst s23  }
0x3a: {  	s0 =	simm.s32 $0x80;
	s4 =	simm.s32 $0x4;
	[smem:$0x7F9] =	sst s24  }
0x3b: {  	s5 =	simm.s32 $0x100;
	s6 =	simm.s32 $0x2;
	[smem:$0x7FA] =	sst s25  }
0x3c: {  	s7 =	simm.s32 $0x4100;
	s11 =	simm.s32 $0x3;
	[smem:$0x7FB] =	sst s26  }
.LBB2_1:
0x3d: {  	[smem:$0x7E4] =	sst s10  }
0x3e: {  	s14 =	simm.s32 $0x1;
	p0 =	por $0x0, $0x0;
	p5 =	por $0x1, $0x1  }
0x3f: {  	s22 =	sand.u32 $0x1, s2;
	s24 =	simm.s32 $0x0;
	s19 =	sadd.s32 $0x0, s29  }
0x40: {  	p4 =	por $0x0, $0x0;
	_ =	strace $0x80000048;
	s14 =	simm.s32 @p0 $0x0  }
0x41: {  	s21 =	simm.s32 $0x1;
	s9 =	sld [smem:$0x7FC];
	p2 =	sne.s32 s14, $0x0  }
0x42: {  	p6 =	por $0x0, $0x0;
	s25 =	sadd.s32 $0x1, s22;
	p0 =	por !p5, !p2  }
0x43: {  	s26 =	sshll.u32 s22, $0xE;
	s21 =	simm.s32 @!p4 $0x0;
	p3 =	por !p0, !p0  }
0x44: {  	[tilespmem:s2], [sflag:$0x1] =	stream.linear.gather [hbm4b:s9+s2], $0x80, $0x200038;
	[tilespmem:$0x8100] =	vst v63  }
0x45: {  	s23 =	sor.u32 $0x100, s26;
	p0 =	por $0x1, $0x1;
	s13 =	sadd.s32 @p3 s29, s14  }
0x46: {  	s16 =	sand.u32 @p3 $0x1, s31;
	s17 =	simm.s32 @p3 $0x0;
	s15 =	sshll.u32 @p3 s13, $0x4  }
0x47: {  	_ =	strace $0x90000048;
	s18 =	sshll.u32 @p3 s16, $0x7;
	s15 =	sand.u32 @p3 $0x1FFFFFF0, s15  }
0x48: {  	s16 =	sadd.s32 @p3 $0x1, s16;
	_ =	strace @p3 $0x80000049;
	s15 =	sadd.s32 @p3 s1, s15  }
0x49: {  	[tilespmem:s18], [sflag:s16] =	stream.linear.gather @p3 [hbm4b:s15+s17], $0x80, $0x200038;
	[tilespmem:$0x8100] =	vst v63  }
0x4a: {  	s26 =	simm.s32 $0x1;
	p1 =	por p0, p0;
	_ =	strace @p3 $0x90000049  }
0x4b: {  	s13 =	simm.s32 $0x7;
	s16 =	simm.s32 $0x6;
	_ =	strace $0x8000004A  }
0x4c: {  	s18 =	sand.u32 @!p0 $0x1, s2;
	p0 =	por $0x0, $0x0;
	_ =	swait.ge [sflag:s25], $0x80  }
0x4d: {  	s15 =	sand.u32 $0x80, s24;
	s17 =	simm.s32 $0x1;
	[sflag:s25] =	ssyncset.done $0x0  }
0x4e: {  	s20 =	sadd.s32 @!p1 $0x3, s18;
	s18 =	sadd.s32 $0x1, s14;
	[sflag:s25] =	ssyncadd.s32 $0xFFFFFF80  }
0x4f: {  	s17 =	simm.s32 @!p3 $0x0;
	p5 =	seq.s32 s18, $0x8;
	_ =	strace $0x9000004A  }
0x50: {  	s18 =	simm.s32 @p5 $0x0;
	p5 =	por p6, p2;
	_ =	strace $0x8000004B  }
0x51: {  	[tilespmem:s23], [sflag:$0x5] =	stream.indirect.gather [hbm4b:s8+s0], $0x80, s15, s0, $0x2000b8;
	[tilespmem:$0x8100] =	vst v63  }
0x52: {  	p6 =	por $0x1, $0x1;
	p2 =	sne.s32 s14, s18;
	_ =	swait.ge [sflag:s3], $0x4000  }
0x53: {  	s24 =	sshll.u32 @p5 s19, $0xB;
	p3 =	por !p6, !p2;
	[sflag:s3] =	ssyncset.done $0x0  }
0x54: {  	s26 =	simm.s32 @!p5 $0x0;
	p3 =	por !p3, !p3;
	[sflag:s3] =	ssyncadd.s32 $0xFFFFC000  }
0x55: {  	s19 =	simm.s32 $0x0;
	s30 =	sadd.s32 @p3 s29, s18;
	_ =	strace $0x9000004B  }
0x56: {  	s15 =	sadd.s32 $0x0, s21;
	s21 =	sadd.s32 $0x1, s17;
	_ =	strace @p5 $0x8000004C  }
0x57: {  	s17 =	simm.s32 $0x0;
	s25 =	sand.u32 @p3 $0x1, s21;
	s28 =	rddreg [dreg:$0x4]  }
.LBB2_2:
0x58: {  	s30 =	sshll.u32 @p3 s30, $0x4;
	s12 =	sand.u32 @p5 $0x1FFFF800, s24;
	s17 =	sadd.s32 s26, s17  }
0x59: {  	s24 =	smov.u32 s13;
	s13 =	smov.u32 s16;
	s9 =	smov.u32 s14  }
0x5a: {  	s22 =	sadd.s32 @p5 $0x3, s22;
	s19 =	sadd.s32 s26, s19;
	s16 =	sadd.s32 $0xFFFFFFFF, s16  }
0x5b: {  	s14 =	sand.u32 @p3 $0x1FFFFFF0, s30;
	s30 =	simm.s32 @p5 $0x0;
	s12 =	sadd.s32 @p5 s28, s12  }
0x5c: {  	[hbm4b:s12+s30] =	stream.linear.scatter @p5 [tilespmem:s23], [sflag:s22], $0x4000, $0x200038;
	[tilespmem:$0x8100] =	vst v63  }
0x5d: {  	s26 =	simm.s32 @p3 $0x0;
	p4 =	sne.s32 s16, $0x0;
	_ =	strace @p5 $0x9000004C  }
0x5e: {  	s9 =	sadd.s32 s29, s9;
	s10 =	sadd.s32 @p3 s1, s14;
	_ =	strace @!p1 $0x8000004D  }
0x5f: {  	s12 =	sand.u32 $0x1, s19;
	s22 =	sshll.u32 s19, $0x7;
	_ =	swait.ge @!p1 [sflag:s20], $0x4000  }
0x60: {  	s14 =	smov.u32 s18;
	s18 =	sadd.s32 $0x1, s18;
	[sflag:s20] =	ssyncset.done @!p1 $0x0  }
0x61: {  	s23 =	sand.u32 @!p0 $0x1, s15;
	p6 =	seq.s32 s18, $0x8;
	[sflag:s20] =	ssyncadd.s32 @!p1 $0xFFFFC000  }
0x62: {  	p5 =	sne.s32 s24, $0x8;
	s18 =	simm.s32 @p6 $0x0;
	_ =	strace @!p1 $0x9000004D  }
0x63: {  	s20 =	sshll.u32 @p3 s25, $0x7;
	s25 =	sadd.s32 @p3 $0x1, s25;
	_ =	strace @p3 $0x80000049  }
0x64: {  	[tilespmem:s20], [sflag:s25] =	stream.linear.gather @p3 [hbm4b:s10+s26], $0x80, $0x200038;
	[tilespmem:$0x8100] =	vst v63  }
0x65: {  	p6 =	sne.s32 s13, $0x1;
	p1 =	por p0, p0;
	_ =	strace @p3 $0x90000049  }
0x66: {  	p0 =	seq.s32 s13, $0x8;
	s25 =	sadd.s32 $0x1, s12;
	_ =	strace $0x8000004A  }
0x67: {  	s12 =	sand.u32 $0x80, s22;
	s20 =	sadd.s32 @!p1 $0x3, s23;
	_ =	swait.ge [sflag:s25], $0x80  }
0x68: {  	s22 =	sand.u32 $0x1, s17;
	s10 =	simm.s32 $0x1;
	[sflag:s25] =	ssyncset.done $0x0  }
0x69: {  	s26 =	sshll.u32 s22, $0xE;
	s10 =	simm.s32 @!p3 $0x0;
	[sflag:s25] =	ssyncadd.s32 $0xFFFFFF80  }
0x6a: {  	s23 =	sor.u32 $0x100, s26;
	s26 =	simm.s32 $0x1;
	_ =	strace $0x9000004A  }
0x6b: {  	s21 =	sadd.s32 s10, s21;
	s25 =	simm.s32 $0x1;
	_ =	strace $0x8000004B  }
0x6c: {  	[tilespmem:s23], [sflag:$0x5] =	stream.indirect.gather [hbm4b:s8+s0], $0x80, s12, s0, $0x2000b8;
	[tilespmem:$0x8100] =	vst v63  }
0x6d: {  	s25 =	simm.s32 @!p5 $0x0;
	p5 =	seq.s32 s24, $0x1;
	_ =	swait.ge [sflag:s3], $0x4000  }
.Ltmp0:
0x6e: {  	s15 =	sadd.s32 s25, s15;
	[sflag:s3] =	ssyncset.done $0x0;
	(pc) =	sbr.rel @p4 .LBB2_2-.Ltmp0, $4  }
0x6f: {  	p5 =	por p5, p2;
	p2 =	sne.s32 s14, s18;
	[sflag:s3] =	ssyncadd.s32 $0xFFFFC000  }
0x70: {  	s24 =	sshll.u32 @p5 s9, $0xB;
	p3 =	por !p6, !p2;
	_ =	strace $0x9000004B  }
0x71: {  	s26 =	simm.s32 @!p5 $0x0;
	p3 =	por !p3, !p3;
	_ =	strace @p5 $0x8000004C  }
0x72: {  	s25 =	sand.u32 @p3 $0x1, s21;
	s30 =	sadd.s32 @p3 s29, s18;
	s28 =	rddreg [dreg:$0x4]  }
0x73: {  	s9 =	sand.u32 @p5 $0x1FFFF800, s24  }
0x74: {  	s10 =	sadd.s32 @p5 $0x3, s22;
	s12 =	simm.s32 @p5 $0x0;
	s9 =	sadd.s32 @p5 s28, s9  }
0x75: {  	[hbm4b:s9+s12] =	stream.linear.scatter @p5 [tilespmem:s23], [sflag:s10], $0x4000, $0x200038;
	[tilespmem:$0x8100] =	vst v63  }
0x76: {  	_ =	strace @p5 $0x9000004C  }
0x77: {  	_ =	strace @!p1 $0x8000004D  }
0x78: {  	_ =	swait.ge @!p1 [sflag:s20], $0x4000  }
0x79: {  	s16 =	sadd.s32 @p3 $0x1, s25;
	[sflag:s20] =	ssyncset.done @!p1 $0x0  }
0x7a: {  	s9 =	sshll.u32 @p3 s30, $0x4;
	s10 =	simm.s32 @p3 $0x0;
	[sflag:s20] =	ssyncadd.s32 @!p1 $0xFFFFC000  }
0x7b: {  	s12 =	sshll.u32 @p3 s25, $0x7;
	s9 =	sand.u32 @p3 $0x1FFFFFF0, s9;
	_ =	strace @!p1 $0x9000004D  }
0x7c: {  	s25 =	sadd.s32 s26, s19;
	s9 =	sadd.s32 @p3 s1, s9;
	_ =	strace @p3 $0x80000049  }
0x7d: {  	[tilespmem:s12], [sflag:s16] =	stream.linear.gather @p3 [hbm4b:s9+s10], $0x80, $0x200038;
	[tilespmem:$0x8100] =	vst v63  }
0x7e: {  	s28 =	sand.u32 $0x1, s25;
	_ =	strace @p3 $0x90000049  }
0x7f: {  	s10 =	sadd.s32 $0x1, s28;
	_ =	strace $0x8000004A  }
0x80: {  	_ =	swait.ge [sflag:s10], $0x80  }
0x81: {  	s30 =	sadd.s32 s26, s17;
	[sflag:s10] =	ssyncset.done $0x0  }
0x82: {  	[sflag:s10] =	ssyncadd.s32 $0xFFFFFF80;
	s10 =	sand.u32 $0x1, s30  }
0x83: {  	s9 =	sshll.u32 s25, $0x7;
	_ =	strace $0x9000004A;
	s12 =	sshll.u32 s10, $0xE  }
0x84: {  	s9 =	sand.u32 $0x80, s9;
	_ =	strace $0x8000004B;
	s12 =	sor.u32 $0x100, s12  }
0x85: {  	[tilespmem:s12], [sflag:$0x5] =	stream.indirect.gather [hbm4b:s8+s0], $0x80, s9, s0, $0x2000b8;
	[tilespmem:$0x8100] =	vst v63  }
0x86: {  	_ =	swait.ge [sflag:s3], $0x4000  }
0x87: {  	[sflag:s3] =	ssyncset.done $0x0  }
0x88: {  	p6 =	seq.s32 s13, $0x1;
	[sflag:s3] =	ssyncadd.s32 $0xFFFFC000  }
0x89: {  	p1 =	por p6, p2;
	s9 =	sadd.s32 s29, s14;
	_ =	strace $0x9000004B  }
0x8a: {  	s9 =	sshll.u32 @p1 s9, $0xB;
	_ =	strace @p1 $0x8000004C  }
0x8b: {  	s9 =	sand.u32 @p1 $0x1FFFF800, s9;
	s13 =	rddreg [dreg:$0x4]  }
0x8c: {  	s10 =	sadd.s32 @p1 $0x3, s10;
	s9 =	sadd.s32 @p1 s13, s9;
	s13 =	simm.s32 @p1 $0x0  }
0x8d: {  	[hbm4b:s9+s13] =	stream.linear.scatter @p1 [tilespmem:s12], [sflag:s10], $0x4000, $0x200038;
	[tilespmem:$0x8100] =	vst v63  }
0x8e: {  	s9 =	sand.u32 @!p0 $0x1, s15;
	p0 =	por p0, p0;
	_ =	strace @p1 $0x9000004C  }
0x8f: {  	s9 =	sadd.s32 @!p0 $0x3, s9;
	_ =	strace @!p0 $0x8000004D  }
0x90: {  	_ =	swait.ge @!p0 [sflag:s9], $0x4000  }
0x91: {  	[sflag:s9] =	ssyncset.done @!p0 $0x0  }
0x92: {  	[sflag:s9] =	ssyncadd.s32 @!p0 $0xFFFFC000  }
0x93: {  	_ =	strace @!p0 $0x9000004D  }
0x94: {  	_ =	strace $0x8000004E  }
0x95: {  	_ =	swait.ge [sflag:s4], $0x4000  }
0x96: {  	[sflag:s4] =	ssyncset.done $0x0  }
0x97: {  	[sflag:s4] =	ssyncadd.s32 $0xFFFFC000  }
0x98: {  	_ =	strace $0x9000004E  }
0x99: {  	_ =	strace $0x8000004F  }
0x9a: {  	s13 =	rddreg [dreg:$0x1d]  }
0x9b: {  	[tilespmem:s2], [sflag:$0x1] =	stream.linear.gather [hbm4b:s13+s2], $0x80, $0x200038;
	[tilespmem:$0x8100] =	vst v63  }
0x9c: {  	_ =	strace $0x9000004F  }
0x9d: {  	_ =	strace $0x80000050  }
0x9e: {  	s14 =	rddreg [dreg:$0x1e]  }
0x9f: {  	[tilespmem:s0], [sflag:$0x2] =	stream.linear.gather [hbm4b:s14+s2], $0x80, $0x200038;
	[tilespmem:$0x8100] =	vst v63  }
0xa0: {  	_ =	strace $0x90000050  }
0xa1: {  	_ =	strace $0x80000051  }
0xa2: {  	_ =	swait.ge [sflag:s31], $0x80  }
0xa3: {  	[sflag:s31] =	ssyncset.done $0x0  }
0xa4: {  	[sflag:s31] =	ssyncadd.s32 $0xFFFFFF80  }
0xa5: {  	_ =	strace $0x90000051  }
0xa6: {  	_ =	strace $0x80000052  }
0xa7: {  	s15 =	sld [smem:$0x7EB];
	_ =	sdelay $0x2  }
0xa8: {  	[tilespmem:s5], [sflag:$0x5] =	stream.indirect.gather [hbm4b:s15+s0], $0x80, s2, s0, $0x2000b8;
	[tilespmem:$0x8100] =	vst v63  }
0xa9: {  	_ =	swait.ge [sflag:s3], $0x4000  }
0xaa: {  	[sflag:s3] =	ssyncset.done $0x0  }
0xab: {  	[sflag:s3] =	ssyncadd.s32 $0xFFFFC000  }
0xac: {  	_ =	strace $0x90000052  }
0xad: {  	_ =	strace $0x80000053  }
0xae: {  	s16 =	rddreg [dreg:$0x5]  }
0xaf: {  	[hbm4b:s16+s2] =	stream.linear.scatter [tilespmem:s5], [sflag:$0x3], $0x4000, $0x200038;
	[tilespmem:$0x8100] =	vst v63  }
0xb0: {  	_ =	strace $0x90000053  }
0xb1: {  	_ =	strace $0x80000050  }
0xb2: {  	s17 =	rddreg [dreg:$0x1f]  }
0xb3: {  	[tilespmem:s2], [sflag:$0x1] =	stream.linear.gather [hbm4b:s17+s2], $0x80, $0x200038;
	[tilespmem:$0x8100] =	vst v63  }
0xb4: {  	_ =	strace $0x90000050  }
0xb5: {  	_ =	strace $0x80000051  }
0xb6: {  	_ =	swait.ge [sflag:s6], $0x80  }
0xb7: {  	[sflag:s6] =	ssyncset.done $0x0  }
0xb8: {  	[sflag:s6] =	ssyncadd.s32 $0xFFFFFF80  }
0xb9: {  	_ =	strace $0x90000051  }
0xba: {  	_ =	strace $0x80000052  }
0xbb: {  	[tilespmem:s7], [sflag:$0x5] =	stream.indirect.gather [hbm4b:s15+s0], $0x80, s0, s0, $0x2000b8;
	[tilespmem:$0x8100] =	vst v63  }
0xbc: {  	_ =	swait.ge [sflag:s3], $0x4000  }
0xbd: {  	[sflag:s3] =	ssyncset.done $0x0  }
0xbe: {  	[sflag:s3] =	ssyncadd.s32 $0xFFFFC000  }
0xbf: {  	_ =	strace $0x90000052  }
0xc0: {  	_ =	strace $0x80000053  }
0xc1: {  	s18 =	rddreg [dreg:$0x6]  }
0xc2: {  	[hbm4b:s18+s2] =	stream.linear.scatter [tilespmem:s7], [sflag:$0x4], $0x4000, $0x200038;
	[tilespmem:$0x8100] =	vst v63  }
0xc3: {  	_ =	strace $0x90000053  }
0xc4: {  	_ =	strace $0x80000054  }
0xc5: {  	_ =	swait.ge [sflag:s11], $0x4000  }
0xc6: {  	[sflag:s11] =	ssyncset.done $0x0  }
0xc7: {  	[sflag:s11] =	ssyncadd.s32 $0xFFFFC000  }
0xc8: {  	_ =	strace $0x90000054  }
0xc9: {  	_ =	strace $0x80000050  }
0xca: {  	s19 =	sld [smem:$0x7E5];
	_ =	sdelay $0x2  }
0xcb: {  	[tilespmem:s0], [sflag:$0x2] =	stream.linear.gather [hbm4b:s19+s2], $0x80, $0x200038;
	[tilespmem:$0x8100] =	vst v63  }
0xcc: {  	_ =	strace $0x90000050  }
0xcd: {  	_ =	strace $0x80000051  }
0xce: {  	_ =	swait.ge [sflag:s31], $0x80  }
0xcf: {  	[sflag:s31] =	ssyncset.done $0x0  }
0xd0: {  	[sflag:s31] =	ssyncadd.s32 $0xFFFFFF80  }
0xd1: {  	_ =	strace $0x90000051  }
0xd2: {  	_ =	strace $0x80000052  }
0xd3: {  	[tilespmem:s5], [sflag:$0x5] =	stream.indirect.gather [hbm4b:s15+s0], $0x80, s2, s0, $0x2000b8;
	[tilespmem:$0x8100] =	vst v63  }
0xd4: {  	_ =	swait.ge [sflag:s3], $0x4000  }
0xd5: {  	[sflag:s3] =	ssyncset.done $0x0  }
0xd6: {  	[sflag:s3] =	ssyncadd.s32 $0xFFFFC000  }
0xd7: {  	_ =	strace $0x90000052  }
0xd8: {  	_ =	strace $0x80000053  }
0xd9: {  	s20 =	rddreg [dreg:$0x7]  }
0xda: {  	[hbm4b:s20+s2] =	stream.linear.scatter [tilespmem:s5], [sflag:$0x3], $0x4000, $0x200038;
	[tilespmem:$0x8100] =	vst v63  }
0xdb: {  	_ =	strace $0x90000053  }
0xdc: {  	_ =	strace $0x80000054  }
0xdd: {  	_ =	swait.ge [sflag:s4], $0x4000  }
0xde: {  	[sflag:s4] =	ssyncset.done $0x0  }
0xdf: {  	[sflag:s4] =	ssyncadd.s32 $0xFFFFC000  }
0xe0: {  	_ =	strace $0x90000054  }
0xe1: {  	_ =	strace $0x80000050  }
0xe2: {  	s21 =	sld [smem:$0x7E6];
	_ =	sdelay $0x2  }
0xe3: {  	[tilespmem:s2], [sflag:$0x1] =	stream.linear.gather [hbm4b:s21+s2], $0x80, $0x200038;
	[tilespmem:$0x8100] =	vst v63  }
0xe4: {  	_ =	strace $0x90000050  }
0xe5: {  	_ =	strace $0x80000051  }
0xe6: {  	_ =	swait.ge [sflag:s6], $0x80  }
0xe7: {  	[sflag:s6] =	ssyncset.done $0x0  }
0xe8: {  	[sflag:s6] =	ssyncadd.s32 $0xFFFFFF80  }
0xe9: {  	_ =	strace $0x90000051  }
0xea: {  	_ =	strace $0x80000052  }
0xeb: {  	[tilespmem:s7], [sflag:$0x5] =	stream.indirect.gather [hbm4b:s15+s0], $0x80, s0, s0, $0x2000b8;
	[tilespmem:$0x8100] =	vst v63  }
0xec: {  	_ =	swait.ge [sflag:s3], $0x4000  }
0xed: {  	[sflag:s3] =	ssyncset.done $0x0  }
0xee: {  	[sflag:s3] =	ssyncadd.s32 $0xFFFFC000  }
0xef: {  	_ =	strace $0x90000052  }
0xf0: {  	_ =	strace $0x80000053  }
0xf1: {  	s22 =	rddreg [dreg:$0x8]  }
0xf2: {  	[hbm4b:s22+s2] =	stream.linear.scatter [tilespmem:s7], [sflag:$0x4], $0x4000, $0x200038;
	[tilespmem:$0x8100] =	vst v63  }
0xf3: {  	_ =	strace $0x90000053  }
0xf4: {  	_ =	strace $0x80000054  }
0xf5: {  	_ =	swait.ge [sflag:s11], $0x4000  }
0xf6: {  	[sflag:s11] =	ssyncset.done $0x0  }
0xf7: {  	[sflag:s11] =	ssyncadd.s32 $0xFFFFC000  }
0xf8: {  	_ =	strace $0x90000054  }
0xf9: {  	_ =	strace $0x80000050  }
0xfa: {  	s23 =	sld [smem:$0x7E7];
	_ =	sdelay $0x2  }
0xfb: {  	[tilespmem:s0], [sflag:$0x2] =	stream.linear.gather [hbm4b:s23+s2], $0x80, $0x200038;
	[tilespmem:$0x8100] =	vst v63  }
0xfc: {  	_ =	strace $0x90000050  }
0xfd: {  	_ =	strace $0x80000051  }
0xfe: {  	_ =	swait.ge [sflag:s31], $0x80  }
0xff: {  	[sflag:s31] =	ssyncset.done $0x0  }
0x100: {  	[sflag:s31] =	ssyncadd.s32 $0xFFFFFF80  }
0x101: {  	_ =	strace $0x90000051  }
0x102: {  	_ =	strace $0x80000052  }
0x103: {  	[tilespmem:s5], [sflag:$0x5] =	stream.indirect.gather [hbm4b:s15+s0], $0x80, s2, s0, $0x2000b8;
	[tilespmem:$0x8100] =	vst v63  }
0x104: {  	_ =	swait.ge [sflag:s3], $0x4000  }
0x105: {  	[sflag:s3] =	ssyncset.done $0x0  }
0x106: {  	[sflag:s3] =	ssyncadd.s32 $0xFFFFC000  }
0x107: {  	_ =	strace $0x90000052  }
0x108: {  	_ =	strace $0x80000053  }
0x109: {  	s24 =	rddreg [dreg:$0x9]  }
0x10a: {  	[hbm4b:s24+s2] =	stream.linear.scatter [tilespmem:s5], [sflag:$0x3], $0x4000, $0x200038;
	[tilespmem:$0x8100] =	vst v63  }
0x10b: {  	_ =	strace $0x90000053  }
0x10c: {  	_ =	strace $0x80000054  }
0x10d: {  	_ =	swait.ge [sflag:s4], $0x4000  }
0x10e: {  	[sflag:s4] =	ssyncset.done $0x0  }
0x10f: {  	[sflag:s4] =	ssyncadd.s32 $0xFFFFC000  }
0x110: {  	_ =	strace $0x90000054  }
0x111: {  	_ =	strace $0x80000050  }
0x112: {  	s25 =	sld [smem:$0x7E8];
	_ =	sdelay $0x2  }
0x113: {  	[tilespmem:s2], [sflag:$0x1] =	stream.linear.gather [hbm4b:s25+s2], $0x80, $0x200038;
	[tilespmem:$0x8100] =	vst v63  }
0x114: {  	_ =	strace $0x90000050  }
0x115: {  	_ =	strace $0x80000051  }
0x116: {  	_ =	swait.ge [sflag:s6], $0x80  }
0x117: {  	[sflag:s6] =	ssyncset.done $0x0  }
0x118: {  	[sflag:s6] =	ssyncadd.s32 $0xFFFFFF80  }
0x119: {  	_ =	strace $0x90000051  }
0x11a: {  	_ =	strace $0x80000052  }
0x11b: {  	[tilespmem:s7], [sflag:$0x5] =	stream.indirect.gather [hbm4b:s15+s0], $0x80, s0, s0, $0x2000b8;
	[tilespmem:$0x8100] =	vst v63  }
0x11c: {  	_ =	swait.ge [sflag:s3], $0x4000  }
0x11d: {  	[sflag:s3] =	ssyncset.done $0x0  }
0x11e: {  	[sflag:s3] =	ssyncadd.s32 $0xFFFFC000  }
0x11f: {  	_ =	strace $0x90000052  }
0x120: {  	_ =	strace $0x80000053  }
0x121: {  	s26 =	rddreg [dreg:$0xa]  }
0x122: {  	[hbm4b:s26+s2] =	stream.linear.scatter [tilespmem:s7], [sflag:$0x4], $0x4000, $0x200038;
	[tilespmem:$0x8100] =	vst v63  }
0x123: {  	_ =	strace $0x90000053  }
0x124: {  	_ =	strace $0x80000054  }
0x125: {  	_ =	swait.ge [sflag:s11], $0x4000  }
0x126: {  	[sflag:s11] =	ssyncset.done $0x0  }
0x127: {  	[sflag:s11] =	ssyncadd.s32 $0xFFFFC000  }
0x128: {  	_ =	strace $0x90000054  }
0x129: {  	_ =	strace $0x80000050  }
0x12a: {  	s28 =	sld [smem:$0x7E9];
	_ =	sdelay $0x2  }
0x12b: {  	[tilespmem:s0], [sflag:$0x2] =	stream.linear.gather [hbm4b:s28+s2], $0x80, $0x200038;
	[tilespmem:$0x8100] =	vst v63  }
0x12c: {  	_ =	strace $0x90000050  }
0x12d: {  	_ =	strace $0x80000051  }
0x12e: {  	_ =	swait.ge [sflag:s31], $0x80  }
0x12f: {  	[sflag:s31] =	ssyncset.done $0x0  }
0x130: {  	[sflag:s31] =	ssyncadd.s32 $0xFFFFFF80  }
0x131: {  	_ =	strace $0x90000051  }
0x132: {  	_ =	strace $0x80000052  }
0x133: {  	[tilespmem:s5], [sflag:$0x5] =	stream.indirect.gather [hbm4b:s15+s0], $0x80, s2, s0, $0x2000b8;
	[tilespmem:$0x8100] =	vst v63  }
0x134: {  	_ =	swait.ge [sflag:s3], $0x4000  }
0x135: {  	[sflag:s3] =	ssyncset.done $0x0  }
0x136: {  	[sflag:s3] =	ssyncadd.s32 $0xFFFFC000  }
0x137: {  	_ =	strace $0x90000052  }
0x138: {  	_ =	strace $0x80000053  }
0x139: {  	s30 =	rddreg [dreg:$0xb]  }
0x13a: {  	[hbm4b:s30+s2] =	stream.linear.scatter [tilespmem:s5], [sflag:$0x3], $0x4000, $0x200038;
	[tilespmem:$0x8100] =	vst v63  }
0x13b: {  	_ =	strace $0x90000053  }
0x13c: {  	_ =	strace $0x80000054  }
0x13d: {  	_ =	swait.ge [sflag:s4], $0x4000  }
0x13e: {  	[sflag:s4] =	ssyncset.done $0x0  }
0x13f: {  	[sflag:s4] =	ssyncadd.s32 $0xFFFFC000  }
0x140: {  	_ =	strace $0x90000054  }
0x141: {  	_ =	strace $0x80000051  }
0x142: {  	_ =	swait.ge [sflag:s6], $0x80  }
0x143: {  	[sflag:s6] =	ssyncset.done $0x0  }
0x144: {  	[sflag:s6] =	ssyncadd.s32 $0xFFFFFF80  }
0x145: {  	_ =	strace $0x90000051  }
0x146: {  	_ =	strace $0x80000052  }
0x147: {  	[tilespmem:s7], [sflag:$0x5] =	stream.indirect.gather [hbm4b:s15+s0], $0x80, s0, s0, $0x2000b8;
	[tilespmem:$0x8100] =	vst v63  }
0x148: {  	_ =	swait.ge [sflag:s3], $0x4000  }
0x149: {  	[sflag:s3] =	ssyncset.done $0x0  }
0x14a: {  	[sflag:s3] =	ssyncadd.s32 $0xFFFFC000  }
0x14b: {  	_ =	strace $0x90000052  }
0x14c: {  	_ =	strace $0x80000053  }
0x14d: {  	s10 =	rddreg [dreg:$0xc]  }
0x14e: {  	[hbm4b:s10+s2] =	stream.linear.scatter [tilespmem:s7], [sflag:$0x4], $0x4000, $0x200038;
	[tilespmem:$0x8100] =	vst v63  }
0x14f: {  	_ =	strace $0x90000053  }
0x150: {  	_ =	strace $0x80000054  }
0x151: {  	_ =	swait.ge [sflag:s11], $0x4000  }
0x152: {  	[sflag:s11] =	ssyncset.done $0x0  }
0x153: {  	[sflag:s11] =	ssyncadd.s32 $0xFFFFC000  }
0x154: {  	_ =	strace $0x90000054  }
0x155: {  	_ =	strace $0x80000055  }
0x156: {  	_ =	swait.ge [sflag:s4], $0x4000  }
0x157: {  	[sflag:s4] =	ssyncset.done $0x0  }
0x158: {  	[sflag:s4] =	ssyncadd.s32 $0xFFFFC000  }
0x159: {  	_ =	strace $0x90000055  }
0x15a: {  	_ =	strace $0x80000056  }
0x15b: {  	s12 =	sld [smem:$0x7EC];
	_ =	sdelay $0x2  }
0x15c: {  	[tilespmem:s2], [sflag:$0x1] =	stream.linear.gather [hbm4b:s12+s2], $0x80, $0x200038;
	[tilespmem:$0x8100] =	vst v63  }
0x15d: {  	_ =	strace $0x90000056  }
0x15e: {  	_ =	strace $0x80000057  }
0x15f: {  	s13 =	sld [smem:$0x7ED];
	_ =	sdelay $0x2  }
0x160: {  	[tilespmem:s0], [sflag:$0x2] =	stream.linear.gather [hbm4b:s13+s2], $0x80, $0x200038;
	[tilespmem:$0x8100] =	vst v63  }
0x161: {  	_ =	strace $0x90000057  }
0x162: {  	_ =	strace $0x80000058  }
0x163: {  	_ =	swait.ge [sflag:s31], $0x80  }
0x164: {  	[sflag:s31] =	ssyncset.done $0x0  }
0x165: {  	[sflag:s31] =	ssyncadd.s32 $0xFFFFFF80  }
0x166: {  	_ =	strace $0x90000058  }
0x167: {  	_ =	strace $0x80000059  }
0x168: {  	[tilespmem:s5], [sflag:$0x5] =	stream.indirect.gather [hbm4b:s8+s0], $0x80, s2, s0, $0x2000b8;
	[tilespmem:$0x8100] =	vst v63  }
0x169: {  	_ =	swait.ge [sflag:s3], $0x4000  }
0x16a: {  	[sflag:s3] =	ssyncset.done $0x0  }
0x16b: {  	[sflag:s3] =	ssyncadd.s32 $0xFFFFC000  }
0x16c: {  	_ =	strace $0x90000059  }
0x16d: {  	_ =	strace $0x8000005A  }
0x16e: {  	s14 =	rddreg [dreg:$0xd]  }
0x16f: {  	[hbm4b:s14+s2] =	stream.linear.scatter [tilespmem:s5], [sflag:$0x3], $0x4000, $0x200038;
	[tilespmem:$0x8100] =	vst v63  }
0x170: {  	_ =	strace $0x9000005A  }
0x171: {  	_ =	strace $0x80000057  }
0x172: {  	s15 =	sld [smem:$0x7EE];
	_ =	sdelay $0x2  }
0x173: {  	[tilespmem:s2], [sflag:$0x1] =	stream.linear.gather [hbm4b:s15+s2], $0x80, $0x200038;
	[tilespmem:$0x8100] =	vst v63  }
0x174: {  	_ =	strace $0x90000057  }
0x175: {  	_ =	strace $0x80000058  }
0x176: {  	_ =	swait.ge [sflag:s6], $0x80  }
0x177: {  	[sflag:s6] =	ssyncset.done $0x0  }
0x178: {  	[sflag:s6] =	ssyncadd.s32 $0xFFFFFF80  }
0x179: {  	_ =	strace $0x90000058  }
0x17a: {  	_ =	strace $0x80000059  }
0x17b: {  	[tilespmem:s7], [sflag:$0x5] =	stream.indirect.gather [hbm4b:s8+s0], $0x80, s0, s0, $0x2000b8;
	[tilespmem:$0x8100] =	vst v63  }
0x17c: {  	_ =	swait.ge [sflag:s3], $0x4000  }
0x17d: {  	[sflag:s3] =	ssyncset.done $0x0  }
0x17e: {  	[sflag:s3] =	ssyncadd.s32 $0xFFFFC000  }
0x17f: {  	_ =	strace $0x90000059  }
0x180: {  	_ =	strace $0x8000005A  }
0x181: {  	s16 =	rddreg [dreg:$0xe]  }
0x182: {  	[hbm4b:s16+s2] =	stream.linear.scatter [tilespmem:s7], [sflag:$0x4], $0x4000, $0x200038;
	[tilespmem:$0x8100] =	vst v63  }
0x183: {  	_ =	strace $0x9000005A  }
0x184: {  	_ =	strace $0x8000005B  }
0x185: {  	_ =	swait.ge [sflag:s11], $0x4000  }
0x186: {  	[sflag:s11] =	ssyncset.done $0x0  }
0x187: {  	[sflag:s11] =	ssyncadd.s32 $0xFFFFC000  }
0x188: {  	_ =	strace $0x9000005B  }
0x189: {  	_ =	strace $0x80000057  }
0x18a: {  	s17 =	sld [smem:$0x7EF];
	_ =	sdelay $0x2  }
0x18b: {  	[tilespmem:s0], [sflag:$0x2] =	stream.linear.gather [hbm4b:s17+s2], $0x80, $0x200038;
	[tilespmem:$0x8100] =	vst v63  }
0x18c: {  	_ =	strace $0x90000057  }
0x18d: {  	_ =	strace $0x80000058  }
0x18e: {  	_ =	swait.ge [sflag:s31], $0x80  }
0x18f: {  	[sflag:s31] =	ssyncset.done $0x0  }
0x190: {  	[sflag:s31] =	ssyncadd.s32 $0xFFFFFF80  }
0x191: {  	_ =	strace $0x90000058  }
0x192: {  	_ =	strace $0x80000059  }
0x193: {  	[tilespmem:s5], [sflag:$0x5] =	stream.indirect.gather [hbm4b:s8+s0], $0x80, s2, s0, $0x2000b8;
	[tilespmem:$0x8100] =	vst v63  }
0x194: {  	_ =	swait.ge [sflag:s3], $0x4000  }
0x195: {  	[sflag:s3] =	ssyncset.done $0x0  }
0x196: {  	[sflag:s3] =	ssyncadd.s32 $0xFFFFC000  }
0x197: {  	_ =	strace $0x90000059  }
0x198: {  	_ =	strace $0x8000005A  }
0x199: {  	s18 =	rddreg [dreg:$0xf]  }
0x19a: {  	[hbm4b:s18+s2] =	stream.linear.scatter [tilespmem:s5], [sflag:$0x3], $0x4000, $0x200038;
	[tilespmem:$0x8100] =	vst v63  }
0x19b: {  	_ =	strace $0x9000005A  }
0x19c: {  	_ =	strace $0x8000005B  }
0x19d: {  	_ =	swait.ge [sflag:s4], $0x4000  }
0x19e: {  	[sflag:s4] =	ssyncset.done $0x0  }
0x19f: {  	[sflag:s4] =	ssyncadd.s32 $0xFFFFC000  }
0x1a0: {  	_ =	strace $0x9000005B  }
0x1a1: {  	_ =	strace $0x80000057  }
0x1a2: {  	s19 =	sld [smem:$0x7F0];
	_ =	sdelay $0x2  }
0x1a3: {  	[tilespmem:s2], [sflag:$0x1] =	stream.linear.gather [hbm4b:s19+s2], $0x80, $0x200038;
	[tilespmem:$0x8100] =	vst v63  }
0x1a4: {  	_ =	strace $0x90000057  }
0x1a5: {  	_ =	strace $0x80000058  }
0x1a6: {  	_ =	swait.ge [sflag:s6], $0x80  }
0x1a7: {  	[sflag:s6] =	ssyncset.done $0x0  }
0x1a8: {  	[sflag:s6] =	ssyncadd.s32 $0xFFFFFF80  }
0x1a9: {  	_ =	strace $0x90000058  }
0x1aa: {  	_ =	strace $0x80000059  }
0x1ab: {  	[tilespmem:s7], [sflag:$0x5] =	stream.indirect.gather [hbm4b:s8+s0], $0x80, s0, s0, $0x2000b8;
	[tilespmem:$0x8100] =	vst v63  }
0x1ac: {  	_ =	swait.ge [sflag:s3], $0x4000  }
0x1ad: {  	[sflag:s3] =	ssyncset.done $0x0  }
0x1ae: {  	[sflag:s3] =	ssyncadd.s32 $0xFFFFC000  }
0x1af: {  	_ =	strace $0x90000059  }
0x1b0: {  	_ =	strace $0x8000005A  }
0x1b1: {  	s20 =	rddreg [dreg:$0x10]  }
0x1b2: {  	[hbm4b:s20+s2] =	stream.linear.scatter [tilespmem:s7], [sflag:$0x4], $0x4000, $0x200038;
	[tilespmem:$0x8100] =	vst v63  }
0x1b3: {  	_ =	strace $0x9000005A  }
0x1b4: {  	_ =	strace $0x8000005B  }
0x1b5: {  	_ =	swait.ge [sflag:s11], $0x4000  }
0x1b6: {  	[sflag:s11] =	ssyncset.done $0x0  }
0x1b7: {  	[sflag:s11] =	ssyncadd.s32 $0xFFFFC000  }
0x1b8: {  	_ =	strace $0x9000005B  }
0x1b9: {  	_ =	strace $0x80000057  }
0x1ba: {  	s21 =	sld [smem:$0x7F1];
	_ =	sdelay $0x2  }
0x1bb: {  	[tilespmem:s0], [sflag:$0x2] =	stream.linear.gather [hbm4b:s21+s2], $0x80, $0x200038;
	[tilespmem:$0x8100] =	vst v63  }
0x1bc: {  	_ =	strace $0x90000057  }
0x1bd: {  	_ =	strace $0x80000058  }
0x1be: {  	_ =	swait.ge [sflag:s31], $0x80  }
0x1bf: {  	[sflag:s31] =	ssyncset.done $0x0  }
0x1c0: {  	[sflag:s31] =	ssyncadd.s32 $0xFFFFFF80  }
0x1c1: {  	_ =	strace $0x90000058  }
0x1c2: {  	_ =	strace $0x80000059  }
0x1c3: {  	[tilespmem:s5], [sflag:$0x5] =	stream.indirect.gather [hbm4b:s8+s0], $0x80, s2, s0, $0x2000b8;
	[tilespmem:$0x8100] =	vst v63  }
0x1c4: {  	_ =	swait.ge [sflag:s3], $0x4000  }
0x1c5: {  	[sflag:s3] =	ssyncset.done $0x0  }
0x1c6: {  	[sflag:s3] =	ssyncadd.s32 $0xFFFFC000  }
0x1c7: {  	_ =	strace $0x90000059  }
0x1c8: {  	_ =	strace $0x8000005A  }
0x1c9: {  	s22 =	rddreg [dreg:$0x11]  }
0x1ca: {  	[hbm4b:s22+s2] =	stream.linear.scatter [tilespmem:s5], [sflag:$0x3], $0x4000, $0x200038;
	[tilespmem:$0x8100] =	vst v63  }
0x1cb: {  	_ =	strace $0x9000005A  }
0x1cc: {  	_ =	strace $0x8000005B  }
0x1cd: {  	_ =	swait.ge [sflag:s4], $0x4000  }
0x1ce: {  	[sflag:s4] =	ssyncset.done $0x0  }
0x1cf: {  	[sflag:s4] =	ssyncadd.s32 $0xFFFFC000  }
0x1d0: {  	_ =	strace $0x9000005B  }
0x1d1: {  	_ =	strace $0x80000057  }
0x1d2: {  	s23 =	sld [smem:$0x7F2];
	_ =	sdelay $0x2  }
0x1d3: {  	[tilespmem:s2], [sflag:$0x1] =	stream.linear.gather [hbm4b:s23+s2], $0x80, $0x200038;
	[tilespmem:$0x8100] =	vst v63  }
0x1d4: {  	_ =	strace $0x90000057  }
0x1d5: {  	_ =	strace $0x80000058  }
0x1d6: {  	_ =	swait.ge [sflag:s6], $0x80  }
0x1d7: {  	[sflag:s6] =	ssyncset.done $0x0  }
0x1d8: {  	[sflag:s6] =	ssyncadd.s32 $0xFFFFFF80  }
0x1d9: {  	_ =	strace $0x90000058  }
0x1da: {  	_ =	strace $0x80000059  }
0x1db: {  	[tilespmem:s7], [sflag:$0x5] =	stream.indirect.gather [hbm4b:s8+s0], $0x80, s0, s0, $0x2000b8;
	[tilespmem:$0x8100] =	vst v63  }
0x1dc: {  	_ =	swait.ge [sflag:s3], $0x4000  }
0x1dd: {  	[sflag:s3] =	ssyncset.done $0x0  }
0x1de: {  	[sflag:s3] =	ssyncadd.s32 $0xFFFFC000  }
0x1df: {  	_ =	strace $0x90000059  }
0x1e0: {  	_ =	strace $0x8000005A  }
0x1e1: {  	s24 =	rddreg [dreg:$0x12]  }
0x1e2: {  	[hbm4b:s24+s2] =	stream.linear.scatter [tilespmem:s7], [sflag:$0x4], $0x4000, $0x200038;
	[tilespmem:$0x8100] =	vst v63  }
0x1e3: {  	_ =	strace $0x9000005A  }
0x1e4: {  	_ =	strace $0x8000005B  }
0x1e5: {  	_ =	swait.ge [sflag:s11], $0x4000  }
0x1e6: {  	[sflag:s11] =	ssyncset.done $0x0  }
0x1e7: {  	[sflag:s11] =	ssyncadd.s32 $0xFFFFC000  }
0x1e8: {  	_ =	strace $0x9000005B  }
0x1e9: {  	_ =	strace $0x80000057  }
0x1ea: {  	s25 =	sld [smem:$0x7F3];
	_ =	sdelay $0x2  }
0x1eb: {  	[tilespmem:s0], [sflag:$0x2] =	stream.linear.gather [hbm4b:s25+s2], $0x80, $0x200038;
	[tilespmem:$0x8100] =	vst v63  }
0x1ec: {  	_ =	strace $0x90000057  }
0x1ed: {  	_ =	strace $0x80000058  }
0x1ee: {  	_ =	swait.ge [sflag:s31], $0x80  }
0x1ef: {  	[sflag:s31] =	ssyncset.done $0x0  }
0x1f0: {  	[sflag:s31] =	ssyncadd.s32 $0xFFFFFF80  }
0x1f1: {  	_ =	strace $0x90000058  }
0x1f2: {  	_ =	strace $0x80000059  }
0x1f3: {  	[tilespmem:s5], [sflag:$0x5] =	stream.indirect.gather [hbm4b:s8+s0], $0x80, s2, s0, $0x2000b8;
	[tilespmem:$0x8100] =	vst v63  }
0x1f4: {  	_ =	swait.ge [sflag:s3], $0x4000  }
0x1f5: {  	[sflag:s3] =	ssyncset.done $0x0  }
0x1f6: {  	[sflag:s3] =	ssyncadd.s32 $0xFFFFC000  }
0x1f7: {  	_ =	strace $0x90000059  }
0x1f8: {  	_ =	strace $0x8000005A  }
0x1f9: {  	s26 =	rddreg [dreg:$0x13]  }
0x1fa: {  	[hbm4b:s26+s2] =	stream.linear.scatter [tilespmem:s5], [sflag:$0x3], $0x4000, $0x200038;
	[tilespmem:$0x8100] =	vst v63  }
0x1fb: {  	_ =	strace $0x9000005A  }
0x1fc: {  	_ =	strace $0x8000005B  }
0x1fd: {  	_ =	swait.ge [sflag:s4], $0x4000  }
0x1fe: {  	[sflag:s4] =	ssyncset.done $0x0  }
0x1ff: {  	[sflag:s4] =	ssyncadd.s32 $0xFFFFC000  }
0x200: {  	_ =	strace $0x9000005B  }
0x201: {  	_ =	strace $0x80000058  }
0x202: {  	_ =	swait.ge [sflag:s6], $0x80  }
0x203: {  	[sflag:s6] =	ssyncset.done $0x0  }
0x204: {  	[sflag:s6] =	ssyncadd.s32 $0xFFFFFF80  }
0x205: {  	_ =	strace $0x90000058  }
0x206: {  	_ =	strace $0x80000059  }
0x207: {  	[tilespmem:s7], [sflag:$0x5] =	stream.indirect.gather [hbm4b:s8+s0], $0x80, s0, s0, $0x2000b8;
	[tilespmem:$0x8100] =	vst v63  }
0x208: {  	_ =	swait.ge [sflag:s3], $0x4000  }
0x209: {  	[sflag:s3] =	ssyncset.done $0x0  }
0x20a: {  	[sflag:s3] =	ssyncadd.s32 $0xFFFFC000  }
0x20b: {  	_ =	strace $0x90000059  }
0x20c: {  	_ =	strace $0x8000005A  }
0x20d: {  	s28 =	rddreg [dreg:$0x14]  }
0x20e: {  	[hbm4b:s28+s2] =	stream.linear.scatter [tilespmem:s7], [sflag:$0x4], $0x4000, $0x200038;
	[tilespmem:$0x8100] =	vst v63  }
0x20f: {  	_ =	strace $0x9000005A  }
0x210: {  	_ =	strace $0x8000005B  }
0x211: {  	_ =	swait.ge [sflag:s11], $0x4000  }
0x212: {  	[sflag:s11] =	ssyncset.done $0x0  }
0x213: {  	[sflag:s11] =	ssyncadd.s32 $0xFFFFC000  }
0x214: {  	_ =	strace $0x9000005B  }
0x215: {  	_ =	strace $0x8000005C  }
0x216: {  	_ =	swait.ge [sflag:s4], $0x4000  }
0x217: {  	[sflag:s4] =	ssyncset.done $0x0  }
0x218: {  	[sflag:s4] =	ssyncadd.s32 $0xFFFFC000  }
0x219: {  	_ =	strace $0x9000005C  }
0x21a: {  	_ =	strace $0x8000005D  }
0x21b: {  	s30 =	sld [smem:$0x7FB];
	_ =	sdelay $0x2  }
0x21c: {  	[tilespmem:s2], [sflag:$0x1] =	stream.linear.gather [hbm4b:s30+s2], $0x80, $0x200038;
	[tilespmem:$0x8100] =	vst v63  }
0x21d: {  	_ =	strace $0x9000005D  }
0x21e: {  	_ =	strace $0x8000005E  }
0x21f: {  	s10 =	sld [smem:$0x7F4];
	_ =	sdelay $0x2  }
0x220: {  	[tilespmem:s0], [sflag:$0x2] =	stream.linear.gather [hbm4b:s10+s2], $0x80, $0x200038;
	[tilespmem:$0x8100] =	vst v63  }
0x221: {  	_ =	strace $0x9000005E  }
0x222: {  	_ =	strace $0x8000005F  }
0x223: {  	_ =	swait.ge [sflag:s31], $0x80  }
0x224: {  	[sflag:s31] =	ssyncset.done $0x0  }
0x225: {  	[sflag:s31] =	ssyncadd.s32 $0xFFFFFF80  }
0x226: {  	_ =	strace $0x9000005F  }
0x227: {  	_ =	strace $0x80000060  }
0x228: {  	s12 =	sld [smem:$0x7EA];
	_ =	sdelay $0x2  }
0x229: {  	[tilespmem:s5], [sflag:$0x5] =	stream.indirect.gather [hbm4b:s12+s0], $0x80, s2, s0, $0x2000b8;
	[tilespmem:$0x8100] =	vst v63  }
0x22a: {  	_ =	swait.ge [sflag:s3], $0x4000  }
0x22b: {  	[sflag:s3] =	ssyncset.done $0x0  }
0x22c: {  	[sflag:s3] =	ssyncadd.s32 $0xFFFFC000  }
0x22d: {  	_ =	strace $0x90000060  }
0x22e: {  	_ =	strace $0x80000061  }
0x22f: {  	s13 =	rddreg [dreg:$0x15]  }
0x230: {  	[hbm4b:s13+s2] =	stream.linear.scatter [tilespmem:s5], [sflag:$0x3], $0x4000, $0x200038;
	[tilespmem:$0x8100] =	vst v63  }
0x231: {  	_ =	strace $0x90000061  }
0x232: {  	_ =	strace $0x8000005E  }
0x233: {  	s14 =	sld [smem:$0x7F5];
	_ =	sdelay $0x2  }
0x234: {  	[tilespmem:s2], [sflag:$0x1] =	stream.linear.gather [hbm4b:s14+s2], $0x80, $0x200038;
	[tilespmem:$0x8100] =	vst v63  }
0x235: {  	_ =	strace $0x9000005E  }
0x236: {  	_ =	strace $0x8000005F  }
0x237: {  	_ =	swait.ge [sflag:s6], $0x80  }
0x238: {  	[sflag:s6] =	ssyncset.done $0x0  }
0x239: {  	[sflag:s6] =	ssyncadd.s32 $0xFFFFFF80  }
0x23a: {  	_ =	strace $0x9000005F  }
0x23b: {  	_ =	strace $0x80000060  }
0x23c: {  	[tilespmem:s7], [sflag:$0x5] =	stream.indirect.gather [hbm4b:s12+s0], $0x80, s0, s0, $0x2000b8;
	[tilespmem:$0x8100] =	vst v63  }
0x23d: {  	_ =	swait.ge [sflag:s3], $0x4000  }
0x23e: {  	[sflag:s3] =	ssyncset.done $0x0  }
0x23f: {  	[sflag:s3] =	ssyncadd.s32 $0xFFFFC000  }
0x240: {  	_ =	strace $0x90000060  }
0x241: {  	_ =	strace $0x80000061  }
0x242: {  	s15 =	rddreg [dreg:$0x16]  }
0x243: {  	[hbm4b:s15+s2] =	stream.linear.scatter [tilespmem:s7], [sflag:$0x4], $0x4000, $0x200038;
	[tilespmem:$0x8100] =	vst v63  }
0x244: {  	_ =	strace $0x90000061  }
0x245: {  	_ =	strace $0x80000062  }
0x246: {  	_ =	swait.ge [sflag:s11], $0x4000  }
0x247: {  	[sflag:s11] =	ssyncset.done $0x0  }
0x248: {  	[sflag:s11] =	ssyncadd.s32 $0xFFFFC000  }
0x249: {  	_ =	strace $0x90000062  }
0x24a: {  	_ =	strace $0x8000005E  }
0x24b: {  	s16 =	sld [smem:$0x7F6];
	_ =	sdelay $0x2  }
0x24c: {  	[tilespmem:s0], [sflag:$0x2] =	stream.linear.gather [hbm4b:s16+s2], $0x80, $0x200038;
	[tilespmem:$0x8100] =	vst v63  }
0x24d: {  	_ =	strace $0x9000005E  }
0x24e: {  	_ =	strace $0x8000005F  }
0x24f: {  	_ =	swait.ge [sflag:s31], $0x80  }
0x250: {  	[sflag:s31] =	ssyncset.done $0x0  }
0x251: {  	[sflag:s31] =	ssyncadd.s32 $0xFFFFFF80  }
0x252: {  	_ =	strace $0x9000005F  }
0x253: {  	_ =	strace $0x80000060  }
0x254: {  	[tilespmem:s5], [sflag:$0x5] =	stream.indirect.gather [hbm4b:s12+s0], $0x80, s2, s0, $0x2000b8;
	[tilespmem:$0x8100] =	vst v63  }
0x255: {  	_ =	swait.ge [sflag:s3], $0x4000  }
0x256: {  	[sflag:s3] =	ssyncset.done $0x0  }
0x257: {  	[sflag:s3] =	ssyncadd.s32 $0xFFFFC000  }
0x258: {  	_ =	strace $0x90000060  }
0x259: {  	_ =	strace $0x80000061  }
0x25a: {  	s17 =	rddreg [dreg:$0x17]  }
0x25b: {  	[hbm4b:s17+s2] =	stream.linear.scatter [tilespmem:s5], [sflag:$0x3], $0x4000, $0x200038;
	[tilespmem:$0x8100] =	vst v63  }
0x25c: {  	_ =	strace $0x90000061  }
0x25d: {  	_ =	strace $0x80000062  }
0x25e: {  	_ =	swait.ge [sflag:s4], $0x4000  }
0x25f: {  	[sflag:s4] =	ssyncset.done $0x0  }
0x260: {  	[sflag:s4] =	ssyncadd.s32 $0xFFFFC000  }
0x261: {  	_ =	strace $0x90000062  }
0x262: {  	_ =	strace $0x8000005E  }
0x263: {  	s18 =	sld [smem:$0x7F7];
	_ =	sdelay $0x2  }
0x264: {  	[tilespmem:s2], [sflag:$0x1] =	stream.linear.gather [hbm4b:s18+s2], $0x80, $0x200038;
	[tilespmem:$0x8100] =	vst v63  }
0x265: {  	_ =	strace $0x9000005E  }
0x266: {  	_ =	strace $0x8000005F  }
0x267: {  	_ =	swait.ge [sflag:s6], $0x80  }
0x268: {  	[sflag:s6] =	ssyncset.done $0x0  }
0x269: {  	[sflag:s6] =	ssyncadd.s32 $0xFFFFFF80  }
0x26a: {  	_ =	strace $0x9000005F  }
0x26b: {  	_ =	strace $0x80000060  }
0x26c: {  	[tilespmem:s7], [sflag:$0x5] =	stream.indirect.gather [hbm4b:s12+s0], $0x80, s0, s0, $0x2000b8;
	[tilespmem:$0x8100] =	vst v63  }
0x26d: {  	_ =	swait.ge [sflag:s3], $0x4000  }
0x26e: {  	[sflag:s3] =	ssyncset.done $0x0  }
0x26f: {  	[sflag:s3] =	ssyncadd.s32 $0xFFFFC000  }
0x270: {  	_ =	strace $0x90000060  }
0x271: {  	_ =	strace $0x80000061  }
0x272: {  	s19 =	rddreg [dreg:$0x18]  }
0x273: {  	[hbm4b:s19+s2] =	stream.linear.scatter [tilespmem:s7], [sflag:$0x4], $0x4000, $0x200038;
	[tilespmem:$0x8100] =	vst v63  }
0x274: {  	_ =	strace $0x90000061  }
0x275: {  	_ =	strace $0x80000062  }
0x276: {  	_ =	swait.ge [sflag:s11], $0x4000  }
0x277: {  	[sflag:s11] =	ssyncset.done $0x0  }
0x278: {  	[sflag:s11] =	ssyncadd.s32 $0xFFFFC000  }
0x279: {  	_ =	strace $0x90000062  }
0x27a: {  	_ =	strace $0x8000005E  }
0x27b: {  	s20 =	sld [smem:$0x7F8];
	_ =	sdelay $0x2  }
0x27c: {  	[tilespmem:s0], [sflag:$0x2] =	stream.linear.gather [hbm4b:s20+s2], $0x80, $0x200038;
	[tilespmem:$0x8100] =	vst v63  }
0x27d: {  	_ =	strace $0x9000005E  }
0x27e: {  	_ =	strace $0x8000005F  }
0x27f: {  	_ =	swait.ge [sflag:s31], $0x80  }
0x280: {  	[sflag:s31] =	ssyncset.done $0x0  }
0x281: {  	[sflag:s31] =	ssyncadd.s32 $0xFFFFFF80  }
0x282: {  	_ =	strace $0x9000005F  }
0x283: {  	_ =	strace $0x80000060  }
0x284: {  	[tilespmem:s5], [sflag:$0x5] =	stream.indirect.gather [hbm4b:s12+s0], $0x80, s2, s0, $0x2000b8;
	[tilespmem:$0x8100] =	vst v63  }
0x285: {  	_ =	swait.ge [sflag:s3], $0x4000  }
0x286: {  	[sflag:s3] =	ssyncset.done $0x0  }
0x287: {  	[sflag:s3] =	ssyncadd.s32 $0xFFFFC000  }
0x288: {  	_ =	strace $0x90000060  }
0x289: {  	_ =	strace $0x80000061  }
0x28a: {  	s21 =	rddreg [dreg:$0x19]  }
0x28b: {  	[hbm4b:s21+s2] =	stream.linear.scatter [tilespmem:s5], [sflag:$0x3], $0x4000, $0x200038;
	[tilespmem:$0x8100] =	vst v63  }
0x28c: {  	_ =	strace $0x90000061  }
0x28d: {  	_ =	strace $0x80000062  }
0x28e: {  	_ =	swait.ge [sflag:s4], $0x4000  }
0x28f: {  	[sflag:s4] =	ssyncset.done $0x0  }
0x290: {  	[sflag:s4] =	ssyncadd.s32 $0xFFFFC000  }
0x291: {  	_ =	strace $0x90000062  }
0x292: {  	_ =	strace $0x8000005E  }
0x293: {  	s22 =	sld [smem:$0x7F9];
	_ =	sdelay $0x2  }
0x294: {  	[tilespmem:s2], [sflag:$0x1] =	stream.linear.gather [hbm4b:s22+s2], $0x80, $0x200038;
	[tilespmem:$0x8100] =	vst v63  }
0x295: {  	_ =	strace $0x9000005E  }
0x296: {  	_ =	strace $0x8000005F  }
0x297: {  	_ =	swait.ge [sflag:s6], $0x80  }
0x298: {  	[sflag:s6] =	ssyncset.done $0x0  }
0x299: {  	[sflag:s6] =	ssyncadd.s32 $0xFFFFFF80  }
0x29a: {  	_ =	strace $0x9000005F  }
0x29b: {  	_ =	strace $0x80000060  }
0x29c: {  	[tilespmem:s7], [sflag:$0x5] =	stream.indirect.gather [hbm4b:s12+s0], $0x80, s0, s0, $0x2000b8;
	[tilespmem:$0x8100] =	vst v63  }
0x29d: {  	_ =	swait.ge [sflag:s3], $0x4000  }
0x29e: {  	[sflag:s3] =	ssyncset.done $0x0  }
0x29f: {  	[sflag:s3] =	ssyncadd.s32 $0xFFFFC000  }
0x2a0: {  	_ =	strace $0x90000060  }
0x2a1: {  	_ =	strace $0x80000061  }
0x2a2: {  	s23 =	rddreg [dreg:$0x1a]  }
0x2a3: {  	[hbm4b:s23+s2] =	stream.linear.scatter [tilespmem:s7], [sflag:$0x4], $0x4000, $0x200038;
	[tilespmem:$0x8100] =	vst v63  }
0x2a4: {  	_ =	strace $0x90000061  }
0x2a5: {  	_ =	strace $0x80000062  }
0x2a6: {  	_ =	swait.ge [sflag:s11], $0x4000  }
0x2a7: {  	[sflag:s11] =	ssyncset.done $0x0  }
0x2a8: {  	[sflag:s11] =	ssyncadd.s32 $0xFFFFC000  }
0x2a9: {  	_ =	strace $0x90000062  }
0x2aa: {  	_ =	strace $0x8000005E  }
0x2ab: {  	s24 =	sld [smem:$0x7FA];
	_ =	sdelay $0x2  }
0x2ac: {  	[tilespmem:s0], [sflag:$0x2] =	stream.linear.gather [hbm4b:s24+s2], $0x80, $0x200038;
	[tilespmem:$0x8100] =	vst v63  }
0x2ad: {  	_ =	strace $0x9000005E  }
0x2ae: {  	_ =	strace $0x8000005F  }
0x2af: {  	_ =	swait.ge [sflag:s31], $0x80  }
0x2b0: {  	[sflag:s31] =	ssyncset.done $0x0  }
0x2b1: {  	[sflag:s31] =	ssyncadd.s32 $0xFFFFFF80  }
0x2b2: {  	_ =	strace $0x9000005F  }
0x2b3: {  	_ =	strace $0x80000060  }
0x2b4: {  	[tilespmem:s5], [sflag:$0x5] =	stream.indirect.gather [hbm4b:s12+s0], $0x80, s2, s0, $0x2000b8;
	[tilespmem:$0x8100] =	vst v63  }
0x2b5: {  	_ =	swait.ge [sflag:s3], $0x4000  }
0x2b6: {  	[sflag:s3] =	ssyncset.done $0x0  }
0x2b7: {  	[sflag:s3] =	ssyncadd.s32 $0xFFFFC000  }
0x2b8: {  	_ =	strace $0x90000060  }
0x2b9: {  	_ =	strace $0x80000061  }
0x2ba: {  	s25 =	rddreg [dreg:$0x1b]  }
0x2bb: {  	[hbm4b:s25+s2] =	stream.linear.scatter [tilespmem:s5], [sflag:$0x3], $0x4000, $0x200038;
	[tilespmem:$0x8100] =	vst v63  }
0x2bc: {  	_ =	strace $0x90000061  }
0x2bd: {  	_ =	strace $0x80000062  }
0x2be: {  	_ =	swait.ge [sflag:s4], $0x4000  }
0x2bf: {  	[sflag:s4] =	ssyncset.done $0x0  }
0x2c0: {  	[sflag:s4] =	ssyncadd.s32 $0xFFFFC000  }
0x2c1: {  	_ =	strace $0x90000062  }
0x2c2: {  	_ =	strace $0x8000005F  }
0x2c3: {  	_ =	swait.ge [sflag:s6], $0x80  }
0x2c4: {  	[sflag:s6] =	ssyncset.done $0x0  }
0x2c5: {  	[sflag:s6] =	ssyncadd.s32 $0xFFFFFF80  }
0x2c6: {  	_ =	strace $0x9000005F  }
0x2c7: {  	_ =	strace $0x80000060  }
0x2c8: {  	[tilespmem:s7], [sflag:$0x5] =	stream.indirect.gather [hbm4b:s12+s0], $0x80, s0, s0, $0x2000b8;
	[tilespmem:$0x8100] =	vst v63  }
0x2c9: {  	_ =	swait.ge [sflag:s3], $0x4000  }
0x2ca: {  	[sflag:s3] =	ssyncset.done $0x0  }
0x2cb: {  	[sflag:s3] =	ssyncadd.s32 $0xFFFFC000  }
0x2cc: {  	_ =	strace $0x90000060  }
0x2cd: {  	_ =	strace $0x80000061  }
0x2ce: {  	s26 =	rddreg [dreg:$0x1c]  }
0x2cf: {  	[hbm4b:s26+s2] =	stream.linear.scatter [tilespmem:s7], [sflag:$0x4], $0x4000, $0x200038;
	[tilespmem:$0x8100] =	vst v63  }
0x2d0: {  	_ =	strace $0x90000061  }
0x2d1: {  	_ =	strace $0x80000062  }
0x2d2: {  	_ =	swait.ge [sflag:s11], $0x4000  }
0x2d3: {  	[sflag:s11] =	ssyncset.done $0x0  }
0x2d4: {  	[sflag:s11] =	ssyncadd.s32 $0xFFFFC000  }
0x2d5: {  	_ =	strace $0x90000062  }
0x2d6: {  	_ =	strace $0x80000063  }
0x2d7: {  	_ =	swait.ge [sflag:s4], $0x4000  }
0x2d8: {  	s28 =	sld [smem:$0x7E4]  }
0x2d9: {  	s30 =	sld [smem:$0x7FD];
	_ =	sdelay $0x1  }
0x2da: {  	s10 =	sadd.s32 $0x1, s28  }
0x2db: {  	p0 =	sne.s32 s10, s30  }
.Ltmp1:
0x2dc: {  	_ = 	snop;
	(pc) =	sbr.rel @p0 .LBB2_1-.Ltmp1, $4  }
0x2dd: {  	_ = 	snop  }
0x2de: {  	[sflag:s4] =	ssyncset.done $0x0  }
0x2df: {  	[sflag:s4] =	ssyncadd.s32 $0xFFFFC000  }
0x2e0: {  	_ =	strace $0x90000063  }
0x2e1: {  	_ =	sfence.sel $0x180000  }
0x2e2: {  	[bflag:$0x0] =	sbarrier.arrive $0xFFFF  }
0x2e3: {  	_ =	strace $0x90000047  }
0x2e4: {  	s0 =	stileid.u32;
	[bflag:$0x2] =	sbarrier.arrive $0xFFFF  }
0x2e5: {  	p0 =	sne.s32 s0, $0x0;
	s0 =	rddreg [dreg:$0x3]  }
0x2e6: {  	s0 =	sadd.s32 @!p0 $0x100000, s0  }
0x2e7: {  	[sflag:s0] =	ssyncadd.tile.s32 @!p0 $0x1;
	_ =	shalt  }
.Lfunc_end2:
_tile_overlayer_lowered:
.L_overlay_start_2:
0x2e8: {  	(tag) =	ssettag $0x2  }
0x2e9: {  	s0 =	rddreg [dreg:$0x0];
	s2 =	stileid.u32  }
0x2ea: {  	s1 =	rddreg [dreg:$0x1];
	p0 =	sne.s32 s2, $0x0  }
0x2eb: {  	s3 =	rddreg [dreg:$0x2];
	[bflag:$0x3] =	sbarrier.arrive $0xFFFF;
	s2 =	simm.s32 @!p0 $0x1C01  }
0x2ec: {  	[timem:s3], [sflag:s2] =	dma.local @!p0 [hbm:s0], s1  }
0x2ed: {  	s0 =	simm.s32 @!p0 $0x1  }
0x2ee: {  	_ =	swait.ge @!p0 [sflag:s0], s1  }
0x2ef: {  	s1 =	ssub.s32 @!p0 $0x0, s1;
	[sflag:s0] =	ssyncset.done @!p0 $0x0  }
0x2f0: {  	[sflag:s0] =	ssyncadd.s32 @!p0 s1  }
0x2f1: {  	[bflag:$0x3] =	sbarrier.arrive $0xFFFF  }
0x2f2: {  	_ =	shalt  }

</sc_bundles>
